<compile_context>
chip_gen: v7x
topology: tpu7x:2x2x1
jax: 0.10.2.dev20260603
libtpu: 0.0.44.dev20260713+nightly
codegen_flags: <defaults>
</compile_context>

<pallas_src>
import functools

import jax
import jax.numpy as jnp
from jax import lax
from jax.experimental import pallas as pl
from jax.experimental.pallas import tpu as pltpu
from jax.experimental.pallas import tpu_sc as plsc

N = 10000
NP = 10112
E = 320000
NSUB = 16
NT = NP // NSUB
ET = 20480
EP = NSUB * ET
CH = 640
NCHUNK = ET // CH

_SC_MESH = dict(core_axis_name="c", subcore_axis_name="s")



def _prep_body(src_ref, dst_ref, dstr_ref, sdeg_ref):
    s = src_ref[...]
    d = dst_ref[...]
    lane = lax.broadcasted_iota(jnp.int32, s.shape, 1) % 16
    bad = (s == d) | (d < 0)
    dummy = N + lane
    dstr_ref[...] = jnp.where(bad, dummy, d)
    sdeg_ref[...] = jnp.where(bad, dummy, s)


def _prep_edges(src_p, dst_p):
    s2 = src_p.reshape(EP // 128, 128)
    d2 = dst_p.reshape(EP // 128, 128)
    return pl.pallas_call(
        _prep_body,
        out_shape=(jax.ShapeDtypeStruct(s2.shape, jnp.int32),
                   jax.ShapeDtypeStruct(s2.shape, jnp.int32)),
    )(s2, d2)


def _dinv_body(deg_ref, dinv_ref):
    deg = deg_ref[...]
    dinv_ref[...] = jnp.where(deg > 0, lax.rsqrt(jnp.maximum(deg, 1e-12)), 0.0)


def _dinv(deg16):
    return pl.pallas_call(
        _dinv_body,
        out_shape=jax.ShapeDtypeStruct((NP, 16), jnp.float32),
    )(deg16)


def _expand_body(h_ref, w_ref, b_ref, c_ref, *, silu_in, in_halves):
    h = h_ref[...]
    if in_halves:
        h = jnp.concatenate([h[0], h[1]], axis=1)
    if silu_in:
        h = h * jax.nn.sigmoid(h)
    out = jnp.dot(h, w_ref[...][0], preferred_element_type=jnp.float32)
    k = pl.program_id(0)
    out = out + b_ref[...][0] * (k == 0).astype(jnp.float32)
    c_ref[...] = out[None, None]


def _expand(h, Wr, br, K, silu_in, in_halves):
    IC = Wr.shape[1]
    if in_halves:
        h_spec = pl.BlockSpec((2, NP, 16), lambda k, hf: (0, 0, 0))
    else:
        h_spec = pl.BlockSpec((NP, IC), lambda k, hf: (0, 0))
    return pl.pallas_call(
        functools.partial(_expand_body, silu_in=silu_in, in_halves=in_halves),
        grid=(K, 2),
        in_specs=[
            h_spec,
            pl.BlockSpec((1, IC, 16), lambda k, hf: (2 * k + hf, 0, 0)),
            pl.BlockSpec((1, 1, 16), lambda k, hf: (hf, 0, 0)),
        ],
        out_specs=pl.BlockSpec((1, 1, NP, 16), lambda k, hf: (hf, k, 0, 0)),
        out_shape=jax.ShapeDtypeStruct((2, K, NP, 16), jnp.float32),
    )(h, Wr, br)


def _final_body(h_ref, w_ref, o_ref):
    h = jnp.concatenate([h_ref[...][0], h_ref[...][1]], axis=1)
    h = h * jax.nn.sigmoid(h)
    o_ref[...] = jnp.dot(h, w_ref[...], preferred_element_type=jnp.float32)


def _final(h, W4):
    return pl.pallas_call(
        _final_body,
        out_shape=jax.ShapeDtypeStruct((NP, 128), jnp.float32),
    )(h, W4)



def _deg_kernel_body(sdeg_hbm, ones_hbm, zeros_hbm, deg_out,
                     tdeg_sh, idx_v, ones_v, sem):
    cid = lax.axis_index("c")
    sid = lax.axis_index("s")

    @pl.when(cid == 0)
    def _():
        n0 = sid * NT
        pltpu.sync_copy(zeros_hbm.at[pl.ds(n0, NT)], tdeg_sh.at[pl.ds(n0, NT)])
        pltpu.sync_copy(ones_hbm, ones_v)
        pltpu.sync_copy(sdeg_hbm.at[sid], idx_v)
        plsc.subcore_barrier()

        @pl.loop(0, NCHUNK)
        def _(j):
            pltpu.async_copy(ones_v, tdeg_sh.at[idx_v.at[j]], sem,
                             add=True).wait()

        plsc.subcore_barrier()
        pltpu.sync_copy(tdeg_sh.at[pl.ds(n0, NT)], deg_out.at[pl.ds(n0, NT)])


def _degree(sdeg4, ones_hbm, zeros_hbm):
    return pl.kernel(
        _deg_kernel_body,
        out_type=jax.ShapeDtypeStruct((NP, 16), jnp.float32),
        mesh=plsc.VectorSubcoreMesh(**_SC_MESH),
        compiler_params=pltpu.CompilerParams(use_tc_tiling_on_sc=False),
        scratch_types=[
            pltpu.VMEM_SHARED((NP, 16), jnp.float32),
            pltpu.VMEM((NCHUNK, CH), jnp.int32),
            pltpu.VMEM((CH, 16), jnp.float32),
            pltpu.SemaphoreType.DMA,
        ],
    )(sdeg4, ones_hbm, zeros_hbm)


def _chain_body(c_hbm, dinv_hbm, src_hbm, dst_hbm, zn_hbm, h_out,
                sP, sQ, sZ, sS,
                srcv, dstv, rb0, rb1,
                dbuf, qbuf,
                g0, g1, s0, s1, *, K):
    cid = lax.axis_index("c")
    sid = lax.axis_index("s")
    n0 = sid * NT
    nsl = pl.ds(n0, NT)
    tsl = pl.ds(0, NT)
    cbuf = rb0.at[tsl]
    sbuf = rb1.at[tsl]

    pltpu.sync_copy(src_hbm.at[sid], srcv)
    pltpu.sync_copy(dst_hbm.at[sid], dstv)
    pltpu.sync_copy(dinv_hbm.at[nsl], dbuf)

    pltpu.sync_copy(c_hbm.at[cid, K - 1, nsl], cbuf)

    @pl.loop(0, NT)
    def _(i):
        sbuf[i] = cbuf[i] * dbuf[i]

    pltpu.sync_copy(cbuf, sP.at[nsl])
    pltpu.sync_copy(sbuf, sZ.at[nsl])
    pltpu.sync_copy(zn_hbm, sQ.at[nsl])
    pltpu.sync_copy(zn_hbm, sS.at[nsl])
    plsc.subcore_barrier()

    def scatter_phase():
        T = NCHUNK // 2
        pltpu.async_copy(sZ.at[srcv.at[0]], rb0, g0)

        @pl.loop(0, T)
        def _(t):
            c0 = 2 * t
            pltpu.make_async_copy(sZ.at[srcv.at[0]], rb0, g0).wait()

            @pl.when(t > 0)
            def _():
                pltpu.make_async_copy(rb1, sS.at[dstv.at[0]], s1).wait()

            pltpu.async_copy(sZ.at[srcv.at[c0 + 1]], rb1, g1)
            pltpu.async_copy(rb0, sS.at[dstv.at[c0]], s0, add=True)
            pltpu.make_async_copy(sZ.at[srcv.at[0]], rb1, g1).wait()
            pltpu.make_async_copy(rb0, sS.at[dstv.at[0]], s0).wait()

            @pl.when(t + 1 < T)
            def _():
                pltpu.async_copy(sZ.at[srcv.at[c0 + 2]], rb0, g0)

            pltpu.async_copy(rb1, sS.at[dstv.at[c0 + 1]], s1, add=True)

        pltpu.make_async_copy(rb1, sS.at[dstv.at[0]], s1).wait()

    def ew_step(k, qref):
        pltpu.sync_copy(c_hbm.at[cid, k, nsl], cbuf)
        pltpu.sync_copy(sS.at[nsl], sbuf)
        pltpu.sync_copy(qref.at[nsl], qbuf)

        @pl.loop(0, NT)
        def _(i):
            d = dbuf[i]
            bnew = cbuf[i] - 2.0 * d * sbuf[i] - qbuf[i]
            cbuf[i] = bnew
            sbuf[i] = d * bnew

        pltpu.sync_copy(cbuf, qref.at[nsl])
        pltpu.sync_copy(sbuf, sZ.at[nsl])
        pltpu.sync_copy(zn_hbm, sS.at[nsl])

    @pl.loop(0, (K - 2) // 2)
    def _(t):
        k_even = (K - 2) - 2 * t
        scatter_phase()
        plsc.subcore_barrier()
        ew_step(k_even, sQ)
        plsc.subcore_barrier()
        scatter_phase()
        plsc.subcore_barrier()
        ew_step(k_even - 1, sP)
        plsc.subcore_barrier()

    scatter_phase()
    plsc.subcore_barrier()
    pltpu.sync_copy(c_hbm.at[cid, 0, nsl], cbuf)
    pltpu.sync_copy(sS.at[nsl], sbuf)
    pltpu.sync_copy(sQ.at[nsl], qbuf)

    @pl.loop(0, NT)
    def _(i):
        cbuf[i] = cbuf[i] - dbuf[i] * sbuf[i] - qbuf[i]

    pltpu.sync_copy(cbuf, h_out.at[cid, nsl])


def _chain(C, dinv16, src4, dst4, zn, K):
    return pl.kernel(
        functools.partial(_chain_body, K=K),
        out_type=jax.ShapeDtypeStruct((2, NP, 16), jnp.float32),
        mesh=plsc.VectorSubcoreMesh(**_SC_MESH),
        compiler_params=pltpu.CompilerParams(use_tc_tiling_on_sc=False),
        scratch_types=[
            pltpu.VMEM_SHARED((NP, 16), jnp.float32),
            pltpu.VMEM_SHARED((NP, 16), jnp.float32),
            pltpu.VMEM_SHARED((NP, 16), jnp.float32),
            pltpu.VMEM_SHARED((NP, 16), jnp.float32),
            pltpu.VMEM((NCHUNK, CH), jnp.int32),
            pltpu.VMEM((NCHUNK, CH), jnp.int32),
            pltpu.VMEM((CH, 16), jnp.float32),
            pltpu.VMEM((CH, 16), jnp.float32),
            pltpu.VMEM((NT, 16), jnp.float32),
            pltpu.VMEM((NT, 16), jnp.float32),
            pltpu.SemaphoreType.DMA,
            pltpu.SemaphoreType.DMA,
            pltpu.SemaphoreType.DMA,
            pltpu.SemaphoreType.DMA,
        ],
    )(C, dinv16, src4, dst4, zn)



def kernel(x, edge_index, batch, edge_attr, W1, b1, W2, b2, W3, b3, W4):
    del batch, edge_attr
    src = edge_index[0].astype(jnp.int32)
    dst = edge_index[1].astype(jnp.int32)
    pad = EP - E
    src_p = jnp.concatenate([src, jnp.zeros((pad,), jnp.int32)])
    dst_p = jnp.concatenate([dst, jnp.full((pad,), -1, jnp.int32)])

    dst_r, sdeg = _prep_edges(src_p, dst_p)
    src4 = src_p.reshape(NSUB, NCHUNK, CH)
    dst4 = dst_r.reshape(NSUB, NCHUNK, CH)
    sdeg4 = sdeg.reshape(NSUB, NCHUNK, CH)

    deg16 = _degree(sdeg4, jnp.ones((CH, 16), jnp.float32),
                    jnp.zeros((NP, 16), jnp.float32))
    dinv16 = _dinv(deg16)

    def wshape(W):
        K, IC, _ = W.shape
        return W.reshape(K, IC, 2, 16).transpose(0, 2, 1, 3).reshape(2 * K, IC, 16)

    def bshape(b):
        return b.reshape(2, 1, 16)

    x_pad = jnp.concatenate([x, jnp.zeros((NP - N, 128), jnp.float32)])

    C1 = _expand(x_pad, wshape(W1), bshape(b1), 24, silu_in=False, in_halves=False)
    zn = jnp.zeros((NT, 16), jnp.float32)
    h1 = _chain(C1, dinv16, src4, dst4, zn, 24)

    C2 = _expand(h1, wshape(W2), bshape(b2), 12, silu_in=True, in_halves=True)
    h2 = _chain(C2, dinv16, src4, dst4, zn, 12)

    C3 = _expand(h2, wshape(W3), bshape(b3), 10, silu_in=True, in_halves=True)
    h3 = _chain(C3, dinv16, src4, dst4, zn, 10)

    out = _final(h3, W4[0])
    return out[:N]

# --- scband reference (transcript-rebuilt; emitter-appended) ---
"""Pipeline reference for scband-cheb-net-35716948034100 (READ-ONLY COPY).

The authoritative reference and input builder live on the scoring server;
editing this copy changes nothing except your own understanding.
"""

import jax, jax.numpy as jnp
import numpy as np

N_NODES = 10000
N_EDGES = 320000


def _lap_weights(edge_index, num_nodes, lambda_max=2.0):
    # Faithful to PyG ChebConv.__norm__ with normalization='sym', lambda_max=2.0:
    # 1) remove self loops (emulated by zeroing their weight)
    # 2) L = I - D^{-1/2} A D^{-1/2}
    # 3) L_hat = (2/lambda_max) * L - I
    src = edge_index[0]
    dst = edge_index[1]
    ew = jnp.where(src != dst, 1.0, 0.0).astype(jnp.float32)
    deg = jax.ops.segment_sum(ew, src, num_segments=num_nodes)
    deg_inv_sqrt = jnp.where(deg > 0, 1.0 / jnp.sqrt(jnp.maximum(deg, 1e-12)), 0.0)
    w_off = -deg_inv_sqrt[src] * ew * deg_inv_sqrt[dst]
    w_off = w_off * (2.0 / lambda_max)
    w_diag = jnp.full((num_nodes,), 2.0 / lambda_max - 1.0, dtype=jnp.float32)
    return w_off, w_diag


def _propagate(x, src, dst, w_off, w_diag, num_nodes):
    msg = w_off[:, None] * jnp.take(x, src, axis=0)
    agg = jax.ops.segment_sum(msg, dst, num_segments=num_nodes)
    return agg + w_diag[:, None] * x


def _cheb_conv(x, edge_index, W, b, num_nodes):
    src = edge_index[0]
    dst = edge_index[1]
    w_off, w_diag = _lap_weights(edge_index, num_nodes)
    K = W.shape[0]
    Tx0 = x
    out = Tx0 @ W[0]
    if K > 1:
        Tx1 = _propagate(Tx0, src, dst, w_off, w_diag, num_nodes)
        out = out + Tx1 @ W[1]
        for k in range(2, K):
            Tx2 = 2.0 * _propagate(Tx1, src, dst, w_off, w_diag, num_nodes) - Tx0
            out = out + Tx2 @ W[k]
            Tx0, Tx1 = Tx1, Tx2
    if b is not None:
        out = out + b
    return out


def setup_inputs(seed: int = 0) -> dict:
    key = jax.random.key(seed)
    ks = jax.random.split(key, 12)
    in_c, out_c, nc = 128, 128, 32

    def glorot(k, shape):
        fan_in, fan_out = shape[-2], shape[-1]
        s = jnp.sqrt(6.0 / (fan_in + fan_out))
        return jax.random.uniform(k, shape, jnp.float32, -s, s)

    x = jax.random.normal(ks[0], (N_NODES, in_c), dtype=jnp.float32)
    edge_index = jax.random.randint(ks[1], (2, N_EDGES), 0, N_NODES, dtype=jnp.int64)
    batch = jnp.zeros((N_NODES,), dtype=jnp.int64)
    edge_attr = jax.random.normal(ks[2], (N_EDGES, 4), dtype=jnp.float32)

    W1 = glorot(ks[3], (24, in_c, nc))
    b1 = jnp.zeros((nc,), dtype=jnp.float32)
    W2 = glorot(ks[4], (12, nc, nc))
    b2 = jnp.zeros((nc,), dtype=jnp.float32)
    W3 = glorot(ks[5], (10, nc, nc))
    b3 = jnp.zeros((nc,), dtype=jnp.float32)
    W4 = glorot(ks[6], (1, nc, out_c))

    return {"x": x, "edge_index": edge_index, "batch": batch, "edge_attr": edge_attr,
            "W1": W1, "b1": b1, "W2": W2, "b2": b2, "W3": W3, "b3": b3, "W4": W4}


def reference(x, edge_index, batch, edge_attr, W1, b1, W2, b2, W3, b3, W4):
    # batch and edge_attr are accepted but unused, matching the torch forward.
    h = jax.nn.silu(_cheb_conv(x, edge_index, W1, b1, N_NODES))
    h = jax.nn.silu(_cheb_conv(h, edge_index, W2, b2, N_NODES))
    h = jax.nn.silu(_cheb_conv(h, edge_index, W3, b3, N_NODES))
    h = _cheb_conv(h, edge_index, W4, None, N_NODES)
    return h

if __name__ == "__main__":
    import jax
    _d = setup_inputs()
    print(jax.jit(kernel)(*tuple(_d.values())))

</pallas_src>

<mosaic_0001>
#map = affine_map<(d0, d1) -> (0, 0, 0, 0)>
#map1 = affine_map<(d0, d1) -> (0, 0)>
#map2 = affine_map<(d0, d1) -> (0, 0, 0)>
module attributes {stable_mosaic.version = 14 : i64} {
  func.func @_chain_body(%arg0: i32, %arg1: i32, %arg2: memref<2x24x10112x16xf32, #tpu.memory_space<hbm>>, %arg3: memref<10112x16xf32, #tpu.memory_space<hbm>>, %arg4: memref<16x32x640xi32, #tpu.memory_space<hbm>>, %arg5: memref<16x32x640xi32, #tpu.memory_space<hbm>>, %arg6: memref<632x16xf32, #tpu.memory_space<hbm>>, %arg7: memref<2x10112x16xf32, #tpu.memory_space<hbm>>, %arg8: memref<10112x16xf32, #tpu.memory_space<vmem_shared>>, %arg9: memref<10112x16xf32, #tpu.memory_space<vmem_shared>>, %arg10: memref<10112x16xf32, #tpu.memory_space<vmem_shared>>, %arg11: memref<10112x16xf32, #tpu.memory_space<vmem_shared>>, %arg12: memref<32x640xi32, #tpu.memory_space<vmem>>, %arg13: memref<32x640xi32, #tpu.memory_space<vmem>>, %arg14: memref<640x16xf32, #tpu.memory_space<vmem>>, %arg15: memref<640x16xf32, #tpu.memory_space<vmem>>, %arg16: memref<632x16xf32, #tpu.memory_space<vmem>>, %arg17: memref<632x16xf32, #tpu.memory_space<vmem>>, %arg18: memref<!tpu.dma_semaphore, #tpu.memory_space<semaphore_mem>>, %arg19: memref<!tpu.dma_semaphore, #tpu.memory_space<semaphore_mem>>, %arg20: memref<!tpu.dma_semaphore, #tpu.memory_space<semaphore_mem>>, %arg21: memref<!tpu.dma_semaphore, #tpu.memory_space<semaphore_mem>>) attributes {dimension_semantics = [#tpu.dimension_semantics<core_parallel>, #tpu.dimension_semantics<subcore_parallel>], iteration_bounds = array<i64: 2, 16>, scalar_prefetch = 0 : i64, scratch_operands = 14 : i64, tpu.core_type = #tpu.core_type<sc_vector_subcore>, window_params = [{transform_indices = #map}, {transform_indices = #map1}, {transform_indices = #map2}, {transform_indices = #map2}, {transform_indices = #map1}, {transform_indices = #map2}]} {
    %mul3A = arith.constant 632 : i32
    %mul3A_0 = arith.muli %arg1, %mul3A : i32
    "tpu.region"() ({
      %run_scoped3A_34 = tpu.sem_alloc : memref<!tpu.dma_semaphore, #tpu.memory_space<semaphore_mem>>
      %dma_start3A_35 = arith.constant 0 : i32
      %dma_start3A_36 = arith.constant 0 : i32
      %dma_start3A_37 = tpu.memref_slice %arg4[%arg1, %dma_start3A_35, %dma_start3A_36] : memref<16x32x640xi32, #tpu.memory_space<hbm>> -> memref<1x32x640xi32, #tpu.memory_space<hbm>>
      %dma_start3A_38 = tpu.memref_squeeze %dma_start3A_37 : memref<1x32x640xi32, #tpu.memory_space<hbm>> -> memref<32x640xi32, #tpu.memory_space<hbm>>
      %dma_start3A_39 = arith.constant 0 : i32
      %dma_start3A_40 = arith.constant 0 : i32
      %dma_start3A_41 = tpu.memref_slice %arg4[%arg1, %dma_start3A_39, %dma_start3A_40] : memref<16x32x640xi32, #tpu.memory_space<hbm>> -> memref<1x32x640xi32, #tpu.memory_space<hbm>>
      %dma_start3A_42 = tpu.memref_squeeze %dma_start3A_41 : memref<1x32x640xi32, #tpu.memory_space<hbm>> -> memref<32x640xi32, #tpu.memory_space<hbm>>
      tpu.enqueue_dma source(%dma_start3A_42 : memref<32x640xi32, #tpu.memory_space<hbm>>) target(%arg12 : memref<32x640xi32, #tpu.memory_space<vmem>>) target_semaphore(%run_scoped3A_34 : memref<!tpu.dma_semaphore, #tpu.memory_space<semaphore_mem>>)
      %dma_wait3A_43 = arith.constant 0 : i32
      %dma_wait3A_44 = arith.constant 0 : i32
      %dma_wait3A_45 = tpu.memref_slice %arg4[%arg1, %dma_wait3A_43, %dma_wait3A_44] : memref<16x32x640xi32, #tpu.memory_space<hbm>> -> memref<1x32x640xi32, #tpu.memory_space<hbm>>
      %dma_wait3A_46 = tpu.memref_squeeze %dma_wait3A_45 : memref<1x32x640xi32, #tpu.memory_space<hbm>> -> memref<32x640xi32, #tpu.memory_space<hbm>>
      %dma_wait3A_47 = arith.constant 0 : i32
      %dma_wait3A_48 = arith.constant 0 : i32
      %dma_wait3A_49 = tpu.memref_slice %arg4[%arg1, %dma_wait3A_47, %dma_wait3A_48] : memref<16x32x640xi32, #tpu.memory_space<hbm>> -> memref<1x32x640xi32, #tpu.memory_space<hbm>>
      %dma_wait3A_50 = tpu.memref_squeeze %dma_wait3A_49 : memref<1x32x640xi32, #tpu.memory_space<hbm>> -> memref<32x640xi32, #tpu.memory_space<hbm>>
      tpu.wait_dma2 semaphore(%run_scoped3A_34 : memref<!tpu.dma_semaphore, #tpu.memory_space<semaphore_mem>>) src(%dma_wait3A_50 : memref<32x640xi32, #tpu.memory_space<hbm>>) dst(%arg12 : memref<32x640xi32, #tpu.memory_space<vmem>>)
      tpu.yield
    }) : () -> ()
    "tpu.region"() ({
      %run_scoped3A_34 = tpu.sem_alloc : memref<!tpu.dma_semaphore, #tpu.memory_space<semaphore_mem>>
      %dma_start3A_35 = arith.constant 0 : i32
      %dma_start3A_36 = arith.constant 0 : i32
      %dma_start3A_37 = tpu.memref_slice %arg5[%arg1, %dma_start3A_35, %dma_start3A_36] : memref<16x32x640xi32, #tpu.memory_space<hbm>> -> memref<1x32x640xi32, #tpu.memory_space<hbm>>
      %dma_start3A_38 = tpu.memref_squeeze %dma_start3A_37 : memref<1x32x640xi32, #tpu.memory_space<hbm>> -> memref<32x640xi32, #tpu.memory_space<hbm>>
      %dma_start3A_39 = arith.constant 0 : i32
      %dma_start3A_40 = arith.constant 0 : i32
      %dma_start3A_41 = tpu.memref_slice %arg5[%arg1, %dma_start3A_39, %dma_start3A_40] : memref<16x32x640xi32, #tpu.memory_space<hbm>> -> memref<1x32x640xi32, #tpu.memory_space<hbm>>
      %dma_start3A_42 = tpu.memref_squeeze %dma_start3A_41 : memref<1x32x640xi32, #tpu.memory_space<hbm>> -> memref<32x640xi32, #tpu.memory_space<hbm>>
      tpu.enqueue_dma source(%dma_start3A_42 : memref<32x640xi32, #tpu.memory_space<hbm>>) target(%arg13 : memref<32x640xi32, #tpu.memory_space<vmem>>) target_semaphore(%run_scoped3A_34 : memref<!tpu.dma_semaphore, #tpu.memory_space<semaphore_mem>>)
      %dma_wait3A_43 = arith.constant 0 : i32
      %dma_wait3A_44 = arith.constant 0 : i32
      %dma_wait3A_45 = tpu.memref_slice %arg5[%arg1, %dma_wait3A_43, %dma_wait3A_44] : memref<16x32x640xi32, #tpu.memory_space<hbm>> -> memref<1x32x640xi32, #tpu.memory_space<hbm>>
      %dma_wait3A_46 = tpu.memref_squeeze %dma_wait3A_45 : memref<1x32x640xi32, #tpu.memory_space<hbm>> -> memref<32x640xi32, #tpu.memory_space<hbm>>
      %dma_wait3A_47 = arith.constant 0 : i32
      %dma_wait3A_48 = arith.constant 0 : i32
      %dma_wait3A_49 = tpu.memref_slice %arg5[%arg1, %dma_wait3A_47, %dma_wait3A_48] : memref<16x32x640xi32, #tpu.memory_space<hbm>> -> memref<1x32x640xi32, #tpu.memory_space<hbm>>
      %dma_wait3A_50 = tpu.memref_squeeze %dma_wait3A_49 : memref<1x32x640xi32, #tpu.memory_space<hbm>> -> memref<32x640xi32, #tpu.memory_space<hbm>>
      tpu.wait_dma2 semaphore(%run_scoped3A_34 : memref<!tpu.dma_semaphore, #tpu.memory_space<semaphore_mem>>) src(%dma_wait3A_50 : memref<32x640xi32, #tpu.memory_space<hbm>>) dst(%arg13 : memref<32x640xi32, #tpu.memory_space<vmem>>)
      tpu.yield
    }) : () -> ()
    "tpu.region"() ({
      %run_scoped3A_34 = tpu.sem_alloc : memref<!tpu.dma_semaphore, #tpu.memory_space<semaphore_mem>>
      %dma_start3A_35 = arith.constant 0 : i32
      %dma_start3A_36 = tpu.memref_slice %arg3[%mul3A_0, %dma_start3A_35] : memref<10112x16xf32, #tpu.memory_space<hbm>> -> memref<632x16xf32, #tpu.memory_space<hbm>>
      %dma_start3A_37 = arith.constant 0 : i32
      %dma_start3A_38 = tpu.memref_slice %arg3[%mul3A_0, %dma_start3A_37] : memref<10112x16xf32, #tpu.memory_space<hbm>> -> memref<632x16xf32, #tpu.memory_space<hbm>>
      tpu.enqueue_dma source(%dma_start3A_38 : memref<632x16xf32, #tpu.memory_space<hbm>>) target(%arg16 : memref<632x16xf32, #tpu.memory_space<vmem>>) target_semaphore(%run_scoped3A_34 : memref<!tpu.dma_semaphore, #tpu.memory_space<semaphore_mem>>)
      %dma_wait3A_39 = arith.constant 0 : i32
      %dma_wait3A_40 = tpu.memref_slice %arg3[%mul3A_0, %dma_wait3A_39] : memref<10112x16xf32, #tpu.memory_space<hbm>> -> memref<632x16xf32, #tpu.memory_space<hbm>>
      %dma_wait3A_41 = arith.constant 0 : i32
      %dma_wait3A_42 = tpu.memref_slice %arg3[%mul3A_0, %dma_wait3A_41] : memref<10112x16xf32, #tpu.memory_space<hbm>> -> memref<632x16xf32, #tpu.memory_space<hbm>>
      tpu.wait_dma2 semaphore(%run_scoped3A_34 : memref<!tpu.dma_semaphore, #tpu.memory_space<semaphore_mem>>) src(%dma_wait3A_42 : memref<632x16xf32, #tpu.memory_space<hbm>>) dst(%arg16 : memref<632x16xf32, #tpu.memory_space<vmem>>)
      tpu.yield
    }) : () -> ()
    %run_scoped3A = arith.constant 23 : i32
    "tpu.region"() ({
      %run_scoped3A_34 = tpu.sem_alloc : memref<!tpu.dma_semaphore, #tpu.memory_space<semaphore_mem>>
      %dma_start3A_35 = arith.constant 0 : i32
      %dma_start3A_36 = arith.constant 0 : i32
      %dma_start3A_37 = tpu.memref_slice %arg14[%dma_start3A_35, %dma_start3A_36] : memref<640x16xf32, #tpu.memory_space<vmem>> -> memref<632x16xf32, #tpu.memory_space<vmem>>
      %dma_start3A_38 = arith.constant 0 : i32
      %dma_start3A_39 = tpu.memref_slice %arg2[%arg0, %run_scoped3A, %mul3A_0, %dma_start3A_38] : memref<2x24x10112x16xf32, #tpu.memory_space<hbm>> -> memref<1x1x632x16xf32, #tpu.memory_space<hbm>>
      %dma_start3A_40 = tpu.memref_squeeze %dma_start3A_39 : memref<1x1x632x16xf32, #tpu.memory_space<hbm>> -> memref<632x16xf32, #tpu.memory_space<hbm>>
      %dma_start3A_41 = arith.constant 0 : i32
      %dma_start3A_42 = arith.constant 0 : i32
      %dma_start3A_43 = tpu.memref_slice %arg14[%dma_start3A_41, %dma_start3A_42] : memref<640x16xf32, #tpu.memory_space<vmem>> -> memref<632x16xf32, #tpu.memory_space<vmem>>
      %dma_start3A_44 = arith.constant 0 : i32
      %dma_start3A_45 = tpu.memref_slice %arg2[%arg0, %run_scoped3A, %mul3A_0, %dma_start3A_44] : memref<2x24x10112x16xf32, #tpu.memory_space<hbm>> -> memref<1x1x632x16xf32, #tpu.memory_space<hbm>>
      %dma_start3A_46 = tpu.memref_squeeze %dma_start3A_45 : memref<1x1x632x16xf32, #tpu.memory_space<hbm>> -> memref<632x16xf32, #tpu.memory_space<hbm>>
      tpu.enqueue_dma source(%dma_start3A_46 : memref<632x16xf32, #tpu.memory_space<hbm>>) target(%dma_start3A_43 : memref<632x16xf32, #tpu.memory_space<vmem>>) target_semaphore(%run_scoped3A_34 : memref<!tpu.dma_semaphore, #tpu.memory_space<semaphore_mem>>)
      %dma_wait3A_47 = arith.constant 0 : i32
      %dma_wait3A_48 = arith.constant 0 : i32
      %dma_wait3A_49 = tpu.memref_slice %arg14[%dma_wait3A_47, %dma_wait3A_48] : memref<640x16xf32, #tpu.memory_space<vmem>> -> memref<632x16xf32, #tpu.memory_space<vmem>>
      %dma_wait3A_50 = arith.constant 0 : i32
      %dma_wait3A_51 = tpu.memref_slice %arg2[%arg0, %run_scoped3A, %mul3A_0, %dma_wait3A_50] : memref<2x24x10112x16xf32, #tpu.memory_space<hbm>> -> memref<1x1x632x16xf32, #tpu.memory_space<hbm>>
      %dma_wait3A_52 = tpu.memref_squeeze %dma_wait3A_51 : memref<1x1x632x16xf32, #tpu.memory_space<hbm>> -> memref<632x16xf32, #tpu.memory_space<hbm>>
      %dma_wait3A_53 = arith.constant 0 : i32
      %dma_wait3A_54 = arith.constant 0 : i32
      %dma_wait3A_55 = tpu.memref_slice %arg14[%dma_wait3A_53, %dma_wait3A_54] : memref<640x16xf32, #tpu.memory_space<vmem>> -> memref<632x16xf32, #tpu.memory_space<vmem>>
      %dma_wait3A_56 = arith.constant 0 : i32
      %dma_wait3A_57 = tpu.memref_slice %arg2[%arg0, %run_scoped3A, %mul3A_0, %dma_wait3A_56] : memref<2x24x10112x16xf32, #tpu.memory_space<hbm>> -> memref<1x1x632x16xf32, #tpu.memory_space<hbm>>
      %dma_wait3A_58 = tpu.memref_squeeze %dma_wait3A_57 : memref<1x1x632x16xf32, #tpu.memory_space<hbm>> -> memref<632x16xf32, #tpu.memory_space<hbm>>
      tpu.wait_dma2 semaphore(%run_scoped3A_34 : memref<!tpu.dma_semaphore, #tpu.memory_space<semaphore_mem>>) src(%dma_wait3A_58 : memref<632x16xf32, #tpu.memory_space<hbm>>) dst(%dma_wait3A_55 : memref<632x16xf32, #tpu.memory_space<vmem>>)
      tpu.yield
    }) : () -> ()
    %scan3A = arith.constant 0 : i32
    %scan3A_1 = arith.constant 632 : i32
    %scan3A_2 = arith.addi %scan3A, %scan3A_1 : i32
    %scan3A_3 = arith.constant 1 : i32
    scf.for %scan3A_34 = %scan3A to %scan3A_2 step %scan3A_3  : i32 {
      %mul3A_35 = arith.constant 1 : i32
      %mul3A_36 = arith.muli %scan3A_34, %mul3A_35 : i32
      %add3A = arith.constant 0 : i32
      %add3A_37 = arith.addi %add3A, %mul3A_36 : i32
      %get3A = arith.constant 0 : i32
      %get3A_38 = arith.constant 0 : i32
      %get3A_39 = tpu.memref_slice %arg14[%get3A, %get3A_38] : memref<640x16xf32, #tpu.memory_space<vmem>> -> memref<632x16xf32, #tpu.memory_space<vmem>>
      %get3A_40 = arith.index_cast %add3A_37 : i32 to index
      %get3A_41 = arith.constant 0 : index
      %get3A_42 = tpu.vector_load %get3A_39[%get3A_40, %get3A_41] {strides = array<i32>} : memref<632x16xf32, #tpu.memory_space<vmem>>, vector<1x16xf32>,
      %get3A_43 = vector.shape_cast %get3A_42 : vector<1x16xf32> to vector<16xf32>
      %get3A_44 = arith.index_cast %add3A_37 : i32 to index
      %get3A_45 = arith.constant 0 : index
      %get3A_46 = tpu.vector_load %arg16[%get3A_44, %get3A_45] {strides = array<i32>} : memref<632x16xf32, #tpu.memory_space<vmem>>, vector<1x16xf32>,
      %get3A_47 = vector.shape_cast %get3A_46 : vector<1x16xf32> to vector<16xf32>
      %mul3A_48 = arith.mulf %get3A_43, %get3A_47 : vector<16xf32>
      %swap3A = arith.constant 0 : i32
      %swap3A_49 = arith.constant 0 : i32
      %swap3A_50 = tpu.memref_slice %arg15[%swap3A, %swap3A_49] : memref<640x16xf32, #tpu.memory_space<vmem>> -> memref<632x16xf32, #tpu.memory_space<vmem>>
      %swap3A_51 = arith.index_cast %add3A_37 : i32 to index
      %swap3A_52 = arith.constant 0 : index
      %swap3A_53 = tpu.vector_load %swap3A_50[%swap3A_51, %swap3A_52] {strides = array<i32>} : memref<632x16xf32, #tpu.memory_space<vmem>>, vector<1x16xf32>,
      %swap3A_54 = vector.shape_cast %swap3A_53 : vector<1x16xf32> to vector<16xf32>
      %swap3A_55 = vector.shape_cast %mul3A_48 : vector<16xf32> to vector<1x16xf32>
      tpu.vector_store %swap3A_50[%swap3A_51, %swap3A_52], %swap3A_55 {strides = array<i32>} : memref<632x16xf32, #tpu.memory_space<vmem>>, vector<1x16xf32>,
    }
    %scan3A_4 = arith.constant 632 : i32
    "tpu.region"() ({
      %run_scoped3A_34 = tpu.sem_alloc : memref<!tpu.dma_semaphore, #tpu.memory_space<semaphore_mem>>
      %dma_start3A_35 = arith.constant 0 : i32
      %dma_start3A_36 = arith.constant 0 : i32
      %dma_start3A_37 = tpu.memref_slice %arg14[%dma_start3A_35, %dma_start3A_36] : memref<640x16xf32, #tpu.memory_space<vmem>> -> memref<632x16xf32, #tpu.memory_space<vmem>>
      %dma_start3A_38 = arith.constant 0 : i32
      %dma_start3A_39 = tpu.memref_slice %arg8[%mul3A_0, %dma_start3A_38] : memref<10112x16xf32, #tpu.memory_space<vmem_shared>> -> memref<632x16xf32, #tpu.memory_space<vmem_shared>>
      %dma_start3A_40 = arith.constant 0 : i32
      %dma_start3A_41 = tpu.memref_slice %arg8[%mul3A_0, %dma_start3A_40] : memref<10112x16xf32, #tpu.memory_space<vmem_shared>> -> memref<632x16xf32, #tpu.memory_space<vmem_shared>>
      %dma_start3A_42 = arith.constant 0 : i32
      %dma_start3A_43 = arith.constant 0 : i32
      %dma_start3A_44 = tpu.memref_slice %arg14[%dma_start3A_42, %dma_start3A_43] : memref<640x16xf32, #tpu.memory_space<vmem>> -> memref<632x16xf32, #tpu.memory_space<vmem>>
      tpu.enqueue_dma source(%dma_start3A_44 : memref<632x16xf32, #tpu.memory_space<vmem>>) target(%dma_start3A_41 : memref<632x16xf32, #tpu.memory_space<vmem_shared>>) target_semaphore(%run_scoped3A_34 : memref<!tpu.dma_semaphore, #tpu.memory_space<semaphore_mem>>)
      %dma_wait3A_45 = arith.constant 0 : i32
      %dma_wait3A_46 = arith.constant 0 : i32
      %dma_wait3A_47 = tpu.memref_slice %arg14[%dma_wait3A_45, %dma_wait3A_46] : memref<640x16xf32, #tpu.memory_space<vmem>> -> memref<632x16xf32, #tpu.memory_space<vmem>>
      %dma_wait3A_48 = arith.constant 0 : i32
      %dma_wait3A_49 = tpu.memref_slice %arg8[%mul3A_0, %dma_wait3A_48] : memref<10112x16xf32, #tpu.memory_space<vmem_shared>> -> memref<632x16xf32, #tpu.memory_space<vmem_shared>>
      %dma_wait3A_50 = arith.constant 0 : i32
      %dma_wait3A_51 = tpu.memref_slice %arg8[%mul3A_0, %dma_wait3A_50] : memref<10112x16xf32, #tpu.memory_space<vmem_shared>> -> memref<632x16xf32, #tpu.memory_space<vmem_shared>>
      %dma_wait3A_52 = arith.constant 0 : i32
      %dma_wait3A_53 = arith.constant 0 : i32
      %dma_wait3A_54 = tpu.memref_slice %arg14[%dma_wait3A_52, %dma_wait3A_53] : memref<640x16xf32, #tpu.memory_space<vmem>> -> memref<632x16xf32, #tpu.memory_space<vmem>>
      tpu.wait_dma2 semaphore(%run_scoped3A_34 : memref<!tpu.dma_semaphore, #tpu.memory_space<semaphore_mem>>) src(%dma_wait3A_54 : memref<632x16xf32, #tpu.memory_space<vmem>>) dst(%dma_wait3A_51 : memref<632x16xf32, #tpu.memory_space<vmem_shared>>)
      tpu.yield
    }) : () -> ()
    "tpu.region"() ({
      %run_scoped3A_34 = tpu.sem_alloc : memref<!tpu.dma_semaphore, #tpu.memory_space<semaphore_mem>>
      %dma_start3A_35 = arith.constant 0 : i32
      %dma_start3A_36 = arith.constant 0 : i32
      %dma_start3A_37 = tpu.memref_slice %arg15[%dma_start3A_35, %dma_start3A_36] : memref<640x16xf32, #tpu.memory_space<vmem>> -> memref<632x16xf32, #tpu.memory_space<vmem>>
      %dma_start3A_38 = arith.constant 0 : i32
      %dma_start3A_39 = tpu.memref_slice %arg10[%mul3A_0, %dma_start3A_38] : memref<10112x16xf32, #tpu.memory_space<vmem_shared>> -> memref<632x16xf32, #tpu.memory_space<vmem_shared>>
      %dma_start3A_40 = arith.constant 0 : i32
      %dma_start3A_41 = tpu.memref_slice %arg10[%mul3A_0, %dma_start3A_40] : memref<10112x16xf32, #tpu.memory_space<vmem_shared>> -> memref<632x16xf32, #tpu.memory_space<vmem_shared>>
      %dma_start3A_42 = arith.constant 0 : i32
      %dma_start3A_43 = arith.constant 0 : i32
      %dma_start3A_44 = tpu.memref_slice %arg15[%dma_start3A_42, %dma_start3A_43] : memref<640x16xf32, #tpu.memory_space<vmem>> -> memref<632x16xf32, #tpu.memory_space<vmem>>
      tpu.enqueue_dma source(%dma_start3A_44 : memref<632x16xf32, #tpu.memory_space<vmem>>) target(%dma_start3A_41 : memref<632x16xf32, #tpu.memory_space<vmem_shared>>) target_semaphore(%run_scoped3A_34 : memref<!tpu.dma_semaphore, #tpu.memory_space<semaphore_mem>>)
      %dma_wait3A_45 = arith.constant 0 : i32
      %dma_wait3A_46 = arith.constant 0 : i32
      %dma_wait3A_47 = tpu.memref_slice %arg15[%dma_wait3A_45, %dma_wait3A_46] : memref<640x16xf32, #tpu.memory_space<vmem>> -> memref<632x16xf32, #tpu.memory_space<vmem>>
      %dma_wait3A_48 = arith.constant 0 : i32
      %dma_wait3A_49 = tpu.memref_slice %arg10[%mul3A_0, %dma_wait3A_48] : memref<10112x16xf32, #tpu.memory_space<vmem_shared>> -> memref<632x16xf32, #tpu.memory_space<vmem_shared>>
      %dma_wait3A_50 = arith.constant 0 : i32
      %dma_wait3A_51 = tpu.memref_slice %arg10[%mul3A_0, %dma_wait3A_50] : memref<10112x16xf32, #tpu.memory_space<vmem_shared>> -> memref<632x16xf32, #tpu.memory_space<vmem_shared>>
      %dma_wait3A_52 = arith.constant 0 : i32
      %dma_wait3A_53 = arith.constant 0 : i32
      %dma_wait3A_54 = tpu.memref_slice %arg15[%dma_wait3A_52, %dma_wait3A_53] : memref<640x16xf32, #tpu.memory_space<vmem>> -> memref<632x16xf32, #tpu.memory_space<vmem>>
      tpu.wait_dma2 semaphore(%run_scoped3A_34 : memref<!tpu.dma_semaphore, #tpu.memory_space<semaphore_mem>>) src(%dma_wait3A_54 : memref<632x16xf32, #tpu.memory_space<vmem>>) dst(%dma_wait3A_51 : memref<632x16xf32, #tpu.memory_space<vmem_shared>>)
      tpu.yield
    }) : () -> ()
    "tpu.region"() ({
      %run_scoped3A_34 = tpu.sem_alloc : memref<!tpu.dma_semaphore, #tpu.memory_space<semaphore_mem>>
      %dma_start3A_35 = arith.constant 0 : i32
      %dma_start3A_36 = tpu.memref_slice %arg9[%mul3A_0, %dma_start3A_35] : memref<10112x16xf32, #tpu.memory_space<vmem_shared>> -> memref<632x16xf32, #tpu.memory_space<vmem_shared>>
      tpu.enqueue_dma source(%arg6 : memref<632x16xf32, #tpu.memory_space<hbm>>) target(%dma_start3A_36 : memref<632x16xf32, #tpu.memory_space<vmem_shared>>) target_semaphore(%run_scoped3A_34 : memref<!tpu.dma_semaphore, #tpu.memory_space<semaphore_mem>>)
      %dma_wait3A_37 = arith.constant 0 : i32
      %dma_wait3A_38 = tpu.memref_slice %arg9[%mul3A_0, %dma_wait3A_37] : memref<10112x16xf32, #tpu.memory_space<vmem_shared>> -> memref<632x16xf32, #tpu.memory_space<vmem_shared>>
      tpu.wait_dma2 semaphore(%run_scoped3A_34 : memref<!tpu.dma_semaphore, #tpu.memory_space<semaphore_mem>>) src(%arg6 : memref<632x16xf32, #tpu.memory_space<hbm>>) dst(%dma_wait3A_38 : memref<632x16xf32, #tpu.memory_space<vmem_shared>>)
      tpu.yield
    }) : () -> ()
    "tpu.region"() ({
      %run_scoped3A_34 = tpu.sem_alloc : memref<!tpu.dma_semaphore, #tpu.memory_space<semaphore_mem>>
      %dma_start3A_35 = arith.constant 0 : i32
      %dma_start3A_36 = tpu.memref_slice %arg11[%mul3A_0, %dma_start3A_35] : memref<10112x16xf32, #tpu.memory_space<vmem_shared>> -> memref<632x16xf32, #tpu.memory_space<vmem_shared>>
      tpu.enqueue_dma source(%arg6 : memref<632x16xf32, #tpu.memory_space<hbm>>) target(%dma_start3A_36 : memref<632x16xf32, #tpu.memory_space<vmem_shared>>) target_semaphore(%run_scoped3A_34 : memref<!tpu.dma_semaphore, #tpu.memory_space<semaphore_mem>>)
      %dma_wait3A_37 = arith.constant 0 : i32
      %dma_wait3A_38 = tpu.memref_slice %arg11[%mul3A_0, %dma_wait3A_37] : memref<10112x16xf32, #tpu.memory_space<vmem_shared>> -> memref<632x16xf32, #tpu.memory_space<vmem_shared>>
      tpu.wait_dma2 semaphore(%run_scoped3A_34 : memref<!tpu.dma_semaphore, #tpu.memory_space<semaphore_mem>>) src(%arg6 : memref<632x16xf32, #tpu.memory_space<hbm>>) dst(%dma_wait3A_38 : memref<632x16xf32, #tpu.memory_space<vmem_shared>>)
      tpu.yield
    }) : () -> ()
    %barrier3A = arith.constant 0 : index
    tpu.barrier barrier_id(%barrier3A)
    %scan3A_5 = arith.constant 0 : i32
    %scan3A_6 = arith.constant 11 : i32
    %scan3A_7 = arith.addi %scan3A_5, %scan3A_6 : i32
    %scan3A_8 = arith.constant 1 : i32
    scf.for %scan3A_34 = %scan3A_5 to %scan3A_7 step %scan3A_8  : i32 {
      %mul3A_35 = arith.constant 1 : i32
      %mul3A_36 = arith.muli %scan3A_34, %mul3A_35 : i32
      %add3A = arith.constant 0 : i32
      %add3A_37 = arith.addi %add3A, %mul3A_36 : i32
      %mul3A_38 = arith.constant 2 : i32
      %mul3A_39 = arith.muli %mul3A_38, %add3A_37 : i32
      %sub3A = arith.constant 22 : i32
      %sub3A_40 = arith.subi %sub3A, %mul3A_39 : i32
      %dma_start3A_41 = arith.constant 0 : i32
      %dma_start3A_42 = arith.constant 0 : i32
      %dma_start3A_43 = tpu.memref_slice %arg12[%dma_start3A_41, %dma_start3A_42] : memref<32x640xi32, #tpu.memory_space<vmem>> -> memref<1x640xi32, #tpu.memory_space<vmem>>
      %dma_start3A_44 = tpu.memref_squeeze %dma_start3A_43 : memref<1x640xi32, #tpu.memory_space<vmem>> -> memref<640xi32, #tpu.memory_space<vmem>>
      %dma_start3A_45 = arith.constant 0 : i32
      %dma_start3A_46 = arith.constant 0 : i32
      %dma_start3A_47 = tpu.memref_slice %arg10[%dma_start3A_45, %dma_start3A_46] : memref<10112x16xf32, #tpu.memory_space<vmem_shared>> -> memref<10112x16xf32, #tpu.memory_space<vmem_shared>>
      tpu.enqueue_indirect_dma source(%dma_start3A_47 : memref<10112x16xf32, #tpu.memory_space<vmem_shared>>) target(%arg14 : memref<640x16xf32, #tpu.memory_space<vmem>>) offsets(%dma_start3A_44 : memref<640xi32, #tpu.memory_space<vmem>>) semaphore(%arg18 : memref<!tpu.dma_semaphore, #tpu.memory_space<semaphore_mem>>)
      %scan3A_48 = arith.constant 0 : i32
      %scan3A_49 = arith.constant 16 : i32
      %scan3A_50 = arith.addi %scan3A_48, %scan3A_49 : i32
      %scan3A_51 = arith.constant 1 : i32
      scf.for %scan3A_95 = %scan3A_48 to %scan3A_50 step %scan3A_51  : i32 {
        %mul3A_96 = arith.constant 1 : i32
        %mul3A_97 = arith.muli %scan3A_95, %mul3A_96 : i32
        %add3A_98 = arith.constant 0 : i32
        %add3A_99 = arith.addi %add3A_98, %mul3A_97 : i32
        %mul3A_100 = arith.constant 2 : i32
        %mul3A_101 = arith.muli %mul3A_100, %add3A_99 : i32
        %dma_wait3A_102 = arith.constant 0 : i32
        %dma_wait3A_103 = arith.constant 0 : i32
        %dma_wait3A_104 = tpu.memref_slice %arg12[%dma_wait3A_102, %dma_wait3A_103] : memref<32x640xi32, #tpu.memory_space<vmem>> -> memref<1x640xi32, #tpu.memory_space<vmem>>
        %dma_wait3A_105 = tpu.memref_squeeze %dma_wait3A_104 : memref<1x640xi32, #tpu.memory_space<vmem>> -> memref<640xi32, #tpu.memory_space<vmem>>
        %dma_wait3A_106 = arith.constant 0 : i32
        %dma_wait3A_107 = arith.constant 0 : i32
        %dma_wait3A_108 = tpu.memref_slice %arg10[%dma_wait3A_106, %dma_wait3A_107] : memref<10112x16xf32, #tpu.memory_space<vmem_shared>> -> memref<10112x16xf32, #tpu.memory_space<vmem_shared>>
        tpu.wait_indirect_dma semaphore(%arg18 : memref<!tpu.dma_semaphore, #tpu.memory_space<semaphore_mem>>) src(%dma_wait3A_108 : memref<10112x16xf32, #tpu.memory_space<vmem_shared>>) dst(%arg14 : memref<640x16xf32, #tpu.memory_space<vmem>>)
        %gt3A = arith.constant 0 : i32
        %gt3A_109 = arith.cmpi sgt, %add3A_99, %gt3A : i32
        %convert_element_type3A = arith.extui %gt3A_109 : i1 to i32
        %cond3A = arith.constant 0 : i32
        %cond3A_110 = arith.cmpi ne, %convert_element_type3A, %cond3A : i32
        scf.if %cond3A_110 {
          %dma_wait3A_153 = arith.constant 0 : i32
          %dma_wait3A_154 = arith.constant 0 : i32
          %dma_wait3A_155 = tpu.memref_slice %arg13[%dma_wait3A_153, %dma_wait3A_154] : memref<32x640xi32, #tpu.memory_space<vmem>> -> memref<1x640xi32, #tpu.memory_space<vmem>>
          %dma_wait3A_156 = tpu.memref_squeeze %dma_wait3A_155 : memref<1x640xi32, #tpu.memory_space<vmem>> -> memref<640xi32, #tpu.memory_space<vmem>>
          %dma_wait3A_157 = arith.constant 0 : i32
          %dma_wait3A_158 = arith.constant 0 : i32
          %dma_wait3A_159 = tpu.memref_slice %arg11[%dma_wait3A_157, %dma_wait3A_158] : memref<10112x16xf32, #tpu.memory_space<vmem_shared>> -> memref<10112x16xf32, #tpu.memory_space<vmem_shared>>
          tpu.wait_indirect_dma semaphore(%arg21 : memref<!tpu.dma_semaphore, #tpu.memory_space<semaphore_mem>>) src(%arg15 : memref<640x16xf32, #tpu.memory_space<vmem>>) dst(%dma_wait3A_159 : memref<10112x16xf32, #tpu.memory_space<vmem_shared>>)
        } else {
        }
        %add3A_111 = arith.constant 1 : i32
        %add3A_112 = arith.addi %mul3A_101, %add3A_111 : i32
        %dma_start3A_113 = arith.constant 0 : i32
        %dma_start3A_114 = tpu.memref_slice %arg12[%add3A_112, %dma_start3A_113] : memref<32x640xi32, #tpu.memory_space<vmem>> -> memref<1x640xi32, #tpu.memory_space<vmem>>
        %dma_start3A_115 = tpu.memref_squeeze %dma_start3A_114 : memref<1x640xi32, #tpu.memory_space<vmem>> -> memref<640xi32, #tpu.memory_space<vmem>>
        %dma_start3A_116 = arith.constant 0 : i32
        %dma_start3A_117 = arith.constant 0 : i32
        %dma_start3A_118 = tpu.memref_slice %arg10[%dma_start3A_116, %dma_start3A_117] : memref<10112x16xf32, #tpu.memory_space<vmem_shared>> -> memref<10112x16xf32, #tpu.memory_space<vmem_shared>>
        tpu.enqueue_indirect_dma source(%dma_start3A_118 : memref<10112x16xf32, #tpu.memory_space<vmem_shared>>) target(%arg15 : memref<640x16xf32, #tpu.memory_space<vmem>>) offsets(%dma_start3A_115 : memref<640xi32, #tpu.memory_space<vmem>>) semaphore(%arg19 : memref<!tpu.dma_semaphore, #tpu.memory_space<semaphore_mem>>)
        %dma_start3A_119 = arith.constant 0 : i32
        %dma_start3A_120 = tpu.memref_slice %arg13[%mul3A_101, %dma_start3A_119] : memref<32x640xi32, #tpu.memory_space<vmem>> -> memref<1x640xi32, #tpu.memory_space<vmem>>
        %dma_start3A_121 = tpu.memref_squeeze %dma_start3A_120 : memref<1x640xi32, #tpu.memory_space<vmem>> -> memref<640xi32, #tpu.memory_space<vmem>>
        %dma_start3A_122 = arith.constant 0 : i32
        %dma_start3A_123 = arith.constant 0 : i32
        %dma_start3A_124 = tpu.memref_slice %arg11[%dma_start3A_122, %dma_start3A_123] : memref<10112x16xf32, #tpu.memory_space<vmem_shared>> -> memref<10112x16xf32, #tpu.memory_space<vmem_shared>>
        tpu.enqueue_indirect_dma source(%arg14 : memref<640x16xf32, #tpu.memory_space<vmem>>) target(%dma_start3A_124 : memref<10112x16xf32, #tpu.memory_space<vmem_shared>>) offsets(%dma_start3A_121 : memref<640xi32, #tpu.memory_space<vmem>>) semaphore(%arg20 : memref<!tpu.dma_semaphore, #tpu.memory_space<semaphore_mem>>) {add = true}
        %dma_wait3A_125 = arith.constant 0 : i32
        %dma_wait3A_126 = arith.constant 0 : i32
        %dma_wait3A_127 = tpu.memref_slice %arg12[%dma_wait3A_125, %dma_wait3A_126] : memref<32x640xi32, #tpu.memory_space<vmem>> -> memref<1x640xi32, #tpu.memory_space<vmem>>
        %dma_wait3A_128 = tpu.memref_squeeze %dma_wait3A_127 : memref<1x640xi32, #tpu.memory_space<vmem>> -> memref<640xi32, #tpu.memory_space<vmem>>
        %dma_wait3A_129 = arith.constant 0 : i32
        %dma_wait3A_130 = arith.constant 0 : i32
        %dma_wait3A_131 = tpu.memref_slice %arg10[%dma_wait3A_129, %dma_wait3A_130] : memref<10112x16xf32, #tpu.memory_space<vmem_shared>> -> memref<10112x16xf32, #tpu.memory_space<vmem_shared>>
        tpu.wait_indirect_dma semaphore(%arg19 : memref<!tpu.dma_semaphore, #tpu.memory_space<semaphore_mem>>) src(%dma_wait3A_131 : memref<10112x16xf32, #tpu.memory_space<vmem_shared>>) dst(%arg15 : memref<640x16xf32, #tpu.memory_space<vmem>>)
        %dma_wait3A_132 = arith.constant 0 : i32
        %dma_wait3A_133 = arith.constant 0 : i32
        %dma_wait3A_134 = tpu.memref_slice %arg13[%dma_wait3A_132, %dma_wait3A_133] : memref<32x640xi32, #tpu.memory_space<vmem>> -> memref<1x640xi32, #tpu.memory_space<vmem>>
        %dma_wait3A_135 = tpu.memref_squeeze %dma_wait3A_134 : memref<1x640xi32, #tpu.memory_space<vmem>> -> memref<640xi32, #tpu.memory_space<vmem>>
        %dma_wait3A_136 = arith.constant 0 : i32
        %dma_wait3A_137 = arith.constant 0 : i32
        %dma_wait3A_138 = tpu.memref_slice %arg11[%dma_wait3A_136, %dma_wait3A_137] : memref<10112x16xf32, #tpu.memory_space<vmem_shared>> -> memref<10112x16xf32, #tpu.memory_space<vmem_shared>>
        tpu.wait_indirect_dma semaphore(%arg20 : memref<!tpu.dma_semaphore, #tpu.memory_space<semaphore_mem>>) src(%arg14 : memref<640x16xf32, #tpu.memory_space<vmem>>) dst(%dma_wait3A_138 : memref<10112x16xf32, #tpu.memory_space<vmem_shared>>)
        %add3A_139 = arith.constant 1 : i32
        %add3A_140 = arith.addi %add3A_99, %add3A_139 : i32
        %lt3A = arith.constant 16 : i32
        %lt3A_141 = arith.cmpi slt, %add3A_140, %lt3A : i32
        %convert_element_type3A_142 = arith.extui %lt3A_141 : i1 to i32
        %cond3A_143 = arith.constant 0 : i32
        %cond3A_144 = arith.cmpi ne, %convert_element_type3A_142, %cond3A_143 : i32
        scf.if %cond3A_144 {
          %add3A_153 = arith.constant 2 : i32
          %add3A_154 = arith.addi %mul3A_101, %add3A_153 : i32
          %dma_start3A_155 = arith.constant 0 : i32
          %dma_start3A_156 = tpu.memref_slice %arg12[%add3A_154, %dma_start3A_155] : memref<32x640xi32, #tpu.memory_space<vmem>> -> memref<1x640xi32, #tpu.memory_space<vmem>>
          %dma_start3A_157 = tpu.memref_squeeze %dma_start3A_156 : memref<1x640xi32, #tpu.memory_space<vmem>> -> memref<640xi32, #tpu.memory_space<vmem>>
          %dma_start3A_158 = arith.constant 0 : i32
          %dma_start3A_159 = arith.constant 0 : i32
          %dma_start3A_160 = tpu.memref_slice %arg10[%dma_start3A_158, %dma_start3A_159] : memref<10112x16xf32, #tpu.memory_space<vmem_shared>> -> memref<10112x16xf32, #tpu.memory_space<vmem_shared>>
          tpu.enqueue_indirect_dma source(%dma_start3A_160 : memref<10112x16xf32, #tpu.memory_space<vmem_shared>>) target(%arg14 : memref<640x16xf32, #tpu.memory_space<vmem>>) offsets(%dma_start3A_157 : memref<640xi32, #tpu.memory_space<vmem>>) semaphore(%arg18 : memref<!tpu.dma_semaphore, #tpu.memory_space<semaphore_mem>>)
        } else {
        }
        %add3A_145 = arith.constant 1 : i32
        %add3A_146 = arith.addi %mul3A_101, %add3A_145 : i32
        %dma_start3A_147 = arith.constant 0 : i32
        %dma_start3A_148 = tpu.memref_slice %arg13[%add3A_146, %dma_start3A_147] : memref<32x640xi32, #tpu.memory_space<vmem>> -> memref<1x640xi32, #tpu.memory_space<vmem>>
        %dma_start3A_149 = tpu.memref_squeeze %dma_start3A_148 : memref<1x640xi32, #tpu.memory_space<vmem>> -> memref<640xi32, #tpu.memory_space<vmem>>
        %dma_start3A_150 = arith.constant 0 : i32
        %dma_start3A_151 = arith.constant 0 : i32
        %dma_start3A_152 = tpu.memref_slice %arg11[%dma_start3A_150, %dma_start3A_151] : memref<10112x16xf32, #tpu.memory_space<vmem_shared>> -> memref<10112x16xf32, #tpu.memory_space<vmem_shared>>
        tpu.enqueue_indirect_dma source(%arg15 : memref<640x16xf32, #tpu.memory_space<vmem>>) target(%dma_start3A_152 : memref<10112x16xf32, #tpu.memory_space<vmem_shared>>) offsets(%dma_start3A_149 : memref<640xi32, #tpu.memory_space<vmem>>) semaphore(%arg21 : memref<!tpu.dma_semaphore, #tpu.memory_space<semaphore_mem>>) {add = true}
      }
      %scan3A_52 = arith.constant 16 : i32
      %dma_wait3A_53 = arith.constant 0 : i32
      %dma_wait3A_54 = arith.constant 0 : i32
      %dma_wait3A_55 = tpu.memref_slice %arg13[%dma_wait3A_53, %dma_wait3A_54] : memref<32x640xi32, #tpu.memory_space<vmem>> -> memref<1x640xi32, #tpu.memory_space<vmem>>
      %dma_wait3A_56 = tpu.memref_squeeze %dma_wait3A_55 : memref<1x640xi32, #tpu.memory_space<vmem>> -> memref<640xi32, #tpu.memory_space<vmem>>
      %dma_wait3A_57 = arith.constant 0 : i32
      %dma_wait3A_58 = arith.constant 0 : i32
      %dma_wait3A_59 = tpu.memref_slice %arg11[%dma_wait3A_57, %dma_wait3A_58] : memref<10112x16xf32, #tpu.memory_space<vmem_shared>> -> memref<10112x16xf32, #tpu.memory_space<vmem_shared>>
      tpu.wait_indirect_dma semaphore(%arg21 : memref<!tpu.dma_semaphore, #tpu.memory_space<semaphore_mem>>) src(%arg15 : memref<640x16xf32, #tpu.memory_space<vmem>>) dst(%dma_wait3A_59 : memref<10112x16xf32, #tpu.memory_space<vmem_shared>>)
      %barrier3A_60 = arith.constant 0 : index
      tpu.barrier barrier_id(%barrier3A_60)
      "tpu.region"() ({
        %run_scoped3A_95 = tpu.sem_alloc : memref<!tpu.dma_semaphore, #tpu.memory_space<semaphore_mem>>
        %dma_start3A_96 = arith.constant 0 : i32
        %dma_start3A_97 = arith.constant 0 : i32
        %dma_start3A_98 = tpu.memref_slice %arg14[%dma_start3A_96, %dma_start3A_97] : memref<640x16xf32, #tpu.memory_space<vmem>> -> memref<632x16xf32, #tpu.memory_space<vmem>>
        %dma_start3A_99 = arith.constant 0 : i32
        %dma_start3A_100 = tpu.memref_slice %arg2[%arg0, %sub3A_40, %mul3A_0, %dma_start3A_99] : memref<2x24x10112x16xf32, #tpu.memory_space<hbm>> -> memref<1x1x632x16xf32, #tpu.memory_space<hbm>>
        %dma_start3A_101 = tpu.memref_squeeze %dma_start3A_100 : memref<1x1x632x16xf32, #tpu.memory_space<hbm>> -> memref<632x16xf32, #tpu.memory_space<hbm>>
        %dma_start3A_102 = arith.constant 0 : i32
        %dma_start3A_103 = arith.constant 0 : i32
        %dma_start3A_104 = tpu.memref_slice %arg14[%dma_start3A_102, %dma_start3A_103] : memref<640x16xf32, #tpu.memory_space<vmem>> -> memref<632x16xf32, #tpu.memory_space<vmem>>
        %dma_start3A_105 = arith.constant 0 : i32
        %dma_start3A_106 = tpu.memref_slice %arg2[%arg0, %sub3A_40, %mul3A_0, %dma_start3A_105] : memref<2x24x10112x16xf32, #tpu.memory_space<hbm>> -> memref<1x1x632x16xf32, #tpu.memory_space<hbm>>
        %dma_start3A_107 = tpu.memref_squeeze %dma_start3A_106 : memref<1x1x632x16xf32, #tpu.memory_space<hbm>> -> memref<632x16xf32, #tpu.memory_space<hbm>>
        tpu.enqueue_dma source(%dma_start3A_107 : memref<632x16xf32, #tpu.memory_space<hbm>>) target(%dma_start3A_104 : memref<632x16xf32, #tpu.memory_space<vmem>>) target_semaphore(%run_scoped3A_95 : memref<!tpu.dma_semaphore, #tpu.memory_space<semaphore_mem>>)
        %dma_wait3A_108 = arith.constant 0 : i32
        %dma_wait3A_109 = arith.constant 0 : i32
        %dma_wait3A_110 = tpu.memref_slice %arg14[%dma_wait3A_108, %dma_wait3A_109] : memref<640x16xf32, #tpu.memory_space<vmem>> -> memref<632x16xf32, #tpu.memory_space<vmem>>
        %dma_wait3A_111 = arith.constant 0 : i32
        %dma_wait3A_112 = tpu.memref_slice %arg2[%arg0, %sub3A_40, %mul3A_0, %dma_wait3A_111] : memref<2x24x10112x16xf32, #tpu.memory_space<hbm>> -> memref<1x1x632x16xf32, #tpu.memory_space<hbm>>
        %dma_wait3A_113 = tpu.memref_squeeze %dma_wait3A_112 : memref<1x1x632x16xf32, #tpu.memory_space<hbm>> -> memref<632x16xf32, #tpu.memory_space<hbm>>
        %dma_wait3A_114 = arith.constant 0 : i32
        %dma_wait3A_115 = arith.constant 0 : i32
        %dma_wait3A_116 = tpu.memref_slice %arg14[%dma_wait3A_114, %dma_wait3A_115] : memref<640x16xf32, #tpu.memory_space<vmem>> -> memref<632x16xf32, #tpu.memory_space<vmem>>
        %dma_wait3A_117 = arith.constant 0 : i32
        %dma_wait3A_118 = tpu.memref_slice %arg2[%arg0, %sub3A_40, %mul3A_0, %dma_wait3A_117] : memref<2x24x10112x16xf32, #tpu.memory_space<hbm>> -> memref<1x1x632x16xf32, #tpu.memory_space<hbm>>
        %dma_wait3A_119 = tpu.memref_squeeze %dma_wait3A_118 : memref<1x1x632x16xf32, #tpu.memory_space<hbm>> -> memref<632x16xf32, #tpu.memory_space<hbm>>
        tpu.wait_dma2 semaphore(%run_scoped3A_95 : memref<!tpu.dma_semaphore, #tpu.memory_space<semaphore_mem>>) src(%dma_wait3A_119 : memref<632x16xf32, #tpu.memory_space<hbm>>) dst(%dma_wait3A_116 : memref<632x16xf32, #tpu.memory_space<vmem>>)
        tpu.yield
      }) : () -> ()
      "tpu.region"() ({
        %run_scoped3A_95 = tpu.sem_alloc : memref<!tpu.dma_semaphore, #tpu.memory_space<semaphore_mem>>
        %dma_start3A_96 = arith.constant 0 : i32
        %dma_start3A_97 = arith.constant 0 : i32
        %dma_start3A_98 = tpu.memref_slice %arg15[%dma_start3A_96, %dma_start3A_97] : memref<640x16xf32, #tpu.memory_space<vmem>> -> memref<632x16xf32, #tpu.memory_space<vmem>>
        %dma_start3A_99 = arith.constant 0 : i32
        %dma_start3A_100 = tpu.memref_slice %arg11[%mul3A_0, %dma_start3A_99] : memref<10112x16xf32, #tpu.memory_space<vmem_shared>> -> memref<632x16xf32, #tpu.memory_space<vmem_shared>>
        %dma_start3A_101 = arith.constant 0 : i32
        %dma_start3A_102 = arith.constant 0 : i32
        %dma_start3A_103 = tpu.memref_slice %arg15[%dma_start3A_101, %dma_start3A_102] : memref<640x16xf32, #tpu.memory_space<vmem>> -> memref<632x16xf32, #tpu.memory_space<vmem>>
        %dma_start3A_104 = arith.constant 0 : i32
        %dma_start3A_105 = tpu.memref_slice %arg11[%mul3A_0, %dma_start3A_104] : memref<10112x16xf32, #tpu.memory_space<vmem_shared>> -> memref<632x16xf32, #tpu.memory_space<vmem_shared>>
        tpu.enqueue_dma source(%dma_start3A_105 : memref<632x16xf32, #tpu.memory_space<vmem_shared>>) target(%dma_start3A_103 : memref<632x16xf32, #tpu.memory_space<vmem>>) target_semaphore(%run_scoped3A_95 : memref<!tpu.dma_semaphore, #tpu.memory_space<semaphore_mem>>)
        %dma_wait3A_106 = arith.constant 0 : i32
        %dma_wait3A_107 = arith.constant 0 : i32
        %dma_wait3A_108 = tpu.memref_slice %arg15[%dma_wait3A_106, %dma_wait3A_107] : memref<640x16xf32, #tpu.memory_space<vmem>> -> memref<632x16xf32, #tpu.memory_space<vmem>>
        %dma_wait3A_109 = arith.constant 0 : i32
        %dma_wait3A_110 = tpu.memref_slice %arg11[%mul3A_0, %dma_wait3A_109] : memref<10112x16xf32, #tpu.memory_space<vmem_shared>> -> memref<632x16xf32, #tpu.memory_space<vmem_shared>>
        %dma_wait3A_111 = arith.constant 0 : i32
        %dma_wait3A_112 = arith.constant 0 : i32
        %dma_wait3A_113 = tpu.memref_slice %arg15[%dma_wait3A_111, %dma_wait3A_112] : memref<640x16xf32, #tpu.memory_space<vmem>> -> memref<632x16xf32, #tpu.memory_space<vmem>>
        %dma_wait3A_114 = arith.constant 0 : i32
        %dma_wait3A_115 = tpu.memref_slice %arg11[%mul3A_0, %dma_wait3A_114] : memref<10112x16xf32, #tpu.memory_space<vmem_shared>> -> memref<632x16xf32, #tpu.memory_space<vmem_shared>>
        tpu.wait_dma2 semaphore(%run_scoped3A_95 : memref<!tpu.dma_semaphore, #tpu.memory_space<semaphore_mem>>) src(%dma_wait3A_115 : memref<632x16xf32, #tpu.memory_space<vmem_shared>>) dst(%dma_wait3A_113 : memref<632x16xf32, #tpu.memory_space<vmem>>)
        tpu.yield
      }) : () -> ()
      "tpu.region"() ({
        %run_scoped3A_95 = tpu.sem_alloc : memref<!tpu.dma_semaphore, #tpu.memory_space<semaphore_mem>>
        %dma_start3A_96 = arith.constant 0 : i32
        %dma_start3A_97 = tpu.memref_slice %arg9[%mul3A_0, %dma_start3A_96] : memref<10112x16xf32, #tpu.memory_space<vmem_shared>> -> memref<632x16xf32, #tpu.memory_space<vmem_shared>>
        %dma_start3A_98 = arith.constant 0 : i32
        %dma_start3A_99 = tpu.memref_slice %arg9[%mul3A_0, %dma_start3A_98] : memref<10112x16xf32, #tpu.memory_space<vmem_shared>> -> memref<632x16xf32, #tpu.memory_space<vmem_shared>>
        tpu.enqueue_dma source(%dma_start3A_99 : memref<632x16xf32, #tpu.memory_space<vmem_shared>>) target(%arg17 : memref<632x16xf32, #tpu.memory_space<vmem>>) target_semaphore(%run_scoped3A_95 : memref<!tpu.dma_semaphore, #tpu.memory_space<semaphore_mem>>)
        %dma_wait3A_100 = arith.constant 0 : i32
        %dma_wait3A_101 = tpu.memref_slice %arg9[%mul3A_0, %dma_wait3A_100] : memref<10112x16xf32, #tpu.memory_space<vmem_shared>> -> memref<632x16xf32, #tpu.memory_space<vmem_shared>>
        %dma_wait3A_102 = arith.constant 0 : i32
        %dma_wait3A_103 = tpu.memref_slice %arg9[%mul3A_0, %dma_wait3A_102] : memref<10112x16xf32, #tpu.memory_space<vmem_shared>> -> memref<632x16xf32, #tpu.memory_space<vmem_shared>>
        tpu.wait_dma2 semaphore(%run_scoped3A_95 : memref<!tpu.dma_semaphore, #tpu.memory_space<semaphore_mem>>) src(%dma_wait3A_103 : memref<632x16xf32, #tpu.memory_space<vmem_shared>>) dst(%arg17 : memref<632x16xf32, #tpu.memory_space<vmem>>)
        tpu.yield
      }) : () -> ()
      %scan3A_61 = arith.constant 0 : i32
      %scan3A_62 = arith.constant 632 : i32
      %scan3A_63 = arith.addi %scan3A_61, %scan3A_62 : i32
      %scan3A_64 = arith.constant 1 : i32
      scf.for %scan3A_95 = %scan3A_61 to %scan3A_63 step %scan3A_64  : i32 {
        %mul3A_96 = arith.constant 1 : i32
        %mul3A_97 = arith.muli %scan3A_95, %mul3A_96 : i32
        %add3A_98 = arith.constant 0 : i32
        %add3A_99 = arith.addi %add3A_98, %mul3A_97 : i32
        %get3A = arith.index_cast %add3A_99 : i32 to index
        %get3A_100 = arith.constant 0 : index
        %get3A_101 = tpu.vector_load %arg16[%get3A, %get3A_100] {strides = array<i32>} : memref<632x16xf32, #tpu.memory_space<vmem>>, vector<1x16xf32>,
        %get3A_102 = vector.shape_cast %get3A_101 : vector<1x16xf32> to vector<16xf32>
        %get3A_103 = arith.constant 0 : i32
        %get3A_104 = arith.constant 0 : i32
        %get3A_105 = tpu.memref_slice %arg14[%get3A_103, %get3A_104] : memref<640x16xf32, #tpu.memory_space<vmem>> -> memref<632x16xf32, #tpu.memory_space<vmem>>
        %get3A_106 = arith.index_cast %add3A_99 : i32 to index
        %get3A_107 = arith.constant 0 : index
        %get3A_108 = tpu.vector_load %get3A_105[%get3A_106, %get3A_107] {strides = array<i32>} : memref<632x16xf32, #tpu.memory_space<vmem>>, vector<1x16xf32>,
        %get3A_109 = vector.shape_cast %get3A_108 : vector<1x16xf32> to vector<16xf32>
        %mul3A_110 = arith.constant 2.000000e+00 : f32
        %mul3A_111 = vector.broadcast %mul3A_110 : f32 to vector<16xf32>
        %mul3A_112 = arith.mulf %mul3A_111, %get3A_102 : vector<16xf32>
        %get3A_113 = arith.constant 0 : i32
        %get3A_114 = arith.constant 0 : i32
        %get3A_115 = tpu.memref_slice %arg15[%get3A_113, %get3A_114] : memref<640x16xf32, #tpu.memory_space<vmem>> -> memref<632x16xf32, #tpu.memory_space<vmem>>
        %get3A_116 = arith.index_cast %add3A_99 : i32 to index
        %get3A_117 = arith.constant 0 : index
        %get3A_118 = tpu.vector_load %get3A_115[%get3A_116, %get3A_117] {strides = array<i32>} : memref<632x16xf32, #tpu.memory_space<vmem>>, vector<1x16xf32>,
        %get3A_119 = vector.shape_cast %get3A_118 : vector<1x16xf32> to vector<16xf32>
        %mul3A_120 = arith.mulf %mul3A_112, %get3A_119 : vector<16xf32>
        %sub3A_121 = arith.subf %get3A_109, %mul3A_120 : vector<16xf32>
        %get3A_122 = arith.index_cast %add3A_99 : i32 to index
        %get3A_123 = arith.constant 0 : index
        %get3A_124 = tpu.vector_load %arg17[%get3A_122, %get3A_123] {strides = array<i32>} : memref<632x16xf32, #tpu.memory_space<vmem>>, vector<1x16xf32>,
        %get3A_125 = vector.shape_cast %get3A_124 : vector<1x16xf32> to vector<16xf32>
        %sub3A_126 = arith.subf %sub3A_121, %get3A_125 : vector<16xf32>
        %swap3A = arith.constant 0 : i32
        %swap3A_127 = arith.constant 0 : i32
        %swap3A_128 = tpu.memref_slice %arg14[%swap3A, %swap3A_127] : memref<640x16xf32, #tpu.memory_space<vmem>> -> memref<632x16xf32, #tpu.memory_space<vmem>>
        %swap3A_129 = arith.index_cast %add3A_99 : i32 to index
        %swap3A_130 = arith.constant 0 : index
        %swap3A_131 = tpu.vector_load %swap3A_128[%swap3A_129, %swap3A_130] {strides = array<i32>} : memref<632x16xf32, #tpu.memory_space<vmem>>, vector<1x16xf32>,
        %swap3A_132 = vector.shape_cast %swap3A_131 : vector<1x16xf32> to vector<16xf32>
        %swap3A_133 = vector.shape_cast %sub3A_126 : vector<16xf32> to vector<1x16xf32>
        tpu.vector_store %swap3A_128[%swap3A_129, %swap3A_130], %swap3A_133 {strides = array<i32>} : memref<632x16xf32, #tpu.memory_space<vmem>>, vector<1x16xf32>,
        %mul3A_134 = arith.mulf %get3A_102, %sub3A_126 : vector<16xf32>
        %swap3A_135 = arith.constant 0 : i32
        %swap3A_136 = arith.constant 0 : i32
        %swap3A_137 = tpu.memref_slice %arg15[%swap3A_135, %swap3A_136] : memref<640x16xf32, #tpu.memory_space<vmem>> -> memref<632x16xf32, #tpu.memory_space<vmem>>
        %swap3A_138 = arith.index_cast %add3A_99 : i32 to index
        %swap3A_139 = arith.constant 0 : index
        %swap3A_140 = tpu.vector_load %swap3A_137[%swap3A_138, %swap3A_139] {strides = array<i32>} : memref<632x16xf32, #tpu.memory_space<vmem>>, vector<1x16xf32>,
        %swap3A_141 = vector.shape_cast %swap3A_140 : vector<1x16xf32> to vector<16xf32>
        %swap3A_142 = vector.shape_cast %mul3A_134 : vector<16xf32> to vector<1x16xf32>
        tpu.vector_store %swap3A_137[%swap3A_138, %swap3A_139], %swap3A_142 {strides = array<i32>} : memref<632x16xf32, #tpu.memory_space<vmem>>, vector<1x16xf32>,
      }
      %scan3A_65 = arith.constant 632 : i32
      "tpu.region"() ({
        %run_scoped3A_95 = tpu.sem_alloc : memref<!tpu.dma_semaphore, #tpu.memory_space<semaphore_mem>>
        %dma_start3A_96 = arith.constant 0 : i32
        %dma_start3A_97 = arith.constant 0 : i32
        %dma_start3A_98 = tpu.memref_slice %arg14[%dma_start3A_96, %dma_start3A_97] : memref<640x16xf32, #tpu.memory_space<vmem>> -> memref<632x16xf32, #tpu.memory_space<vmem>>
        %dma_start3A_99 = arith.constant 0 : i32
        %dma_start3A_100 = tpu.memref_slice %arg9[%mul3A_0, %dma_start3A_99] : memref<10112x16xf32, #tpu.memory_space<vmem_shared>> -> memref<632x16xf32, #tpu.memory_space<vmem_shared>>
        %dma_start3A_101 = arith.constant 0 : i32
        %dma_start3A_102 = tpu.memref_slice %arg9[%mul3A_0, %dma_start3A_101] : memref<10112x16xf32, #tpu.memory_space<vmem_shared>> -> memref<632x16xf32, #tpu.memory_space<vmem_shared>>
        %dma_start3A_103 = arith.constant 0 : i32
        %dma_start3A_104 = arith.constant 0 : i32
        %dma_start3A_105 = tpu.memref_slice %arg14[%dma_start3A_103, %dma_start3A_104] : memref<640x16xf32, #tpu.memory_space<vmem>> -> memref<632x16xf32, #tpu.memory_space<vmem>>
        tpu.enqueue_dma source(%dma_start3A_105 : memref<632x16xf32, #tpu.memory_space<vmem>>) target(%dma_start3A_102 : memref<632x16xf32, #tpu.memory_space<vmem_shared>>) target_semaphore(%run_scoped3A_95 : memref<!tpu.dma_semaphore, #tpu.memory_space<semaphore_mem>>)
        %dma_wait3A_106 = arith.constant 0 : i32
        %dma_wait3A_107 = arith.constant 0 : i32
        %dma_wait3A_108 = tpu.memref_slice %arg14[%dma_wait3A_106, %dma_wait3A_107] : memref<640x16xf32, #tpu.memory_space<vmem>> -> memref<632x16xf32, #tpu.memory_space<vmem>>
        %dma_wait3A_109 = arith.constant 0 : i32
        %dma_wait3A_110 = tpu.memref_slice %arg9[%mul3A_0, %dma_wait3A_109] : memref<10112x16xf32, #tpu.memory_space<vmem_shared>> -> memref<632x16xf32, #tpu.memory_space<vmem_shared>>
        %dma_wait3A_111 = arith.constant 0 : i32
        %dma_wait3A_112 = tpu.memref_slice %arg9[%mul3A_0, %dma_wait3A_111] : memref<10112x16xf32, #tpu.memory_space<vmem_shared>> -> memref<632x16xf32, #tpu.memory_space<vmem_shared>>
        %dma_wait3A_113 = arith.constant 0 : i32
        %dma_wait3A_114 = arith.constant 0 : i32
        %dma_wait3A_115 = tpu.memref_slice %arg14[%dma_wait3A_113, %dma_wait3A_114] : memref<640x16xf32, #tpu.memory_space<vmem>> -> memref<632x16xf32, #tpu.memory_space<vmem>>
        tpu.wait_dma2 semaphore(%run_scoped3A_95 : memref<!tpu.dma_semaphore, #tpu.memory_space<semaphore_mem>>) src(%dma_wait3A_115 : memref<632x16xf32, #tpu.memory_space<vmem>>) dst(%dma_wait3A_112 : memref<632x16xf32, #tpu.memory_space<vmem_shared>>)
        tpu.yield
      }) : () -> ()
      "tpu.region"() ({
        %run_scoped3A_95 = tpu.sem_alloc : memref<!tpu.dma_semaphore, #tpu.memory_space<semaphore_mem>>
        %dma_start3A_96 = arith.constant 0 : i32
        %dma_start3A_97 = arith.constant 0 : i32
        %dma_start3A_98 = tpu.memref_slice %arg15[%dma_start3A_96, %dma_start3A_97] : memref<640x16xf32, #tpu.memory_space<vmem>> -> memref<632x16xf32, #tpu.memory_space<vmem>>
        %dma_start3A_99 = arith.constant 0 : i32
        %dma_start3A_100 = tpu.memref_slice %arg10[%mul3A_0, %dma_start3A_99] : memref<10112x16xf32, #tpu.memory_space<vmem_shared>> -> memref<632x16xf32, #tpu.memory_space<vmem_shared>>
        %dma_start3A_101 = arith.constant 0 : i32
        %dma_start3A_102 = tpu.memref_slice %arg10[%mul3A_0, %dma_start3A_101] : memref<10112x16xf32, #tpu.memory_space<vmem_shared>> -> memref<632x16xf32, #tpu.memory_space<vmem_shared>>
        %dma_start3A_103 = arith.constant 0 : i32
        %dma_start3A_104 = arith.constant 0 : i32
        %dma_start3A_105 = tpu.memref_slice %arg15[%dma_start3A_103, %dma_start3A_104] : memref<640x16xf32, #tpu.memory_space<vmem>> -> memref<632x16xf32, #tpu.memory_space<vmem>>
        tpu.enqueue_dma source(%dma_start3A_105 : memref<632x16xf32, #tpu.memory_space<vmem>>) target(%dma_start3A_102 : memref<632x16xf32, #tpu.memory_space<vmem_shared>>) target_semaphore(%run_scoped3A_95 : memref<!tpu.dma_semaphore, #tpu.memory_space<semaphore_mem>>)
        %dma_wait3A_106 = arith.constant 0 : i32
        %dma_wait3A_107 = arith.constant 0 : i32
        %dma_wait3A_108 = tpu.memref_slice %arg15[%dma_wait3A_106, %dma_wait3A_107] : memref<640x16xf32, #tpu.memory_space<vmem>> -> memref<632x16xf32, #tpu.memory_space<vmem>>
        %dma_wait3A_109 = arith.constant 0 : i32
        %dma_wait3A_110 = tpu.memref_slice %arg10[%mul3A_0, %dma_wait3A_109] : memref<10112x16xf32, #tpu.memory_space<vmem_shared>> -> memref<632x16xf32, #tpu.memory_space<vmem_shared>>
        %dma_wait3A_111 = arith.constant 0 : i32
        %dma_wait3A_112 = tpu.memref_slice %arg10[%mul3A_0, %dma_wait3A_111] : memref<10112x16xf32, #tpu.memory_space<vmem_shared>> -> memref<632x16xf32, #tpu.memory_space<vmem_shared>>
        %dma_wait3A_113 = arith.constant 0 : i32
        %dma_wait3A_114 = arith.constant 0 : i32
        %dma_wait3A_115 = tpu.memref_slice %arg15[%dma_wait3A_113, %dma_wait3A_114] : memref<640x16xf32, #tpu.memory_space<vmem>> -> memref<632x16xf32, #tpu.memory_space<vmem>>
        tpu.wait_dma2 semaphore(%run_scoped3A_95 : memref<!tpu.dma_semaphore, #tpu.memory_space<semaphore_mem>>) src(%dma_wait3A_115 : memref<632x16xf32, #tpu.memory_space<vmem>>) dst(%dma_wait3A_112 : memref<632x16xf32, #tpu.memory_space<vmem_shared>>)
        tpu.yield
      }) : () -> ()
      "tpu.region"() ({
        %run_scoped3A_95 = tpu.sem_alloc : memref<!tpu.dma_semaphore, #tpu.memory_space<semaphore_mem>>
        %dma_start3A_96 = arith.constant 0 : i32
        %dma_start3A_97 = tpu.memref_slice %arg11[%mul3A_0, %dma_start3A_96] : memref<10112x16xf32, #tpu.memory_space<vmem_shared>> -> memref<632x16xf32, #tpu.memory_space<vmem_shared>>
        tpu.enqueue_dma source(%arg6 : memref<632x16xf32, #tpu.memory_space<hbm>>) target(%dma_start3A_97 : memref<632x16xf32, #tpu.memory_space<vmem_shared>>) target_semaphore(%run_scoped3A_95 : memref<!tpu.dma_semaphore, #tpu.memory_space<semaphore_mem>>)
        %dma_wait3A_98 = arith.constant 0 : i32
        %dma_wait3A_99 = tpu.memref_slice %arg11[%mul3A_0, %dma_wait3A_98] : memref<10112x16xf32, #tpu.memory_space<vmem_shared>> -> memref<632x16xf32, #tpu.memory_space<vmem_shared>>
        tpu.wait_dma2 semaphore(%run_scoped3A_95 : memref<!tpu.dma_semaphore, #tpu.memory_space<semaphore_mem>>) src(%arg6 : memref<632x16xf32, #tpu.memory_space<hbm>>) dst(%dma_wait3A_99 : memref<632x16xf32, #tpu.memory_space<vmem_shared>>)
        tpu.yield
      }) : () -> ()
      %barrier3A_66 = arith.constant 0 : index
      tpu.barrier barrier_id(%barrier3A_66)
      %dma_start3A_67 = arith.constant 0 : i32
      %dma_start3A_68 = arith.constant 0 : i32
      %dma_start3A_69 = tpu.memref_slice %arg12[%dma_start3A_67, %dma_start3A_68] : memref<32x640xi32, #tpu.memory_space<vmem>> -> memref<1x640xi32, #tpu.memory_space<vmem>>
      %dma_start3A_70 = tpu.memref_squeeze %dma_start3A_69 : memref<1x640xi32, #tpu.memory_space<vmem>> -> memref<640xi32, #tpu.memory_space<vmem>>
      %dma_start3A_71 = arith.constant 0 : i32
      %dma_start3A_72 = arith.constant 0 : i32
      %dma_start3A_73 = tpu.memref_slice %arg10[%dma_start3A_71, %dma_start3A_72] : memref<10112x16xf32, #tpu.memory_space<vmem_shared>> -> memref<10112x16xf32, #tpu.memory_space<vmem_shared>>
      tpu.enqueue_indirect_dma source(%dma_start3A_73 : memref<10112x16xf32, #tpu.memory_space<vmem_shared>>) target(%arg14 : memref<640x16xf32, #tpu.memory_space<vmem>>) offsets(%dma_start3A_70 : memref<640xi32, #tpu.memory_space<vmem>>) semaphore(%arg18 : memref<!tpu.dma_semaphore, #tpu.memory_space<semaphore_mem>>)
      %scan3A_74 = arith.constant 0 : i32
      %scan3A_75 = arith.constant 16 : i32
      %scan3A_76 = arith.addi %scan3A_74, %scan3A_75 : i32
      %scan3A_77 = arith.constant 1 : i32
      scf.for %scan3A_95 = %scan3A_74 to %scan3A_76 step %scan3A_77  : i32 {
        %mul3A_96 = arith.constant 1 : i32
        %mul3A_97 = arith.muli %scan3A_95, %mul3A_96 : i32
        %add3A_98 = arith.constant 0 : i32
        %add3A_99 = arith.addi %add3A_98, %mul3A_97 : i32
        %mul3A_100 = arith.constant 2 : i32
        %mul3A_101 = arith.muli %mul3A_100, %add3A_99 : i32
        %dma_wait3A_102 = arith.constant 0 : i32
        %dma_wait3A_103 = arith.constant 0 : i32
        %dma_wait3A_104 = tpu.memref_slice %arg12[%dma_wait3A_102, %dma_wait3A_103] : memref<32x640xi32, #tpu.memory_space<vmem>> -> memref<1x640xi32, #tpu.memory_space<vmem>>
        %dma_wait3A_105 = tpu.memref_squeeze %dma_wait3A_104 : memref<1x640xi32, #tpu.memory_space<vmem>> -> memref<640xi32, #tpu.memory_space<vmem>>
        %dma_wait3A_106 = arith.constant 0 : i32
        %dma_wait3A_107 = arith.constant 0 : i32
        %dma_wait3A_108 = tpu.memref_slice %arg10[%dma_wait3A_106, %dma_wait3A_107] : memref<10112x16xf32, #tpu.memory_space<vmem_shared>> -> memref<10112x16xf32, #tpu.memory_space<vmem_shared>>
        tpu.wait_indirect_dma semaphore(%arg18 : memref<!tpu.dma_semaphore, #tpu.memory_space<semaphore_mem>>) src(%dma_wait3A_108 : memref<10112x16xf32, #tpu.memory_space<vmem_shared>>) dst(%arg14 : memref<640x16xf32, #tpu.memory_space<vmem>>)
        %gt3A = arith.constant 0 : i32
        %gt3A_109 = arith.cmpi sgt, %add3A_99, %gt3A : i32
        %convert_element_type3A = arith.extui %gt3A_109 : i1 to i32
        %cond3A = arith.constant 0 : i32
        %cond3A_110 = arith.cmpi ne, %convert_element_type3A, %cond3A : i32
        scf.if %cond3A_110 {
          %dma_wait3A_153 = arith.constant 0 : i32
          %dma_wait3A_154 = arith.constant 0 : i32
          %dma_wait3A_155 = tpu.memref_slice %arg13[%dma_wait3A_153, %dma_wait3A_154] : memref<32x640xi32, #tpu.memory_space<vmem>> -> memref<1x640xi32, #tpu.memory_space<vmem>>
          %dma_wait3A_156 = tpu.memref_squeeze %dma_wait3A_155 : memref<1x640xi32, #tpu.memory_space<vmem>> -> memref<640xi32, #tpu.memory_space<vmem>>
          %dma_wait3A_157 = arith.constant 0 : i32
          %dma_wait3A_158 = arith.constant 0 : i32
          %dma_wait3A_159 = tpu.memref_slice %arg11[%dma_wait3A_157, %dma_wait3A_158] : memref<10112x16xf32, #tpu.memory_space<vmem_shared>> -> memref<10112x16xf32, #tpu.memory_space<vmem_shared>>
          tpu.wait_indirect_dma semaphore(%arg21 : memref<!tpu.dma_semaphore, #tpu.memory_space<semaphore_mem>>) src(%arg15 : memref<640x16xf32, #tpu.memory_space<vmem>>) dst(%dma_wait3A_159 : memref<10112x16xf32, #tpu.memory_space<vmem_shared>>)
        } else {
        }
        %add3A_111 = arith.constant 1 : i32
        %add3A_112 = arith.addi %mul3A_101, %add3A_111 : i32
        %dma_start3A_113 = arith.constant 0 : i32
        %dma_start3A_114 = tpu.memref_slice %arg12[%add3A_112, %dma_start3A_113] : memref<32x640xi32, #tpu.memory_space<vmem>> -> memref<1x640xi32, #tpu.memory_space<vmem>>
        %dma_start3A_115 = tpu.memref_squeeze %dma_start3A_114 : memref<1x640xi32, #tpu.memory_space<vmem>> -> memref<640xi32, #tpu.memory_space<vmem>>
        %dma_start3A_116 = arith.constant 0 : i32
        %dma_start3A_117 = arith.constant 0 : i32
        %dma_start3A_118 = tpu.memref_slice %arg10[%dma_start3A_116, %dma_start3A_117] : memref<10112x16xf32, #tpu.memory_space<vmem_shared>> -> memref<10112x16xf32, #tpu.memory_space<vmem_shared>>
        tpu.enqueue_indirect_dma source(%dma_start3A_118 : memref<10112x16xf32, #tpu.memory_space<vmem_shared>>) target(%arg15 : memref<640x16xf32, #tpu.memory_space<vmem>>) offsets(%dma_start3A_115 : memref<640xi32, #tpu.memory_space<vmem>>) semaphore(%arg19 : memref<!tpu.dma_semaphore, #tpu.memory_space<semaphore_mem>>)
        %dma_start3A_119 = arith.constant 0 : i32
        %dma_start3A_120 = tpu.memref_slice %arg13[%mul3A_101, %dma_start3A_119] : memref<32x640xi32, #tpu.memory_space<vmem>> -> memref<1x640xi32, #tpu.memory_space<vmem>>
        %dma_start3A_121 = tpu.memref_squeeze %dma_start3A_120 : memref<1x640xi32, #tpu.memory_space<vmem>> -> memref<640xi32, #tpu.memory_space<vmem>>
        %dma_start3A_122 = arith.constant 0 : i32
        %dma_start3A_123 = arith.constant 0 : i32
        %dma_start3A_124 = tpu.memref_slice %arg11[%dma_start3A_122, %dma_start3A_123] : memref<10112x16xf32, #tpu.memory_space<vmem_shared>> -> memref<10112x16xf32, #tpu.memory_space<vmem_shared>>
        tpu.enqueue_indirect_dma source(%arg14 : memref<640x16xf32, #tpu.memory_space<vmem>>) target(%dma_start3A_124 : memref<10112x16xf32, #tpu.memory_space<vmem_shared>>) offsets(%dma_start3A_121 : memref<640xi32, #tpu.memory_space<vmem>>) semaphore(%arg20 : memref<!tpu.dma_semaphore, #tpu.memory_space<semaphore_mem>>) {add = true}
        %dma_wait3A_125 = arith.constant 0 : i32
        %dma_wait3A_126 = arith.constant 0 : i32
        %dma_wait3A_127 = tpu.memref_slice %arg12[%dma_wait3A_125, %dma_wait3A_126] : memref<32x640xi32, #tpu.memory_space<vmem>> -> memref<1x640xi32, #tpu.memory_space<vmem>>
        %dma_wait3A_128 = tpu.memref_squeeze %dma_wait3A_127 : memref<1x640xi32, #tpu.memory_space<vmem>> -> memref<640xi32, #tpu.memory_space<vmem>>
        %dma_wait3A_129 = arith.constant 0 : i32
        %dma_wait3A_130 = arith.constant 0 : i32
        %dma_wait3A_131 = tpu.memref_slice %arg10[%dma_wait3A_129, %dma_wait3A_130] : memref<10112x16xf32, #tpu.memory_space<vmem_shared>> -> memref<10112x16xf32, #tpu.memory_space<vmem_shared>>
        tpu.wait_indirect_dma semaphore(%arg19 : memref<!tpu.dma_semaphore, #tpu.memory_space<semaphore_mem>>) src(%dma_wait3A_131 : memref<10112x16xf32, #tpu.memory_space<vmem_shared>>) dst(%arg15 : memref<640x16xf32, #tpu.memory_space<vmem>>)
        %dma_wait3A_132 = arith.constant 0 : i32
        %dma_wait3A_133 = arith.constant 0 : i32
        %dma_wait3A_134 = tpu.memref_slice %arg13[%dma_wait3A_132, %dma_wait3A_133] : memref<32x640xi32, #tpu.memory_space<vmem>> -> memref<1x640xi32, #tpu.memory_space<vmem>>
        %dma_wait3A_135 = tpu.memref_squeeze %dma_wait3A_134 : memref<1x640xi32, #tpu.memory_space<vmem>> -> memref<640xi32, #tpu.memory_space<vmem>>
        %dma_wait3A_136 = arith.constant 0 : i32
        %dma_wait3A_137 = arith.constant 0 : i32
        %dma_wait3A_138 = tpu.memref_slice %arg11[%dma_wait3A_136, %dma_wait3A_137] : memref<10112x16xf32, #tpu.memory_space<vmem_shared>> -> memref<10112x16xf32, #tpu.memory_space<vmem_shared>>
        tpu.wait_indirect_dma semaphore(%arg20 : memref<!tpu.dma_semaphore, #tpu.memory_space<semaphore_mem>>) src(%arg14 : memref<640x16xf32, #tpu.memory_space<vmem>>) dst(%dma_wait3A_138 : memref<10112x16xf32, #tpu.memory_space<vmem_shared>>)
        %add3A_139 = arith.constant 1 : i32
        %add3A_140 = arith.addi %add3A_99, %add3A_139 : i32
        %lt3A = arith.constant 16 : i32
        %lt3A_141 = arith.cmpi slt, %add3A_140, %lt3A : i32
        %convert_element_type3A_142 = arith.extui %lt3A_141 : i1 to i32
        %cond3A_143 = arith.constant 0 : i32
        %cond3A_144 = arith.cmpi ne, %convert_element_type3A_142, %cond3A_143 : i32
        scf.if %cond3A_144 {
          %add3A_153 = arith.constant 2 : i32
          %add3A_154 = arith.addi %mul3A_101, %add3A_153 : i32
          %dma_start3A_155 = arith.constant 0 : i32
          %dma_start3A_156 = tpu.memref_slice %arg12[%add3A_154, %dma_start3A_155] : memref<32x640xi32, #tpu.memory_space<vmem>> -> memref<1x640xi32, #tpu.memory_space<vmem>>
          %dma_start3A_157 = tpu.memref_squeeze %dma_start3A_156 : memref<1x640xi32, #tpu.memory_space<vmem>> -> memref<640xi32, #tpu.memory_space<vmem>>
          %dma_start3A_158 = arith.constant 0 : i32
          %dma_start3A_159 = arith.constant 0 : i32
          %dma_start3A_160 = tpu.memref_slice %arg10[%dma_start3A_158, %dma_start3A_159] : memref<10112x16xf32, #tpu.memory_space<vmem_shared>> -> memref<10112x16xf32, #tpu.memory_space<vmem_shared>>
          tpu.enqueue_indirect_dma source(%dma_start3A_160 : memref<10112x16xf32, #tpu.memory_space<vmem_shared>>) target(%arg14 : memref<640x16xf32, #tpu.memory_space<vmem>>) offsets(%dma_start3A_157 : memref<640xi32, #tpu.memory_space<vmem>>) semaphore(%arg18 : memref<!tpu.dma_semaphore, #tpu.memory_space<semaphore_mem>>)
        } else {
        }
        %add3A_145 = arith.constant 1 : i32
        %add3A_146 = arith.addi %mul3A_101, %add3A_145 : i32
        %dma_start3A_147 = arith.constant 0 : i32
        %dma_start3A_148 = tpu.memref_slice %arg13[%add3A_146, %dma_start3A_147] : memref<32x640xi32, #tpu.memory_space<vmem>> -> memref<1x640xi32, #tpu.memory_space<vmem>>
        %dma_start3A_149 = tpu.memref_squeeze %dma_start3A_148 : memref<1x640xi32, #tpu.memory_space<vmem>> -> memref<640xi32, #tpu.memory_space<vmem>>
        %dma_start3A_150 = arith.constant 0 : i32
        %dma_start3A_151 = arith.constant 0 : i32
        %dma_start3A_152 = tpu.memref_slice %arg11[%dma_start3A_150, %dma_start3A_151] : memref<10112x16xf32, #tpu.memory_space<vmem_shared>> -> memref<10112x16xf32, #tpu.memory_space<vmem_shared>>
        tpu.enqueue_indirect_dma source(%arg15 : memref<640x16xf32, #tpu.memory_space<vmem>>) target(%dma_start3A_152 : memref<10112x16xf32, #tpu.memory_space<vmem_shared>>) offsets(%dma_start3A_149 : memref<640xi32, #tpu.memory_space<vmem>>) semaphore(%arg21 : memref<!tpu.dma_semaphore, #tpu.memory_space<semaphore_mem>>) {add = true}
      }
      %scan3A_78 = arith.constant 16 : i32
      %dma_wait3A_79 = arith.constant 0 : i32
      %dma_wait3A_80 = arith.constant 0 : i32
      %dma_wait3A_81 = tpu.memref_slice %arg13[%dma_wait3A_79, %dma_wait3A_80] : memref<32x640xi32, #tpu.memory_space<vmem>> -> memref<1x640xi32, #tpu.memory_space<vmem>>
      %dma_wait3A_82 = tpu.memref_squeeze %dma_wait3A_81 : memref<1x640xi32, #tpu.memory_space<vmem>> -> memref<640xi32, #tpu.memory_space<vmem>>
      %dma_wait3A_83 = arith.constant 0 : i32
      %dma_wait3A_84 = arith.constant 0 : i32
      %dma_wait3A_85 = tpu.memref_slice %arg11[%dma_wait3A_83, %dma_wait3A_84] : memref<10112x16xf32, #tpu.memory_space<vmem_shared>> -> memref<10112x16xf32, #tpu.memory_space<vmem_shared>>
      tpu.wait_indirect_dma semaphore(%arg21 : memref<!tpu.dma_semaphore, #tpu.memory_space<semaphore_mem>>) src(%arg15 : memref<640x16xf32, #tpu.memory_space<vmem>>) dst(%dma_wait3A_85 : memref<10112x16xf32, #tpu.memory_space<vmem_shared>>)
      %barrier3A_86 = arith.constant 0 : index
      tpu.barrier barrier_id(%barrier3A_86)
      %sub3A_87 = arith.constant 1 : i32
      %sub3A_88 = arith.subi %sub3A_40, %sub3A_87 : i32
      "tpu.region"() ({
        %run_scoped3A_95 = tpu.sem_alloc : memref<!tpu.dma_semaphore, #tpu.memory_space<semaphore_mem>>
        %dma_start3A_96 = arith.constant 0 : i32
        %dma_start3A_97 = arith.constant 0 : i32
        %dma_start3A_98 = tpu.memref_slice %arg14[%dma_start3A_96, %dma_start3A_97] : memref<640x16xf32, #tpu.memory_space<vmem>> -> memref<632x16xf32, #tpu.memory_space<vmem>>
        %dma_start3A_99 = arith.constant 0 : i32
        %dma_start3A_100 = tpu.memref_slice %arg2[%arg0, %sub3A_88, %mul3A_0, %dma_start3A_99] : memref<2x24x10112x16xf32, #tpu.memory_space<hbm>> -> memref<1x1x632x16xf32, #tpu.memory_space<hbm>>
        %dma_start3A_101 = tpu.memref_squeeze %dma_start3A_100 : memref<1x1x632x16xf32, #tpu.memory_space<hbm>> -> memref<632x16xf32, #tpu.memory_space<hbm>>
        %dma_start3A_102 = arith.constant 0 : i32
        %dma_start3A_103 = arith.constant 0 : i32
        %dma_start3A_104 = tpu.memref_slice %arg14[%dma_start3A_102, %dma_start3A_103] : memref<640x16xf32, #tpu.memory_space<vmem>> -> memref<632x16xf32, #tpu.memory_space<vmem>>
        %dma_start3A_105 = arith.constant 0 : i32
        %dma_start3A_106 = tpu.memref_slice %arg2[%arg0, %sub3A_88, %mul3A_0, %dma_start3A_105] : memref<2x24x10112x16xf32, #tpu.memory_space<hbm>> -> memref<1x1x632x16xf32, #tpu.memory_space<hbm>>
        %dma_start3A_107 = tpu.memref_squeeze %dma_start3A_106 : memref<1x1x632x16xf32, #tpu.memory_space<hbm>> -> memref<632x16xf32, #tpu.memory_space<hbm>>
        tpu.enqueue_dma source(%dma_start3A_107 : memref<632x16xf32, #tpu.memory_space<hbm>>) target(%dma_start3A_104 : memref<632x16xf32, #tpu.memory_space<vmem>>) target_semaphore(%run_scoped3A_95 : memref<!tpu.dma_semaphore, #tpu.memory_space<semaphore_mem>>)
        %dma_wait3A_108 = arith.constant 0 : i32
        %dma_wait3A_109 = arith.constant 0 : i32
        %dma_wait3A_110 = tpu.memref_slice %arg14[%dma_wait3A_108, %dma_wait3A_109] : memref<640x16xf32, #tpu.memory_space<vmem>> -> memref<632x16xf32, #tpu.memory_space<vmem>>
        %dma_wait3A_111 = arith.constant 0 : i32
        %dma_wait3A_112 = tpu.memref_slice %arg2[%arg0, %sub3A_88, %mul3A_0, %dma_wait3A_111] : memref<2x24x10112x16xf32, #tpu.memory_space<hbm>> -> memref<1x1x632x16xf32, #tpu.memory_space<hbm>>
        %dma_wait3A_113 = tpu.memref_squeeze %dma_wait3A_112 : memref<1x1x632x16xf32, #tpu.memory_space<hbm>> -> memref<632x16xf32, #tpu.memory_space<hbm>>
        %dma_wait3A_114 = arith.constant 0 : i32
        %dma_wait3A_115 = arith.constant 0 : i32
        %dma_wait3A_116 = tpu.memref_slice %arg14[%dma_wait3A_114, %dma_wait3A_115] : memref<640x16xf32, #tpu.memory_space<vmem>> -> memref<632x16xf32, #tpu.memory_space<vmem>>
        %dma_wait3A_117 = arith.constant 0 : i32
        %dma_wait3A_118 = tpu.memref_slice %arg2[%arg0, %sub3A_88, %mul3A_0, %dma_wait3A_117] : memref<2x24x10112x16xf32, #tpu.memory_space<hbm>> -> memref<1x1x632x16xf32, #tpu.memory_space<hbm>>
        %dma_wait3A_119 = tpu.memref_squeeze %dma_wait3A_118 : memref<1x1x632x16xf32, #tpu.memory_space<hbm>> -> memref<632x16xf32, #tpu.memory_space<hbm>>
        tpu.wait_dma2 semaphore(%run_scoped3A_95 : memref<!tpu.dma_semaphore, #tpu.memory_space<semaphore_mem>>) src(%dma_wait3A_119 : memref<632x16xf32, #tpu.memory_space<hbm>>) dst(%dma_wait3A_116 : memref<632x16xf32, #tpu.memory_space<vmem>>)
        tpu.yield
      }) : () -> ()
      "tpu.region"() ({
        %run_scoped3A_95 = tpu.sem_alloc : memref<!tpu.dma_semaphore, #tpu.memory_space<semaphore_mem>>
        %dma_start3A_96 = arith.constant 0 : i32
        %dma_start3A_97 = arith.constant 0 : i32
        %dma_start3A_98 = tpu.memref_slice %arg15[%dma_start3A_96, %dma_start3A_97] : memref<640x16xf32, #tpu.memory_space<vmem>> -> memref<632x16xf32, #tpu.memory_space<vmem>>
        %dma_start3A_99 = arith.constant 0 : i32
        %dma_start3A_100 = tpu.memref_slice %arg11[%mul3A_0, %dma_start3A_99] : memref<10112x16xf32, #tpu.memory_space<vmem_shared>> -> memref<632x16xf32, #tpu.memory_space<vmem_shared>>
        %dma_start3A_101 = arith.constant 0 : i32
        %dma_start3A_102 = arith.constant 0 : i32
        %dma_start3A_103 = tpu.memref_slice %arg15[%dma_start3A_101, %dma_start3A_102] : memref<640x16xf32, #tpu.memory_space<vmem>> -> memref<632x16xf32, #tpu.memory_space<vmem>>
        %dma_start3A_104 = arith.constant 0 : i32
        %dma_start3A_105 = tpu.memref_slice %arg11[%mul3A_0, %dma_start3A_104] : memref<10112x16xf32, #tpu.memory_space<vmem_shared>> -> memref<632x16xf32, #tpu.memory_space<vmem_shared>>
        tpu.enqueue_dma source(%dma_start3A_105 : memref<632x16xf32, #tpu.memory_space<vmem_shared>>) target(%dma_start3A_103 : memref<632x16xf32, #tpu.memory_space<vmem>>) target_semaphore(%run_scoped3A_95 : memref<!tpu.dma_semaphore, #tpu.memory_space<semaphore_mem>>)
        %dma_wait3A_106 = arith.constant 0 : i32
        %dma_wait3A_107 = arith.constant 0 : i32
        %dma_wait3A_108 = tpu.memref_slice %arg15[%dma_wait3A_106, %dma_wait3A_107] : memref<640x16xf32, #tpu.memory_space<vmem>> -> memref<632x16xf32, #tpu.memory_space<vmem>>
        %dma_wait3A_109 = arith.constant 0 : i32
        %dma_wait3A_110 = tpu.memref_slice %arg11[%mul3A_0, %dma_wait3A_109] : memref<10112x16xf32, #tpu.memory_space<vmem_shared>> -> memref<632x16xf32, #tpu.memory_space<vmem_shared>>
        %dma_wait3A_111 = arith.constant 0 : i32
        %dma_wait3A_112 = arith.constant 0 : i32
        %dma_wait3A_113 = tpu.memref_slice %arg15[%dma_wait3A_111, %dma_wait3A_112] : memref<640x16xf32, #tpu.memory_space<vmem>> -> memref<632x16xf32, #tpu.memory_space<vmem>>
        %dma_wait3A_114 = arith.constant 0 : i32
        %dma_wait3A_115 = tpu.memref_slice %arg11[%mul3A_0, %dma_wait3A_114] : memref<10112x16xf32, #tpu.memory_space<vmem_shared>> -> memref<632x16xf32, #tpu.memory_space<vmem_shared>>
        tpu.wait_dma2 semaphore(%run_scoped3A_95 : memref<!tpu.dma_semaphore, #tpu.memory_space<semaphore_mem>>) src(%dma_wait3A_115 : memref<632x16xf32, #tpu.memory_space<vmem_shared>>) dst(%dma_wait3A_113 : memref<632x16xf32, #tpu.memory_space<vmem>>)
        tpu.yield
      }) : () -> ()
      "tpu.region"() ({
        %run_scoped3A_95 = tpu.sem_alloc : memref<!tpu.dma_semaphore, #tpu.memory_space<semaphore_mem>>
        %dma_start3A_96 = arith.constant 0 : i32
        %dma_start3A_97 = tpu.memref_slice %arg8[%mul3A_0, %dma_start3A_96] : memref<10112x16xf32, #tpu.memory_space<vmem_shared>> -> memref<632x16xf32, #tpu.memory_space<vmem_shared>>
        %dma_start3A_98 = arith.constant 0 : i32
        %dma_start3A_99 = tpu.memref_slice %arg8[%mul3A_0, %dma_start3A_98] : memref<10112x16xf32, #tpu.memory_space<vmem_shared>> -> memref<632x16xf32, #tpu.memory_space<vmem_shared>>
        tpu.enqueue_dma source(%dma_start3A_99 : memref<632x16xf32, #tpu.memory_space<vmem_shared>>) target(%arg17 : memref<632x16xf32, #tpu.memory_space<vmem>>) target_semaphore(%run_scoped3A_95 : memref<!tpu.dma_semaphore, #tpu.memory_space<semaphore_mem>>)
        %dma_wait3A_100 = arith.constant 0 : i32
        %dma_wait3A_101 = tpu.memref_slice %arg8[%mul3A_0, %dma_wait3A_100] : memref<10112x16xf32, #tpu.memory_space<vmem_shared>> -> memref<632x16xf32, #tpu.memory_space<vmem_shared>>
        %dma_wait3A_102 = arith.constant 0 : i32
        %dma_wait3A_103 = tpu.memref_slice %arg8[%mul3A_0, %dma_wait3A_102] : memref<10112x16xf32, #tpu.memory_space<vmem_shared>> -> memref<632x16xf32, #tpu.memory_space<vmem_shared>>
        tpu.wait_dma2 semaphore(%run_scoped3A_95 : memref<!tpu.dma_semaphore, #tpu.memory_space<semaphore_mem>>) src(%dma_wait3A_103 : memref<632x16xf32, #tpu.memory_space<vmem_shared>>) dst(%arg17 : memref<632x16xf32, #tpu.memory_space<vmem>>)
        tpu.yield
      }) : () -> ()
      %scan3A_89 = arith.constant 0 : i32
      %scan3A_90 = arith.constant 632 : i32
      %scan3A_91 = arith.addi %scan3A_89, %scan3A_90 : i32
      %scan3A_92 = arith.constant 1 : i32
      scf.for %scan3A_95 = %scan3A_89 to %scan3A_91 step %scan3A_92  : i32 {
        %mul3A_96 = arith.constant 1 : i32
        %mul3A_97 = arith.muli %scan3A_95, %mul3A_96 : i32
        %add3A_98 = arith.constant 0 : i32
        %add3A_99 = arith.addi %add3A_98, %mul3A_97 : i32
        %get3A = arith.index_cast %add3A_99 : i32 to index
        %get3A_100 = arith.constant 0 : index
        %get3A_101 = tpu.vector_load %arg16[%get3A, %get3A_100] {strides = array<i32>} : memref<632x16xf32, #tpu.memory_space<vmem>>, vector<1x16xf32>,
        %get3A_102 = vector.shape_cast %get3A_101 : vector<1x16xf32> to vector<16xf32>
        %get3A_103 = arith.constant 0 : i32
        %get3A_104 = arith.constant 0 : i32
        %get3A_105 = tpu.memref_slice %arg14[%get3A_103, %get3A_104] : memref<640x16xf32, #tpu.memory_space<vmem>> -> memref<632x16xf32, #tpu.memory_space<vmem>>
        %get3A_106 = arith.index_cast %add3A_99 : i32 to index
        %get3A_107 = arith.constant 0 : index
        %get3A_108 = tpu.vector_load %get3A_105[%get3A_106, %get3A_107] {strides = array<i32>} : memref<632x16xf32, #tpu.memory_space<vmem>>, vector<1x16xf32>,
        %get3A_109 = vector.shape_cast %get3A_108 : vector<1x16xf32> to vector<16xf32>
        %mul3A_110 = arith.constant 2.000000e+00 : f32
        %mul3A_111 = vector.broadcast %mul3A_110 : f32 to vector<16xf32>
        %mul3A_112 = arith.mulf %mul3A_111, %get3A_102 : vector<16xf32>
        %get3A_113 = arith.constant 0 : i32
        %get3A_114 = arith.constant 0 : i32
        %get3A_115 = tpu.memref_slice %arg15[%get3A_113, %get3A_114] : memref<640x16xf32, #tpu.memory_space<vmem>> -> memref<632x16xf32, #tpu.memory_space<vmem>>
        %get3A_116 = arith.index_cast %add3A_99 : i32 to index
        %get3A_117 = arith.constant 0 : index
        %get3A_118 = tpu.vector_load %get3A_115[%get3A_116, %get3A_117] {strides = array<i32>} : memref<632x16xf32, #tpu.memory_space<vmem>>, vector<1x16xf32>,
        %get3A_119 = vector.shape_cast %get3A_118 : vector<1x16xf32> to vector<16xf32>
        %mul3A_120 = arith.mulf %mul3A_112, %get3A_119 : vector<16xf32>
        %sub3A_121 = arith.subf %get3A_109, %mul3A_120 : vector<16xf32>
        %get3A_122 = arith.index_cast %add3A_99 : i32 to index
        %get3A_123 = arith.constant 0 : index
        %get3A_124 = tpu.vector_load %arg17[%get3A_122, %get3A_123] {strides = array<i32>} : memref<632x16xf32, #tpu.memory_space<vmem>>, vector<1x16xf32>,
        %get3A_125 = vector.shape_cast %get3A_124 : vector<1x16xf32> to vector<16xf32>
        %sub3A_126 = arith.subf %sub3A_121, %get3A_125 : vector<16xf32>
        %swap3A = arith.constant 0 : i32
        %swap3A_127 = arith.constant 0 : i32
        %swap3A_128 = tpu.memref_slice %arg14[%swap3A, %swap3A_127] : memref<640x16xf32, #tpu.memory_space<vmem>> -> memref<632x16xf32, #tpu.memory_space<vmem>>
        %swap3A_129 = arith.index_cast %add3A_99 : i32 to index
        %swap3A_130 = arith.constant 0 : index
        %swap3A_131 = tpu.vector_load %swap3A_128[%swap3A_129, %swap3A_130] {strides = array<i32>} : memref<632x16xf32, #tpu.memory_space<vmem>>, vector<1x16xf32>,
        %swap3A_132 = vector.shape_cast %swap3A_131 : vector<1x16xf32> to vector<16xf32>
        %swap3A_133 = vector.shape_cast %sub3A_126 : vector<16xf32> to vector<1x16xf32>
        tpu.vector_store %swap3A_128[%swap3A_129, %swap3A_130], %swap3A_133 {strides = array<i32>} : memref<632x16xf32, #tpu.memory_space<vmem>>, vector<1x16xf32>,
        %mul3A_134 = arith.mulf %get3A_102, %sub3A_126 : vector<16xf32>
        %swap3A_135 = arith.constant 0 : i32
        %swap3A_136 = arith.constant 0 : i32
        %swap3A_137 = tpu.memref_slice %arg15[%swap3A_135, %swap3A_136] : memref<640x16xf32, #tpu.memory_space<vmem>> -> memref<632x16xf32, #tpu.memory_space<vmem>>
        %swap3A_138 = arith.index_cast %add3A_99 : i32 to index
        %swap3A_139 = arith.constant 0 : index
        %swap3A_140 = tpu.vector_load %swap3A_137[%swap3A_138, %swap3A_139] {strides = array<i32>} : memref<632x16xf32, #tpu.memory_space<vmem>>, vector<1x16xf32>,
        %swap3A_141 = vector.shape_cast %swap3A_140 : vector<1x16xf32> to vector<16xf32>
        %swap3A_142 = vector.shape_cast %mul3A_134 : vector<16xf32> to vector<1x16xf32>
        tpu.vector_store %swap3A_137[%swap3A_138, %swap3A_139], %swap3A_142 {strides = array<i32>} : memref<632x16xf32, #tpu.memory_space<vmem>>, vector<1x16xf32>,
      }
      %scan3A_93 = arith.constant 632 : i32
      "tpu.region"() ({
        %run_scoped3A_95 = tpu.sem_alloc : memref<!tpu.dma_semaphore, #tpu.memory_space<semaphore_mem>>
        %dma_start3A_96 = arith.constant 0 : i32
        %dma_start3A_97 = arith.constant 0 : i32
        %dma_start3A_98 = tpu.memref_slice %arg14[%dma_start3A_96, %dma_start3A_97] : memref<640x16xf32, #tpu.memory_space<vmem>> -> memref<632x16xf32, #tpu.memory_space<vmem>>
        %dma_start3A_99 = arith.constant 0 : i32
        %dma_start3A_100 = tpu.memref_slice %arg8[%mul3A_0, %dma_start3A_99] : memref<10112x16xf32, #tpu.memory_space<vmem_shared>> -> memref<632x16xf32, #tpu.memory_space<vmem_shared>>
        %dma_start3A_101 = arith.constant 0 : i32
        %dma_start3A_102 = tpu.memref_slice %arg8[%mul3A_0, %dma_start3A_101] : memref<10112x16xf32, #tpu.memory_space<vmem_shared>> -> memref<632x16xf32, #tpu.memory_space<vmem_shared>>
        %dma_start3A_103 = arith.constant 0 : i32
        %dma_start3A_104 = arith.constant 0 : i32
        %dma_start3A_105 = tpu.memref_slice %arg14[%dma_start3A_103, %dma_start3A_104] : memref<640x16xf32, #tpu.memory_space<vmem>> -> memref<632x16xf32, #tpu.memory_space<vmem>>
        tpu.enqueue_dma source(%dma_start3A_105 : memref<632x16xf32, #tpu.memory_space<vmem>>) target(%dma_start3A_102 : memref<632x16xf32, #tpu.memory_space<vmem_shared>>) target_semaphore(%run_scoped3A_95 : memref<!tpu.dma_semaphore, #tpu.memory_space<semaphore_mem>>)
        %dma_wait3A_106 = arith.constant 0 : i32
        %dma_wait3A_107 = arith.constant 0 : i32
        %dma_wait3A_108 = tpu.memref_slice %arg14[%dma_wait3A_106, %dma_wait3A_107] : memref<640x16xf32, #tpu.memory_space<vmem>> -> memref<632x16xf32, #tpu.memory_space<vmem>>
        %dma_wait3A_109 = arith.constant 0 : i32
        %dma_wait3A_110 = tpu.memref_slice %arg8[%mul3A_0, %dma_wait3A_109] : memref<10112x16xf32, #tpu.memory_space<vmem_shared>> -> memref<632x16xf32, #tpu.memory_space<vmem_shared>>
        %dma_wait3A_111 = arith.constant 0 : i32
        %dma_wait3A_112 = tpu.memref_slice %arg8[%mul3A_0, %dma_wait3A_111] : memref<10112x16xf32, #tpu.memory_space<vmem_shared>> -> memref<632x16xf32, #tpu.memory_space<vmem_shared>>
        %dma_wait3A_113 = arith.constant 0 : i32
        %dma_wait3A_114 = arith.constant 0 : i32
        %dma_wait3A_115 = tpu.memref_slice %arg14[%dma_wait3A_113, %dma_wait3A_114] : memref<640x16xf32, #tpu.memory_space<vmem>> -> memref<632x16xf32, #tpu.memory_space<vmem>>
        tpu.wait_dma2 semaphore(%run_scoped3A_95 : memref<!tpu.dma_semaphore, #tpu.memory_space<semaphore_mem>>) src(%dma_wait3A_115 : memref<632x16xf32, #tpu.memory_space<vmem>>) dst(%dma_wait3A_112 : memref<632x16xf32, #tpu.memory_space<vmem_shared>>)
        tpu.yield
      }) : () -> ()
      "tpu.region"() ({
        %run_scoped3A_95 = tpu.sem_alloc : memref<!tpu.dma_semaphore, #tpu.memory_space<semaphore_mem>>
        %dma_start3A_96 = arith.constant 0 : i32
        %dma_start3A_97 = arith.constant 0 : i32
        %dma_start3A_98 = tpu.memref_slice %arg15[%dma_start3A_96, %dma_start3A_97] : memref<640x16xf32, #tpu.memory_space<vmem>> -> memref<632x16xf32, #tpu.memory_space<vmem>>
        %dma_start3A_99 = arith.constant 0 : i32
        %dma_start3A_100 = tpu.memref_slice %arg10[%mul3A_0, %dma_start3A_99] : memref<10112x16xf32, #tpu.memory_space<vmem_shared>> -> memref<632x16xf32, #tpu.memory_space<vmem_shared>>
        %dma_start3A_101 = arith.constant 0 : i32
        %dma_start3A_102 = tpu.memref_slice %arg10[%mul3A_0, %dma_start3A_101] : memref<10112x16xf32, #tpu.memory_space<vmem_shared>> -> memref<632x16xf32, #tpu.memory_space<vmem_shared>>
        %dma_start3A_103 = arith.constant 0 : i32
        %dma_start3A_104 = arith.constant 0 : i32
        %dma_start3A_105 = tpu.memref_slice %arg15[%dma_start3A_103, %dma_start3A_104] : memref<640x16xf32, #tpu.memory_space<vmem>> -> memref<632x16xf32, #tpu.memory_space<vmem>>
        tpu.enqueue_dma source(%dma_start3A_105 : memref<632x16xf32, #tpu.memory_space<vmem>>) target(%dma_start3A_102 : memref<632x16xf32, #tpu.memory_space<vmem_shared>>) target_semaphore(%run_scoped3A_95 : memref<!tpu.dma_semaphore, #tpu.memory_space<semaphore_mem>>)
        %dma_wait3A_106 = arith.constant 0 : i32
        %dma_wait3A_107 = arith.constant 0 : i32
        %dma_wait3A_108 = tpu.memref_slice %arg15[%dma_wait3A_106, %dma_wait3A_107] : memref<640x16xf32, #tpu.memory_space<vmem>> -> memref<632x16xf32, #tpu.memory_space<vmem>>
        %dma_wait3A_109 = arith.constant 0 : i32
        %dma_wait3A_110 = tpu.memref_slice %arg10[%mul3A_0, %dma_wait3A_109] : memref<10112x16xf32, #tpu.memory_space<vmem_shared>> -> memref<632x16xf32, #tpu.memory_space<vmem_shared>>
        %dma_wait3A_111 = arith.constant 0 : i32
        %dma_wait3A_112 = tpu.memref_slice %arg10[%mul3A_0, %dma_wait3A_111] : memref<10112x16xf32, #tpu.memory_space<vmem_shared>> -> memref<632x16xf32, #tpu.memory_space<vmem_shared>>
        %dma_wait3A_113 = arith.constant 0 : i32
        %dma_wait3A_114 = arith.constant 0 : i32
        %dma_wait3A_115 = tpu.memref_slice %arg15[%dma_wait3A_113, %dma_wait3A_114] : memref<640x16xf32, #tpu.memory_space<vmem>> -> memref<632x16xf32, #tpu.memory_space<vmem>>
        tpu.wait_dma2 semaphore(%run_scoped3A_95 : memref<!tpu.dma_semaphore, #tpu.memory_space<semaphore_mem>>) src(%dma_wait3A_115 : memref<632x16xf32, #tpu.memory_space<vmem>>) dst(%dma_wait3A_112 : memref<632x16xf32, #tpu.memory_space<vmem_shared>>)
        tpu.yield
      }) : () -> ()
      "tpu.region"() ({
        %run_scoped3A_95 = tpu.sem_alloc : memref<!tpu.dma_semaphore, #tpu.memory_space<semaphore_mem>>
        %dma_start3A_96 = arith.constant 0 : i32
        %dma_start3A_97 = tpu.memref_slice %arg11[%mul3A_0, %dma_start3A_96] : memref<10112x16xf32, #tpu.memory_space<vmem_shared>> -> memref<632x16xf32, #tpu.memory_space<vmem_shared>>
        tpu.enqueue_dma source(%arg6 : memref<632x16xf32, #tpu.memory_space<hbm>>) target(%dma_start3A_97 : memref<632x16xf32, #tpu.memory_space<vmem_shared>>) target_semaphore(%run_scoped3A_95 : memref<!tpu.dma_semaphore, #tpu.memory_space<semaphore_mem>>)
        %dma_wait3A_98 = arith.constant 0 : i32
        %dma_wait3A_99 = tpu.memref_slice %arg11[%mul3A_0, %dma_wait3A_98] : memref<10112x16xf32, #tpu.memory_space<vmem_shared>> -> memref<632x16xf32, #tpu.memory_space<vmem_shared>>
        tpu.wait_dma2 semaphore(%run_scoped3A_95 : memref<!tpu.dma_semaphore, #tpu.memory_space<semaphore_mem>>) src(%arg6 : memref<632x16xf32, #tpu.memory_space<hbm>>) dst(%dma_wait3A_99 : memref<632x16xf32, #tpu.memory_space<vmem_shared>>)
        tpu.yield
      }) : () -> ()
      %barrier3A_94 = arith.constant 0 : index
      tpu.barrier barrier_id(%barrier3A_94)
    }
    %scan3A_9 = arith.constant 11 : i32
    %dma_start3A = arith.constant 0 : i32
    %dma_start3A_10 = arith.constant 0 : i32
    %dma_start3A_11 = tpu.memref_slice %arg12[%dma_start3A, %dma_start3A_10] : memref<32x640xi32, #tpu.memory_space<vmem>> -> memref<1x640xi32, #tpu.memory_space<vmem>>
    %dma_start3A_12 = tpu.memref_squeeze %dma_start3A_11 : memref<1x640xi32, #tpu.memory_space<vmem>> -> memref<640xi32, #tpu.memory_space<vmem>>
    %dma_start3A_13 = arith.constant 0 : i32
    %dma_start3A_14 = arith.constant 0 : i32
    %dma_start3A_15 = tpu.memref_slice %arg10[%dma_start3A_13, %dma_start3A_14] : memref<10112x16xf32, #tpu.memory_space<vmem_shared>> -> memref<10112x16xf32, #tpu.memory_space<vmem_shared>>
    tpu.enqueue_indirect_dma source(%dma_start3A_15 : memref<10112x16xf32, #tpu.memory_space<vmem_shared>>) target(%arg14 : memref<640x16xf32, #tpu.memory_space<vmem>>) offsets(%dma_start3A_12 : memref<640xi32, #tpu.memory_space<vmem>>) semaphore(%arg18 : memref<!tpu.dma_semaphore, #tpu.memory_space<semaphore_mem>>)
    %scan3A_16 = arith.constant 0 : i32
    %scan3A_17 = arith.constant 16 : i32
    %scan3A_18 = arith.addi %scan3A_16, %scan3A_17 : i32
    %scan3A_19 = arith.constant 1 : i32
    scf.for %scan3A_34 = %scan3A_16 to %scan3A_18 step %scan3A_19  : i32 {
      %mul3A_35 = arith.constant 1 : i32
      %mul3A_36 = arith.muli %scan3A_34, %mul3A_35 : i32
      %add3A = arith.constant 0 : i32
      %add3A_37 = arith.addi %add3A, %mul3A_36 : i32
      %mul3A_38 = arith.constant 2 : i32
      %mul3A_39 = arith.muli %mul3A_38, %add3A_37 : i32
      %dma_wait3A_40 = arith.constant 0 : i32
      %dma_wait3A_41 = arith.constant 0 : i32
      %dma_wait3A_42 = tpu.memref_slice %arg12[%dma_wait3A_40, %dma_wait3A_41] : memref<32x640xi32, #tpu.memory_space<vmem>> -> memref<1x640xi32, #tpu.memory_space<vmem>>
      %dma_wait3A_43 = tpu.memref_squeeze %dma_wait3A_42 : memref<1x640xi32, #tpu.memory_space<vmem>> -> memref<640xi32, #tpu.memory_space<vmem>>
      %dma_wait3A_44 = arith.constant 0 : i32
      %dma_wait3A_45 = arith.constant 0 : i32
      %dma_wait3A_46 = tpu.memref_slice %arg10[%dma_wait3A_44, %dma_wait3A_45] : memref<10112x16xf32, #tpu.memory_space<vmem_shared>> -> memref<10112x16xf32, #tpu.memory_space<vmem_shared>>
      tpu.wait_indirect_dma semaphore(%arg18 : memref<!tpu.dma_semaphore, #tpu.memory_space<semaphore_mem>>) src(%dma_wait3A_46 : memref<10112x16xf32, #tpu.memory_space<vmem_shared>>) dst(%arg14 : memref<640x16xf32, #tpu.memory_space<vmem>>)
      %gt3A = arith.constant 0 : i32
      %gt3A_47 = arith.cmpi sgt, %add3A_37, %gt3A : i32
      %convert_element_type3A = arith.extui %gt3A_47 : i1 to i32
      %cond3A = arith.constant 0 : i32
      %cond3A_48 = arith.cmpi ne, %convert_element_type3A, %cond3A : i32
      scf.if %cond3A_48 {
        %dma_wait3A_91 = arith.constant 0 : i32
        %dma_wait3A_92 = arith.constant 0 : i32
        %dma_wait3A_93 = tpu.memref_slice %arg13[%dma_wait3A_91, %dma_wait3A_92] : memref<32x640xi32, #tpu.memory_space<vmem>> -> memref<1x640xi32, #tpu.memory_space<vmem>>
        %dma_wait3A_94 = tpu.memref_squeeze %dma_wait3A_93 : memref<1x640xi32, #tpu.memory_space<vmem>> -> memref<640xi32, #tpu.memory_space<vmem>>
        %dma_wait3A_95 = arith.constant 0 : i32
        %dma_wait3A_96 = arith.constant 0 : i32
        %dma_wait3A_97 = tpu.memref_slice %arg11[%dma_wait3A_95, %dma_wait3A_96] : memref<10112x16xf32, #tpu.memory_space<vmem_shared>> -> memref<10112x16xf32, #tpu.memory_space<vmem_shared>>
        tpu.wait_indirect_dma semaphore(%arg21 : memref<!tpu.dma_semaphore, #tpu.memory_space<semaphore_mem>>) src(%arg15 : memref<640x16xf32, #tpu.memory_space<vmem>>) dst(%dma_wait3A_97 : memref<10112x16xf32, #tpu.memory_space<vmem_shared>>)
      } else {
      }
      %add3A_49 = arith.constant 1 : i32
      %add3A_50 = arith.addi %mul3A_39, %add3A_49 : i32
      %dma_start3A_51 = arith.constant 0 : i32
      %dma_start3A_52 = tpu.memref_slice %arg12[%add3A_50, %dma_start3A_51] : memref<32x640xi32, #tpu.memory_space<vmem>> -> memref<1x640xi32, #tpu.memory_space<vmem>>
      %dma_start3A_53 = tpu.memref_squeeze %dma_start3A_52 : memref<1x640xi32, #tpu.memory_space<vmem>> -> memref<640xi32, #tpu.memory_space<vmem>>
      %dma_start3A_54 = arith.constant 0 : i32
      %dma_start3A_55 = arith.constant 0 : i32
      %dma_start3A_56 = tpu.memref_slice %arg10[%dma_start3A_54, %dma_start3A_55] : memref<10112x16xf32, #tpu.memory_space<vmem_shared>> -> memref<10112x16xf32, #tpu.memory_space<vmem_shared>>
      tpu.enqueue_indirect_dma source(%dma_start3A_56 : memref<10112x16xf32, #tpu.memory_space<vmem_shared>>) target(%arg15 : memref<640x16xf32, #tpu.memory_space<vmem>>) offsets(%dma_start3A_53 : memref<640xi32, #tpu.memory_space<vmem>>) semaphore(%arg19 : memref<!tpu.dma_semaphore, #tpu.memory_space<semaphore_mem>>)
      %dma_start3A_57 = arith.constant 0 : i32
      %dma_start3A_58 = tpu.memref_slice %arg13[%mul3A_39, %dma_start3A_57] : memref<32x640xi32, #tpu.memory_space<vmem>> -> memref<1x640xi32, #tpu.memory_space<vmem>>
      %dma_start3A_59 = tpu.memref_squeeze %dma_start3A_58 : memref<1x640xi32, #tpu.memory_space<vmem>> -> memref<640xi32, #tpu.memory_space<vmem>>
      %dma_start3A_60 = arith.constant 0 : i32
      %dma_start3A_61 = arith.constant 0 : i32
      %dma_start3A_62 = tpu.memref_slice %arg11[%dma_start3A_60, %dma_start3A_61] : memref<10112x16xf32, #tpu.memory_space<vmem_shared>> -> memref<10112x16xf32, #tpu.memory_space<vmem_shared>>
      tpu.enqueue_indirect_dma source(%arg14 : memref<640x16xf32, #tpu.memory_space<vmem>>) target(%dma_start3A_62 : memref<10112x16xf32, #tpu.memory_space<vmem_shared>>) offsets(%dma_start3A_59 : memref<640xi32, #tpu.memory_space<vmem>>) semaphore(%arg20 : memref<!tpu.dma_semaphore, #tpu.memory_space<semaphore_mem>>) {add = true}
      %dma_wait3A_63 = arith.constant 0 : i32
      %dma_wait3A_64 = arith.constant 0 : i32
      %dma_wait3A_65 = tpu.memref_slice %arg12[%dma_wait3A_63, %dma_wait3A_64] : memref<32x640xi32, #tpu.memory_space<vmem>> -> memref<1x640xi32, #tpu.memory_space<vmem>>
      %dma_wait3A_66 = tpu.memref_squeeze %dma_wait3A_65 : memref<1x640xi32, #tpu.memory_space<vmem>> -> memref<640xi32, #tpu.memory_space<vmem>>
      %dma_wait3A_67 = arith.constant 0 : i32
      %dma_wait3A_68 = arith.constant 0 : i32
      %dma_wait3A_69 = tpu.memref_slice %arg10[%dma_wait3A_67, %dma_wait3A_68] : memref<10112x16xf32, #tpu.memory_space<vmem_shared>> -> memref<10112x16xf32, #tpu.memory_space<vmem_shared>>
      tpu.wait_indirect_dma semaphore(%arg19 : memref<!tpu.dma_semaphore, #tpu.memory_space<semaphore_mem>>) src(%dma_wait3A_69 : memref<10112x16xf32, #tpu.memory_space<vmem_shared>>) dst(%arg15 : memref<640x16xf32, #tpu.memory_space<vmem>>)
      %dma_wait3A_70 = arith.constant 0 : i32
      %dma_wait3A_71 = arith.constant 0 : i32
      %dma_wait3A_72 = tpu.memref_slice %arg13[%dma_wait3A_70, %dma_wait3A_71] : memref<32x640xi32, #tpu.memory_space<vmem>> -> memref<1x640xi32, #tpu.memory_space<vmem>>
      %dma_wait3A_73 = tpu.memref_squeeze %dma_wait3A_72 : memref<1x640xi32, #tpu.memory_space<vmem>> -> memref<640xi32, #tpu.memory_space<vmem>>
      %dma_wait3A_74 = arith.constant 0 : i32
      %dma_wait3A_75 = arith.constant 0 : i32
      %dma_wait3A_76 = tpu.memref_slice %arg11[%dma_wait3A_74, %dma_wait3A_75] : memref<10112x16xf32, #tpu.memory_space<vmem_shared>> -> memref<10112x16xf32, #tpu.memory_space<vmem_shared>>
      tpu.wait_indirect_dma semaphore(%arg20 : memref<!tpu.dma_semaphore, #tpu.memory_space<semaphore_mem>>) src(%arg14 : memref<640x16xf32, #tpu.memory_space<vmem>>) dst(%dma_wait3A_76 : memref<10112x16xf32, #tpu.memory_space<vmem_shared>>)
      %add3A_77 = arith.constant 1 : i32
      %add3A_78 = arith.addi %add3A_37, %add3A_77 : i32
      %lt3A = arith.constant 16 : i32
      %lt3A_79 = arith.cmpi slt, %add3A_78, %lt3A : i32
      %convert_element_type3A_80 = arith.extui %lt3A_79 : i1 to i32
      %cond3A_81 = arith.constant 0 : i32
      %cond3A_82 = arith.cmpi ne, %convert_element_type3A_80, %cond3A_81 : i32
      scf.if %cond3A_82 {
        %add3A_91 = arith.constant 2 : i32
        %add3A_92 = arith.addi %mul3A_39, %add3A_91 : i32
        %dma_start3A_93 = arith.constant 0 : i32
        %dma_start3A_94 = tpu.memref_slice %arg12[%add3A_92, %dma_start3A_93] : memref<32x640xi32, #tpu.memory_space<vmem>> -> memref<1x640xi32, #tpu.memory_space<vmem>>
        %dma_start3A_95 = tpu.memref_squeeze %dma_start3A_94 : memref<1x640xi32, #tpu.memory_space<vmem>> -> memref<640xi32, #tpu.memory_space<vmem>>
        %dma_start3A_96 = arith.constant 0 : i32
        %dma_start3A_97 = arith.constant 0 : i32
        %dma_start3A_98 = tpu.memref_slice %arg10[%dma_start3A_96, %dma_start3A_97] : memref<10112x16xf32, #tpu.memory_space<vmem_shared>> -> memref<10112x16xf32, #tpu.memory_space<vmem_shared>>
        tpu.enqueue_indirect_dma source(%dma_start3A_98 : memref<10112x16xf32, #tpu.memory_space<vmem_shared>>) target(%arg14 : memref<640x16xf32, #tpu.memory_space<vmem>>) offsets(%dma_start3A_95 : memref<640xi32, #tpu.memory_space<vmem>>) semaphore(%arg18 : memref<!tpu.dma_semaphore, #tpu.memory_space<semaphore_mem>>)
      } else {
      }
      %add3A_83 = arith.constant 1 : i32
      %add3A_84 = arith.addi %mul3A_39, %add3A_83 : i32
      %dma_start3A_85 = arith.constant 0 : i32
      %dma_start3A_86 = tpu.memref_slice %arg13[%add3A_84, %dma_start3A_85] : memref<32x640xi32, #tpu.memory_space<vmem>> -> memref<1x640xi32, #tpu.memory_space<vmem>>
      %dma_start3A_87 = tpu.memref_squeeze %dma_start3A_86 : memref<1x640xi32, #tpu.memory_space<vmem>> -> memref<640xi32, #tpu.memory_space<vmem>>
      %dma_start3A_88 = arith.constant 0 : i32
      %dma_start3A_89 = arith.constant 0 : i32
      %dma_start3A_90 = tpu.memref_slice %arg11[%dma_start3A_88, %dma_start3A_89] : memref<10112x16xf32, #tpu.memory_space<vmem_shared>> -> memref<10112x16xf32, #tpu.memory_space<vmem_shared>>
      tpu.enqueue_indirect_dma source(%arg15 : memref<640x16xf32, #tpu.memory_space<vmem>>) target(%dma_start3A_90 : memref<10112x16xf32, #tpu.memory_space<vmem_shared>>) offsets(%dma_start3A_87 : memref<640xi32, #tpu.memory_space<vmem>>) semaphore(%arg21 : memref<!tpu.dma_semaphore, #tpu.memory_space<semaphore_mem>>) {add = true}
    }
    %scan3A_20 = arith.constant 16 : i32
    %dma_wait3A = arith.constant 0 : i32
    %dma_wait3A_21 = arith.constant 0 : i32
    %dma_wait3A_22 = tpu.memref_slice %arg13[%dma_wait3A, %dma_wait3A_21] : memref<32x640xi32, #tpu.memory_space<vmem>> -> memref<1x640xi32, #tpu.memory_space<vmem>>
    %dma_wait3A_23 = tpu.memref_squeeze %dma_wait3A_22 : memref<1x640xi32, #tpu.memory_space<vmem>> -> memref<640xi32, #tpu.memory_space<vmem>>
    %dma_wait3A_24 = arith.constant 0 : i32
    %dma_wait3A_25 = arith.constant 0 : i32
    %dma_wait3A_26 = tpu.memref_slice %arg11[%dma_wait3A_24, %dma_wait3A_25] : memref<10112x16xf32, #tpu.memory_space<vmem_shared>> -> memref<10112x16xf32, #tpu.memory_space<vmem_shared>>
    tpu.wait_indirect_dma semaphore(%arg21 : memref<!tpu.dma_semaphore, #tpu.memory_space<semaphore_mem>>) src(%arg15 : memref<640x16xf32, #tpu.memory_space<vmem>>) dst(%dma_wait3A_26 : memref<10112x16xf32, #tpu.memory_space<vmem_shared>>)
    %barrier3A_27 = arith.constant 0 : index
    tpu.barrier barrier_id(%barrier3A_27)
    %run_scoped3A_28 = arith.constant 0 : i32
    "tpu.region"() ({
      %run_scoped3A_34 = tpu.sem_alloc : memref<!tpu.dma_semaphore, #tpu.memory_space<semaphore_mem>>
      %dma_start3A_35 = arith.constant 0 : i32
      %dma_start3A_36 = arith.constant 0 : i32
      %dma_start3A_37 = tpu.memref_slice %arg14[%dma_start3A_35, %dma_start3A_36] : memref<640x16xf32, #tpu.memory_space<vmem>> -> memref<632x16xf32, #tpu.memory_space<vmem>>
      %dma_start3A_38 = arith.constant 0 : i32
      %dma_start3A_39 = tpu.memref_slice %arg2[%arg0, %run_scoped3A_28, %mul3A_0, %dma_start3A_38] : memref<2x24x10112x16xf32, #tpu.memory_space<hbm>> -> memref<1x1x632x16xf32, #tpu.memory_space<hbm>>
      %dma_start3A_40 = tpu.memref_squeeze %dma_start3A_39 : memref<1x1x632x16xf32, #tpu.memory_space<hbm>> -> memref<632x16xf32, #tpu.memory_space<hbm>>
      %dma_start3A_41 = arith.constant 0 : i32
      %dma_start3A_42 = arith.constant 0 : i32
      %dma_start3A_43 = tpu.memref_slice %arg14[%dma_start3A_41, %dma_start3A_42] : memref<640x16xf32, #tpu.memory_space<vmem>> -> memref<632x16xf32, #tpu.memory_space<vmem>>
      %dma_start3A_44 = arith.constant 0 : i32
      %dma_start3A_45 = tpu.memref_slice %arg2[%arg0, %run_scoped3A_28, %mul3A_0, %dma_start3A_44] : memref<2x24x10112x16xf32, #tpu.memory_space<hbm>> -> memref<1x1x632x16xf32, #tpu.memory_space<hbm>>
      %dma_start3A_46 = tpu.memref_squeeze %dma_start3A_45 : memref<1x1x632x16xf32, #tpu.memory_space<hbm>> -> memref<632x16xf32, #tpu.memory_space<hbm>>
      tpu.enqueue_dma source(%dma_start3A_46 : memref<632x16xf32, #tpu.memory_space<hbm>>) target(%dma_start3A_43 : memref<632x16xf32, #tpu.memory_space<vmem>>) target_semaphore(%run_scoped3A_34 : memref<!tpu.dma_semaphore, #tpu.memory_space<semaphore_mem>>)
      %dma_wait3A_47 = arith.constant 0 : i32
      %dma_wait3A_48 = arith.constant 0 : i32
      %dma_wait3A_49 = tpu.memref_slice %arg14[%dma_wait3A_47, %dma_wait3A_48] : memref<640x16xf32, #tpu.memory_space<vmem>> -> memref<632x16xf32, #tpu.memory_space<vmem>>
      %dma_wait3A_50 = arith.constant 0 : i32
      %dma_wait3A_51 = tpu.memref_slice %arg2[%arg0, %run_scoped3A_28, %mul3A_0, %dma_wait3A_50] : memref<2x24x10112x16xf32, #tpu.memory_space<hbm>> -> memref<1x1x632x16xf32, #tpu.memory_space<hbm>>
      %dma_wait3A_52 = tpu.memref_squeeze %dma_wait3A_51 : memref<1x1x632x16xf32, #tpu.memory_space<hbm>> -> memref<632x16xf32, #tpu.memory_space<hbm>>
      %dma_wait3A_53 = arith.constant 0 : i32
      %dma_wait3A_54 = arith.constant 0 : i32
      %dma_wait3A_55 = tpu.memref_slice %arg14[%dma_wait3A_53, %dma_wait3A_54] : memref<640x16xf32, #tpu.memory_space<vmem>> -> memref<632x16xf32, #tpu.memory_space<vmem>>
      %dma_wait3A_56 = arith.constant 0 : i32
      %dma_wait3A_57 = tpu.memref_slice %arg2[%arg0, %run_scoped3A_28, %mul3A_0, %dma_wait3A_56] : memref<2x24x10112x16xf32, #tpu.memory_space<hbm>> -> memref<1x1x632x16xf32, #tpu.memory_space<hbm>>
      %dma_wait3A_58 = tpu.memref_squeeze %dma_wait3A_57 : memref<1x1x632x16xf32, #tpu.memory_space<hbm>> -> memref<632x16xf32, #tpu.memory_space<hbm>>
      tpu.wait_dma2 semaphore(%run_scoped3A_34 : memref<!tpu.dma_semaphore, #tpu.memory_space<semaphore_mem>>) src(%dma_wait3A_58 : memref<632x16xf32, #tpu.memory_space<hbm>>) dst(%dma_wait3A_55 : memref<632x16xf32, #tpu.memory_space<vmem>>)
      tpu.yield
    }) : () -> ()
    "tpu.region"() ({
      %run_scoped3A_34 = tpu.sem_alloc : memref<!tpu.dma_semaphore, #tpu.memory_space<semaphore_mem>>
      %dma_start3A_35 = arith.constant 0 : i32
      %dma_start3A_36 = arith.constant 0 : i32
      %dma_start3A_37 = tpu.memref_slice %arg15[%dma_start3A_35, %dma_start3A_36] : memref<640x16xf32, #tpu.memory_space<vmem>> -> memref<632x16xf32, #tpu.memory_space<vmem>>
      %dma_start3A_38 = arith.constant 0 : i32
      %dma_start3A_39 = tpu.memref_slice %arg11[%mul3A_0, %dma_start3A_38] : memref<10112x16xf32, #tpu.memory_space<vmem_shared>> -> memref<632x16xf32, #tpu.memory_space<vmem_shared>>
      %dma_start3A_40 = arith.constant 0 : i32
      %dma_start3A_41 = arith.constant 0 : i32
      %dma_start3A_42 = tpu.memref_slice %arg15[%dma_start3A_40, %dma_start3A_41] : memref<640x16xf32, #tpu.memory_space<vmem>> -> memref<632x16xf32, #tpu.memory_space<vmem>>
      %dma_start3A_43 = arith.constant 0 : i32
      %dma_start3A_44 = tpu.memref_slice %arg11[%mul3A_0, %dma_start3A_43] : memref<10112x16xf32, #tpu.memory_space<vmem_shared>> -> memref<632x16xf32, #tpu.memory_space<vmem_shared>>
      tpu.enqueue_dma source(%dma_start3A_44 : memref<632x16xf32, #tpu.memory_space<vmem_shared>>) target(%dma_start3A_42 : memref<632x16xf32, #tpu.memory_space<vmem>>) target_semaphore(%run_scoped3A_34 : memref<!tpu.dma_semaphore, #tpu.memory_space<semaphore_mem>>)
      %dma_wait3A_45 = arith.constant 0 : i32
      %dma_wait3A_46 = arith.constant 0 : i32
      %dma_wait3A_47 = tpu.memref_slice %arg15[%dma_wait3A_45, %dma_wait3A_46] : memref<640x16xf32, #tpu.memory_space<vmem>> -> memref<632x16xf32, #tpu.memory_space<vmem>>
      %dma_wait3A_48 = arith.constant 0 : i32
      %dma_wait3A_49 = tpu.memref_slice %arg11[%mul3A_0, %dma_wait3A_48] : memref<10112x16xf32, #tpu.memory_space<vmem_shared>> -> memref<632x16xf32, #tpu.memory_space<vmem_shared>>
      %dma_wait3A_50 = arith.constant 0 : i32
      %dma_wait3A_51 = arith.constant 0 : i32
      %dma_wait3A_52 = tpu.memref_slice %arg15[%dma_wait3A_50, %dma_wait3A_51] : memref<640x16xf32, #tpu.memory_space<vmem>> -> memref<632x16xf32, #tpu.memory_space<vmem>>
      %dma_wait3A_53 = arith.constant 0 : i32
      %dma_wait3A_54 = tpu.memref_slice %arg11[%mul3A_0, %dma_wait3A_53] : memref<10112x16xf32, #tpu.memory_space<vmem_shared>> -> memref<632x16xf32, #tpu.memory_space<vmem_shared>>
      tpu.wait_dma2 semaphore(%run_scoped3A_34 : memref<!tpu.dma_semaphore, #tpu.memory_space<semaphore_mem>>) src(%dma_wait3A_54 : memref<632x16xf32, #tpu.memory_space<vmem_shared>>) dst(%dma_wait3A_52 : memref<632x16xf32, #tpu.memory_space<vmem>>)
      tpu.yield
    }) : () -> ()
    "tpu.region"() ({
      %run_scoped3A_34 = tpu.sem_alloc : memref<!tpu.dma_semaphore, #tpu.memory_space<semaphore_mem>>
      %dma_start3A_35 = arith.constant 0 : i32
      %dma_start3A_36 = tpu.memref_slice %arg9[%mul3A_0, %dma_start3A_35] : memref<10112x16xf32, #tpu.memory_space<vmem_shared>> -> memref<632x16xf32, #tpu.memory_space<vmem_shared>>
      %dma_start3A_37 = arith.constant 0 : i32
      %dma_start3A_38 = tpu.memref_slice %arg9[%mul3A_0, %dma_start3A_37] : memref<10112x16xf32, #tpu.memory_space<vmem_shared>> -> memref<632x16xf32, #tpu.memory_space<vmem_shared>>
      tpu.enqueue_dma source(%dma_start3A_38 : memref<632x16xf32, #tpu.memory_space<vmem_shared>>) target(%arg17 : memref<632x16xf32, #tpu.memory_space<vmem>>) target_semaphore(%run_scoped3A_34 : memref<!tpu.dma_semaphore, #tpu.memory_space<semaphore_mem>>)
      %dma_wait3A_39 = arith.constant 0 : i32
      %dma_wait3A_40 = tpu.memref_slice %arg9[%mul3A_0, %dma_wait3A_39] : memref<10112x16xf32, #tpu.memory_space<vmem_shared>> -> memref<632x16xf32, #tpu.memory_space<vmem_shared>>
      %dma_wait3A_41 = arith.constant 0 : i32
      %dma_wait3A_42 = tpu.memref_slice %arg9[%mul3A_0, %dma_wait3A_41] : memref<10112x16xf32, #tpu.memory_space<vmem_shared>> -> memref<632x16xf32, #tpu.memory_space<vmem_shared>>
      tpu.wait_dma2 semaphore(%run_scoped3A_34 : memref<!tpu.dma_semaphore, #tpu.memory_space<semaphore_mem>>) src(%dma_wait3A_42 : memref<632x16xf32, #tpu.memory_space<vmem_shared>>) dst(%arg17 : memref<632x16xf32, #tpu.memory_space<vmem>>)
      tpu.yield
    }) : () -> ()
    %scan3A_29 = arith.constant 0 : i32
    %scan3A_30 = arith.constant 632 : i32
    %scan3A_31 = arith.addi %scan3A_29, %scan3A_30 : i32
    %scan3A_32 = arith.constant 1 : i32
    scf.for %scan3A_34 = %scan3A_29 to %scan3A_31 step %scan3A_32  : i32 {
      %mul3A_35 = arith.constant 1 : i32
      %mul3A_36 = arith.muli %scan3A_34, %mul3A_35 : i32
      %add3A = arith.constant 0 : i32
      %add3A_37 = arith.addi %add3A, %mul3A_36 : i32
      %get3A = arith.constant 0 : i32
      %get3A_38 = arith.constant 0 : i32
      %get3A_39 = tpu.memref_slice %arg14[%get3A, %get3A_38] : memref<640x16xf32, #tpu.memory_space<vmem>> -> memref<632x16xf32, #tpu.memory_space<vmem>>
      %get3A_40 = arith.index_cast %add3A_37 : i32 to index
      %get3A_41 = arith.constant 0 : index
      %get3A_42 = tpu.vector_load %get3A_39[%get3A_40, %get3A_41] {strides = array<i32>} : memref<632x16xf32, #tpu.memory_space<vmem>>, vector<1x16xf32>,
      %get3A_43 = vector.shape_cast %get3A_42 : vector<1x16xf32> to vector<16xf32>
      %get3A_44 = arith.index_cast %add3A_37 : i32 to index
      %get3A_45 = arith.constant 0 : index
      %get3A_46 = tpu.vector_load %arg16[%get3A_44, %get3A_45] {strides = array<i32>} : memref<632x16xf32, #tpu.memory_space<vmem>>, vector<1x16xf32>,
      %get3A_47 = vector.shape_cast %get3A_46 : vector<1x16xf32> to vector<16xf32>
      %get3A_48 = arith.constant 0 : i32
      %get3A_49 = arith.constant 0 : i32
      %get3A_50 = tpu.memref_slice %arg15[%get3A_48, %get3A_49] : memref<640x16xf32, #tpu.memory_space<vmem>> -> memref<632x16xf32, #tpu.memory_space<vmem>>
      %get3A_51 = arith.index_cast %add3A_37 : i32 to index
      %get3A_52 = arith.constant 0 : index
      %get3A_53 = tpu.vector_load %get3A_50[%get3A_51, %get3A_52] {strides = array<i32>} : memref<632x16xf32, #tpu.memory_space<vmem>>, vector<1x16xf32>,
      %get3A_54 = vector.shape_cast %get3A_53 : vector<1x16xf32> to vector<16xf32>
      %mul3A_55 = arith.mulf %get3A_47, %get3A_54 : vector<16xf32>
      %sub3A = arith.subf %get3A_43, %mul3A_55 : vector<16xf32>
      %get3A_56 = arith.index_cast %add3A_37 : i32 to index
      %get3A_57 = arith.constant 0 : index
      %get3A_58 = tpu.vector_load %arg17[%get3A_56, %get3A_57] {strides = array<i32>} : memref<632x16xf32, #tpu.memory_space<vmem>>, vector<1x16xf32>,
      %get3A_59 = vector.shape_cast %get3A_58 : vector<1x16xf32> to vector<16xf32>
      %sub3A_60 = arith.subf %sub3A, %get3A_59 : vector<16xf32>
      %swap3A = arith.constant 0 : i32
      %swap3A_61 = arith.constant 0 : i32
      %swap3A_62 = tpu.memref_slice %arg14[%swap3A, %swap3A_61] : memref<640x16xf32, #tpu.memory_space<vmem>> -> memref<632x16xf32, #tpu.memory_space<vmem>>
      %swap3A_63 = arith.index_cast %add3A_37 : i32 to index
      %swap3A_64 = arith.constant 0 : index
      %swap3A_65 = tpu.vector_load %swap3A_62[%swap3A_63, %swap3A_64] {strides = array<i32>} : memref<632x16xf32, #tpu.memory_space<vmem>>, vector<1x16xf32>,
      %swap3A_66 = vector.shape_cast %swap3A_65 : vector<1x16xf32> to vector<16xf32>
      %swap3A_67 = vector.shape_cast %sub3A_60 : vector<16xf32> to vector<1x16xf32>
      tpu.vector_store %swap3A_62[%swap3A_63, %swap3A_64], %swap3A_67 {strides = array<i32>} : memref<632x16xf32, #tpu.memory_space<vmem>>, vector<1x16xf32>,
    }
    %scan3A_33 = arith.constant 632 : i32
    "tpu.region"() ({
      %run_scoped3A_34 = tpu.sem_alloc : memref<!tpu.dma_semaphore, #tpu.memory_space<semaphore_mem>>
      %dma_start3A_35 = arith.constant 0 : i32
      %dma_start3A_36 = arith.constant 0 : i32
      %dma_start3A_37 = tpu.memref_slice %arg14[%dma_start3A_35, %dma_start3A_36] : memref<640x16xf32, #tpu.memory_space<vmem>> -> memref<632x16xf32, #tpu.memory_space<vmem>>
      %dma_start3A_38 = arith.constant 0 : i32
      %dma_start3A_39 = tpu.memref_slice %arg7[%arg0, %mul3A_0, %dma_start3A_38] : memref<2x10112x16xf32, #tpu.memory_space<hbm>> -> memref<1x632x16xf32, #tpu.memory_space<hbm>>
      %dma_start3A_40 = tpu.memref_squeeze %dma_start3A_39 : memref<1x632x16xf32, #tpu.memory_space<hbm>> -> memref<632x16xf32, #tpu.memory_space<hbm>>
      %dma_start3A_41 = arith.constant 0 : i32
      %dma_start3A_42 = tpu.memref_slice %arg7[%arg0, %mul3A_0, %dma_start3A_41] : memref<2x10112x16xf32, #tpu.memory_space<hbm>> -> memref<1x632x16xf32, #tpu.memory_space<hbm>>
      %dma_start3A_43 = tpu.memref_squeeze %dma_start3A_42 : memref<1x632x16xf32, #tpu.memory_space<hbm>> -> memref<632x16xf32, #tpu.memory_space<hbm>>
      %dma_start3A_44 = arith.constant 0 : i32
      %dma_start3A_45 = arith.constant 0 : i32
      %dma_start3A_46 = tpu.memref_slice %arg14[%dma_start3A_44, %dma_start3A_45] : memref<640x16xf32, #tpu.memory_space<vmem>> -> memref<632x16xf32, #tpu.memory_space<vmem>>
      tpu.enqueue_dma source(%dma_start3A_46 : memref<632x16xf32, #tpu.memory_space<vmem>>) target(%dma_start3A_43 : memref<632x16xf32, #tpu.memory_space<hbm>>) target_semaphore(%run_scoped3A_34 : memref<!tpu.dma_semaphore, #tpu.memory_space<semaphore_mem>>)
      %dma_wait3A_47 = arith.constant 0 : i32
      %dma_wait3A_48 = arith.constant 0 : i32
      %dma_wait3A_49 = tpu.memref_slice %arg14[%dma_wait3A_47, %dma_wait3A_48] : memref<640x16xf32, #tpu.memory_space<vmem>> -> memref<632x16xf32, #tpu.memory_space<vmem>>
      %dma_wait3A_50 = arith.constant 0 : i32
      %dma_wait3A_51 = tpu.memref_slice %arg7[%arg0, %mul3A_0, %dma_wait3A_50] : memref<2x10112x16xf32, #tpu.memory_space<hbm>> -> memref<1x632x16xf32, #tpu.memory_space<hbm>>
      %dma_wait3A_52 = tpu.memref_squeeze %dma_wait3A_51 : memref<1x632x16xf32, #tpu.memory_space<hbm>> -> memref<632x16xf32, #tpu.memory_space<hbm>>
      %dma_wait3A_53 = arith.constant 0 : i32
      %dma_wait3A_54 = tpu.memref_slice %arg7[%arg0, %mul3A_0, %dma_wait3A_53] : memref<2x10112x16xf32, #tpu.memory_space<hbm>> -> memref<1x632x16xf32, #tpu.memory_space<hbm>>
      %dma_wait3A_55 = tpu.memref_squeeze %dma_wait3A_54 : memref<1x632x16xf32, #tpu.memory_space<hbm>> -> memref<632x16xf32, #tpu.memory_space<hbm>>
      %dma_wait3A_56 = arith.constant 0 : i32
      %dma_wait3A_57 = arith.constant 0 : i32
      %dma_wait3A_58 = tpu.memref_slice %arg14[%dma_wait3A_56, %dma_wait3A_57] : memref<640x16xf32, #tpu.memory_space<vmem>> -> memref<632x16xf32, #tpu.memory_space<vmem>>
      tpu.wait_dma2 semaphore(%run_scoped3A_34 : memref<!tpu.dma_semaphore, #tpu.memory_space<semaphore_mem>>) src(%dma_wait3A_58 : memref<632x16xf32, #tpu.memory_space<vmem>>) dst(%dma_wait3A_55 : memref<632x16xf32, #tpu.memory_space<hbm>>)
      tpu.yield
    }) : () -> ()
    return
  }
}

#map = affine_map<(d0, d1) -> (0, 0, 0)>
#map1 = affine_map<(d0, d1) -> (0, 0)>
module attributes {stable_mosaic.version = 14 : i64} {
  func.func @_deg_kernel_body(%arg0: i32, %arg1: i32, %arg2: memref<16x32x640xi32, #tpu.memory_space<hbm>>, %arg3: memref<640x16xf32, #tpu.memory_space<hbm>>, %arg4: memref<10112x16xf32, #tpu.memory_space<hbm>>, %arg5: memref<10112x16xf32, #tpu.memory_space<hbm>>, %arg6: memref<10112x16xf32, #tpu.memory_space<vmem_shared>>, %arg7: memref<32x640xi32, #tpu.memory_space<vmem>>, %arg8: memref<640x16xf32, #tpu.memory_space<vmem>>, %arg9: memref<!tpu.dma_semaphore, #tpu.memory_space<semaphore_mem>>) attributes {dimension_semantics = [#tpu.dimension_semantics<core_parallel>, #tpu.dimension_semantics<subcore_parallel>], iteration_bounds = array<i64: 2, 16>, scalar_prefetch = 0 : i64, scratch_operands = 4 : i64, tpu.core_type = #tpu.core_type<sc_vector_subcore>, window_params = [{transform_indices = #map}, {transform_indices = #map1}, {transform_indices = #map1}, {transform_indices = #map1}]} {
    %eq3A = arith.constant 0 : i32
    %eq3A_0 = arith.cmpi eq, %arg0, %eq3A : i32
    %convert_element_type3A = arith.extui %eq3A_0 : i1 to i32
    %cond3A = arith.constant 0 : i32
    %cond3A_1 = arith.cmpi ne, %convert_element_type3A, %cond3A : i32
    scf.if %cond3A_1 {
      %mul3A = arith.constant 632 : i32
      %mul3A_2 = arith.muli %arg1, %mul3A : i32
      "tpu.region"() ({
        %run_scoped3A = tpu.sem_alloc : memref<!tpu.dma_semaphore, #tpu.memory_space<semaphore_mem>>
        %dma_start3A = arith.constant 0 : i32
        %dma_start3A_8 = tpu.memref_slice %arg6[%mul3A_2, %dma_start3A] : memref<10112x16xf32, #tpu.memory_space<vmem_shared>> -> memref<632x16xf32, #tpu.memory_space<vmem_shared>>
        %dma_start3A_9 = arith.constant 0 : i32
        %dma_start3A_10 = tpu.memref_slice %arg4[%mul3A_2, %dma_start3A_9] : memref<10112x16xf32, #tpu.memory_space<hbm>> -> memref<632x16xf32, #tpu.memory_space<hbm>>
        tpu.enqueue_dma source(%dma_start3A_10 : memref<632x16xf32, #tpu.memory_space<hbm>>) target(%dma_start3A_8 : memref<632x16xf32, #tpu.memory_space<vmem_shared>>) target_semaphore(%run_scoped3A : memref<!tpu.dma_semaphore, #tpu.memory_space<semaphore_mem>>)
        %dma_wait3A = arith.constant 0 : i32
        %dma_wait3A_11 = tpu.memref_slice %arg6[%mul3A_2, %dma_wait3A] : memref<10112x16xf32, #tpu.memory_space<vmem_shared>> -> memref<632x16xf32, #tpu.memory_space<vmem_shared>>
        %dma_wait3A_12 = arith.constant 0 : i32
        %dma_wait3A_13 = tpu.memref_slice %arg4[%mul3A_2, %dma_wait3A_12] : memref<10112x16xf32, #tpu.memory_space<hbm>> -> memref<632x16xf32, #tpu.memory_space<hbm>>
        tpu.wait_dma2 semaphore(%run_scoped3A : memref<!tpu.dma_semaphore, #tpu.memory_space<semaphore_mem>>) src(%dma_wait3A_13 : memref<632x16xf32, #tpu.memory_space<hbm>>) dst(%dma_wait3A_11 : memref<632x16xf32, #tpu.memory_space<vmem_shared>>)
        tpu.yield
      }) : () -> ()
      "tpu.region"() ({
        %run_scoped3A = tpu.sem_alloc : memref<!tpu.dma_semaphore, #tpu.memory_space<semaphore_mem>>
        tpu.enqueue_dma source(%arg3 : memref<640x16xf32, #tpu.memory_space<hbm>>) target(%arg8 : memref<640x16xf32, #tpu.memory_space<vmem>>) target_semaphore(%run_scoped3A : memref<!tpu.dma_semaphore, #tpu.memory_space<semaphore_mem>>)
        tpu.wait_dma2 semaphore(%run_scoped3A : memref<!tpu.dma_semaphore, #tpu.memory_space<semaphore_mem>>) src(%arg3 : memref<640x16xf32, #tpu.memory_space<hbm>>) dst(%arg8 : memref<640x16xf32, #tpu.memory_space<vmem>>)
        tpu.yield
      }) : () -> ()
      "tpu.region"() ({
        %run_scoped3A = tpu.sem_alloc : memref<!tpu.dma_semaphore, #tpu.memory_space<semaphore_mem>>
        %dma_start3A = arith.constant 0 : i32
        %dma_start3A_8 = arith.constant 0 : i32
        %dma_start3A_9 = tpu.memref_slice %arg2[%arg1, %dma_start3A, %dma_start3A_8] : memref<16x32x640xi32, #tpu.memory_space<hbm>> -> memref<1x32x640xi32, #tpu.memory_space<hbm>>
        %dma_start3A_10 = tpu.memref_squeeze %dma_start3A_9 : memref<1x32x640xi32, #tpu.memory_space<hbm>> -> memref<32x640xi32, #tpu.memory_space<hbm>>
        %dma_start3A_11 = arith.constant 0 : i32
        %dma_start3A_12 = arith.constant 0 : i32
        %dma_start3A_13 = tpu.memref_slice %arg2[%arg1, %dma_start3A_11, %dma_start3A_12] : memref<16x32x640xi32, #tpu.memory_space<hbm>> -> memref<1x32x640xi32, #tpu.memory_space<hbm>>
        %dma_start3A_14 = tpu.memref_squeeze %dma_start3A_13 : memref<1x32x640xi32, #tpu.memory_space<hbm>> -> memref<32x640xi32, #tpu.memory_space<hbm>>
        tpu.enqueue_dma source(%dma_start3A_14 : memref<32x640xi32, #tpu.memory_space<hbm>>) target(%arg7 : memref<32x640xi32, #tpu.memory_space<vmem>>) target_semaphore(%run_scoped3A : memref<!tpu.dma_semaphore, #tpu.memory_space<semaphore_mem>>)
        %dma_wait3A = arith.constant 0 : i32
        %dma_wait3A_15 = arith.constant 0 : i32
        %dma_wait3A_16 = tpu.memref_slice %arg2[%arg1, %dma_wait3A, %dma_wait3A_15] : memref<16x32x640xi32, #tpu.memory_space<hbm>> -> memref<1x32x640xi32, #tpu.memory_space<hbm>>
        %dma_wait3A_17 = tpu.memref_squeeze %dma_wait3A_16 : memref<1x32x640xi32, #tpu.memory_space<hbm>> -> memref<32x640xi32, #tpu.memory_space<hbm>>
        %dma_wait3A_18 = arith.constant 0 : i32
        %dma_wait3A_19 = arith.constant 0 : i32
        %dma_wait3A_20 = tpu.memref_slice %arg2[%arg1, %dma_wait3A_18, %dma_wait3A_19] : memref<16x32x640xi32, #tpu.memory_space<hbm>> -> memref<1x32x640xi32, #tpu.memory_space<hbm>>
        %dma_wait3A_21 = tpu.memref_squeeze %dma_wait3A_20 : memref<1x32x640xi32, #tpu.memory_space<hbm>> -> memref<32x640xi32, #tpu.memory_space<hbm>>
        tpu.wait_dma2 semaphore(%run_scoped3A : memref<!tpu.dma_semaphore, #tpu.memory_space<semaphore_mem>>) src(%dma_wait3A_21 : memref<32x640xi32, #tpu.memory_space<hbm>>) dst(%arg7 : memref<32x640xi32, #tpu.memory_space<vmem>>)
        tpu.yield
      }) : () -> ()
      %barrier3A = arith.constant 0 : index
      tpu.barrier barrier_id(%barrier3A)
      %scan3A = arith.constant 0 : i32
      %scan3A_3 = arith.constant 32 : i32
      %scan3A_4 = arith.addi %scan3A, %scan3A_3 : i32
      %scan3A_5 = arith.constant 1 : i32
      scf.for %scan3A_8 = %scan3A to %scan3A_4 step %scan3A_5  : i32 {
        %mul3A_9 = arith.constant 1 : i32
        %mul3A_10 = arith.muli %scan3A_8, %mul3A_9 : i32
        %add3A = arith.constant 0 : i32
        %add3A_11 = arith.addi %add3A, %mul3A_10 : i32
        %dma_start3A = arith.constant 0 : i32
        %dma_start3A_12 = tpu.memref_slice %arg7[%add3A_11, %dma_start3A] : memref<32x640xi32, #tpu.memory_space<vmem>> -> memref<1x640xi32, #tpu.memory_space<vmem>>
        %dma_start3A_13 = tpu.memref_squeeze %dma_start3A_12 : memref<1x640xi32, #tpu.memory_space<vmem>> -> memref<640xi32, #tpu.memory_space<vmem>>
        %dma_start3A_14 = arith.constant 0 : i32
        %dma_start3A_15 = arith.constant 0 : i32
        %dma_start3A_16 = tpu.memref_slice %arg6[%dma_start3A_14, %dma_start3A_15] : memref<10112x16xf32, #tpu.memory_space<vmem_shared>> -> memref<10112x16xf32, #tpu.memory_space<vmem_shared>>
        tpu.enqueue_indirect_dma source(%arg8 : memref<640x16xf32, #tpu.memory_space<vmem>>) target(%dma_start3A_16 : memref<10112x16xf32, #tpu.memory_space<vmem_shared>>) offsets(%dma_start3A_13 : memref<640xi32, #tpu.memory_space<vmem>>) semaphore(%arg9 : memref<!tpu.dma_semaphore, #tpu.memory_space<semaphore_mem>>) {add = true}
        %dma_wait3A = arith.constant 0 : i32
        %dma_wait3A_17 = tpu.memref_slice %arg7[%add3A_11, %dma_wait3A] : memref<32x640xi32, #tpu.memory_space<vmem>> -> memref<1x640xi32, #tpu.memory_space<vmem>>
        %dma_wait3A_18 = tpu.memref_squeeze %dma_wait3A_17 : memref<1x640xi32, #tpu.memory_space<vmem>> -> memref<640xi32, #tpu.memory_space<vmem>>
        %dma_wait3A_19 = arith.constant 0 : i32
        %dma_wait3A_20 = arith.constant 0 : i32
        %dma_wait3A_21 = tpu.memref_slice %arg6[%dma_wait3A_19, %dma_wait3A_20] : memref<10112x16xf32, #tpu.memory_space<vmem_shared>> -> memref<10112x16xf32, #tpu.memory_space<vmem_shared>>
        tpu.wait_indirect_dma semaphore(%arg9 : memref<!tpu.dma_semaphore, #tpu.memory_space<semaphore_mem>>) src(%arg8 : memref<640x16xf32, #tpu.memory_space<vmem>>) dst(%dma_wait3A_21 : memref<10112x16xf32, #tpu.memory_space<vmem_shared>>)
      }
      %scan3A_6 = arith.constant 32 : i32
      %barrier3A_7 = arith.constant 0 : index
      tpu.barrier barrier_id(%barrier3A_7)
      "tpu.region"() ({
        %run_scoped3A = tpu.sem_alloc : memref<!tpu.dma_semaphore, #tpu.memory_space<semaphore_mem>>
        %dma_start3A = arith.constant 0 : i32
        %dma_start3A_8 = tpu.memref_slice %arg5[%mul3A_2, %dma_start3A] : memref<10112x16xf32, #tpu.memory_space<hbm>> -> memref<632x16xf32, #tpu.memory_space<hbm>>
        %dma_start3A_9 = arith.constant 0 : i32
        %dma_start3A_10 = tpu.memref_slice %arg6[%mul3A_2, %dma_start3A_9] : memref<10112x16xf32, #tpu.memory_space<vmem_shared>> -> memref<632x16xf32, #tpu.memory_space<vmem_shared>>
        tpu.enqueue_dma source(%dma_start3A_10 : memref<632x16xf32, #tpu.memory_space<vmem_shared>>) target(%dma_start3A_8 : memref<632x16xf32, #tpu.memory_space<hbm>>) target_semaphore(%run_scoped3A : memref<!tpu.dma_semaphore, #tpu.memory_space<semaphore_mem>>)
        %dma_wait3A = arith.constant 0 : i32
        %dma_wait3A_11 = tpu.memref_slice %arg5[%mul3A_2, %dma_wait3A] : memref<10112x16xf32, #tpu.memory_space<hbm>> -> memref<632x16xf32, #tpu.memory_space<hbm>>
        %dma_wait3A_12 = arith.constant 0 : i32
        %dma_wait3A_13 = tpu.memref_slice %arg6[%mul3A_2, %dma_wait3A_12] : memref<10112x16xf32, #tpu.memory_space<vmem_shared>> -> memref<632x16xf32, #tpu.memory_space<vmem_shared>>
        tpu.wait_dma2 semaphore(%run_scoped3A : memref<!tpu.dma_semaphore, #tpu.memory_space<semaphore_mem>>) src(%dma_wait3A_13 : memref<632x16xf32, #tpu.memory_space<vmem_shared>>) dst(%dma_wait3A_11 : memref<632x16xf32, #tpu.memory_space<hbm>>)
        tpu.yield
      }) : () -> ()
    } else {
    }
    return
  }
}

#map = affine_map<(d0, d1) -> (0, 0, 0, 0)>
#map1 = affine_map<(d0, d1) -> (0, 0)>
#map2 = affine_map<(d0, d1) -> (0, 0, 0)>
module attributes {stable_mosaic.version = 14 : i64} {
  func.func @_chain_body(%arg0: i32, %arg1: i32, %arg2: memref<2x12x10112x16xf32, #tpu.memory_space<hbm>>, %arg3: memref<10112x16xf32, #tpu.memory_space<hbm>>, %arg4: memref<16x32x640xi32, #tpu.memory_space<hbm>>, %arg5: memref<16x32x640xi32, #tpu.memory_space<hbm>>, %arg6: memref<632x16xf32, #tpu.memory_space<hbm>>, %arg7: memref<2x10112x16xf32, #tpu.memory_space<hbm>>, %arg8: memref<10112x16xf32, #tpu.memory_space<vmem_shared>>, %arg9: memref<10112x16xf32, #tpu.memory_space<vmem_shared>>, %arg10: memref<10112x16xf32, #tpu.memory_space<vmem_shared>>, %arg11: memref<10112x16xf32, #tpu.memory_space<vmem_shared>>, %arg12: memref<32x640xi32, #tpu.memory_space<vmem>>, %arg13: memref<32x640xi32, #tpu.memory_space<vmem>>, %arg14: memref<640x16xf32, #tpu.memory_space<vmem>>, %arg15: memref<640x16xf32, #tpu.memory_space<vmem>>, %arg16: memref<632x16xf32, #tpu.memory_space<vmem>>, %arg17: memref<632x16xf32, #tpu.memory_space<vmem>>, %arg18: memref<!tpu.dma_semaphore, #tpu.memory_space<semaphore_mem>>, %arg19: memref<!tpu.dma_semaphore, #tpu.memory_space<semaphore_mem>>, %arg20: memref<!tpu.dma_semaphore, #tpu.memory_space<semaphore_mem>>, %arg21: memref<!tpu.dma_semaphore, #tpu.memory_space<semaphore_mem>>) attributes {dimension_semantics = [#tpu.dimension_semantics<core_parallel>, #tpu.dimension_semantics<subcore_parallel>], iteration_bounds = array<i64: 2, 16>, scalar_prefetch = 0 : i64, scratch_operands = 14 : i64, tpu.core_type = #tpu.core_type<sc_vector_subcore>, window_params = [{transform_indices = #map}, {transform_indices = #map1}, {transform_indices = #map2}, {transform_indices = #map2}, {transform_indices = #map1}, {transform_indices = #map2}]} {
    %mul3A = arith.constant 632 : i32
    %mul3A_0 = arith.muli %arg1, %mul3A : i32
    "tpu.region"() ({
      %run_scoped3A_34 = tpu.sem_alloc : memref<!tpu.dma_semaphore, #tpu.memory_space<semaphore_mem>>
      %dma_start3A_35 = arith.constant 0 : i32
      %dma_start3A_36 = arith.constant 0 : i32
      %dma_start3A_37 = tpu.memref_slice %arg4[%arg1, %dma_start3A_35, %dma_start3A_36] : memref<16x32x640xi32, #tpu.memory_space<hbm>> -> memref<1x32x640xi32, #tpu.memory_space<hbm>>
      %dma_start3A_38 = tpu.memref_squeeze %dma_start3A_37 : memref<1x32x640xi32, #tpu.memory_space<hbm>> -> memref<32x640xi32, #tpu.memory_space<hbm>>
      %dma_start3A_39 = arith.constant 0 : i32
      %dma_start3A_40 = arith.constant 0 : i32
      %dma_start3A_41 = tpu.memref_slice %arg4[%arg1, %dma_start3A_39, %dma_start3A_40] : memref<16x32x640xi32, #tpu.memory_space<hbm>> -> memref<1x32x640xi32, #tpu.memory_space<hbm>>
      %dma_start3A_42 = tpu.memref_squeeze %dma_start3A_41 : memref<1x32x640xi32, #tpu.memory_space<hbm>> -> memref<32x640xi32, #tpu.memory_space<hbm>>
      tpu.enqueue_dma source(%dma_start3A_42 : memref<32x640xi32, #tpu.memory_space<hbm>>) target(%arg12 : memref<32x640xi32, #tpu.memory_space<vmem>>) target_semaphore(%run_scoped3A_34 : memref<!tpu.dma_semaphore, #tpu.memory_space<semaphore_mem>>)
      %dma_wait3A_43 = arith.constant 0 : i32
      %dma_wait3A_44 = arith.constant 0 : i32
      %dma_wait3A_45 = tpu.memref_slice %arg4[%arg1, %dma_wait3A_43, %dma_wait3A_44] : memref<16x32x640xi32, #tpu.memory_space<hbm>> -> memref<1x32x640xi32, #tpu.memory_space<hbm>>
      %dma_wait3A_46 = tpu.memref_squeeze %dma_wait3A_45 : memref<1x32x640xi32, #tpu.memory_space<hbm>> -> memref<32x640xi32, #tpu.memory_space<hbm>>
      %dma_wait3A_47 = arith.constant 0 : i32
      %dma_wait3A_48 = arith.constant 0 : i32
      %dma_wait3A_49 = tpu.memref_slice %arg4[%arg1, %dma_wait3A_47, %dma_wait3A_48] : memref<16x32x640xi32, #tpu.memory_space<hbm>> -> memref<1x32x640xi32, #tpu.memory_space<hbm>>
      %dma_wait3A_50 = tpu.memref_squeeze %dma_wait3A_49 : memref<1x32x640xi32, #tpu.memory_space<hbm>> -> memref<32x640xi32, #tpu.memory_space<hbm>>
      tpu.wait_dma2 semaphore(%run_scoped3A_34 : memref<!tpu.dma_semaphore, #tpu.memory_space<semaphore_mem>>) src(%dma_wait3A_50 : memref<32x640xi32, #tpu.memory_space<hbm>>) dst(%arg12 : memref<32x640xi32, #tpu.memory_space<vmem>>)
      tpu.yield
    }) : () -> ()
    "tpu.region"() ({
      %run_scoped3A_34 = tpu.sem_alloc : memref<!tpu.dma_semaphore, #tpu.memory_space<semaphore_mem>>
      %dma_start3A_35 = arith.constant 0 : i32
      %dma_start3A_36 = arith.constant 0 : i32
      %dma_start3A_37 = tpu.memref_slice %arg5[%arg1, %dma_start3A_35, %dma_start3A_36] : memref<16x32x640xi32, #tpu.memory_space<hbm>> -> memref<1x32x640xi32, #tpu.memory_space<hbm>>
      %dma_start3A_38 = tpu.memref_squeeze %dma_start3A_37 : memref<1x32x640xi32, #tpu.memory_space<hbm>> -> memref<32x640xi32, #tpu.memory_space<hbm>>
      %dma_start3A_39 = arith.constant 0 : i32
      %dma_start3A_40 = arith.constant 0 : i32
      %dma_start3A_41 = tpu.memref_slice %arg5[%arg1, %dma_start3A_39, %dma_start3A_40] : memref<16x32x640xi32, #tpu.memory_space<hbm>> -> memref<1x32x640xi32, #tpu.memory_space<hbm>>
      %dma_start3A_42 = tpu.memref_squeeze %dma_start3A_41 : memref<1x32x640xi32, #tpu.memory_space<hbm>> -> memref<32x640xi32, #tpu.memory_space<hbm>>
      tpu.enqueue_dma source(%dma_start3A_42 : memref<32x640xi32, #tpu.memory_space<hbm>>) target(%arg13 : memref<32x640xi32, #tpu.memory_space<vmem>>) target_semaphore(%run_scoped3A_34 : memref<!tpu.dma_semaphore, #tpu.memory_space<semaphore_mem>>)
      %dma_wait3A_43 = arith.constant 0 : i32
      %dma_wait3A_44 = arith.constant 0 : i32
      %dma_wait3A_45 = tpu.memref_slice %arg5[%arg1, %dma_wait3A_43, %dma_wait3A_44] : memref<16x32x640xi32, #tpu.memory_space<hbm>> -> memref<1x32x640xi32, #tpu.memory_space<hbm>>
      %dma_wait3A_46 = tpu.memref_squeeze %dma_wait3A_45 : memref<1x32x640xi32, #tpu.memory_space<hbm>> -> memref<32x640xi32, #tpu.memory_space<hbm>>
      %dma_wait3A_47 = arith.constant 0 : i32
      %dma_wait3A_48 = arith.constant 0 : i32
      %dma_wait3A_49 = tpu.memref_slice %arg5[%arg1, %dma_wait3A_47, %dma_wait3A_48] : memref<16x32x640xi32, #tpu.memory_space<hbm>> -> memref<1x32x640xi32, #tpu.memory_space<hbm>>
      %dma_wait3A_50 = tpu.memref_squeeze %dma_wait3A_49 : memref<1x32x640xi32, #tpu.memory_space<hbm>> -> memref<32x640xi32, #tpu.memory_space<hbm>>
      tpu.wait_dma2 semaphore(%run_scoped3A_34 : memref<!tpu.dma_semaphore, #tpu.memory_space<semaphore_mem>>) src(%dma_wait3A_50 : memref<32x640xi32, #tpu.memory_space<hbm>>) dst(%arg13 : memref<32x640xi32, #tpu.memory_space<vmem>>)
      tpu.yield
    }) : () -> ()
    "tpu.region"() ({
      %run_scoped3A_34 = tpu.sem_alloc : memref<!tpu.dma_semaphore, #tpu.memory_space<semaphore_mem>>
      %dma_start3A_35 = arith.constant 0 : i32
      %dma_start3A_36 = tpu.memref_slice %arg3[%mul3A_0, %dma_start3A_35] : memref<10112x16xf32, #tpu.memory_space<hbm>> -> memref<632x16xf32, #tpu.memory_space<hbm>>
      %dma_start3A_37 = arith.constant 0 : i32
      %dma_start3A_38 = tpu.memref_slice %arg3[%mul3A_0, %dma_start3A_37] : memref<10112x16xf32, #tpu.memory_space<hbm>> -> memref<632x16xf32, #tpu.memory_space<hbm>>
      tpu.enqueue_dma source(%dma_start3A_38 : memref<632x16xf32, #tpu.memory_space<hbm>>) target(%arg16 : memref<632x16xf32, #tpu.memory_space<vmem>>) target_semaphore(%run_scoped3A_34 : memref<!tpu.dma_semaphore, #tpu.memory_space<semaphore_mem>>)
      %dma_wait3A_39 = arith.constant 0 : i32
      %dma_wait3A_40 = tpu.memref_slice %arg3[%mul3A_0, %dma_wait3A_39] : memref<10112x16xf32, #tpu.memory_space<hbm>> -> memref<632x16xf32, #tpu.memory_space<hbm>>
      %dma_wait3A_41 = arith.constant 0 : i32
      %dma_wait3A_42 = tpu.memref_slice %arg3[%mul3A_0, %dma_wait3A_41] : memref<10112x16xf32, #tpu.memory_space<hbm>> -> memref<632x16xf32, #tpu.memory_space<hbm>>
      tpu.wait_dma2 semaphore(%run_scoped3A_34 : memref<!tpu.dma_semaphore, #tpu.memory_space<semaphore_mem>>) src(%dma_wait3A_42 : memref<632x16xf32, #tpu.memory_space<hbm>>) dst(%arg16 : memref<632x16xf32, #tpu.memory_space<vmem>>)
      tpu.yield
    }) : () -> ()
    %run_scoped3A = arith.constant 11 : i32
    "tpu.region"() ({
      %run_scoped3A_34 = tpu.sem_alloc : memref<!tpu.dma_semaphore, #tpu.memory_space<semaphore_mem>>
      %dma_start3A_35 = arith.constant 0 : i32
      %dma_start3A_36 = arith.constant 0 : i32
      %dma_start3A_37 = tpu.memref_slice %arg14[%dma_start3A_35, %dma_start3A_36] : memref<640x16xf32, #tpu.memory_space<vmem>> -> memref<632x16xf32, #tpu.memory_space<vmem>>
      %dma_start3A_38 = arith.constant 0 : i32
      %dma_start3A_39 = tpu.memref_slice %arg2[%arg0, %run_scoped3A, %mul3A_0, %dma_start3A_38] : memref<2x12x10112x16xf32, #tpu.memory_space<hbm>> -> memref<1x1x632x16xf32, #tpu.memory_space<hbm>>
      %dma_start3A_40 = tpu.memref_squeeze %dma_start3A_39 : memref<1x1x632x16xf32, #tpu.memory_space<hbm>> -> memref<632x16xf32, #tpu.memory_space<hbm>>
      %dma_start3A_41 = arith.constant 0 : i32
      %dma_start3A_42 = arith.constant 0 : i32
      %dma_start3A_43 = tpu.memref_slice %arg14[%dma_start3A_41, %dma_start3A_42] : memref<640x16xf32, #tpu.memory_space<vmem>> -> memref<632x16xf32, #tpu.memory_space<vmem>>
      %dma_start3A_44 = arith.constant 0 : i32
      %dma_start3A_45 = tpu.memref_slice %arg2[%arg0, %run_scoped3A, %mul3A_0, %dma_start3A_44] : memref<2x12x10112x16xf32, #tpu.memory_space<hbm>> -> memref<1x1x632x16xf32, #tpu.memory_space<hbm>>
      %dma_start3A_46 = tpu.memref_squeeze %dma_start3A_45 : memref<1x1x632x16xf32, #tpu.memory_space<hbm>> -> memref<632x16xf32, #tpu.memory_space<hbm>>
      tpu.enqueue_dma source(%dma_start3A_46 : memref<632x16xf32, #tpu.memory_space<hbm>>) target(%dma_start3A_43 : memref<632x16xf32, #tpu.memory_space<vmem>>) target_semaphore(%run_scoped3A_34 : memref<!tpu.dma_semaphore, #tpu.memory_space<semaphore_mem>>)
      %dma_wait3A_47 = arith.constant 0 : i32
      %dma_wait3A_48 = arith.constant 0 : i32
      %dma_wait3A_49 = tpu.memref_slice %arg14[%dma_wait3A_47, %dma_wait3A_48] : memref<640x16xf32, #tpu.memory_space<vmem>> -> memref<632x16xf32, #tpu.memory_space<vmem>>
      %dma_wait3A_50 = arith.constant 0 : i32
      %dma_wait3A_51 = tpu.memref_slice %arg2[%arg0, %run_scoped3A, %mul3A_0, %dma_wait3A_50] : memref<2x12x10112x16xf32, #tpu.memory_space<hbm>> -> memref<1x1x632x16xf32, #tpu.memory_space<hbm>>
      %dma_wait3A_52 = tpu.memref_squeeze %dma_wait3A_51 : memref<1x1x632x16xf32, #tpu.memory_space<hbm>> -> memref<632x16xf32, #tpu.memory_space<hbm>>
      %dma_wait3A_53 = arith.constant 0 : i32
      %dma_wait3A_54 = arith.constant 0 : i32
      %dma_wait3A_55 = tpu.memref_slice %arg14[%dma_wait3A_53, %dma_wait3A_54] : memref<640x16xf32, #tpu.memory_space<vmem>> -> memref<632x16xf32, #tpu.memory_space<vmem>>
      %dma_wait3A_56 = arith.constant 0 : i32
      %dma_wait3A_57 = tpu.memref_slice %arg2[%arg0, %run_scoped3A, %mul3A_0, %dma_wait3A_56] : memref<2x12x10112x16xf32, #tpu.memory_space<hbm>> -> memref<1x1x632x16xf32, #tpu.memory_space<hbm>>
      %dma_wait3A_58 = tpu.memref_squeeze %dma_wait3A_57 : memref<1x1x632x16xf32, #tpu.memory_space<hbm>> -> memref<632x16xf32, #tpu.memory_space<hbm>>
      tpu.wait_dma2 semaphore(%run_scoped3A_34 : memref<!tpu.dma_semaphore, #tpu.memory_space<semaphore_mem>>) src(%dma_wait3A_58 : memref<632x16xf32, #tpu.memory_space<hbm>>) dst(%dma_wait3A_55 : memref<632x16xf32, #tpu.memory_space<vmem>>)
      tpu.yield
    }) : () -> ()
    %scan3A = arith.constant 0 : i32
    %scan3A_1 = arith.constant 632 : i32
    %scan3A_2 = arith.addi %scan3A, %scan3A_1 : i32
    %scan3A_3 = arith.constant 1 : i32
    scf.for %scan3A_34 = %scan3A to %scan3A_2 step %scan3A_3  : i32 {
      %mul3A_35 = arith.constant 1 : i32
      %mul3A_36 = arith.muli %scan3A_34, %mul3A_35 : i32
      %add3A = arith.constant 0 : i32
      %add3A_37 = arith.addi %add3A, %mul3A_36 : i32
      %get3A = arith.constant 0 : i32
      %get3A_38 = arith.constant 0 : i32
      %get3A_39 = tpu.memref_slice %arg14[%get3A, %get3A_38] : memref<640x16xf32, #tpu.memory_space<vmem>> -> memref<632x16xf32, #tpu.memory_space<vmem>>
      %get3A_40 = arith.index_cast %add3A_37 : i32 to index
      %get3A_41 = arith.constant 0 : index
      %get3A_42 = tpu.vector_load %get3A_39[%get3A_40, %get3A_41] {strides = array<i32>} : memref<632x16xf32, #tpu.memory_space<vmem>>, vector<1x16xf32>,
      %get3A_43 = vector.shape_cast %get3A_42 : vector<1x16xf32> to vector<16xf32>
      %get3A_44 = arith.index_cast %add3A_37 : i32 to index
      %get3A_45 = arith.constant 0 : index
      %get3A_46 = tpu.vector_load %arg16[%get3A_44, %get3A_45] {strides = array<i32>} : memref<632x16xf32, #tpu.memory_space<vmem>>, vector<1x16xf32>,
      %get3A_47 = vector.shape_cast %get3A_46 : vector<1x16xf32> to vector<16xf32>
      %mul3A_48 = arith.mulf %get3A_43, %get3A_47 : vector<16xf32>
      %swap3A = arith.constant 0 : i32
      %swap3A_49 = arith.constant 0 : i32
      %swap3A_50 = tpu.memref_slice %arg15[%swap3A, %swap3A_49] : memref<640x16xf32, #tpu.memory_space<vmem>> -> memref<632x16xf32, #tpu.memory_space<vmem>>
      %swap3A_51 = arith.index_cast %add3A_37 : i32 to index
      %swap3A_52 = arith.constant 0 : index
      %swap3A_53 = tpu.vector_load %swap3A_50[%swap3A_51, %swap3A_52] {strides = array<i32>} : memref<632x16xf32, #tpu.memory_space<vmem>>, vector<1x16xf32>,
      %swap3A_54 = vector.shape_cast %swap3A_53 : vector<1x16xf32> to vector<16xf32>
      %swap3A_55 = vector.shape_cast %mul3A_48 : vector<16xf32> to vector<1x16xf32>
      tpu.vector_store %swap3A_50[%swap3A_51, %swap3A_52], %swap3A_55 {strides = array<i32>} : memref<632x16xf32, #tpu.memory_space<vmem>>, vector<1x16xf32>,
    }
    %scan3A_4 = arith.constant 632 : i32
    "tpu.region"() ({
      %run_scoped3A_34 = tpu.sem_alloc : memref<!tpu.dma_semaphore, #tpu.memory_space<semaphore_mem>>
      %dma_start3A_35 = arith.constant 0 : i32
      %dma_start3A_36 = arith.constant 0 : i32
      %dma_start3A_37 = tpu.memref_slice %arg14[%dma_start3A_35, %dma_start3A_36] : memref<640x16xf32, #tpu.memory_space<vmem>> -> memref<632x16xf32, #tpu.memory_space<vmem>>
      %dma_start3A_38 = arith.constant 0 : i32
      %dma_start3A_39 = tpu.memref_slice %arg8[%mul3A_0, %dma_start3A_38] : memref<10112x16xf32, #tpu.memory_space<vmem_shared>> -> memref<632x16xf32, #tpu.memory_space<vmem_shared>>
      %dma_start3A_40 = arith.constant 0 : i32
      %dma_start3A_41 = tpu.memref_slice %arg8[%mul3A_0, %dma_start3A_40] : memref<10112x16xf32, #tpu.memory_space<vmem_shared>> -> memref<632x16xf32, #tpu.memory_space<vmem_shared>>
      %dma_start3A_42 = arith.constant 0 : i32
      %dma_start3A_43 = arith.constant 0 : i32
      %dma_start3A_44 = tpu.memref_slice %arg14[%dma_start3A_42, %dma_start3A_43] : memref<640x16xf32, #tpu.memory_space<vmem>> -> memref<632x16xf32, #tpu.memory_space<vmem>>
      tpu.enqueue_dma source(%dma_start3A_44 : memref<632x16xf32, #tpu.memory_space<vmem>>) target(%dma_start3A_41 : memref<632x16xf32, #tpu.memory_space<vmem_shared>>) target_semaphore(%run_scoped3A_34 : memref<!tpu.dma_semaphore, #tpu.memory_space<semaphore_mem>>)
      %dma_wait3A_45 = arith.constant 0 : i32
      %dma_wait3A_46 = arith.constant 0 : i32
      %dma_wait3A_47 = tpu.memref_slice %arg14[%dma_wait3A_45, %dma_wait3A_46] : memref<640x16xf32, #tpu.memory_space<vmem>> -> memref<632x16xf32, #tpu.memory_space<vmem>>
      %dma_wait3A_48 = arith.constant 0 : i32
      %dma_wait3A_49 = tpu.memref_slice %arg8[%mul3A_0, %dma_wait3A_48] : memref<10112x16xf32, #tpu.memory_space<vmem_shared>> -> memref<632x16xf32, #tpu.memory_space<vmem_shared>>
      %dma_wait3A_50 = arith.constant 0 : i32
      %dma_wait3A_51 = tpu.memref_slice %arg8[%mul3A_0, %dma_wait3A_50] : memref<10112x16xf32, #tpu.memory_space<vmem_shared>> -> memref<632x16xf32, #tpu.memory_space<vmem_shared>>
      %dma_wait3A_52 = arith.constant 0 : i32
      %dma_wait3A_53 = arith.constant 0 : i32
      %dma_wait3A_54 = tpu.memref_slice %arg14[%dma_wait3A_52, %dma_wait3A_53] : memref<640x16xf32, #tpu.memory_space<vmem>> -> memref<632x16xf32, #tpu.memory_space<vmem>>
      tpu.wait_dma2 semaphore(%run_scoped3A_34 : memref<!tpu.dma_semaphore, #tpu.memory_space<semaphore_mem>>) src(%dma_wait3A_54 : memref<632x16xf32, #tpu.memory_space<vmem>>) dst(%dma_wait3A_51 : memref<632x16xf32, #tpu.memory_space<vmem_shared>>)
      tpu.yield
    }) : () -> ()
    "tpu.region"() ({
      %run_scoped3A_34 = tpu.sem_alloc : memref<!tpu.dma_semaphore, #tpu.memory_space<semaphore_mem>>
      %dma_start3A_35 = arith.constant 0 : i32
      %dma_start3A_36 = arith.constant 0 : i32
      %dma_start3A_37 = tpu.memref_slice %arg15[%dma_start3A_35, %dma_start3A_36] : memref<640x16xf32, #tpu.memory_space<vmem>> -> memref<632x16xf32, #tpu.memory_space<vmem>>
      %dma_start3A_38 = arith.constant 0 : i32
      %dma_start3A_39 = tpu.memref_slice %arg10[%mul3A_0, %dma_start3A_38] : memref<10112x16xf32, #tpu.memory_space<vmem_shared>> -> memref<632x16xf32, #tpu.memory_space<vmem_shared>>
      %dma_start3A_40 = arith.constant 0 : i32
      %dma_start3A_41 = tpu.memref_slice %arg10[%mul3A_0, %dma_start3A_40] : memref<10112x16xf32, #tpu.memory_space<vmem_shared>> -> memref<632x16xf32, #tpu.memory_space<vmem_shared>>
      %dma_start3A_42 = arith.constant 0 : i32
      %dma_start3A_43 = arith.constant 0 : i32
      %dma_start3A_44 = tpu.memref_slice %arg15[%dma_start3A_42, %dma_start3A_43] : memref<640x16xf32, #tpu.memory_space<vmem>> -> memref<632x16xf32, #tpu.memory_space<vmem>>
      tpu.enqueue_dma source(%dma_start3A_44 : memref<632x16xf32, #tpu.memory_space<vmem>>) target(%dma_start3A_41 : memref<632x16xf32, #tpu.memory_space<vmem_shared>>) target_semaphore(%run_scoped3A_34 : memref<!tpu.dma_semaphore, #tpu.memory_space<semaphore_mem>>)
      %dma_wait3A_45 = arith.constant 0 : i32
      %dma_wait3A_46 = arith.constant 0 : i32
      %dma_wait3A_47 = tpu.memref_slice %arg15[%dma_wait3A_45, %dma_wait3A_46] : memref<640x16xf32, #tpu.memory_space<vmem>> -> memref<632x16xf32, #tpu.memory_space<vmem>>
      %dma_wait3A_48 = arith.constant 0 : i32
      %dma_wait3A_49 = tpu.memref_slice %arg10[%mul3A_0, %dma_wait3A_48] : memref<10112x16xf32, #tpu.memory_space<vmem_shared>> -> memref<632x16xf32, #tpu.memory_space<vmem_shared>>
      %dma_wait3A_50 = arith.constant 0 : i32
      %dma_wait3A_51 = tpu.memref_slice %arg10[%mul3A_0, %dma_wait3A_50] : memref<10112x16xf32, #tpu.memory_space<vmem_shared>> -> memref<632x16xf32, #tpu.memory_space<vmem_shared>>
      %dma_wait3A_52 = arith.constant 0 : i32
      %dma_wait3A_53 = arith.constant 0 : i32
      %dma_wait3A_54 = tpu.memref_slice %arg15[%dma_wait3A_52, %dma_wait3A_53] : memref<640x16xf32, #tpu.memory_space<vmem>> -> memref<632x16xf32, #tpu.memory_space<vmem>>
      tpu.wait_dma2 semaphore(%run_scoped3A_34 : memref<!tpu.dma_semaphore, #tpu.memory_space<semaphore_mem>>) src(%dma_wait3A_54 : memref<632x16xf32, #tpu.memory_space<vmem>>) dst(%dma_wait3A_51 : memref<632x16xf32, #tpu.memory_space<vmem_shared>>)
      tpu.yield
    }) : () -> ()
    "tpu.region"() ({
      %run_scoped3A_34 = tpu.sem_alloc : memref<!tpu.dma_semaphore, #tpu.memory_space<semaphore_mem>>
      %dma_start3A_35 = arith.constant 0 : i32
      %dma_start3A_36 = tpu.memref_slice %arg9[%mul3A_0, %dma_start3A_35] : memref<10112x16xf32, #tpu.memory_space<vmem_shared>> -> memref<632x16xf32, #tpu.memory_space<vmem_shared>>
      tpu.enqueue_dma source(%arg6 : memref<632x16xf32, #tpu.memory_space<hbm>>) target(%dma_start3A_36 : memref<632x16xf32, #tpu.memory_space<vmem_shared>>) target_semaphore(%run_scoped3A_34 : memref<!tpu.dma_semaphore, #tpu.memory_space<semaphore_mem>>)
      %dma_wait3A_37 = arith.constant 0 : i32
      %dma_wait3A_38 = tpu.memref_slice %arg9[%mul3A_0, %dma_wait3A_37] : memref<10112x16xf32, #tpu.memory_space<vmem_shared>> -> memref<632x16xf32, #tpu.memory_space<vmem_shared>>
      tpu.wait_dma2 semaphore(%run_scoped3A_34 : memref<!tpu.dma_semaphore, #tpu.memory_space<semaphore_mem>>) src(%arg6 : memref<632x16xf32, #tpu.memory_space<hbm>>) dst(%dma_wait3A_38 : memref<632x16xf32, #tpu.memory_space<vmem_shared>>)
      tpu.yield
    }) : () -> ()
    "tpu.region"() ({
      %run_scoped3A_34 = tpu.sem_alloc : memref<!tpu.dma_semaphore, #tpu.memory_space<semaphore_mem>>
      %dma_start3A_35 = arith.constant 0 : i32
      %dma_start3A_36 = tpu.memref_slice %arg11[%mul3A_0, %dma_start3A_35] : memref<10112x16xf32, #tpu.memory_space<vmem_shared>> -> memref<632x16xf32, #tpu.memory_space<vmem_shared>>
      tpu.enqueue_dma source(%arg6 : memref<632x16xf32, #tpu.memory_space<hbm>>) target(%dma_start3A_36 : memref<632x16xf32, #tpu.memory_space<vmem_shared>>) target_semaphore(%run_scoped3A_34 : memref<!tpu.dma_semaphore, #tpu.memory_space<semaphore_mem>>)
      %dma_wait3A_37 = arith.constant 0 : i32
      %dma_wait3A_38 = tpu.memref_slice %arg11[%mul3A_0, %dma_wait3A_37] : memref<10112x16xf32, #tpu.memory_space<vmem_shared>> -> memref<632x16xf32, #tpu.memory_space<vmem_shared>>
      tpu.wait_dma2 semaphore(%run_scoped3A_34 : memref<!tpu.dma_semaphore, #tpu.memory_space<semaphore_mem>>) src(%arg6 : memref<632x16xf32, #tpu.memory_space<hbm>>) dst(%dma_wait3A_38 : memref<632x16xf32, #tpu.memory_space<vmem_shared>>)
      tpu.yield
    }) : () -> ()
    %barrier3A = arith.constant 0 : index
    tpu.barrier barrier_id(%barrier3A)
    %scan3A_5 = arith.constant 0 : i32
    %scan3A_6 = arith.constant 5 : i32
    %scan3A_7 = arith.addi %scan3A_5, %scan3A_6 : i32
    %scan3A_8 = arith.constant 1 : i32
    scf.for %scan3A_34 = %scan3A_5 to %scan3A_7 step %scan3A_8  : i32 {
      %mul3A_35 = arith.constant 1 : i32
      %mul3A_36 = arith.muli %scan3A_34, %mul3A_35 : i32
      %add3A = arith.constant 0 : i32
      %add3A_37 = arith.addi %add3A, %mul3A_36 : i32
      %mul3A_38 = arith.constant 2 : i32
      %mul3A_39 = arith.muli %mul3A_38, %add3A_37 : i32
      %sub3A = arith.constant 10 : i32
      %sub3A_40 = arith.subi %sub3A, %mul3A_39 : i32
      %dma_start3A_41 = arith.constant 0 : i32
      %dma_start3A_42 = arith.constant 0 : i32
      %dma_start3A_43 = tpu.memref_slice %arg12[%dma_start3A_41, %dma_start3A_42] : memref<32x640xi32, #tpu.memory_space<vmem>> -> memref<1x640xi32, #tpu.memory_space<vmem>>
      %dma_start3A_44 = tpu.memref_squeeze %dma_start3A_43 : memref<1x640xi32, #tpu.memory_space<vmem>> -> memref<640xi32, #tpu.memory_space<vmem>>
      %dma_start3A_45 = arith.constant 0 : i32
      %dma_start3A_46 = arith.constant 0 : i32
      %dma_start3A_47 = tpu.memref_slice %arg10[%dma_start3A_45, %dma_start3A_46] : memref<10112x16xf32, #tpu.memory_space<vmem_shared>> -> memref<10112x16xf32, #tpu.memory_space<vmem_shared>>
      tpu.enqueue_indirect_dma source(%dma_start3A_47 : memref<10112x16xf32, #tpu.memory_space<vmem_shared>>) target(%arg14 : memref<640x16xf32, #tpu.memory_space<vmem>>) offsets(%dma_start3A_44 : memref<640xi32, #tpu.memory_space<vmem>>) semaphore(%arg18 : memref<!tpu.dma_semaphore, #tpu.memory_space<semaphore_mem>>)
      %scan3A_48 = arith.constant 0 : i32
      %scan3A_49 = arith.constant 16 : i32
      %scan3A_50 = arith.addi %scan3A_48, %scan3A_49 : i32
      %scan3A_51 = arith.constant 1 : i32
      scf.for %scan3A_95 = %scan3A_48 to %scan3A_50 step %scan3A_51  : i32 {
        %mul3A_96 = arith.constant 1 : i32
        %mul3A_97 = arith.muli %scan3A_95, %mul3A_96 : i32
        %add3A_98 = arith.constant 0 : i32
        %add3A_99 = arith.addi %add3A_98, %mul3A_97 : i32
        %mul3A_100 = arith.constant 2 : i32
        %mul3A_101 = arith.muli %mul3A_100, %add3A_99 : i32
        %dma_wait3A_102 = arith.constant 0 : i32
        %dma_wait3A_103 = arith.constant 0 : i32
        %dma_wait3A_104 = tpu.memref_slice %arg12[%dma_wait3A_102, %dma_wait3A_103] : memref<32x640xi32, #tpu.memory_space<vmem>> -> memref<1x640xi32, #tpu.memory_space<vmem>>
        %dma_wait3A_105 = tpu.memref_squeeze %dma_wait3A_104 : memref<1x640xi32, #tpu.memory_space<vmem>> -> memref<640xi32, #tpu.memory_space<vmem>>
        %dma_wait3A_106 = arith.constant 0 : i32
        %dma_wait3A_107 = arith.constant 0 : i32
        %dma_wait3A_108 = tpu.memref_slice %arg10[%dma_wait3A_106, %dma_wait3A_107] : memref<10112x16xf32, #tpu.memory_space<vmem_shared>> -> memref<10112x16xf32, #tpu.memory_space<vmem_shared>>
        tpu.wait_indirect_dma semaphore(%arg18 : memref<!tpu.dma_semaphore, #tpu.memory_space<semaphore_mem>>) src(%dma_wait3A_108 : memref<10112x16xf32, #tpu.memory_space<vmem_shared>>) dst(%arg14 : memref<640x16xf32, #tpu.memory_space<vmem>>)
        %gt3A = arith.constant 0 : i32
        %gt3A_109 = arith.cmpi sgt, %add3A_99, %gt3A : i32
        %convert_element_type3A = arith.extui %gt3A_109 : i1 to i32
        %cond3A = arith.constant 0 : i32
        %cond3A_110 = arith.cmpi ne, %convert_element_type3A, %cond3A : i32
        scf.if %cond3A_110 {
          %dma_wait3A_153 = arith.constant 0 : i32
          %dma_wait3A_154 = arith.constant 0 : i32
          %dma_wait3A_155 = tpu.memref_slice %arg13[%dma_wait3A_153, %dma_wait3A_154] : memref<32x640xi32, #tpu.memory_space<vmem>> -> memref<1x640xi32, #tpu.memory_space<vmem>>
          %dma_wait3A_156 = tpu.memref_squeeze %dma_wait3A_155 : memref<1x640xi32, #tpu.memory_space<vmem>> -> memref<640xi32, #tpu.memory_space<vmem>>
          %dma_wait3A_157 = arith.constant 0 : i32
          %dma_wait3A_158 = arith.constant 0 : i32
          %dma_wait3A_159 = tpu.memref_slice %arg11[%dma_wait3A_157, %dma_wait3A_158] : memref<10112x16xf32, #tpu.memory_space<vmem_shared>> -> memref<10112x16xf32, #tpu.memory_space<vmem_shared>>
          tpu.wait_indirect_dma semaphore(%arg21 : memref<!tpu.dma_semaphore, #tpu.memory_space<semaphore_mem>>) src(%arg15 : memref<640x16xf32, #tpu.memory_space<vmem>>) dst(%dma_wait3A_159 : memref<10112x16xf32, #tpu.memory_space<vmem_shared>>)
        } else {
        }
        %add3A_111 = arith.constant 1 : i32
        %add3A_112 = arith.addi %mul3A_101, %add3A_111 : i32
        %dma_start3A_113 = arith.constant 0 : i32
        %dma_start3A_114 = tpu.memref_slice %arg12[%add3A_112, %dma_start3A_113] : memref<32x640xi32, #tpu.memory_space<vmem>> -> memref<1x640xi32, #tpu.memory_space<vmem>>
        %dma_start3A_115 = tpu.memref_squeeze %dma_start3A_114 : memref<1x640xi32, #tpu.memory_space<vmem>> -> memref<640xi32, #tpu.memory_space<vmem>>
        %dma_start3A_116 = arith.constant 0 : i32
        %dma_start3A_117 = arith.constant 0 : i32
        %dma_start3A_118 = tpu.memref_slice %arg10[%dma_start3A_116, %dma_start3A_117] : memref<10112x16xf32, #tpu.memory_space<vmem_shared>> -> memref<10112x16xf32, #tpu.memory_space<vmem_shared>>
        tpu.enqueue_indirect_dma source(%dma_start3A_118 : memref<10112x16xf32, #tpu.memory_space<vmem_shared>>) target(%arg15 : memref<640x16xf32, #tpu.memory_space<vmem>>) offsets(%dma_start3A_115 : memref<640xi32, #tpu.memory_space<vmem>>) semaphore(%arg19 : memref<!tpu.dma_semaphore, #tpu.memory_space<semaphore_mem>>)
        %dma_start3A_119 = arith.constant 0 : i32
        %dma_start3A_120 = tpu.memref_slice %arg13[%mul3A_101, %dma_start3A_119] : memref<32x640xi32, #tpu.memory_space<vmem>> -> memref<1x640xi32, #tpu.memory_space<vmem>>
        %dma_start3A_121 = tpu.memref_squeeze %dma_start3A_120 : memref<1x640xi32, #tpu.memory_space<vmem>> -> memref<640xi32, #tpu.memory_space<vmem>>
        %dma_start3A_122 = arith.constant 0 : i32
        %dma_start3A_123 = arith.constant 0 : i32
        %dma_start3A_124 = tpu.memref_slice %arg11[%dma_start3A_122, %dma_start3A_123] : memref<10112x16xf32, #tpu.memory_space<vmem_shared>> -> memref<10112x16xf32, #tpu.memory_space<vmem_shared>>
        tpu.enqueue_indirect_dma source(%arg14 : memref<640x16xf32, #tpu.memory_space<vmem>>) target(%dma_start3A_124 : memref<10112x16xf32, #tpu.memory_space<vmem_shared>>) offsets(%dma_start3A_121 : memref<640xi32, #tpu.memory_space<vmem>>) semaphore(%arg20 : memref<!tpu.dma_semaphore, #tpu.memory_space<semaphore_mem>>) {add = true}
        %dma_wait3A_125 = arith.constant 0 : i32
        %dma_wait3A_126 = arith.constant 0 : i32
        %dma_wait3A_127 = tpu.memref_slice %arg12[%dma_wait3A_125, %dma_wait3A_126] : memref<32x640xi32, #tpu.memory_space<vmem>> -> memref<1x640xi32, #tpu.memory_space<vmem>>
        %dma_wait3A_128 = tpu.memref_squeeze %dma_wait3A_127 : memref<1x640xi32, #tpu.memory_space<vmem>> -> memref<640xi32, #tpu.memory_space<vmem>>
        %dma_wait3A_129 = arith.constant 0 : i32
        %dma_wait3A_130 = arith.constant 0 : i32
        %dma_wait3A_131 = tpu.memref_slice %arg10[%dma_wait3A_129, %dma_wait3A_130] : memref<10112x16xf32, #tpu.memory_space<vmem_shared>> -> memref<10112x16xf32, #tpu.memory_space<vmem_shared>>
        tpu.wait_indirect_dma semaphore(%arg19 : memref<!tpu.dma_semaphore, #tpu.memory_space<semaphore_mem>>) src(%dma_wait3A_131 : memref<10112x16xf32, #tpu.memory_space<vmem_shared>>) dst(%arg15 : memref<640x16xf32, #tpu.memory_space<vmem>>)
        %dma_wait3A_132 = arith.constant 0 : i32
        %dma_wait3A_133 = arith.constant 0 : i32
        %dma_wait3A_134 = tpu.memref_slice %arg13[%dma_wait3A_132, %dma_wait3A_133] : memref<32x640xi32, #tpu.memory_space<vmem>> -> memref<1x640xi32, #tpu.memory_space<vmem>>
        %dma_wait3A_135 = tpu.memref_squeeze %dma_wait3A_134 : memref<1x640xi32, #tpu.memory_space<vmem>> -> memref<640xi32, #tpu.memory_space<vmem>>
        %dma_wait3A_136 = arith.constant 0 : i32
        %dma_wait3A_137 = arith.constant 0 : i32
        %dma_wait3A_138 = tpu.memref_slice %arg11[%dma_wait3A_136, %dma_wait3A_137] : memref<10112x16xf32, #tpu.memory_space<vmem_shared>> -> memref<10112x16xf32, #tpu.memory_space<vmem_shared>>
        tpu.wait_indirect_dma semaphore(%arg20 : memref<!tpu.dma_semaphore, #tpu.memory_space<semaphore_mem>>) src(%arg14 : memref<640x16xf32, #tpu.memory_space<vmem>>) dst(%dma_wait3A_138 : memref<10112x16xf32, #tpu.memory_space<vmem_shared>>)
        %add3A_139 = arith.constant 1 : i32
        %add3A_140 = arith.addi %add3A_99, %add3A_139 : i32
        %lt3A = arith.constant 16 : i32
        %lt3A_141 = arith.cmpi slt, %add3A_140, %lt3A : i32
        %convert_element_type3A_142 = arith.extui %lt3A_141 : i1 to i32
        %cond3A_143 = arith.constant 0 : i32
        %cond3A_144 = arith.cmpi ne, %convert_element_type3A_142, %cond3A_143 : i32
        scf.if %cond3A_144 {
          %add3A_153 = arith.constant 2 : i32
          %add3A_154 = arith.addi %mul3A_101, %add3A_153 : i32
          %dma_start3A_155 = arith.constant 0 : i32
          %dma_start3A_156 = tpu.memref_slice %arg12[%add3A_154, %dma_start3A_155] : memref<32x640xi32, #tpu.memory_space<vmem>> -> memref<1x640xi32, #tpu.memory_space<vmem>>
          %dma_start3A_157 = tpu.memref_squeeze %dma_start3A_156 : memref<1x640xi32, #tpu.memory_space<vmem>> -> memref<640xi32, #tpu.memory_space<vmem>>
          %dma_start3A_158 = arith.constant 0 : i32
          %dma_start3A_159 = arith.constant 0 : i32
          %dma_start3A_160 = tpu.memref_slice %arg10[%dma_start3A_158, %dma_start3A_159] : memref<10112x16xf32, #tpu.memory_space<vmem_shared>> -> memref<10112x16xf32, #tpu.memory_space<vmem_shared>>
          tpu.enqueue_indirect_dma source(%dma_start3A_160 : memref<10112x16xf32, #tpu.memory_space<vmem_shared>>) target(%arg14 : memref<640x16xf32, #tpu.memory_space<vmem>>) offsets(%dma_start3A_157 : memref<640xi32, #tpu.memory_space<vmem>>) semaphore(%arg18 : memref<!tpu.dma_semaphore, #tpu.memory_space<semaphore_mem>>)
        } else {
        }
        %add3A_145 = arith.constant 1 : i32
        %add3A_146 = arith.addi %mul3A_101, %add3A_145 : i32
        %dma_start3A_147 = arith.constant 0 : i32
        %dma_start3A_148 = tpu.memref_slice %arg13[%add3A_146, %dma_start3A_147] : memref<32x640xi32, #tpu.memory_space<vmem>> -> memref<1x640xi32, #tpu.memory_space<vmem>>
        %dma_start3A_149 = tpu.memref_squeeze %dma_start3A_148 : memref<1x640xi32, #tpu.memory_space<vmem>> -> memref<640xi32, #tpu.memory_space<vmem>>
        %dma_start3A_150 = arith.constant 0 : i32
        %dma_start3A_151 = arith.constant 0 : i32
        %dma_start3A_152 = tpu.memref_slice %arg11[%dma_start3A_150, %dma_start3A_151] : memref<10112x16xf32, #tpu.memory_space<vmem_shared>> -> memref<10112x16xf32, #tpu.memory_space<vmem_shared>>
        tpu.enqueue_indirect_dma source(%arg15 : memref<640x16xf32, #tpu.memory_space<vmem>>) target(%dma_start3A_152 : memref<10112x16xf32, #tpu.memory_space<vmem_shared>>) offsets(%dma_start3A_149 : memref<640xi32, #tpu.memory_space<vmem>>) semaphore(%arg21 : memref<!tpu.dma_semaphore, #tpu.memory_space<semaphore_mem>>) {add = true}
      }
      %scan3A_52 = arith.constant 16 : i32
      %dma_wait3A_53 = arith.constant 0 : i32
      %dma_wait3A_54 = arith.constant 0 : i32
      %dma_wait3A_55 = tpu.memref_slice %arg13[%dma_wait3A_53, %dma_wait3A_54] : memref<32x640xi32, #tpu.memory_space<vmem>> -> memref<1x640xi32, #tpu.memory_space<vmem>>
      %dma_wait3A_56 = tpu.memref_squeeze %dma_wait3A_55 : memref<1x640xi32, #tpu.memory_space<vmem>> -> memref<640xi32, #tpu.memory_space<vmem>>
      %dma_wait3A_57 = arith.constant 0 : i32
      %dma_wait3A_58 = arith.constant 0 : i32
      %dma_wait3A_59 = tpu.memref_slice %arg11[%dma_wait3A_57, %dma_wait3A_58] : memref<10112x16xf32, #tpu.memory_space<vmem_shared>> -> memref<10112x16xf32, #tpu.memory_space<vmem_shared>>
      tpu.wait_indirect_dma semaphore(%arg21 : memref<!tpu.dma_semaphore, #tpu.memory_space<semaphore_mem>>) src(%arg15 : memref<640x16xf32, #tpu.memory_space<vmem>>) dst(%dma_wait3A_59 : memref<10112x16xf32, #tpu.memory_space<vmem_shared>>)
      %barrier3A_60 = arith.constant 0 : index
      tpu.barrier barrier_id(%barrier3A_60)
      "tpu.region"() ({
        %run_scoped3A_95 = tpu.sem_alloc : memref<!tpu.dma_semaphore, #tpu.memory_space<semaphore_mem>>
        %dma_start3A_96 = arith.constant 0 : i32
        %dma_start3A_97 = arith.constant 0 : i32
        %dma_start3A_98 = tpu.memref_slice %arg14[%dma_start3A_96, %dma_start3A_97] : memref<640x16xf32, #tpu.memory_space<vmem>> -> memref<632x16xf32, #tpu.memory_space<vmem>>
        %dma_start3A_99 = arith.constant 0 : i32
        %dma_start3A_100 = tpu.memref_slice %arg2[%arg0, %sub3A_40, %mul3A_0, %dma_start3A_99] : memref<2x12x10112x16xf32, #tpu.memory_space<hbm>> -> memref<1x1x632x16xf32, #tpu.memory_space<hbm>>
        %dma_start3A_101 = tpu.memref_squeeze %dma_start3A_100 : memref<1x1x632x16xf32, #tpu.memory_space<hbm>> -> memref<632x16xf32, #tpu.memory_space<hbm>>
        %dma_start3A_102 = arith.constant 0 : i32
        %dma_start3A_103 = arith.constant 0 : i32
        %dma_start3A_104 = tpu.memref_slice %arg14[%dma_start3A_102, %dma_start3A_103] : memref<640x16xf32, #tpu.memory_space<vmem>> -> memref<632x16xf32, #tpu.memory_space<vmem>>
        %dma_start3A_105 = arith.constant 0 : i32
        %dma_start3A_106 = tpu.memref_slice %arg2[%arg0, %sub3A_40, %mul3A_0, %dma_start3A_105] : memref<2x12x10112x16xf32, #tpu.memory_space<hbm>> -> memref<1x1x632x16xf32, #tpu.memory_space<hbm>>
        %dma_start3A_107 = tpu.memref_squeeze %dma_start3A_106 : memref<1x1x632x16xf32, #tpu.memory_space<hbm>> -> memref<632x16xf32, #tpu.memory_space<hbm>>
        tpu.enqueue_dma source(%dma_start3A_107 : memref<632x16xf32, #tpu.memory_space<hbm>>) target(%dma_start3A_104 : memref<632x16xf32, #tpu.memory_space<vmem>>) target_semaphore(%run_scoped3A_95 : memref<!tpu.dma_semaphore, #tpu.memory_space<semaphore_mem>>)
        %dma_wait3A_108 = arith.constant 0 : i32
        %dma_wait3A_109 = arith.constant 0 : i32
        %dma_wait3A_110 = tpu.memref_slice %arg14[%dma_wait3A_108, %dma_wait3A_109] : memref<640x16xf32, #tpu.memory_space<vmem>> -> memref<632x16xf32, #tpu.memory_space<vmem>>
        %dma_wait3A_111 = arith.constant 0 : i32
        %dma_wait3A_112 = tpu.memref_slice %arg2[%arg0, %sub3A_40, %mul3A_0, %dma_wait3A_111] : memref<2x12x10112x16xf32, #tpu.memory_space<hbm>> -> memref<1x1x632x16xf32, #tpu.memory_space<hbm>>
        %dma_wait3A_113 = tpu.memref_squeeze %dma_wait3A_112 : memref<1x1x632x16xf32, #tpu.memory_space<hbm>> -> memref<632x16xf32, #tpu.memory_space<hbm>>
        %dma_wait3A_114 = arith.constant 0 : i32
        %dma_wait3A_115 = arith.constant 0 : i32
        %dma_wait3A_116 = tpu.memref_slice %arg14[%dma_wait3A_114, %dma_wait3A_115] : memref<640x16xf32, #tpu.memory_space<vmem>> -> memref<632x16xf32, #tpu.memory_space<vmem>>
        %dma_wait3A_117 = arith.constant 0 : i32
        %dma_wait3A_118 = tpu.memref_slice %arg2[%arg0, %sub3A_40, %mul3A_0, %dma_wait3A_117] : memref<2x12x10112x16xf32, #tpu.memory_space<hbm>> -> memref<1x1x632x16xf32, #tpu.memory_space<hbm>>
        %dma_wait3A_119 = tpu.memref_squeeze %dma_wait3A_118 : memref<1x1x632x16xf32, #tpu.memory_space<hbm>> -> memref<632x16xf32, #tpu.memory_space<hbm>>
        tpu.wait_dma2 semaphore(%run_scoped3A_95 : memref<!tpu.dma_semaphore, #tpu.memory_space<semaphore_mem>>) src(%dma_wait3A_119 : memref<632x16xf32, #tpu.memory_space<hbm>>) dst(%dma_wait3A_116 : memref<632x16xf32, #tpu.memory_space<vmem>>)
        tpu.yield
      }) : () -> ()
      "tpu.region"() ({
        %run_scoped3A_95 = tpu.sem_alloc : memref<!tpu.dma_semaphore, #tpu.memory_space<semaphore_mem>>
        %dma_start3A_96 = arith.constant 0 : i32
        %dma_start3A_97 = arith.constant 0 : i32
        %dma_start3A_98 = tpu.memref_slice %arg15[%dma_start3A_96, %dma_start3A_97] : memref<640x16xf32, #tpu.memory_space<vmem>> -> memref<632x16xf32, #tpu.memory_space<vmem>>
        %dma_start3A_99 = arith.constant 0 : i32
        %dma_start3A_100 = tpu.memref_slice %arg11[%mul3A_0, %dma_start3A_99] : memref<10112x16xf32, #tpu.memory_space<vmem_shared>> -> memref<632x16xf32, #tpu.memory_space<vmem_shared>>
        %dma_start3A_101 = arith.constant 0 : i32
        %dma_start3A_102 = arith.constant 0 : i32
        %dma_start3A_103 = tpu.memref_slice %arg15[%dma_start3A_101, %dma_start3A_102] : memref<640x16xf32, #tpu.memory_space<vmem>> -> memref<632x16xf32, #tpu.memory_space<vmem>>
        %dma_start3A_104 = arith.constant 0 : i32
        %dma_start3A_105 = tpu.memref_slice %arg11[%mul3A_0, %dma_start3A_104] : memref<10112x16xf32, #tpu.memory_space<vmem_shared>> -> memref<632x16xf32, #tpu.memory_space<vmem_shared>>
        tpu.enqueue_dma source(%dma_start3A_105 : memref<632x16xf32, #tpu.memory_space<vmem_shared>>) target(%dma_start3A_103 : memref<632x16xf32, #tpu.memory_space<vmem>>) target_semaphore(%run_scoped3A_95 : memref<!tpu.dma_semaphore, #tpu.memory_space<semaphore_mem>>)
        %dma_wait3A_106 = arith.constant 0 : i32
        %dma_wait3A_107 = arith.constant 0 : i32
        %dma_wait3A_108 = tpu.memref_slice %arg15[%dma_wait3A_106, %dma_wait3A_107] : memref<640x16xf32, #tpu.memory_space<vmem>> -> memref<632x16xf32, #tpu.memory_space<vmem>>
        %dma_wait3A_109 = arith.constant 0 : i32
        %dma_wait3A_110 = tpu.memref_slice %arg11[%mul3A_0, %dma_wait3A_109] : memref<10112x16xf32, #tpu.memory_space<vmem_shared>> -> memref<632x16xf32, #tpu.memory_space<vmem_shared>>
        %dma_wait3A_111 = arith.constant 0 : i32
        %dma_wait3A_112 = arith.constant 0 : i32
        %dma_wait3A_113 = tpu.memref_slice %arg15[%dma_wait3A_111, %dma_wait3A_112] : memref<640x16xf32, #tpu.memory_space<vmem>> -> memref<632x16xf32, #tpu.memory_space<vmem>>
        %dma_wait3A_114 = arith.constant 0 : i32
        %dma_wait3A_115 = tpu.memref_slice %arg11[%mul3A_0, %dma_wait3A_114] : memref<10112x16xf32, #tpu.memory_space<vmem_shared>> -> memref<632x16xf32, #tpu.memory_space<vmem_shared>>
        tpu.wait_dma2 semaphore(%run_scoped3A_95 : memref<!tpu.dma_semaphore, #tpu.memory_space<semaphore_mem>>) src(%dma_wait3A_115 : memref<632x16xf32, #tpu.memory_space<vmem_shared>>) dst(%dma_wait3A_113 : memref<632x16xf32, #tpu.memory_space<vmem>>)
        tpu.yield
      }) : () -> ()
      "tpu.region"() ({
        %run_scoped3A_95 = tpu.sem_alloc : memref<!tpu.dma_semaphore, #tpu.memory_space<semaphore_mem>>
        %dma_start3A_96 = arith.constant 0 : i32
        %dma_start3A_97 = tpu.memref_slice %arg9[%mul3A_0, %dma_start3A_96] : memref<10112x16xf32, #tpu.memory_space<vmem_shared>> -> memref<632x16xf32, #tpu.memory_space<vmem_shared>>
        %dma_start3A_98 = arith.constant 0 : i32
        %dma_start3A_99 = tpu.memref_slice %arg9[%mul3A_0, %dma_start3A_98] : memref<10112x16xf32, #tpu.memory_space<vmem_shared>> -> memref<632x16xf32, #tpu.memory_space<vmem_shared>>
        tpu.enqueue_dma source(%dma_start3A_99 : memref<632x16xf32, #tpu.memory_space<vmem_shared>>) target(%arg17 : memref<632x16xf32, #tpu.memory_space<vmem>>) target_semaphore(%run_scoped3A_95 : memref<!tpu.dma_semaphore, #tpu.memory_space<semaphore_mem>>)
        %dma_wait3A_100 = arith.constant 0 : i32
        %dma_wait3A_101 = tpu.memref_slice %arg9[%mul3A_0, %dma_wait3A_100] : memref<10112x16xf32, #tpu.memory_space<vmem_shared>> -> memref<632x16xf32, #tpu.memory_space<vmem_shared>>
        %dma_wait3A_102 = arith.constant 0 : i32
        %dma_wait3A_103 = tpu.memref_slice %arg9[%mul3A_0, %dma_wait3A_102] : memref<10112x16xf32, #tpu.memory_space<vmem_shared>> -> memref<632x16xf32, #tpu.memory_space<vmem_shared>>
        tpu.wait_dma2 semaphore(%run_scoped3A_95 : memref<!tpu.dma_semaphore, #tpu.memory_space<semaphore_mem>>) src(%dma_wait3A_103 : memref<632x16xf32, #tpu.memory_space<vmem_shared>>) dst(%arg17 : memref<632x16xf32, #tpu.memory_space<vmem>>)
        tpu.yield
      }) : () -> ()
      %scan3A_61 = arith.constant 0 : i32
      %scan3A_62 = arith.constant 632 : i32
      %scan3A_63 = arith.addi %scan3A_61, %scan3A_62 : i32
      %scan3A_64 = arith.constant 1 : i32
      scf.for %scan3A_95 = %scan3A_61 to %scan3A_63 step %scan3A_64  : i32 {
        %mul3A_96 = arith.constant 1 : i32
        %mul3A_97 = arith.muli %scan3A_95, %mul3A_96 : i32
        %add3A_98 = arith.constant 0 : i32
        %add3A_99 = arith.addi %add3A_98, %mul3A_97 : i32
        %get3A = arith.index_cast %add3A_99 : i32 to index
        %get3A_100 = arith.constant 0 : index
        %get3A_101 = tpu.vector_load %arg16[%get3A, %get3A_100] {strides = array<i32>} : memref<632x16xf32, #tpu.memory_space<vmem>>, vector<1x16xf32>,
        %get3A_102 = vector.shape_cast %get3A_101 : vector<1x16xf32> to vector<16xf32>
        %get3A_103 = arith.constant 0 : i32
        %get3A_104 = arith.constant 0 : i32
        %get3A_105 = tpu.memref_slice %arg14[%get3A_103, %get3A_104] : memref<640x16xf32, #tpu.memory_space<vmem>> -> memref<632x16xf32, #tpu.memory_space<vmem>>
        %get3A_106 = arith.index_cast %add3A_99 : i32 to index
        %get3A_107 = arith.constant 0 : index
        %get3A_108 = tpu.vector_load %get3A_105[%get3A_106, %get3A_107] {strides = array<i32>} : memref<632x16xf32, #tpu.memory_space<vmem>>, vector<1x16xf32>,
        %get3A_109 = vector.shape_cast %get3A_108 : vector<1x16xf32> to vector<16xf32>
        %mul3A_110 = arith.constant 2.000000e+00 : f32
        %mul3A_111 = vector.broadcast %mul3A_110 : f32 to vector<16xf32>
        %mul3A_112 = arith.mulf %mul3A_111, %get3A_102 : vector<16xf32>
        %get3A_113 = arith.constant 0 : i32
        %get3A_114 = arith.constant 0 : i32
        %get3A_115 = tpu.memref_slice %arg15[%get3A_113, %get3A_114] : memref<640x16xf32, #tpu.memory_space<vmem>> -> memref<632x16xf32, #tpu.memory_space<vmem>>
        %get3A_116 = arith.index_cast %add3A_99 : i32 to index
        %get3A_117 = arith.constant 0 : index
        %get3A_118 = tpu.vector_load %get3A_115[%get3A_116, %get3A_117] {strides = array<i32>} : memref<632x16xf32, #tpu.memory_space<vmem>>, vector<1x16xf32>,
        %get3A_119 = vector.shape_cast %get3A_118 : vector<1x16xf32> to vector<16xf32>
        %mul3A_120 = arith.mulf %mul3A_112, %get3A_119 : vector<16xf32>
        %sub3A_121 = arith.subf %get3A_109, %mul3A_120 : vector<16xf32>
        %get3A_122 = arith.index_cast %add3A_99 : i32 to index
        %get3A_123 = arith.constant 0 : index
        %get3A_124 = tpu.vector_load %arg17[%get3A_122, %get3A_123] {strides = array<i32>} : memref<632x16xf32, #tpu.memory_space<vmem>>, vector<1x16xf32>,
        %get3A_125 = vector.shape_cast %get3A_124 : vector<1x16xf32> to vector<16xf32>
        %sub3A_126 = arith.subf %sub3A_121, %get3A_125 : vector<16xf32>
        %swap3A = arith.constant 0 : i32
        %swap3A_127 = arith.constant 0 : i32
        %swap3A_128 = tpu.memref_slice %arg14[%swap3A, %swap3A_127] : memref<640x16xf32, #tpu.memory_space<vmem>> -> memref<632x16xf32, #tpu.memory_space<vmem>>
        %swap3A_129 = arith.index_cast %add3A_99 : i32 to index
        %swap3A_130 = arith.constant 0 : index
        %swap3A_131 = tpu.vector_load %swap3A_128[%swap3A_129, %swap3A_130] {strides = array<i32>} : memref<632x16xf32, #tpu.memory_space<vmem>>, vector<1x16xf32>,
        %swap3A_132 = vector.shape_cast %swap3A_131 : vector<1x16xf32> to vector<16xf32>
        %swap3A_133 = vector.shape_cast %sub3A_126 : vector<16xf32> to vector<1x16xf32>
        tpu.vector_store %swap3A_128[%swap3A_129, %swap3A_130], %swap3A_133 {strides = array<i32>} : memref<632x16xf32, #tpu.memory_space<vmem>>, vector<1x16xf32>,
        %mul3A_134 = arith.mulf %get3A_102, %sub3A_126 : vector<16xf32>
        %swap3A_135 = arith.constant 0 : i32
        %swap3A_136 = arith.constant 0 : i32
        %swap3A_137 = tpu.memref_slice %arg15[%swap3A_135, %swap3A_136] : memref<640x16xf32, #tpu.memory_space<vmem>> -> memref<632x16xf32, #tpu.memory_space<vmem>>
        %swap3A_138 = arith.index_cast %add3A_99 : i32 to index
        %swap3A_139 = arith.constant 0 : index
        %swap3A_140 = tpu.vector_load %swap3A_137[%swap3A_138, %swap3A_139] {strides = array<i32>} : memref<632x16xf32, #tpu.memory_space<vmem>>, vector<1x16xf32>,
        %swap3A_141 = vector.shape_cast %swap3A_140 : vector<1x16xf32> to vector<16xf32>
        %swap3A_142 = vector.shape_cast %mul3A_134 : vector<16xf32> to vector<1x16xf32>
        tpu.vector_store %swap3A_137[%swap3A_138, %swap3A_139], %swap3A_142 {strides = array<i32>} : memref<632x16xf32, #tpu.memory_space<vmem>>, vector<1x16xf32>,
      }
      %scan3A_65 = arith.constant 632 : i32
      "tpu.region"() ({
        %run_scoped3A_95 = tpu.sem_alloc : memref<!tpu.dma_semaphore, #tpu.memory_space<semaphore_mem>>
        %dma_start3A_96 = arith.constant 0 : i32
        %dma_start3A_97 = arith.constant 0 : i32
        %dma_start3A_98 = tpu.memref_slice %arg14[%dma_start3A_96, %dma_start3A_97] : memref<640x16xf32, #tpu.memory_space<vmem>> -> memref<632x16xf32, #tpu.memory_space<vmem>>
        %dma_start3A_99 = arith.constant 0 : i32
        %dma_start3A_100 = tpu.memref_slice %arg9[%mul3A_0, %dma_start3A_99] : memref<10112x16xf32, #tpu.memory_space<vmem_shared>> -> memref<632x16xf32, #tpu.memory_space<vmem_shared>>
        %dma_start3A_101 = arith.constant 0 : i32
        %dma_start3A_102 = tpu.memref_slice %arg9[%mul3A_0, %dma_start3A_101] : memref<10112x16xf32, #tpu.memory_space<vmem_shared>> -> memref<632x16xf32, #tpu.memory_space<vmem_shared>>
        %dma_start3A_103 = arith.constant 0 : i32
        %dma_start3A_104 = arith.constant 0 : i32
        %dma_start3A_105 = tpu.memref_slice %arg14[%dma_start3A_103, %dma_start3A_104] : memref<640x16xf32, #tpu.memory_space<vmem>> -> memref<632x16xf32, #tpu.memory_space<vmem>>
        tpu.enqueue_dma source(%dma_start3A_105 : memref<632x16xf32, #tpu.memory_space<vmem>>) target(%dma_start3A_102 : memref<632x16xf32, #tpu.memory_space<vmem_shared>>) target_semaphore(%run_scoped3A_95 : memref<!tpu.dma_semaphore, #tpu.memory_space<semaphore_mem>>)
        %dma_wait3A_106 = arith.constant 0 : i32
        %dma_wait3A_107 = arith.constant 0 : i32
        %dma_wait3A_108 = tpu.memref_slice %arg14[%dma_wait3A_106, %dma_wait3A_107] : memref<640x16xf32, #tpu.memory_space<vmem>> -> memref<632x16xf32, #tpu.memory_space<vmem>>
        %dma_wait3A_109 = arith.constant 0 : i32
        %dma_wait3A_110 = tpu.memref_slice %arg9[%mul3A_0, %dma_wait3A_109] : memref<10112x16xf32, #tpu.memory_space<vmem_shared>> -> memref<632x16xf32, #tpu.memory_space<vmem_shared>>
        %dma_wait3A_111 = arith.constant 0 : i32
        %dma_wait3A_112 = tpu.memref_slice %arg9[%mul3A_0, %dma_wait3A_111] : memref<10112x16xf32, #tpu.memory_space<vmem_shared>> -> memref<632x16xf32, #tpu.memory_space<vmem_shared>>
        %dma_wait3A_113 = arith.constant 0 : i32
        %dma_wait3A_114 = arith.constant 0 : i32
        %dma_wait3A_115 = tpu.memref_slice %arg14[%dma_wait3A_113, %dma_wait3A_114] : memref<640x16xf32, #tpu.memory_space<vmem>> -> memref<632x16xf32, #tpu.memory_space<vmem>>
        tpu.wait_dma2 semaphore(%run_scoped3A_95 : memref<!tpu.dma_semaphore, #tpu.memory_space<semaphore_mem>>) src(%dma_wait3A_115 : memref<632x16xf32, #tpu.memory_space<vmem>>) dst(%dma_wait3A_112 : memref<632x16xf32, #tpu.memory_space<vmem_shared>>)
        tpu.yield
      }) : () -> ()
      "tpu.region"() ({
        %run_scoped3A_95 = tpu.sem_alloc : memref<!tpu.dma_semaphore, #tpu.memory_space<semaphore_mem>>
        %dma_start3A_96 = arith.constant 0 : i32
        %dma_start3A_97 = arith.constant 0 : i32
        %dma_start3A_98 = tpu.memref_slice %arg15[%dma_start3A_96, %dma_start3A_97] : memref<640x16xf32, #tpu.memory_space<vmem>> -> memref<632x16xf32, #tpu.memory_space<vmem>>
        %dma_start3A_99 = arith.constant 0 : i32
        %dma_start3A_100 = tpu.memref_slice %arg10[%mul3A_0, %dma_start3A_99] : memref<10112x16xf32, #tpu.memory_space<vmem_shared>> -> memref<632x16xf32, #tpu.memory_space<vmem_shared>>
        %dma_start3A_101 = arith.constant 0 : i32
        %dma_start3A_102 = tpu.memref_slice %arg10[%mul3A_0, %dma_start3A_101] : memref<10112x16xf32, #tpu.memory_space<vmem_shared>> -> memref<632x16xf32, #tpu.memory_space<vmem_shared>>
        %dma_start3A_103 = arith.constant 0 : i32
        %dma_start3A_104 = arith.constant 0 : i32
        %dma_start3A_105 = tpu.memref_slice %arg15[%dma_start3A_103, %dma_start3A_104] : memref<640x16xf32, #tpu.memory_space<vmem>> -> memref<632x16xf32, #tpu.memory_space<vmem>>
        tpu.enqueue_dma source(%dma_start3A_105 : memref<632x16xf32, #tpu.memory_space<vmem>>) target(%dma_start3A_102 : memref<632x16xf32, #tpu.memory_space<vmem_shared>>) target_semaphore(%run_scoped3A_95 : memref<!tpu.dma_semaphore, #tpu.memory_space<semaphore_mem>>)
        %dma_wait3A_106 = arith.constant 0 : i32
        %dma_wait3A_107 = arith.constant 0 : i32
        %dma_wait3A_108 = tpu.memref_slice %arg15[%dma_wait3A_106, %dma_wait3A_107] : memref<640x16xf32, #tpu.memory_space<vmem>> -> memref<632x16xf32, #tpu.memory_space<vmem>>
        %dma_wait3A_109 = arith.constant 0 : i32
        %dma_wait3A_110 = tpu.memref_slice %arg10[%mul3A_0, %dma_wait3A_109] : memref<10112x16xf32, #tpu.memory_space<vmem_shared>> -> memref<632x16xf32, #tpu.memory_space<vmem_shared>>
        %dma_wait3A_111 = arith.constant 0 : i32
        %dma_wait3A_112 = tpu.memref_slice %arg10[%mul3A_0, %dma_wait3A_111] : memref<10112x16xf32, #tpu.memory_space<vmem_shared>> -> memref<632x16xf32, #tpu.memory_space<vmem_shared>>
        %dma_wait3A_113 = arith.constant 0 : i32
        %dma_wait3A_114 = arith.constant 0 : i32
        %dma_wait3A_115 = tpu.memref_slice %arg15[%dma_wait3A_113, %dma_wait3A_114] : memref<640x16xf32, #tpu.memory_space<vmem>> -> memref<632x16xf32, #tpu.memory_space<vmem>>
        tpu.wait_dma2 semaphore(%run_scoped3A_95 : memref<!tpu.dma_semaphore, #tpu.memory_space<semaphore_mem>>) src(%dma_wait3A_115 : memref<632x16xf32, #tpu.memory_space<vmem>>) dst(%dma_wait3A_112 : memref<632x16xf32, #tpu.memory_space<vmem_shared>>)
        tpu.yield
      }) : () -> ()
      "tpu.region"() ({
        %run_scoped3A_95 = tpu.sem_alloc : memref<!tpu.dma_semaphore, #tpu.memory_space<semaphore_mem>>
        %dma_start3A_96 = arith.constant 0 : i32
        %dma_start3A_97 = tpu.memref_slice %arg11[%mul3A_0, %dma_start3A_96] : memref<10112x16xf32, #tpu.memory_space<vmem_shared>> -> memref<632x16xf32, #tpu.memory_space<vmem_shared>>
        tpu.enqueue_dma source(%arg6 : memref<632x16xf32, #tpu.memory_space<hbm>>) target(%dma_start3A_97 : memref<632x16xf32, #tpu.memory_space<vmem_shared>>) target_semaphore(%run_scoped3A_95 : memref<!tpu.dma_semaphore, #tpu.memory_space<semaphore_mem>>)
        %dma_wait3A_98 = arith.constant 0 : i32
        %dma_wait3A_99 = tpu.memref_slice %arg11[%mul3A_0, %dma_wait3A_98] : memref<10112x16xf32, #tpu.memory_space<vmem_shared>> -> memref<632x16xf32, #tpu.memory_space<vmem_shared>>
        tpu.wait_dma2 semaphore(%run_scoped3A_95 : memref<!tpu.dma_semaphore, #tpu.memory_space<semaphore_mem>>) src(%arg6 : memref<632x16xf32, #tpu.memory_space<hbm>>) dst(%dma_wait3A_99 : memref<632x16xf32, #tpu.memory_space<vmem_shared>>)
        tpu.yield
      }) : () -> ()
      %barrier3A_66 = arith.constant 0 : index
      tpu.barrier barrier_id(%barrier3A_66)
      %dma_start3A_67 = arith.constant 0 : i32
      %dma_start3A_68 = arith.constant 0 : i32
      %dma_start3A_69 = tpu.memref_slice %arg12[%dma_start3A_67, %dma_start3A_68] : memref<32x640xi32, #tpu.memory_space<vmem>> -> memref<1x640xi32, #tpu.memory_space<vmem>>
      %dma_start3A_70 = tpu.memref_squeeze %dma_start3A_69 : memref<1x640xi32, #tpu.memory_space<vmem>> -> memref<640xi32, #tpu.memory_space<vmem>>
      %dma_start3A_71 = arith.constant 0 : i32
      %dma_start3A_72 = arith.constant 0 : i32
      %dma_start3A_73 = tpu.memref_slice %arg10[%dma_start3A_71, %dma_start3A_72] : memref<10112x16xf32, #tpu.memory_space<vmem_shared>> -> memref<10112x16xf32, #tpu.memory_space<vmem_shared>>
      tpu.enqueue_indirect_dma source(%dma_start3A_73 : memref<10112x16xf32, #tpu.memory_space<vmem_shared>>) target(%arg14 : memref<640x16xf32, #tpu.memory_space<vmem>>) offsets(%dma_start3A_70 : memref<640xi32, #tpu.memory_space<vmem>>) semaphore(%arg18 : memref<!tpu.dma_semaphore, #tpu.memory_space<semaphore_mem>>)
      %scan3A_74 = arith.constant 0 : i32
      %scan3A_75 = arith.constant 16 : i32
      %scan3A_76 = arith.addi %scan3A_74, %scan3A_75 : i32
      %scan3A_77 = arith.constant 1 : i32
      scf.for %scan3A_95 = %scan3A_74 to %scan3A_76 step %scan3A_77  : i32 {
        %mul3A_96 = arith.constant 1 : i32
        %mul3A_97 = arith.muli %scan3A_95, %mul3A_96 : i32
        %add3A_98 = arith.constant 0 : i32
        %add3A_99 = arith.addi %add3A_98, %mul3A_97 : i32
        %mul3A_100 = arith.constant 2 : i32
        %mul3A_101 = arith.muli %mul3A_100, %add3A_99 : i32
        %dma_wait3A_102 = arith.constant 0 : i32
        %dma_wait3A_103 = arith.constant 0 : i32
        %dma_wait3A_104 = tpu.memref_slice %arg12[%dma_wait3A_102, %dma_wait3A_103] : memref<32x640xi32, #tpu.memory_space<vmem>> -> memref<1x640xi32, #tpu.memory_space<vmem>>
        %dma_wait3A_105 = tpu.memref_squeeze %dma_wait3A_104 : memref<1x640xi32, #tpu.memory_space<vmem>> -> memref<640xi32, #tpu.memory_space<vmem>>
        %dma_wait3A_106 = arith.constant 0 : i32
        %dma_wait3A_107 = arith.constant 0 : i32
        %dma_wait3A_108 = tpu.memref_slice %arg10[%dma_wait3A_106, %dma_wait3A_107] : memref<10112x16xf32, #tpu.memory_space<vmem_shared>> -> memref<10112x16xf32, #tpu.memory_space<vmem_shared>>
        tpu.wait_indirect_dma semaphore(%arg18 : memref<!tpu.dma_semaphore, #tpu.memory_space<semaphore_mem>>) src(%dma_wait3A_108 : memref<10112x16xf32, #tpu.memory_space<vmem_shared>>) dst(%arg14 : memref<640x16xf32, #tpu.memory_space<vmem>>)
        %gt3A = arith.constant 0 : i32
        %gt3A_109 = arith.cmpi sgt, %add3A_99, %gt3A : i32
        %convert_element_type3A = arith.extui %gt3A_109 : i1 to i32
        %cond3A = arith.constant 0 : i32
        %cond3A_110 = arith.cmpi ne, %convert_element_type3A, %cond3A : i32
        scf.if %cond3A_110 {
          %dma_wait3A_153 = arith.constant 0 : i32
          %dma_wait3A_154 = arith.constant 0 : i32
          %dma_wait3A_155 = tpu.memref_slice %arg13[%dma_wait3A_153, %dma_wait3A_154] : memref<32x640xi32, #tpu.memory_space<vmem>> -> memref<1x640xi32, #tpu.memory_space<vmem>>
          %dma_wait3A_156 = tpu.memref_squeeze %dma_wait3A_155 : memref<1x640xi32, #tpu.memory_space<vmem>> -> memref<640xi32, #tpu.memory_space<vmem>>
          %dma_wait3A_157 = arith.constant 0 : i32
          %dma_wait3A_158 = arith.constant 0 : i32
          %dma_wait3A_159 = tpu.memref_slice %arg11[%dma_wait3A_157, %dma_wait3A_158] : memref<10112x16xf32, #tpu.memory_space<vmem_shared>> -> memref<10112x16xf32, #tpu.memory_space<vmem_shared>>
          tpu.wait_indirect_dma semaphore(%arg21 : memref<!tpu.dma_semaphore, #tpu.memory_space<semaphore_mem>>) src(%arg15 : memref<640x16xf32, #tpu.memory_space<vmem>>) dst(%dma_wait3A_159 : memref<10112x16xf32, #tpu.memory_space<vmem_shared>>)
        } else {
        }
        %add3A_111 = arith.constant 1 : i32
        %add3A_112 = arith.addi %mul3A_101, %add3A_111 : i32
        %dma_start3A_113 = arith.constant 0 : i32
        %dma_start3A_114 = tpu.memref_slice %arg12[%add3A_112, %dma_start3A_113] : memref<32x640xi32, #tpu.memory_space<vmem>> -> memref<1x640xi32, #tpu.memory_space<vmem>>
        %dma_start3A_115 = tpu.memref_squeeze %dma_start3A_114 : memref<1x640xi32, #tpu.memory_space<vmem>> -> memref<640xi32, #tpu.memory_space<vmem>>
        %dma_start3A_116 = arith.constant 0 : i32
        %dma_start3A_117 = arith.constant 0 : i32
        %dma_start3A_118 = tpu.memref_slice %arg10[%dma_start3A_116, %dma_start3A_117] : memref<10112x16xf32, #tpu.memory_space<vmem_shared>> -> memref<10112x16xf32, #tpu.memory_space<vmem_shared>>
        tpu.enqueue_indirect_dma source(%dma_start3A_118 : memref<10112x16xf32, #tpu.memory_space<vmem_shared>>) target(%arg15 : memref<640x16xf32, #tpu.memory_space<vmem>>) offsets(%dma_start3A_115 : memref<640xi32, #tpu.memory_space<vmem>>) semaphore(%arg19 : memref<!tpu.dma_semaphore, #tpu.memory_space<semaphore_mem>>)
        %dma_start3A_119 = arith.constant 0 : i32
        %dma_start3A_120 = tpu.memref_slice %arg13[%mul3A_101, %dma_start3A_119] : memref<32x640xi32, #tpu.memory_space<vmem>> -> memref<1x640xi32, #tpu.memory_space<vmem>>
        %dma_start3A_121 = tpu.memref_squeeze %dma_start3A_120 : memref<1x640xi32, #tpu.memory_space<vmem>> -> memref<640xi32, #tpu.memory_space<vmem>>
        %dma_start3A_122 = arith.constant 0 : i32
        %dma_start3A_123 = arith.constant 0 : i32
        %dma_start3A_124 = tpu.memref_slice %arg11[%dma_start3A_122, %dma_start3A_123] : memref<10112x16xf32, #tpu.memory_space<vmem_shared>> -> memref<10112x16xf32, #tpu.memory_space<vmem_shared>>
        tpu.enqueue_indirect_dma source(%arg14 : memref<640x16xf32, #tpu.memory_space<vmem>>) target(%dma_start3A_124 : memref<10112x16xf32, #tpu.memory_space<vmem_shared>>) offsets(%dma_start3A_121 : memref<640xi32, #tpu.memory_space<vmem>>) semaphore(%arg20 : memref<!tpu.dma_semaphore, #tpu.memory_space<semaphore_mem>>) {add = true}
        %dma_wait3A_125 = arith.constant 0 : i32
        %dma_wait3A_126 = arith.constant 0 : i32
        %dma_wait3A_127 = tpu.memref_slice %arg12[%dma_wait3A_125, %dma_wait3A_126] : memref<32x640xi32, #tpu.memory_space<vmem>> -> memref<1x640xi32, #tpu.memory_space<vmem>>
        %dma_wait3A_128 = tpu.memref_squeeze %dma_wait3A_127 : memref<1x640xi32, #tpu.memory_space<vmem>> -> memref<640xi32, #tpu.memory_space<vmem>>
        %dma_wait3A_129 = arith.constant 0 : i32
        %dma_wait3A_130 = arith.constant 0 : i32
        %dma_wait3A_131 = tpu.memref_slice %arg10[%dma_wait3A_129, %dma_wait3A_130] : memref<10112x16xf32, #tpu.memory_space<vmem_shared>> -> memref<10112x16xf32, #tpu.memory_space<vmem_shared>>
        tpu.wait_indirect_dma semaphore(%arg19 : memref<!tpu.dma_semaphore, #tpu.memory_space<semaphore_mem>>) src(%dma_wait3A_131 : memref<10112x16xf32, #tpu.memory_space<vmem_shared>>) dst(%arg15 : memref<640x16xf32, #tpu.memory_space<vmem>>)
        %dma_wait3A_132 = arith.constant 0 : i32
        %dma_wait3A_133 = arith.constant 0 : i32
        %dma_wait3A_134 = tpu.memref_slice %arg13[%dma_wait3A_132, %dma_wait3A_133] : memref<32x640xi32, #tpu.memory_space<vmem>> -> memref<1x640xi32, #tpu.memory_space<vmem>>
        %dma_wait3A_135 = tpu.memref_squeeze %dma_wait3A_134 : memref<1x640xi32, #tpu.memory_space<vmem>> -> memref<640xi32, #tpu.memory_space<vmem>>
        %dma_wait3A_136 = arith.constant 0 : i32
        %dma_wait3A_137 = arith.constant 0 : i32
        %dma_wait3A_138 = tpu.memref_slice %arg11[%dma_wait3A_136, %dma_wait3A_137] : memref<10112x16xf32, #tpu.memory_space<vmem_shared>> -> memref<10112x16xf32, #tpu.memory_space<vmem_shared>>
        tpu.wait_indirect_dma semaphore(%arg20 : memref<!tpu.dma_semaphore, #tpu.memory_space<semaphore_mem>>) src(%arg14 : memref<640x16xf32, #tpu.memory_space<vmem>>) dst(%dma_wait3A_138 : memref<10112x16xf32, #tpu.memory_space<vmem_shared>>)
        %add3A_139 = arith.constant 1 : i32
        %add3A_140 = arith.addi %add3A_99, %add3A_139 : i32
        %lt3A = arith.constant 16 : i32
        %lt3A_141 = arith.cmpi slt, %add3A_140, %lt3A : i32
        %convert_element_type3A_142 = arith.extui %lt3A_141 : i1 to i32
        %cond3A_143 = arith.constant 0 : i32
        %cond3A_144 = arith.cmpi ne, %convert_element_type3A_142, %cond3A_143 : i32
        scf.if %cond3A_144 {
          %add3A_153 = arith.constant 2 : i32
          %add3A_154 = arith.addi %mul3A_101, %add3A_153 : i32
          %dma_start3A_155 = arith.constant 0 : i32
          %dma_start3A_156 = tpu.memref_slice %arg12[%add3A_154, %dma_start3A_155] : memref<32x640xi32, #tpu.memory_space<vmem>> -> memref<1x640xi32, #tpu.memory_space<vmem>>
          %dma_start3A_157 = tpu.memref_squeeze %dma_start3A_156 : memref<1x640xi32, #tpu.memory_space<vmem>> -> memref<640xi32, #tpu.memory_space<vmem>>
          %dma_start3A_158 = arith.constant 0 : i32
          %dma_start3A_159 = arith.constant 0 : i32
          %dma_start3A_160 = tpu.memref_slice %arg10[%dma_start3A_158, %dma_start3A_159] : memref<10112x16xf32, #tpu.memory_space<vmem_shared>> -> memref<10112x16xf32, #tpu.memory_space<vmem_shared>>
          tpu.enqueue_indirect_dma source(%dma_start3A_160 : memref<10112x16xf32, #tpu.memory_space<vmem_shared>>) target(%arg14 : memref<640x16xf32, #tpu.memory_space<vmem>>) offsets(%dma_start3A_157 : memref<640xi32, #tpu.memory_space<vmem>>) semaphore(%arg18 : memref<!tpu.dma_semaphore, #tpu.memory_space<semaphore_mem>>)
        } else {
        }
        %add3A_145 = arith.constant 1 : i32
        %add3A_146 = arith.addi %mul3A_101, %add3A_145 : i32
        %dma_start3A_147 = arith.constant 0 : i32
        %dma_start3A_148 = tpu.memref_slice %arg13[%add3A_146, %dma_start3A_147] : memref<32x640xi32, #tpu.memory_space<vmem>> -> memref<1x640xi32, #tpu.memory_space<vmem>>
        %dma_start3A_149 = tpu.memref_squeeze %dma_start3A_148 : memref<1x640xi32, #tpu.memory_space<vmem>> -> memref<640xi32, #tpu.memory_space<vmem>>
        %dma_start3A_150 = arith.constant 0 : i32
        %dma_start3A_151 = arith.constant 0 : i32
        %dma_start3A_152 = tpu.memref_slice %arg11[%dma_start3A_150, %dma_start3A_151] : memref<10112x16xf32, #tpu.memory_space<vmem_shared>> -> memref<10112x16xf32, #tpu.memory_space<vmem_shared>>
        tpu.enqueue_indirect_dma source(%arg15 : memref<640x16xf32, #tpu.memory_space<vmem>>) target(%dma_start3A_152 : memref<10112x16xf32, #tpu.memory_space<vmem_shared>>) offsets(%dma_start3A_149 : memref<640xi32, #tpu.memory_space<vmem>>) semaphore(%arg21 : memref<!tpu.dma_semaphore, #tpu.memory_space<semaphore_mem>>) {add = true}
      }
      %scan3A_78 = arith.constant 16 : i32
      %dma_wait3A_79 = arith.constant 0 : i32
      %dma_wait3A_80 = arith.constant 0 : i32
      %dma_wait3A_81 = tpu.memref_slice %arg13[%dma_wait3A_79, %dma_wait3A_80] : memref<32x640xi32, #tpu.memory_space<vmem>> -> memref<1x640xi32, #tpu.memory_space<vmem>>
      %dma_wait3A_82 = tpu.memref_squeeze %dma_wait3A_81 : memref<1x640xi32, #tpu.memory_space<vmem>> -> memref<640xi32, #tpu.memory_space<vmem>>
      %dma_wait3A_83 = arith.constant 0 : i32
      %dma_wait3A_84 = arith.constant 0 : i32
      %dma_wait3A_85 = tpu.memref_slice %arg11[%dma_wait3A_83, %dma_wait3A_84] : memref<10112x16xf32, #tpu.memory_space<vmem_shared>> -> memref<10112x16xf32, #tpu.memory_space<vmem_shared>>
      tpu.wait_indirect_dma semaphore(%arg21 : memref<!tpu.dma_semaphore, #tpu.memory_space<semaphore_mem>>) src(%arg15 : memref<640x16xf32, #tpu.memory_space<vmem>>) dst(%dma_wait3A_85 : memref<10112x16xf32, #tpu.memory_space<vmem_shared>>)
      %barrier3A_86 = arith.constant 0 : index
      tpu.barrier barrier_id(%barrier3A_86)
      %sub3A_87 = arith.constant 1 : i32
      %sub3A_88 = arith.subi %sub3A_40, %sub3A_87 : i32
      "tpu.region"() ({
        %run_scoped3A_95 = tpu.sem_alloc : memref<!tpu.dma_semaphore, #tpu.memory_space<semaphore_mem>>
        %dma_start3A_96 = arith.constant 0 : i32
        %dma_start3A_97 = arith.constant 0 : i32
        %dma_start3A_98 = tpu.memref_slice %arg14[%dma_start3A_96, %dma_start3A_97] : memref<640x16xf32, #tpu.memory_space<vmem>> -> memref<632x16xf32, #tpu.memory_space<vmem>>
        %dma_start3A_99 = arith.constant 0 : i32
        %dma_start3A_100 = tpu.memref_slice %arg2[%arg0, %sub3A_88, %mul3A_0, %dma_start3A_99] : memref<2x12x10112x16xf32, #tpu.memory_space<hbm>> -> memref<1x1x632x16xf32, #tpu.memory_space<hbm>>
        %dma_start3A_101 = tpu.memref_squeeze %dma_start3A_100 : memref<1x1x632x16xf32, #tpu.memory_space<hbm>> -> memref<632x16xf32, #tpu.memory_space<hbm>>
        %dma_start3A_102 = arith.constant 0 : i32
        %dma_start3A_103 = arith.constant 0 : i32
        %dma_start3A_104 = tpu.memref_slice %arg14[%dma_start3A_102, %dma_start3A_103] : memref<640x16xf32, #tpu.memory_space<vmem>> -> memref<632x16xf32, #tpu.memory_space<vmem>>
        %dma_start3A_105 = arith.constant 0 : i32
        %dma_start3A_106 = tpu.memref_slice %arg2[%arg0, %sub3A_88, %mul3A_0, %dma_start3A_105] : memref<2x12x10112x16xf32, #tpu.memory_space<hbm>> -> memref<1x1x632x16xf32, #tpu.memory_space<hbm>>
        %dma_start3A_107 = tpu.memref_squeeze %dma_start3A_106 : memref<1x1x632x16xf32, #tpu.memory_space<hbm>> -> memref<632x16xf32, #tpu.memory_space<hbm>>
        tpu.enqueue_dma source(%dma_start3A_107 : memref<632x16xf32, #tpu.memory_space<hbm>>) target(%dma_start3A_104 : memref<632x16xf32, #tpu.memory_space<vmem>>) target_semaphore(%run_scoped3A_95 : memref<!tpu.dma_semaphore, #tpu.memory_space<semaphore_mem>>)
        %dma_wait3A_108 = arith.constant 0 : i32
        %dma_wait3A_109 = arith.constant 0 : i32
        %dma_wait3A_110 = tpu.memref_slice %arg14[%dma_wait3A_108, %dma_wait3A_109] : memref<640x16xf32, #tpu.memory_space<vmem>> -> memref<632x16xf32, #tpu.memory_space<vmem>>
        %dma_wait3A_111 = arith.constant 0 : i32
        %dma_wait3A_112 = tpu.memref_slice %arg2[%arg0, %sub3A_88, %mul3A_0, %dma_wait3A_111] : memref<2x12x10112x16xf32, #tpu.memory_space<hbm>> -> memref<1x1x632x16xf32, #tpu.memory_space<hbm>>
        %dma_wait3A_113 = tpu.memref_squeeze %dma_wait3A_112 : memref<1x1x632x16xf32, #tpu.memory_space<hbm>> -> memref<632x16xf32, #tpu.memory_space<hbm>>
        %dma_wait3A_114 = arith.constant 0 : i32
        %dma_wait3A_115 = arith.constant 0 : i32
        %dma_wait3A_116 = tpu.memref_slice %arg14[%dma_wait3A_114, %dma_wait3A_115] : memref<640x16xf32, #tpu.memory_space<vmem>> -> memref<632x16xf32, #tpu.memory_space<vmem>>
        %dma_wait3A_117 = arith.constant 0 : i32
        %dma_wait3A_118 = tpu.memref_slice %arg2[%arg0, %sub3A_88, %mul3A_0, %dma_wait3A_117] : memref<2x12x10112x16xf32, #tpu.memory_space<hbm>> -> memref<1x1x632x16xf32, #tpu.memory_space<hbm>>
        %dma_wait3A_119 = tpu.memref_squeeze %dma_wait3A_118 : memref<1x1x632x16xf32, #tpu.memory_space<hbm>> -> memref<632x16xf32, #tpu.memory_space<hbm>>
        tpu.wait_dma2 semaphore(%run_scoped3A_95 : memref<!tpu.dma_semaphore, #tpu.memory_space<semaphore_mem>>) src(%dma_wait3A_119 : memref<632x16xf32, #tpu.memory_space<hbm>>) dst(%dma_wait3A_116 : memref<632x16xf32, #tpu.memory_space<vmem>>)
        tpu.yield
      }) : () -> ()
      "tpu.region"() ({
        %run_scoped3A_95 = tpu.sem_alloc : memref<!tpu.dma_semaphore, #tpu.memory_space<semaphore_mem>>
        %dma_start3A_96 = arith.constant 0 : i32
        %dma_start3A_97 = arith.constant 0 : i32
        %dma_start3A_98 = tpu.memref_slice %arg15[%dma_start3A_96, %dma_start3A_97] : memref<640x16xf32, #tpu.memory_space<vmem>> -> memref<632x16xf32, #tpu.memory_space<vmem>>
        %dma_start3A_99 = arith.constant 0 : i32
        %dma_start3A_100 = tpu.memref_slice %arg11[%mul3A_0, %dma_start3A_99] : memref<10112x16xf32, #tpu.memory_space<vmem_shared>> -> memref<632x16xf32, #tpu.memory_space<vmem_shared>>
        %dma_start3A_101 = arith.constant 0 : i32
        %dma_start3A_102 = arith.constant 0 : i32
        %dma_start3A_103 = tpu.memref_slice %arg15[%dma_start3A_101, %dma_start3A_102] : memref<640x16xf32, #tpu.memory_space<vmem>> -> memref<632x16xf32, #tpu.memory_space<vmem>>
        %dma_start3A_104 = arith.constant 0 : i32
        %dma_start3A_105 = tpu.memref_slice %arg11[%mul3A_0, %dma_start3A_104] : memref<10112x16xf32, #tpu.memory_space<vmem_shared>> -> memref<632x16xf32, #tpu.memory_space<vmem_shared>>
        tpu.enqueue_dma source(%dma_start3A_105 : memref<632x16xf32, #tpu.memory_space<vmem_shared>>) target(%dma_start3A_103 : memref<632x16xf32, #tpu.memory_space<vmem>>) target_semaphore(%run_scoped3A_95 : memref<!tpu.dma_semaphore, #tpu.memory_space<semaphore_mem>>)
        %dma_wait3A_106 = arith.constant 0 : i32
        %dma_wait3A_107 = arith.constant 0 : i32
        %dma_wait3A_108 = tpu.memref_slice %arg15[%dma_wait3A_106, %dma_wait3A_107] : memref<640x16xf32, #tpu.memory_space<vmem>> -> memref<632x16xf32, #tpu.memory_space<vmem>>
        %dma_wait3A_109 = arith.constant 0 : i32
        %dma_wait3A_110 = tpu.memref_slice %arg11[%mul3A_0, %dma_wait3A_109] : memref<10112x16xf32, #tpu.memory_space<vmem_shared>> -> memref<632x16xf32, #tpu.memory_space<vmem_shared>>
        %dma_wait3A_111 = arith.constant 0 : i32
        %dma_wait3A_112 = arith.constant 0 : i32
        %dma_wait3A_113 = tpu.memref_slice %arg15[%dma_wait3A_111, %dma_wait3A_112] : memref<640x16xf32, #tpu.memory_space<vmem>> -> memref<632x16xf32, #tpu.memory_space<vmem>>
        %dma_wait3A_114 = arith.constant 0 : i32
        %dma_wait3A_115 = tpu.memref_slice %arg11[%mul3A_0, %dma_wait3A_114] : memref<10112x16xf32, #tpu.memory_space<vmem_shared>> -> memref<632x16xf32, #tpu.memory_space<vmem_shared>>
        tpu.wait_dma2 semaphore(%run_scoped3A_95 : memref<!tpu.dma_semaphore, #tpu.memory_space<semaphore_mem>>) src(%dma_wait3A_115 : memref<632x16xf32, #tpu.memory_space<vmem_shared>>) dst(%dma_wait3A_113 : memref<632x16xf32, #tpu.memory_space<vmem>>)
        tpu.yield
      }) : () -> ()
      "tpu.region"() ({
        %run_scoped3A_95 = tpu.sem_alloc : memref<!tpu.dma_semaphore, #tpu.memory_space<semaphore_mem>>
        %dma_start3A_96 = arith.constant 0 : i32
        %dma_start3A_97 = tpu.memref_slice %arg8[%mul3A_0, %dma_start3A_96] : memref<10112x16xf32, #tpu.memory_space<vmem_shared>> -> memref<632x16xf32, #tpu.memory_space<vmem_shared>>
        %dma_start3A_98 = arith.constant 0 : i32
        %dma_start3A_99 = tpu.memref_slice %arg8[%mul3A_0, %dma_start3A_98] : memref<10112x16xf32, #tpu.memory_space<vmem_shared>> -> memref<632x16xf32, #tpu.memory_space<vmem_shared>>
        tpu.enqueue_dma source(%dma_start3A_99 : memref<632x16xf32, #tpu.memory_space<vmem_shared>>) target(%arg17 : memref<632x16xf32, #tpu.memory_space<vmem>>) target_semaphore(%run_scoped3A_95 : memref<!tpu.dma_semaphore, #tpu.memory_space<semaphore_mem>>)
        %dma_wait3A_100 = arith.constant 0 : i32
        %dma_wait3A_101 = tpu.memref_slice %arg8[%mul3A_0, %dma_wait3A_100] : memref<10112x16xf32, #tpu.memory_space<vmem_shared>> -> memref<632x16xf32, #tpu.memory_space<vmem_shared>>
        %dma_wait3A_102 = arith.constant 0 : i32
        %dma_wait3A_103 = tpu.memref_slice %arg8[%mul3A_0, %dma_wait3A_102] : memref<10112x16xf32, #tpu.memory_space<vmem_shared>> -> memref<632x16xf32, #tpu.memory_space<vmem_shared>>
        tpu.wait_dma2 semaphore(%run_scoped3A_95 : memref<!tpu.dma_semaphore, #tpu.memory_space<semaphore_mem>>) src(%dma_wait3A_103 : memref<632x16xf32, #tpu.memory_space<vmem_shared>>) dst(%arg17 : memref<632x16xf32, #tpu.memory_space<vmem>>)
        tpu.yield
      }) : () -> ()
      %scan3A_89 = arith.constant 0 : i32
      %scan3A_90 = arith.constant 632 : i32
      %scan3A_91 = arith.addi %scan3A_89, %scan3A_90 : i32
      %scan3A_92 = arith.constant 1 : i32
      scf.for %scan3A_95 = %scan3A_89 to %scan3A_91 step %scan3A_92  : i32 {
        %mul3A_96 = arith.constant 1 : i32
        %mul3A_97 = arith.muli %scan3A_95, %mul3A_96 : i32
        %add3A_98 = arith.constant 0 : i32
        %add3A_99 = arith.addi %add3A_98, %mul3A_97 : i32
        %get3A = arith.index_cast %add3A_99 : i32 to index
        %get3A_100 = arith.constant 0 : index
        %get3A_101 = tpu.vector_load %arg16[%get3A, %get3A_100] {strides = array<i32>} : memref<632x16xf32, #tpu.memory_space<vmem>>, vector<1x16xf32>,
        %get3A_102 = vector.shape_cast %get3A_101 : vector<1x16xf32> to vector<16xf32>
        %get3A_103 = arith.constant 0 : i32
        %get3A_104 = arith.constant 0 : i32
        %get3A_105 = tpu.memref_slice %arg14[%get3A_103, %get3A_104] : memref<640x16xf32, #tpu.memory_space<vmem>> -> memref<632x16xf32, #tpu.memory_space<vmem>>
        %get3A_106 = arith.index_cast %add3A_99 : i32 to index
        %get3A_107 = arith.constant 0 : index
        %get3A_108 = tpu.vector_load %get3A_105[%get3A_106, %get3A_107] {strides = array<i32>} : memref<632x16xf32, #tpu.memory_space<vmem>>, vector<1x16xf32>,
        %get3A_109 = vector.shape_cast %get3A_108 : vector<1x16xf32> to vector<16xf32>
        %mul3A_110 = arith.constant 2.000000e+00 : f32
        %mul3A_111 = vector.broadcast %mul3A_110 : f32 to vector<16xf32>
        %mul3A_112 = arith.mulf %mul3A_111, %get3A_102 : vector<16xf32>
        %get3A_113 = arith.constant 0 : i32
        %get3A_114 = arith.constant 0 : i32
        %get3A_115 = tpu.memref_slice %arg15[%get3A_113, %get3A_114] : memref<640x16xf32, #tpu.memory_space<vmem>> -> memref<632x16xf32, #tpu.memory_space<vmem>>
        %get3A_116 = arith.index_cast %add3A_99 : i32 to index
        %get3A_117 = arith.constant 0 : index
        %get3A_118 = tpu.vector_load %get3A_115[%get3A_116, %get3A_117] {strides = array<i32>} : memref<632x16xf32, #tpu.memory_space<vmem>>, vector<1x16xf32>,
        %get3A_119 = vector.shape_cast %get3A_118 : vector<1x16xf32> to vector<16xf32>
        %mul3A_120 = arith.mulf %mul3A_112, %get3A_119 : vector<16xf32>
        %sub3A_121 = arith.subf %get3A_109, %mul3A_120 : vector<16xf32>
        %get3A_122 = arith.index_cast %add3A_99 : i32 to index
        %get3A_123 = arith.constant 0 : index
        %get3A_124 = tpu.vector_load %arg17[%get3A_122, %get3A_123] {strides = array<i32>} : memref<632x16xf32, #tpu.memory_space<vmem>>, vector<1x16xf32>,
        %get3A_125 = vector.shape_cast %get3A_124 : vector<1x16xf32> to vector<16xf32>
        %sub3A_126 = arith.subf %sub3A_121, %get3A_125 : vector<16xf32>
        %swap3A = arith.constant 0 : i32
        %swap3A_127 = arith.constant 0 : i32
        %swap3A_128 = tpu.memref_slice %arg14[%swap3A, %swap3A_127] : memref<640x16xf32, #tpu.memory_space<vmem>> -> memref<632x16xf32, #tpu.memory_space<vmem>>
        %swap3A_129 = arith.index_cast %add3A_99 : i32 to index
        %swap3A_130 = arith.constant 0 : index
        %swap3A_131 = tpu.vector_load %swap3A_128[%swap3A_129, %swap3A_130] {strides = array<i32>} : memref<632x16xf32, #tpu.memory_space<vmem>>, vector<1x16xf32>,
        %swap3A_132 = vector.shape_cast %swap3A_131 : vector<1x16xf32> to vector<16xf32>
        %swap3A_133 = vector.shape_cast %sub3A_126 : vector<16xf32> to vector<1x16xf32>
        tpu.vector_store %swap3A_128[%swap3A_129, %swap3A_130], %swap3A_133 {strides = array<i32>} : memref<632x16xf32, #tpu.memory_space<vmem>>, vector<1x16xf32>,
        %mul3A_134 = arith.mulf %get3A_102, %sub3A_126 : vector<16xf32>
        %swap3A_135 = arith.constant 0 : i32
        %swap3A_136 = arith.constant 0 : i32
        %swap3A_137 = tpu.memref_slice %arg15[%swap3A_135, %swap3A_136] : memref<640x16xf32, #tpu.memory_space<vmem>> -> memref<632x16xf32, #tpu.memory_space<vmem>>
        %swap3A_138 = arith.index_cast %add3A_99 : i32 to index
        %swap3A_139 = arith.constant 0 : index
        %swap3A_140 = tpu.vector_load %swap3A_137[%swap3A_138, %swap3A_139] {strides = array<i32>} : memref<632x16xf32, #tpu.memory_space<vmem>>, vector<1x16xf32>,
        %swap3A_141 = vector.shape_cast %swap3A_140 : vector<1x16xf32> to vector<16xf32>
        %swap3A_142 = vector.shape_cast %mul3A_134 : vector<16xf32> to vector<1x16xf32>
        tpu.vector_store %swap3A_137[%swap3A_138, %swap3A_139], %swap3A_142 {strides = array<i32>} : memref<632x16xf32, #tpu.memory_space<vmem>>, vector<1x16xf32>,
      }
      %scan3A_93 = arith.constant 632 : i32
      "tpu.region"() ({
        %run_scoped3A_95 = tpu.sem_alloc : memref<!tpu.dma_semaphore, #tpu.memory_space<semaphore_mem>>
        %dma_start3A_96 = arith.constant 0 : i32
        %dma_start3A_97 = arith.constant 0 : i32
        %dma_start3A_98 = tpu.memref_slice %arg14[%dma_start3A_96, %dma_start3A_97] : memref<640x16xf32, #tpu.memory_space<vmem>> -> memref<632x16xf32, #tpu.memory_space<vmem>>
        %dma_start3A_99 = arith.constant 0 : i32
        %dma_start3A_100 = tpu.memref_slice %arg8[%mul3A_0, %dma_start3A_99] : memref<10112x16xf32, #tpu.memory_space<vmem_shared>> -> memref<632x16xf32, #tpu.memory_space<vmem_shared>>
        %dma_start3A_101 = arith.constant 0 : i32
        %dma_start3A_102 = tpu.memref_slice %arg8[%mul3A_0, %dma_start3A_101] : memref<10112x16xf32, #tpu.memory_space<vmem_shared>> -> memref<632x16xf32, #tpu.memory_space<vmem_shared>>
        %dma_start3A_103 = arith.constant 0 : i32
        %dma_start3A_104 = arith.constant 0 : i32
        %dma_start3A_105 = tpu.memref_slice %arg14[%dma_start3A_103, %dma_start3A_104] : memref<640x16xf32, #tpu.memory_space<vmem>> -> memref<632x16xf32, #tpu.memory_space<vmem>>
        tpu.enqueue_dma source(%dma_start3A_105 : memref<632x16xf32, #tpu.memory_space<vmem>>) target(%dma_start3A_102 : memref<632x16xf32, #tpu.memory_space<vmem_shared>>) target_semaphore(%run_scoped3A_95 : memref<!tpu.dma_semaphore, #tpu.memory_space<semaphore_mem>>)
        %dma_wait3A_106 = arith.constant 0 : i32
        %dma_wait3A_107 = arith.constant 0 : i32
        %dma_wait3A_108 = tpu.memref_slice %arg14[%dma_wait3A_106, %dma_wait3A_107] : memref<640x16xf32, #tpu.memory_space<vmem>> -> memref<632x16xf32, #tpu.memory_space<vmem>>
        %dma_wait3A_109 = arith.constant 0 : i32
        %dma_wait3A_110 = tpu.memref_slice %arg8[%mul3A_0, %dma_wait3A_109] : memref<10112x16xf32, #tpu.memory_space<vmem_shared>> -> memref<632x16xf32, #tpu.memory_space<vmem_shared>>
        %dma_wait3A_111 = arith.constant 0 : i32
        %dma_wait3A_112 = tpu.memref_slice %arg8[%mul3A_0, %dma_wait3A_111] : memref<10112x16xf32, #tpu.memory_space<vmem_shared>> -> memref<632x16xf32, #tpu.memory_space<vmem_shared>>
        %dma_wait3A_113 = arith.constant 0 : i32
        %dma_wait3A_114 = arith.constant 0 : i32
        %dma_wait3A_115 = tpu.memref_slice %arg14[%dma_wait3A_113, %dma_wait3A_114] : memref<640x16xf32, #tpu.memory_space<vmem>> -> memref<632x16xf32, #tpu.memory_space<vmem>>
        tpu.wait_dma2 semaphore(%run_scoped3A_95 : memref<!tpu.dma_semaphore, #tpu.memory_space<semaphore_mem>>) src(%dma_wait3A_115 : memref<632x16xf32, #tpu.memory_space<vmem>>) dst(%dma_wait3A_112 : memref<632x16xf32, #tpu.memory_space<vmem_shared>>)
        tpu.yield
      }) : () -> ()
      "tpu.region"() ({
        %run_scoped3A_95 = tpu.sem_alloc : memref<!tpu.dma_semaphore, #tpu.memory_space<semaphore_mem>>
        %dma_start3A_96 = arith.constant 0 : i32
        %dma_start3A_97 = arith.constant 0 : i32
        %dma_start3A_98 = tpu.memref_slice %arg15[%dma_start3A_96, %dma_start3A_97] : memref<640x16xf32, #tpu.memory_space<vmem>> -> memref<632x16xf32, #tpu.memory_space<vmem>>
        %dma_start3A_99 = arith.constant 0 : i32
        %dma_start3A_100 = tpu.memref_slice %arg10[%mul3A_0, %dma_start3A_99] : memref<10112x16xf32, #tpu.memory_space<vmem_shared>> -> memref<632x16xf32, #tpu.memory_space<vmem_shared>>
        %dma_start3A_101 = arith.constant 0 : i32
        %dma_start3A_102 = tpu.memref_slice %arg10[%mul3A_0, %dma_start3A_101] : memref<10112x16xf32, #tpu.memory_space<vmem_shared>> -> memref<632x16xf32, #tpu.memory_space<vmem_shared>>
        %dma_start3A_103 = arith.constant 0 : i32
        %dma_start3A_104 = arith.constant 0 : i32
        %dma_start3A_105 = tpu.memref_slice %arg15[%dma_start3A_103, %dma_start3A_104] : memref<640x16xf32, #tpu.memory_space<vmem>> -> memref<632x16xf32, #tpu.memory_space<vmem>>
        tpu.enqueue_dma source(%dma_start3A_105 : memref<632x16xf32, #tpu.memory_space<vmem>>) target(%dma_start3A_102 : memref<632x16xf32, #tpu.memory_space<vmem_shared>>) target_semaphore(%run_scoped3A_95 : memref<!tpu.dma_semaphore, #tpu.memory_space<semaphore_mem>>)
        %dma_wait3A_106 = arith.constant 0 : i32
        %dma_wait3A_107 = arith.constant 0 : i32
        %dma_wait3A_108 = tpu.memref_slice %arg15[%dma_wait3A_106, %dma_wait3A_107] : memref<640x16xf32, #tpu.memory_space<vmem>> -> memref<632x16xf32, #tpu.memory_space<vmem>>
        %dma_wait3A_109 = arith.constant 0 : i32
        %dma_wait3A_110 = tpu.memref_slice %arg10[%mul3A_0, %dma_wait3A_109] : memref<10112x16xf32, #tpu.memory_space<vmem_shared>> -> memref<632x16xf32, #tpu.memory_space<vmem_shared>>
        %dma_wait3A_111 = arith.constant 0 : i32
        %dma_wait3A_112 = tpu.memref_slice %arg10[%mul3A_0, %dma_wait3A_111] : memref<10112x16xf32, #tpu.memory_space<vmem_shared>> -> memref<632x16xf32, #tpu.memory_space<vmem_shared>>
        %dma_wait3A_113 = arith.constant 0 : i32
        %dma_wait3A_114 = arith.constant 0 : i32
        %dma_wait3A_115 = tpu.memref_slice %arg15[%dma_wait3A_113, %dma_wait3A_114] : memref<640x16xf32, #tpu.memory_space<vmem>> -> memref<632x16xf32, #tpu.memory_space<vmem>>
        tpu.wait_dma2 semaphore(%run_scoped3A_95 : memref<!tpu.dma_semaphore, #tpu.memory_space<semaphore_mem>>) src(%dma_wait3A_115 : memref<632x16xf32, #tpu.memory_space<vmem>>) dst(%dma_wait3A_112 : memref<632x16xf32, #tpu.memory_space<vmem_shared>>)
        tpu.yield
      }) : () -> ()
      "tpu.region"() ({
        %run_scoped3A_95 = tpu.sem_alloc : memref<!tpu.dma_semaphore, #tpu.memory_space<semaphore_mem>>
        %dma_start3A_96 = arith.constant 0 : i32
        %dma_start3A_97 = tpu.memref_slice %arg11[%mul3A_0, %dma_start3A_96] : memref<10112x16xf32, #tpu.memory_space<vmem_shared>> -> memref<632x16xf32, #tpu.memory_space<vmem_shared>>
        tpu.enqueue_dma source(%arg6 : memref<632x16xf32, #tpu.memory_space<hbm>>) target(%dma_start3A_97 : memref<632x16xf32, #tpu.memory_space<vmem_shared>>) target_semaphore(%run_scoped3A_95 : memref<!tpu.dma_semaphore, #tpu.memory_space<semaphore_mem>>)
        %dma_wait3A_98 = arith.constant 0 : i32
        %dma_wait3A_99 = tpu.memref_slice %arg11[%mul3A_0, %dma_wait3A_98] : memref<10112x16xf32, #tpu.memory_space<vmem_shared>> -> memref<632x16xf32, #tpu.memory_space<vmem_shared>>
        tpu.wait_dma2 semaphore(%run_scoped3A_95 : memref<!tpu.dma_semaphore, #tpu.memory_space<semaphore_mem>>) src(%arg6 : memref<632x16xf32, #tpu.memory_space<hbm>>) dst(%dma_wait3A_99 : memref<632x16xf32, #tpu.memory_space<vmem_shared>>)
        tpu.yield
      }) : () -> ()
      %barrier3A_94 = arith.constant 0 : index
      tpu.barrier barrier_id(%barrier3A_94)
    }
    %scan3A_9 = arith.constant 5 : i32
    %dma_start3A = arith.constant 0 : i32
    %dma_start3A_10 = arith.constant 0 : i32
    %dma_start3A_11 = tpu.memref_slice %arg12[%dma_start3A, %dma_start3A_10] : memref<32x640xi32, #tpu.memory_space<vmem>> -> memref<1x640xi32, #tpu.memory_space<vmem>>
    %dma_start3A_12 = tpu.memref_squeeze %dma_start3A_11 : memref<1x640xi32, #tpu.memory_space<vmem>> -> memref<640xi32, #tpu.memory_space<vmem>>
    %dma_start3A_13 = arith.constant 0 : i32
    %dma_start3A_14 = arith.constant 0 : i32
    %dma_start3A_15 = tpu.memref_slice %arg10[%dma_start3A_13, %dma_start3A_14] : memref<10112x16xf32, #tpu.memory_space<vmem_shared>> -> memref<10112x16xf32, #tpu.memory_space<vmem_shared>>
    tpu.enqueue_indirect_dma source(%dma_start3A_15 : memref<10112x16xf32, #tpu.memory_space<vmem_shared>>) target(%arg14 : memref<640x16xf32, #tpu.memory_space<vmem>>) offsets(%dma_start3A_12 : memref<640xi32, #tpu.memory_space<vmem>>) semaphore(%arg18 : memref<!tpu.dma_semaphore, #tpu.memory_space<semaphore_mem>>)
    %scan3A_16 = arith.constant 0 : i32
    %scan3A_17 = arith.constant 16 : i32
    %scan3A_18 = arith.addi %scan3A_16, %scan3A_17 : i32
    %scan3A_19 = arith.constant 1 : i32
    scf.for %scan3A_34 = %scan3A_16 to %scan3A_18 step %scan3A_19  : i32 {
      %mul3A_35 = arith.constant 1 : i32
      %mul3A_36 = arith.muli %scan3A_34, %mul3A_35 : i32
      %add3A = arith.constant 0 : i32
      %add3A_37 = arith.addi %add3A, %mul3A_36 : i32
      %mul3A_38 = arith.constant 2 : i32
      %mul3A_39 = arith.muli %mul3A_38, %add3A_37 : i32
      %dma_wait3A_40 = arith.constant 0 : i32
      %dma_wait3A_41 = arith.constant 0 : i32
      %dma_wait3A_42 = tpu.memref_slice %arg12[%dma_wait3A_40, %dma_wait3A_41] : memref<32x640xi32, #tpu.memory_space<vmem>> -> memref<1x640xi32, #tpu.memory_space<vmem>>
      %dma_wait3A_43 = tpu.memref_squeeze %dma_wait3A_42 : memref<1x640xi32, #tpu.memory_space<vmem>> -> memref<640xi32, #tpu.memory_space<vmem>>
      %dma_wait3A_44 = arith.constant 0 : i32
      %dma_wait3A_45 = arith.constant 0 : i32
      %dma_wait3A_46 = tpu.memref_slice %arg10[%dma_wait3A_44, %dma_wait3A_45] : memref<10112x16xf32, #tpu.memory_space<vmem_shared>> -> memref<10112x16xf32, #tpu.memory_space<vmem_shared>>
      tpu.wait_indirect_dma semaphore(%arg18 : memref<!tpu.dma_semaphore, #tpu.memory_space<semaphore_mem>>) src(%dma_wait3A_46 : memref<10112x16xf32, #tpu.memory_space<vmem_shared>>) dst(%arg14 : memref<640x16xf32, #tpu.memory_space<vmem>>)
      %gt3A = arith.constant 0 : i32
      %gt3A_47 = arith.cmpi sgt, %add3A_37, %gt3A : i32
      %convert_element_type3A = arith.extui %gt3A_47 : i1 to i32
      %cond3A = arith.constant 0 : i32
      %cond3A_48 = arith.cmpi ne, %convert_element_type3A, %cond3A : i32
      scf.if %cond3A_48 {
        %dma_wait3A_91 = arith.constant 0 : i32
        %dma_wait3A_92 = arith.constant 0 : i32
        %dma_wait3A_93 = tpu.memref_slice %arg13[%dma_wait3A_91, %dma_wait3A_92] : memref<32x640xi32, #tpu.memory_space<vmem>> -> memref<1x640xi32, #tpu.memory_space<vmem>>
        %dma_wait3A_94 = tpu.memref_squeeze %dma_wait3A_93 : memref<1x640xi32, #tpu.memory_space<vmem>> -> memref<640xi32, #tpu.memory_space<vmem>>
        %dma_wait3A_95 = arith.constant 0 : i32
        %dma_wait3A_96 = arith.constant 0 : i32
        %dma_wait3A_97 = tpu.memref_slice %arg11[%dma_wait3A_95, %dma_wait3A_96] : memref<10112x16xf32, #tpu.memory_space<vmem_shared>> -> memref<10112x16xf32, #tpu.memory_space<vmem_shared>>
        tpu.wait_indirect_dma semaphore(%arg21 : memref<!tpu.dma_semaphore, #tpu.memory_space<semaphore_mem>>) src(%arg15 : memref<640x16xf32, #tpu.memory_space<vmem>>) dst(%dma_wait3A_97 : memref<10112x16xf32, #tpu.memory_space<vmem_shared>>)
      } else {
      }
      %add3A_49 = arith.constant 1 : i32
      %add3A_50 = arith.addi %mul3A_39, %add3A_49 : i32
      %dma_start3A_51 = arith.constant 0 : i32
      %dma_start3A_52 = tpu.memref_slice %arg12[%add3A_50, %dma_start3A_51] : memref<32x640xi32, #tpu.memory_space<vmem>> -> memref<1x640xi32, #tpu.memory_space<vmem>>
      %dma_start3A_53 = tpu.memref_squeeze %dma_start3A_52 : memref<1x640xi32, #tpu.memory_space<vmem>> -> memref<640xi32, #tpu.memory_space<vmem>>
      %dma_start3A_54 = arith.constant 0 : i32
      %dma_start3A_55 = arith.constant 0 : i32
      %dma_start3A_56 = tpu.memref_slice %arg10[%dma_start3A_54, %dma_start3A_55] : memref<10112x16xf32, #tpu.memory_space<vmem_shared>> -> memref<10112x16xf32, #tpu.memory_space<vmem_shared>>
      tpu.enqueue_indirect_dma source(%dma_start3A_56 : memref<10112x16xf32, #tpu.memory_space<vmem_shared>>) target(%arg15 : memref<640x16xf32, #tpu.memory_space<vmem>>) offsets(%dma_start3A_53 : memref<640xi32, #tpu.memory_space<vmem>>) semaphore(%arg19 : memref<!tpu.dma_semaphore, #tpu.memory_space<semaphore_mem>>)
      %dma_start3A_57 = arith.constant 0 : i32
      %dma_start3A_58 = tpu.memref_slice %arg13[%mul3A_39, %dma_start3A_57] : memref<32x640xi32, #tpu.memory_space<vmem>> -> memref<1x640xi32, #tpu.memory_space<vmem>>
      %dma_start3A_59 = tpu.memref_squeeze %dma_start3A_58 : memref<1x640xi32, #tpu.memory_space<vmem>> -> memref<640xi32, #tpu.memory_space<vmem>>
      %dma_start3A_60 = arith.constant 0 : i32
      %dma_start3A_61 = arith.constant 0 : i32
      %dma_start3A_62 = tpu.memref_slice %arg11[%dma_start3A_60, %dma_start3A_61] : memref<10112x16xf32, #tpu.memory_space<vmem_shared>> -> memref<10112x16xf32, #tpu.memory_space<vmem_shared>>
      tpu.enqueue_indirect_dma source(%arg14 : memref<640x16xf32, #tpu.memory_space<vmem>>) target(%dma_start3A_62 : memref<10112x16xf32, #tpu.memory_space<vmem_shared>>) offsets(%dma_start3A_59 : memref<640xi32, #tpu.memory_space<vmem>>) semaphore(%arg20 : memref<!tpu.dma_semaphore, #tpu.memory_space<semaphore_mem>>) {add = true}
      %dma_wait3A_63 = arith.constant 0 : i32
      %dma_wait3A_64 = arith.constant 0 : i32
      %dma_wait3A_65 = tpu.memref_slice %arg12[%dma_wait3A_63, %dma_wait3A_64] : memref<32x640xi32, #tpu.memory_space<vmem>> -> memref<1x640xi32, #tpu.memory_space<vmem>>
      %dma_wait3A_66 = tpu.memref_squeeze %dma_wait3A_65 : memref<1x640xi32, #tpu.memory_space<vmem>> -> memref<640xi32, #tpu.memory_space<vmem>>
      %dma_wait3A_67 = arith.constant 0 : i32
      %dma_wait3A_68 = arith.constant 0 : i32
      %dma_wait3A_69 = tpu.memref_slice %arg10[%dma_wait3A_67, %dma_wait3A_68] : memref<10112x16xf32, #tpu.memory_space<vmem_shared>> -> memref<10112x16xf32, #tpu.memory_space<vmem_shared>>
      tpu.wait_indirect_dma semaphore(%arg19 : memref<!tpu.dma_semaphore, #tpu.memory_space<semaphore_mem>>) src(%dma_wait3A_69 : memref<10112x16xf32, #tpu.memory_space<vmem_shared>>) dst(%arg15 : memref<640x16xf32, #tpu.memory_space<vmem>>)
      %dma_wait3A_70 = arith.constant 0 : i32
      %dma_wait3A_71 = arith.constant 0 : i32
      %dma_wait3A_72 = tpu.memref_slice %arg13[%dma_wait3A_70, %dma_wait3A_71] : memref<32x640xi32, #tpu.memory_space<vmem>> -> memref<1x640xi32, #tpu.memory_space<vmem>>
      %dma_wait3A_73 = tpu.memref_squeeze %dma_wait3A_72 : memref<1x640xi32, #tpu.memory_space<vmem>> -> memref<640xi32, #tpu.memory_space<vmem>>
      %dma_wait3A_74 = arith.constant 0 : i32
      %dma_wait3A_75 = arith.constant 0 : i32
      %dma_wait3A_76 = tpu.memref_slice %arg11[%dma_wait3A_74, %dma_wait3A_75] : memref<10112x16xf32, #tpu.memory_space<vmem_shared>> -> memref<10112x16xf32, #tpu.memory_space<vmem_shared>>
      tpu.wait_indirect_dma semaphore(%arg20 : memref<!tpu.dma_semaphore, #tpu.memory_space<semaphore_mem>>) src(%arg14 : memref<640x16xf32, #tpu.memory_space<vmem>>) dst(%dma_wait3A_76 : memref<10112x16xf32, #tpu.memory_space<vmem_shared>>)
      %add3A_77 = arith.constant 1 : i32
      %add3A_78 = arith.addi %add3A_37, %add3A_77 : i32
      %lt3A = arith.constant 16 : i32
      %lt3A_79 = arith.cmpi slt, %add3A_78, %lt3A : i32
      %convert_element_type3A_80 = arith.extui %lt3A_79 : i1 to i32
      %cond3A_81 = arith.constant 0 : i32
      %cond3A_82 = arith.cmpi ne, %convert_element_type3A_80, %cond3A_81 : i32
      scf.if %cond3A_82 {
        %add3A_91 = arith.constant 2 : i32
        %add3A_92 = arith.addi %mul3A_39, %add3A_91 : i32
        %dma_start3A_93 = arith.constant 0 : i32
        %dma_start3A_94 = tpu.memref_slice %arg12[%add3A_92, %dma_start3A_93] : memref<32x640xi32, #tpu.memory_space<vmem>> -> memref<1x640xi32, #tpu.memory_space<vmem>>
        %dma_start3A_95 = tpu.memref_squeeze %dma_start3A_94 : memref<1x640xi32, #tpu.memory_space<vmem>> -> memref<640xi32, #tpu.memory_space<vmem>>
        %dma_start3A_96 = arith.constant 0 : i32
        %dma_start3A_97 = arith.constant 0 : i32
        %dma_start3A_98 = tpu.memref_slice %arg10[%dma_start3A_96, %dma_start3A_97] : memref<10112x16xf32, #tpu.memory_space<vmem_shared>> -> memref<10112x16xf32, #tpu.memory_space<vmem_shared>>
        tpu.enqueue_indirect_dma source(%dma_start3A_98 : memref<10112x16xf32, #tpu.memory_space<vmem_shared>>) target(%arg14 : memref<640x16xf32, #tpu.memory_space<vmem>>) offsets(%dma_start3A_95 : memref<640xi32, #tpu.memory_space<vmem>>) semaphore(%arg18 : memref<!tpu.dma_semaphore, #tpu.memory_space<semaphore_mem>>)
      } else {
      }
      %add3A_83 = arith.constant 1 : i32
      %add3A_84 = arith.addi %mul3A_39, %add3A_83 : i32
      %dma_start3A_85 = arith.constant 0 : i32
      %dma_start3A_86 = tpu.memref_slice %arg13[%add3A_84, %dma_start3A_85] : memref<32x640xi32, #tpu.memory_space<vmem>> -> memref<1x640xi32, #tpu.memory_space<vmem>>
      %dma_start3A_87 = tpu.memref_squeeze %dma_start3A_86 : memref<1x640xi32, #tpu.memory_space<vmem>> -> memref<640xi32, #tpu.memory_space<vmem>>
      %dma_start3A_88 = arith.constant 0 : i32
      %dma_start3A_89 = arith.constant 0 : i32
      %dma_start3A_90 = tpu.memref_slice %arg11[%dma_start3A_88, %dma_start3A_89] : memref<10112x16xf32, #tpu.memory_space<vmem_shared>> -> memref<10112x16xf32, #tpu.memory_space<vmem_shared>>
      tpu.enqueue_indirect_dma source(%arg15 : memref<640x16xf32, #tpu.memory_space<vmem>>) target(%dma_start3A_90 : memref<10112x16xf32, #tpu.memory_space<vmem_shared>>) offsets(%dma_start3A_87 : memref<640xi32, #tpu.memory_space<vmem>>) semaphore(%arg21 : memref<!tpu.dma_semaphore, #tpu.memory_space<semaphore_mem>>) {add = true}
    }
    %scan3A_20 = arith.constant 16 : i32
    %dma_wait3A = arith.constant 0 : i32
    %dma_wait3A_21 = arith.constant 0 : i32
    %dma_wait3A_22 = tpu.memref_slice %arg13[%dma_wait3A, %dma_wait3A_21] : memref<32x640xi32, #tpu.memory_space<vmem>> -> memref<1x640xi32, #tpu.memory_space<vmem>>
    %dma_wait3A_23 = tpu.memref_squeeze %dma_wait3A_22 : memref<1x640xi32, #tpu.memory_space<vmem>> -> memref<640xi32, #tpu.memory_space<vmem>>
    %dma_wait3A_24 = arith.constant 0 : i32
    %dma_wait3A_25 = arith.constant 0 : i32
    %dma_wait3A_26 = tpu.memref_slice %arg11[%dma_wait3A_24, %dma_wait3A_25] : memref<10112x16xf32, #tpu.memory_space<vmem_shared>> -> memref<10112x16xf32, #tpu.memory_space<vmem_shared>>
    tpu.wait_indirect_dma semaphore(%arg21 : memref<!tpu.dma_semaphore, #tpu.memory_space<semaphore_mem>>) src(%arg15 : memref<640x16xf32, #tpu.memory_space<vmem>>) dst(%dma_wait3A_26 : memref<10112x16xf32, #tpu.memory_space<vmem_shared>>)
    %barrier3A_27 = arith.constant 0 : index
    tpu.barrier barrier_id(%barrier3A_27)
    %run_scoped3A_28 = arith.constant 0 : i32
    "tpu.region"() ({
      %run_scoped3A_34 = tpu.sem_alloc : memref<!tpu.dma_semaphore, #tpu.memory_space<semaphore_mem>>
      %dma_start3A_35 = arith.constant 0 : i32
      %dma_start3A_36 = arith.constant 0 : i32
      %dma_start3A_37 = tpu.memref_slice %arg14[%dma_start3A_35, %dma_start3A_36] : memref<640x16xf32, #tpu.memory_space<vmem>> -> memref<632x16xf32, #tpu.memory_space<vmem>>
      %dma_start3A_38 = arith.constant 0 : i32
      %dma_start3A_39 = tpu.memref_slice %arg2[%arg0, %run_scoped3A_28, %mul3A_0, %dma_start3A_38] : memref<2x12x10112x16xf32, #tpu.memory_space<hbm>> -> memref<1x1x632x16xf32, #tpu.memory_space<hbm>>
      %dma_start3A_40 = tpu.memref_squeeze %dma_start3A_39 : memref<1x1x632x16xf32, #tpu.memory_space<hbm>> -> memref<632x16xf32, #tpu.memory_space<hbm>>
      %dma_start3A_41 = arith.constant 0 : i32
      %dma_start3A_42 = arith.constant 0 : i32
      %dma_start3A_43 = tpu.memref_slice %arg14[%dma_start3A_41, %dma_start3A_42] : memref<640x16xf32, #tpu.memory_space<vmem>> -> memref<632x16xf32, #tpu.memory_space<vmem>>
      %dma_start3A_44 = arith.constant 0 : i32
      %dma_start3A_45 = tpu.memref_slice %arg2[%arg0, %run_scoped3A_28, %mul3A_0, %dma_start3A_44] : memref<2x12x10112x16xf32, #tpu.memory_space<hbm>> -> memref<1x1x632x16xf32, #tpu.memory_space<hbm>>
      %dma_start3A_46 = tpu.memref_squeeze %dma_start3A_45 : memref<1x1x632x16xf32, #tpu.memory_space<hbm>> -> memref<632x16xf32, #tpu.memory_space<hbm>>
      tpu.enqueue_dma source(%dma_start3A_46 : memref<632x16xf32, #tpu.memory_space<hbm>>) target(%dma_start3A_43 : memref<632x16xf32, #tpu.memory_space<vmem>>) target_semaphore(%run_scoped3A_34 : memref<!tpu.dma_semaphore, #tpu.memory_space<semaphore_mem>>)
      %dma_wait3A_47 = arith.constant 0 : i32
      %dma_wait3A_48 = arith.constant 0 : i32
      %dma_wait3A_49 = tpu.memref_slice %arg14[%dma_wait3A_47, %dma_wait3A_48] : memref<640x16xf32, #tpu.memory_space<vmem>> -> memref<632x16xf32, #tpu.memory_space<vmem>>
      %dma_wait3A_50 = arith.constant 0 : i32
      %dma_wait3A_51 = tpu.memref_slice %arg2[%arg0, %run_scoped3A_28, %mul3A_0, %dma_wait3A_50] : memref<2x12x10112x16xf32, #tpu.memory_space<hbm>> -> memref<1x1x632x16xf32, #tpu.memory_space<hbm>>
      %dma_wait3A_52 = tpu.memref_squeeze %dma_wait3A_51 : memref<1x1x632x16xf32, #tpu.memory_space<hbm>> -> memref<632x16xf32, #tpu.memory_space<hbm>>
      %dma_wait3A_53 = arith.constant 0 : i32
      %dma_wait3A_54 = arith.constant 0 : i32
      %dma_wait3A_55 = tpu.memref_slice %arg14[%dma_wait3A_53, %dma_wait3A_54] : memref<640x16xf32, #tpu.memory_space<vmem>> -> memref<632x16xf32, #tpu.memory_space<vmem>>
      %dma_wait3A_56 = arith.constant 0 : i32
      %dma_wait3A_57 = tpu.memref_slice %arg2[%arg0, %run_scoped3A_28, %mul3A_0, %dma_wait3A_56] : memref<2x12x10112x16xf32, #tpu.memory_space<hbm>> -> memref<1x1x632x16xf32, #tpu.memory_space<hbm>>
      %dma_wait3A_58 = tpu.memref_squeeze %dma_wait3A_57 : memref<1x1x632x16xf32, #tpu.memory_space<hbm>> -> memref<632x16xf32, #tpu.memory_space<hbm>>
      tpu.wait_dma2 semaphore(%run_scoped3A_34 : memref<!tpu.dma_semaphore, #tpu.memory_space<semaphore_mem>>) src(%dma_wait3A_58 : memref<632x16xf32, #tpu.memory_space<hbm>>) dst(%dma_wait3A_55 : memref<632x16xf32, #tpu.memory_space<vmem>>)
      tpu.yield
    }) : () -> ()
    "tpu.region"() ({
      %run_scoped3A_34 = tpu.sem_alloc : memref<!tpu.dma_semaphore, #tpu.memory_space<semaphore_mem>>
      %dma_start3A_35 = arith.constant 0 : i32
      %dma_start3A_36 = arith.constant 0 : i32
      %dma_start3A_37 = tpu.memref_slice %arg15[%dma_start3A_35, %dma_start3A_36] : memref<640x16xf32, #tpu.memory_space<vmem>> -> memref<632x16xf32, #tpu.memory_space<vmem>>
      %dma_start3A_38 = arith.constant 0 : i32
      %dma_start3A_39 = tpu.memref_slice %arg11[%mul3A_0, %dma_start3A_38] : memref<10112x16xf32, #tpu.memory_space<vmem_shared>> -> memref<632x16xf32, #tpu.memory_space<vmem_shared>>
      %dma_start3A_40 = arith.constant 0 : i32
      %dma_start3A_41 = arith.constant 0 : i32
      %dma_start3A_42 = tpu.memref_slice %arg15[%dma_start3A_40, %dma_start3A_41] : memref<640x16xf32, #tpu.memory_space<vmem>> -> memref<632x16xf32, #tpu.memory_space<vmem>>
      %dma_start3A_43 = arith.constant 0 : i32
      %dma_start3A_44 = tpu.memref_slice %arg11[%mul3A_0, %dma_start3A_43] : memref<10112x16xf32, #tpu.memory_space<vmem_shared>> -> memref<632x16xf32, #tpu.memory_space<vmem_shared>>
      tpu.enqueue_dma source(%dma_start3A_44 : memref<632x16xf32, #tpu.memory_space<vmem_shared>>) target(%dma_start3A_42 : memref<632x16xf32, #tpu.memory_space<vmem>>) target_semaphore(%run_scoped3A_34 : memref<!tpu.dma_semaphore, #tpu.memory_space<semaphore_mem>>)
      %dma_wait3A_45 = arith.constant 0 : i32
      %dma_wait3A_46 = arith.constant 0 : i32
      %dma_wait3A_47 = tpu.memref_slice %arg15[%dma_wait3A_45, %dma_wait3A_46] : memref<640x16xf32, #tpu.memory_space<vmem>> -> memref<632x16xf32, #tpu.memory_space<vmem>>
      %dma_wait3A_48 = arith.constant 0 : i32
      %dma_wait3A_49 = tpu.memref_slice %arg11[%mul3A_0, %dma_wait3A_48] : memref<10112x16xf32, #tpu.memory_space<vmem_shared>> -> memref<632x16xf32, #tpu.memory_space<vmem_shared>>
      %dma_wait3A_50 = arith.constant 0 : i32
      %dma_wait3A_51 = arith.constant 0 : i32
      %dma_wait3A_52 = tpu.memref_slice %arg15[%dma_wait3A_50, %dma_wait3A_51] : memref<640x16xf32, #tpu.memory_space<vmem>> -> memref<632x16xf32, #tpu.memory_space<vmem>>
      %dma_wait3A_53 = arith.constant 0 : i32
      %dma_wait3A_54 = tpu.memref_slice %arg11[%mul3A_0, %dma_wait3A_53] : memref<10112x16xf32, #tpu.memory_space<vmem_shared>> -> memref<632x16xf32, #tpu.memory_space<vmem_shared>>
      tpu.wait_dma2 semaphore(%run_scoped3A_34 : memref<!tpu.dma_semaphore, #tpu.memory_space<semaphore_mem>>) src(%dma_wait3A_54 : memref<632x16xf32, #tpu.memory_space<vmem_shared>>) dst(%dma_wait3A_52 : memref<632x16xf32, #tpu.memory_space<vmem>>)
      tpu.yield
    }) : () -> ()
    "tpu.region"() ({
      %run_scoped3A_34 = tpu.sem_alloc : memref<!tpu.dma_semaphore, #tpu.memory_space<semaphore_mem>>
      %dma_start3A_35 = arith.constant 0 : i32
      %dma_start3A_36 = tpu.memref_slice %arg9[%mul3A_0, %dma_start3A_35] : memref<10112x16xf32, #tpu.memory_space<vmem_shared>> -> memref<632x16xf32, #tpu.memory_space<vmem_shared>>
      %dma_start3A_37 = arith.constant 0 : i32
      %dma_start3A_38 = tpu.memref_slice %arg9[%mul3A_0, %dma_start3A_37] : memref<10112x16xf32, #tpu.memory_space<vmem_shared>> -> memref<632x16xf32, #tpu.memory_space<vmem_shared>>
      tpu.enqueue_dma source(%dma_start3A_38 : memref<632x16xf32, #tpu.memory_space<vmem_shared>>) target(%arg17 : memref<632x16xf32, #tpu.memory_space<vmem>>) target_semaphore(%run_scoped3A_34 : memref<!tpu.dma_semaphore, #tpu.memory_space<semaphore_mem>>)
      %dma_wait3A_39 = arith.constant 0 : i32
      %dma_wait3A_40 = tpu.memref_slice %arg9[%mul3A_0, %dma_wait3A_39] : memref<10112x16xf32, #tpu.memory_space<vmem_shared>> -> memref<632x16xf32, #tpu.memory_space<vmem_shared>>
      %dma_wait3A_41 = arith.constant 0 : i32
      %dma_wait3A_42 = tpu.memref_slice %arg9[%mul3A_0, %dma_wait3A_41] : memref<10112x16xf32, #tpu.memory_space<vmem_shared>> -> memref<632x16xf32, #tpu.memory_space<vmem_shared>>
      tpu.wait_dma2 semaphore(%run_scoped3A_34 : memref<!tpu.dma_semaphore, #tpu.memory_space<semaphore_mem>>) src(%dma_wait3A_42 : memref<632x16xf32, #tpu.memory_space<vmem_shared>>) dst(%arg17 : memref<632x16xf32, #tpu.memory_space<vmem>>)
      tpu.yield
    }) : () -> ()
    %scan3A_29 = arith.constant 0 : i32
    %scan3A_30 = arith.constant 632 : i32
    %scan3A_31 = arith.addi %scan3A_29, %scan3A_30 : i32
    %scan3A_32 = arith.constant 1 : i32
    scf.for %scan3A_34 = %scan3A_29 to %scan3A_31 step %scan3A_32  : i32 {
      %mul3A_35 = arith.constant 1 : i32
      %mul3A_36 = arith.muli %scan3A_34, %mul3A_35 : i32
      %add3A = arith.constant 0 : i32
      %add3A_37 = arith.addi %add3A, %mul3A_36 : i32
      %get3A = arith.constant 0 : i32
      %get3A_38 = arith.constant 0 : i32
      %get3A_39 = tpu.memref_slice %arg14[%get3A, %get3A_38] : memref<640x16xf32, #tpu.memory_space<vmem>> -> memref<632x16xf32, #tpu.memory_space<vmem>>
      %get3A_40 = arith.index_cast %add3A_37 : i32 to index
      %get3A_41 = arith.constant 0 : index
      %get3A_42 = tpu.vector_load %get3A_39[%get3A_40, %get3A_41] {strides = array<i32>} : memref<632x16xf32, #tpu.memory_space<vmem>>, vector<1x16xf32>,
      %get3A_43 = vector.shape_cast %get3A_42 : vector<1x16xf32> to vector<16xf32>
      %get3A_44 = arith.index_cast %add3A_37 : i32 to index
      %get3A_45 = arith.constant 0 : index
      %get3A_46 = tpu.vector_load %arg16[%get3A_44, %get3A_45] {strides = array<i32>} : memref<632x16xf32, #tpu.memory_space<vmem>>, vector<1x16xf32>,
      %get3A_47 = vector.shape_cast %get3A_46 : vector<1x16xf32> to vector<16xf32>
      %get3A_48 = arith.constant 0 : i32
      %get3A_49 = arith.constant 0 : i32
      %get3A_50 = tpu.memref_slice %arg15[%get3A_48, %get3A_49] : memref<640x16xf32, #tpu.memory_space<vmem>> -> memref<632x16xf32, #tpu.memory_space<vmem>>
      %get3A_51 = arith.index_cast %add3A_37 : i32 to index
      %get3A_52 = arith.constant 0 : index
      %get3A_53 = tpu.vector_load %get3A_50[%get3A_51, %get3A_52] {strides = array<i32>} : memref<632x16xf32, #tpu.memory_space<vmem>>, vector<1x16xf32>,
      %get3A_54 = vector.shape_cast %get3A_53 : vector<1x16xf32> to vector<16xf32>
      %mul3A_55 = arith.mulf %get3A_47, %get3A_54 : vector<16xf32>
      %sub3A = arith.subf %get3A_43, %mul3A_55 : vector<16xf32>
      %get3A_56 = arith.index_cast %add3A_37 : i32 to index
      %get3A_57 = arith.constant 0 : index
      %get3A_58 = tpu.vector_load %arg17[%get3A_56, %get3A_57] {strides = array<i32>} : memref<632x16xf32, #tpu.memory_space<vmem>>, vector<1x16xf32>,
      %get3A_59 = vector.shape_cast %get3A_58 : vector<1x16xf32> to vector<16xf32>
      %sub3A_60 = arith.subf %sub3A, %get3A_59 : vector<16xf32>
      %swap3A = arith.constant 0 : i32
      %swap3A_61 = arith.constant 0 : i32
      %swap3A_62 = tpu.memref_slice %arg14[%swap3A, %swap3A_61] : memref<640x16xf32, #tpu.memory_space<vmem>> -> memref<632x16xf32, #tpu.memory_space<vmem>>
      %swap3A_63 = arith.index_cast %add3A_37 : i32 to index
      %swap3A_64 = arith.constant 0 : index
      %swap3A_65 = tpu.vector_load %swap3A_62[%swap3A_63, %swap3A_64] {strides = array<i32>} : memref<632x16xf32, #tpu.memory_space<vmem>>, vector<1x16xf32>,
      %swap3A_66 = vector.shape_cast %swap3A_65 : vector<1x16xf32> to vector<16xf32>
      %swap3A_67 = vector.shape_cast %sub3A_60 : vector<16xf32> to vector<1x16xf32>
      tpu.vector_store %swap3A_62[%swap3A_63, %swap3A_64], %swap3A_67 {strides = array<i32>} : memref<632x16xf32, #tpu.memory_space<vmem>>, vector<1x16xf32>,
    }
    %scan3A_33 = arith.constant 632 : i32
    "tpu.region"() ({
      %run_scoped3A_34 = tpu.sem_alloc : memref<!tpu.dma_semaphore, #tpu.memory_space<semaphore_mem>>
      %dma_start3A_35 = arith.constant 0 : i32
      %dma_start3A_36 = arith.constant 0 : i32
      %dma_start3A_37 = tpu.memref_slice %arg14[%dma_start3A_35, %dma_start3A_36] : memref<640x16xf32, #tpu.memory_space<vmem>> -> memref<632x16xf32, #tpu.memory_space<vmem>>
      %dma_start3A_38 = arith.constant 0 : i32
      %dma_start3A_39 = tpu.memref_slice %arg7[%arg0, %mul3A_0, %dma_start3A_38] : memref<2x10112x16xf32, #tpu.memory_space<hbm>> -> memref<1x632x16xf32, #tpu.memory_space<hbm>>
      %dma_start3A_40 = tpu.memref_squeeze %dma_start3A_39 : memref<1x632x16xf32, #tpu.memory_space<hbm>> -> memref<632x16xf32, #tpu.memory_space<hbm>>
      %dma_start3A_41 = arith.constant 0 : i32
      %dma_start3A_42 = tpu.memref_slice %arg7[%arg0, %mul3A_0, %dma_start3A_41] : memref<2x10112x16xf32, #tpu.memory_space<hbm>> -> memref<1x632x16xf32, #tpu.memory_space<hbm>>
      %dma_start3A_43 = tpu.memref_squeeze %dma_start3A_42 : memref<1x632x16xf32, #tpu.memory_space<hbm>> -> memref<632x16xf32, #tpu.memory_space<hbm>>
      %dma_start3A_44 = arith.constant 0 : i32
      %dma_start3A_45 = arith.constant 0 : i32
      %dma_start3A_46 = tpu.memref_slice %arg14[%dma_start3A_44, %dma_start3A_45] : memref<640x16xf32, #tpu.memory_space<vmem>> -> memref<632x16xf32, #tpu.memory_space<vmem>>
      tpu.enqueue_dma source(%dma_start3A_46 : memref<632x16xf32, #tpu.memory_space<vmem>>) target(%dma_start3A_43 : memref<632x16xf32, #tpu.memory_space<hbm>>) target_semaphore(%run_scoped3A_34 : memref<!tpu.dma_semaphore, #tpu.memory_space<semaphore_mem>>)
      %dma_wait3A_47 = arith.constant 0 : i32
      %dma_wait3A_48 = arith.constant 0 : i32
      %dma_wait3A_49 = tpu.memref_slice %arg14[%dma_wait3A_47, %dma_wait3A_48] : memref<640x16xf32, #tpu.memory_space<vmem>> -> memref<632x16xf32, #tpu.memory_space<vmem>>
      %dma_wait3A_50 = arith.constant 0 : i32
      %dma_wait3A_51 = tpu.memref_slice %arg7[%arg0, %mul3A_0, %dma_wait3A_50] : memref<2x10112x16xf32, #tpu.memory_space<hbm>> -> memref<1x632x16xf32, #tpu.memory_space<hbm>>
      %dma_wait3A_52 = tpu.memref_squeeze %dma_wait3A_51 : memref<1x632x16xf32, #tpu.memory_space<hbm>> -> memref<632x16xf32, #tpu.memory_space<hbm>>
      %dma_wait3A_53 = arith.constant 0 : i32
      %dma_wait3A_54 = tpu.memref_slice %arg7[%arg0, %mul3A_0, %dma_wait3A_53] : memref<2x10112x16xf32, #tpu.memory_space<hbm>> -> memref<1x632x16xf32, #tpu.memory_space<hbm>>
      %dma_wait3A_55 = tpu.memref_squeeze %dma_wait3A_54 : memref<1x632x16xf32, #tpu.memory_space<hbm>> -> memref<632x16xf32, #tpu.memory_space<hbm>>
      %dma_wait3A_56 = arith.constant 0 : i32
      %dma_wait3A_57 = arith.constant 0 : i32
      %dma_wait3A_58 = tpu.memref_slice %arg14[%dma_wait3A_56, %dma_wait3A_57] : memref<640x16xf32, #tpu.memory_space<vmem>> -> memref<632x16xf32, #tpu.memory_space<vmem>>
      tpu.wait_dma2 semaphore(%run_scoped3A_34 : memref<!tpu.dma_semaphore, #tpu.memory_space<semaphore_mem>>) src(%dma_wait3A_58 : memref<632x16xf32, #tpu.memory_space<vmem>>) dst(%dma_wait3A_55 : memref<632x16xf32, #tpu.memory_space<hbm>>)
      tpu.yield
    }) : () -> ()
    return
  }
}

#map = affine_map<(d0, d1) -> (0, 0, 0, 0)>
#map1 = affine_map<(d0, d1) -> (0, 0)>
#map2 = affine_map<(d0, d1) -> (0, 0, 0)>
module attributes {stable_mosaic.version = 14 : i64} {
  func.func @_chain_body(%arg0: i32, %arg1: i32, %arg2: memref<2x10x10112x16xf32, #tpu.memory_space<hbm>>, %arg3: memref<10112x16xf32, #tpu.memory_space<hbm>>, %arg4: memref<16x32x640xi32, #tpu.memory_space<hbm>>, %arg5: memref<16x32x640xi32, #tpu.memory_space<hbm>>, %arg6: memref<632x16xf32, #tpu.memory_space<hbm>>, %arg7: memref<2x10112x16xf32, #tpu.memory_space<hbm>>, %arg8: memref<10112x16xf32, #tpu.memory_space<vmem_shared>>, %arg9: memref<10112x16xf32, #tpu.memory_space<vmem_shared>>, %arg10: memref<10112x16xf32, #tpu.memory_space<vmem_shared>>, %arg11: memref<10112x16xf32, #tpu.memory_space<vmem_shared>>, %arg12: memref<32x640xi32, #tpu.memory_space<vmem>>, %arg13: memref<32x640xi32, #tpu.memory_space<vmem>>, %arg14: memref<640x16xf32, #tpu.memory_space<vmem>>, %arg15: memref<640x16xf32, #tpu.memory_space<vmem>>, %arg16: memref<632x16xf32, #tpu.memory_space<vmem>>, %arg17: memref<632x16xf32, #tpu.memory_space<vmem>>, %arg18: memref<!tpu.dma_semaphore, #tpu.memory_space<semaphore_mem>>, %arg19: memref<!tpu.dma_semaphore, #tpu.memory_space<semaphore_mem>>, %arg20: memref<!tpu.dma_semaphore, #tpu.memory_space<semaphore_mem>>, %arg21: memref<!tpu.dma_semaphore, #tpu.memory_space<semaphore_mem>>) attributes {dimension_semantics = [#tpu.dimension_semantics<core_parallel>, #tpu.dimension_semantics<subcore_parallel>], iteration_bounds = array<i64: 2, 16>, scalar_prefetch = 0 : i64, scratch_operands = 14 : i64, tpu.core_type = #tpu.core_type<sc_vector_subcore>, window_params = [{transform_indices = #map}, {transform_indices = #map1}, {transform_indices = #map2}, {transform_indices = #map2}, {transform_indices = #map1}, {transform_indices = #map2}]} {
    %mul3A = arith.constant 632 : i32
    %mul3A_0 = arith.muli %arg1, %mul3A : i32
    "tpu.region"() ({
      %run_scoped3A_34 = tpu.sem_alloc : memref<!tpu.dma_semaphore, #tpu.memory_space<semaphore_mem>>
      %dma_start3A_35 = arith.constant 0 : i32
      %dma_start3A_36 = arith.constant 0 : i32
      %dma_start3A_37 = tpu.memref_slice %arg4[%arg1, %dma_start3A_35, %dma_start3A_36] : memref<16x32x640xi32, #tpu.memory_space<hbm>> -> memref<1x32x640xi32, #tpu.memory_space<hbm>>
      %dma_start3A_38 = tpu.memref_squeeze %dma_start3A_37 : memref<1x32x640xi32, #tpu.memory_space<hbm>> -> memref<32x640xi32, #tpu.memory_space<hbm>>
      %dma_start3A_39 = arith.constant 0 : i32
      %dma_start3A_40 = arith.constant 0 : i32
      %dma_start3A_41 = tpu.memref_slice %arg4[%arg1, %dma_start3A_39, %dma_start3A_40] : memref<16x32x640xi32, #tpu.memory_space<hbm>> -> memref<1x32x640xi32, #tpu.memory_space<hbm>>
      %dma_start3A_42 = tpu.memref_squeeze %dma_start3A_41 : memref<1x32x640xi32, #tpu.memory_space<hbm>> -> memref<32x640xi32, #tpu.memory_space<hbm>>
      tpu.enqueue_dma source(%dma_start3A_42 : memref<32x640xi32, #tpu.memory_space<hbm>>) target(%arg12 : memref<32x640xi32, #tpu.memory_space<vmem>>) target_semaphore(%run_scoped3A_34 : memref<!tpu.dma_semaphore, #tpu.memory_space<semaphore_mem>>)
      %dma_wait3A_43 = arith.constant 0 : i32
      %dma_wait3A_44 = arith.constant 0 : i32
      %dma_wait3A_45 = tpu.memref_slice %arg4[%arg1, %dma_wait3A_43, %dma_wait3A_44] : memref<16x32x640xi32, #tpu.memory_space<hbm>> -> memref<1x32x640xi32, #tpu.memory_space<hbm>>
      %dma_wait3A_46 = tpu.memref_squeeze %dma_wait3A_45 : memref<1x32x640xi32, #tpu.memory_space<hbm>> -> memref<32x640xi32, #tpu.memory_space<hbm>>
      %dma_wait3A_47 = arith.constant 0 : i32
      %dma_wait3A_48 = arith.constant 0 : i32
      %dma_wait3A_49 = tpu.memref_slice %arg4[%arg1, %dma_wait3A_47, %dma_wait3A_48] : memref<16x32x640xi32, #tpu.memory_space<hbm>> -> memref<1x32x640xi32, #tpu.memory_space<hbm>>
      %dma_wait3A_50 = tpu.memref_squeeze %dma_wait3A_49 : memref<1x32x640xi32, #tpu.memory_space<hbm>> -> memref<32x640xi32, #tpu.memory_space<hbm>>
      tpu.wait_dma2 semaphore(%run_scoped3A_34 : memref<!tpu.dma_semaphore, #tpu.memory_space<semaphore_mem>>) src(%dma_wait3A_50 : memref<32x640xi32, #tpu.memory_space<hbm>>) dst(%arg12 : memref<32x640xi32, #tpu.memory_space<vmem>>)
      tpu.yield
    }) : () -> ()
    "tpu.region"() ({
      %run_scoped3A_34 = tpu.sem_alloc : memref<!tpu.dma_semaphore, #tpu.memory_space<semaphore_mem>>
      %dma_start3A_35 = arith.constant 0 : i32
      %dma_start3A_36 = arith.constant 0 : i32
      %dma_start3A_37 = tpu.memref_slice %arg5[%arg1, %dma_start3A_35, %dma_start3A_36] : memref<16x32x640xi32, #tpu.memory_space<hbm>> -> memref<1x32x640xi32, #tpu.memory_space<hbm>>
      %dma_start3A_38 = tpu.memref_squeeze %dma_start3A_37 : memref<1x32x640xi32, #tpu.memory_space<hbm>> -> memref<32x640xi32, #tpu.memory_space<hbm>>
      %dma_start3A_39 = arith.constant 0 : i32
      %dma_start3A_40 = arith.constant 0 : i32
      %dma_start3A_41 = tpu.memref_slice %arg5[%arg1, %dma_start3A_39, %dma_start3A_40] : memref<16x32x640xi32, #tpu.memory_space<hbm>> -> memref<1x32x640xi32, #tpu.memory_space<hbm>>
      %dma_start3A_42 = tpu.memref_squeeze %dma_start3A_41 : memref<1x32x640xi32, #tpu.memory_space<hbm>> -> memref<32x640xi32, #tpu.memory_space<hbm>>
      tpu.enqueue_dma source(%dma_start3A_42 : memref<32x640xi32, #tpu.memory_space<hbm>>) target(%arg13 : memref<32x640xi32, #tpu.memory_space<vmem>>) target_semaphore(%run_scoped3A_34 : memref<!tpu.dma_semaphore, #tpu.memory_space<semaphore_mem>>)
      %dma_wait3A_43 = arith.constant 0 : i32
      %dma_wait3A_44 = arith.constant 0 : i32
      %dma_wait3A_45 = tpu.memref_slice %arg5[%arg1, %dma_wait3A_43, %dma_wait3A_44] : memref<16x32x640xi32, #tpu.memory_space<hbm>> -> memref<1x32x640xi32, #tpu.memory_space<hbm>>
      %dma_wait3A_46 = tpu.memref_squeeze %dma_wait3A_45 : memref<1x32x640xi32, #tpu.memory_space<hbm>> -> memref<32x640xi32, #tpu.memory_space<hbm>>
      %dma_wait3A_47 = arith.constant 0 : i32
      %dma_wait3A_48 = arith.constant 0 : i32
      %dma_wait3A_49 = tpu.memref_slice %arg5[%arg1, %dma_wait3A_47, %dma_wait3A_48] : memref<16x32x640xi32, #tpu.memory_space<hbm>> -> memref<1x32x640xi32, #tpu.memory_space<hbm>>
      %dma_wait3A_50 = tpu.memref_squeeze %dma_wait3A_49 : memref<1x32x640xi32, #tpu.memory_space<hbm>> -> memref<32x640xi32, #tpu.memory_space<hbm>>
      tpu.wait_dma2 semaphore(%run_scoped3A_34 : memref<!tpu.dma_semaphore, #tpu.memory_space<semaphore_mem>>) src(%dma_wait3A_50 : memref<32x640xi32, #tpu.memory_space<hbm>>) dst(%arg13 : memref<32x640xi32, #tpu.memory_space<vmem>>)
      tpu.yield
    }) : () -> ()
    "tpu.region"() ({
      %run_scoped3A_34 = tpu.sem_alloc : memref<!tpu.dma_semaphore, #tpu.memory_space<semaphore_mem>>
      %dma_start3A_35 = arith.constant 0 : i32
      %dma_start3A_36 = tpu.memref_slice %arg3[%mul3A_0, %dma_start3A_35] : memref<10112x16xf32, #tpu.memory_space<hbm>> -> memref<632x16xf32, #tpu.memory_space<hbm>>
      %dma_start3A_37 = arith.constant 0 : i32
      %dma_start3A_38 = tpu.memref_slice %arg3[%mul3A_0, %dma_start3A_37] : memref<10112x16xf32, #tpu.memory_space<hbm>> -> memref<632x16xf32, #tpu.memory_space<hbm>>
      tpu.enqueue_dma source(%dma_start3A_38 : memref<632x16xf32, #tpu.memory_space<hbm>>) target(%arg16 : memref<632x16xf32, #tpu.memory_space<vmem>>) target_semaphore(%run_scoped3A_34 : memref<!tpu.dma_semaphore, #tpu.memory_space<semaphore_mem>>)
      %dma_wait3A_39 = arith.constant 0 : i32
      %dma_wait3A_40 = tpu.memref_slice %arg3[%mul3A_0, %dma_wait3A_39] : memref<10112x16xf32, #tpu.memory_space<hbm>> -> memref<632x16xf32, #tpu.memory_space<hbm>>
      %dma_wait3A_41 = arith.constant 0 : i32
      %dma_wait3A_42 = tpu.memref_slice %arg3[%mul3A_0, %dma_wait3A_41] : memref<10112x16xf32, #tpu.memory_space<hbm>> -> memref<632x16xf32, #tpu.memory_space<hbm>>
      tpu.wait_dma2 semaphore(%run_scoped3A_34 : memref<!tpu.dma_semaphore, #tpu.memory_space<semaphore_mem>>) src(%dma_wait3A_42 : memref<632x16xf32, #tpu.memory_space<hbm>>) dst(%arg16 : memref<632x16xf32, #tpu.memory_space<vmem>>)
      tpu.yield
    }) : () -> ()
    %run_scoped3A = arith.constant 9 : i32
    "tpu.region"() ({
      %run_scoped3A_34 = tpu.sem_alloc : memref<!tpu.dma_semaphore, #tpu.memory_space<semaphore_mem>>
      %dma_start3A_35 = arith.constant 0 : i32
      %dma_start3A_36 = arith.constant 0 : i32
      %dma_start3A_37 = tpu.memref_slice %arg14[%dma_start3A_35, %dma_start3A_36] : memref<640x16xf32, #tpu.memory_space<vmem>> -> memref<632x16xf32, #tpu.memory_space<vmem>>
      %dma_start3A_38 = arith.constant 0 : i32
      %dma_start3A_39 = tpu.memref_slice %arg2[%arg0, %run_scoped3A, %mul3A_0, %dma_start3A_38] : memref<2x10x10112x16xf32, #tpu.memory_space<hbm>> -> memref<1x1x632x16xf32, #tpu.memory_space<hbm>>
      %dma_start3A_40 = tpu.memref_squeeze %dma_start3A_39 : memref<1x1x632x16xf32, #tpu.memory_space<hbm>> -> memref<632x16xf32, #tpu.memory_space<hbm>>
      %dma_start3A_41 = arith.constant 0 : i32
      %dma_start3A_42 = arith.constant 0 : i32
      %dma_start3A_43 = tpu.memref_slice %arg14[%dma_start3A_41, %dma_start3A_42] : memref<640x16xf32, #tpu.memory_space<vmem>> -> memref<632x16xf32, #tpu.memory_space<vmem>>
      %dma_start3A_44 = arith.constant 0 : i32
      %dma_start3A_45 = tpu.memref_slice %arg2[%arg0, %run_scoped3A, %mul3A_0, %dma_start3A_44] : memref<2x10x10112x16xf32, #tpu.memory_space<hbm>> -> memref<1x1x632x16xf32, #tpu.memory_space<hbm>>
      %dma_start3A_46 = tpu.memref_squeeze %dma_start3A_45 : memref<1x1x632x16xf32, #tpu.memory_space<hbm>> -> memref<632x16xf32, #tpu.memory_space<hbm>>
      tpu.enqueue_dma source(%dma_start3A_46 : memref<632x16xf32, #tpu.memory_space<hbm>>) target(%dma_start3A_43 : memref<632x16xf32, #tpu.memory_space<vmem>>) target_semaphore(%run_scoped3A_34 : memref<!tpu.dma_semaphore, #tpu.memory_space<semaphore_mem>>)
      %dma_wait3A_47 = arith.constant 0 : i32
      %dma_wait3A_48 = arith.constant 0 : i32
      %dma_wait3A_49 = tpu.memref_slice %arg14[%dma_wait3A_47, %dma_wait3A_48] : memref<640x16xf32, #tpu.memory_space<vmem>> -> memref<632x16xf32, #tpu.memory_space<vmem>>
      %dma_wait3A_50 = arith.constant 0 : i32
      %dma_wait3A_51 = tpu.memref_slice %arg2[%arg0, %run_scoped3A, %mul3A_0, %dma_wait3A_50] : memref<2x10x10112x16xf32, #tpu.memory_space<hbm>> -> memref<1x1x632x16xf32, #tpu.memory_space<hbm>>
      %dma_wait3A_52 = tpu.memref_squeeze %dma_wait3A_51 : memref<1x1x632x16xf32, #tpu.memory_space<hbm>> -> memref<632x16xf32, #tpu.memory_space<hbm>>
      %dma_wait3A_53 = arith.constant 0 : i32
      %dma_wait3A_54 = arith.constant 0 : i32
      %dma_wait3A_55 = tpu.memref_slice %arg14[%dma_wait3A_53, %dma_wait3A_54] : memref<640x16xf32, #tpu.memory_space<vmem>> -> memref<632x16xf32, #tpu.memory_space<vmem>>
      %dma_wait3A_56 = arith.constant 0 : i32
      %dma_wait3A_57 = tpu.memref_slice %arg2[%arg0, %run_scoped3A, %mul3A_0, %dma_wait3A_56] : memref<2x10x10112x16xf32, #tpu.memory_space<hbm>> -> memref<1x1x632x16xf32, #tpu.memory_space<hbm>>
      %dma_wait3A_58 = tpu.memref_squeeze %dma_wait3A_57 : memref<1x1x632x16xf32, #tpu.memory_space<hbm>> -> memref<632x16xf32, #tpu.memory_space<hbm>>
      tpu.wait_dma2 semaphore(%run_scoped3A_34 : memref<!tpu.dma_semaphore, #tpu.memory_space<semaphore_mem>>) src(%dma_wait3A_58 : memref<632x16xf32, #tpu.memory_space<hbm>>) dst(%dma_wait3A_55 : memref<632x16xf32, #tpu.memory_space<vmem>>)
      tpu.yield
    }) : () -> ()
    %scan3A = arith.constant 0 : i32
    %scan3A_1 = arith.constant 632 : i32
    %scan3A_2 = arith.addi %scan3A, %scan3A_1 : i32
    %scan3A_3 = arith.constant 1 : i32
    scf.for %scan3A_34 = %scan3A to %scan3A_2 step %scan3A_3  : i32 {
      %mul3A_35 = arith.constant 1 : i32
      %mul3A_36 = arith.muli %scan3A_34, %mul3A_35 : i32
      %add3A = arith.constant 0 : i32
      %add3A_37 = arith.addi %add3A, %mul3A_36 : i32
      %get3A = arith.constant 0 : i32
      %get3A_38 = arith.constant 0 : i32
      %get3A_39 = tpu.memref_slice %arg14[%get3A, %get3A_38] : memref<640x16xf32, #tpu.memory_space<vmem>> -> memref<632x16xf32, #tpu.memory_space<vmem>>
      %get3A_40 = arith.index_cast %add3A_37 : i32 to index
      %get3A_41 = arith.constant 0 : index
      %get3A_42 = tpu.vector_load %get3A_39[%get3A_40, %get3A_41] {strides = array<i32>} : memref<632x16xf32, #tpu.memory_space<vmem>>, vector<1x16xf32>,
      %get3A_43 = vector.shape_cast %get3A_42 : vector<1x16xf32> to vector<16xf32>
      %get3A_44 = arith.index_cast %add3A_37 : i32 to index
      %get3A_45 = arith.constant 0 : index
      %get3A_46 = tpu.vector_load %arg16[%get3A_44, %get3A_45] {strides = array<i32>} : memref<632x16xf32, #tpu.memory_space<vmem>>, vector<1x16xf32>,
      %get3A_47 = vector.shape_cast %get3A_46 : vector<1x16xf32> to vector<16xf32>
      %mul3A_48 = arith.mulf %get3A_43, %get3A_47 : vector<16xf32>
      %swap3A = arith.constant 0 : i32
      %swap3A_49 = arith.constant 0 : i32
      %swap3A_50 = tpu.memref_slice %arg15[%swap3A, %swap3A_49] : memref<640x16xf32, #tpu.memory_space<vmem>> -> memref<632x16xf32, #tpu.memory_space<vmem>>
      %swap3A_51 = arith.index_cast %add3A_37 : i32 to index
      %swap3A_52 = arith.constant 0 : index
      %swap3A_53 = tpu.vector_load %swap3A_50[%swap3A_51, %swap3A_52] {strides = array<i32>} : memref<632x16xf32, #tpu.memory_space<vmem>>, vector<1x16xf32>,
      %swap3A_54 = vector.shape_cast %swap3A_53 : vector<1x16xf32> to vector<16xf32>
      %swap3A_55 = vector.shape_cast %mul3A_48 : vector<16xf32> to vector<1x16xf32>
      tpu.vector_store %swap3A_50[%swap3A_51, %swap3A_52], %swap3A_55 {strides = array<i32>} : memref<632x16xf32, #tpu.memory_space<vmem>>, vector<1x16xf32>,
    }
    %scan3A_4 = arith.constant 632 : i32
    "tpu.region"() ({
      %run_scoped3A_34 = tpu.sem_alloc : memref<!tpu.dma_semaphore, #tpu.memory_space<semaphore_mem>>
      %dma_start3A_35 = arith.constant 0 : i32
      %dma_start3A_36 = arith.constant 0 : i32
      %dma_start3A_37 = tpu.memref_slice %arg14[%dma_start3A_35, %dma_start3A_36] : memref<640x16xf32, #tpu.memory_space<vmem>> -> memref<632x16xf32, #tpu.memory_space<vmem>>
      %dma_start3A_38 = arith.constant 0 : i32
      %dma_start3A_39 = tpu.memref_slice %arg8[%mul3A_0, %dma_start3A_38] : memref<10112x16xf32, #tpu.memory_space<vmem_shared>> -> memref<632x16xf32, #tpu.memory_space<vmem_shared>>
      %dma_start3A_40 = arith.constant 0 : i32
      %dma_start3A_41 = tpu.memref_slice %arg8[%mul3A_0, %dma_start3A_40] : memref<10112x16xf32, #tpu.memory_space<vmem_shared>> -> memref<632x16xf32, #tpu.memory_space<vmem_shared>>
      %dma_start3A_42 = arith.constant 0 : i32
      %dma_start3A_43 = arith.constant 0 : i32
      %dma_start3A_44 = tpu.memref_slice %arg14[%dma_start3A_42, %dma_start3A_43] : memref<640x16xf32, #tpu.memory_space<vmem>> -> memref<632x16xf32, #tpu.memory_space<vmem>>
      tpu.enqueue_dma source(%dma_start3A_44 : memref<632x16xf32, #tpu.memory_space<vmem>>) target(%dma_start3A_41 : memref<632x16xf32, #tpu.memory_space<vmem_shared>>) target_semaphore(%run_scoped3A_34 : memref<!tpu.dma_semaphore, #tpu.memory_space<semaphore_mem>>)
      %dma_wait3A_45 = arith.constant 0 : i32
      %dma_wait3A_46 = arith.constant 0 : i32
      %dma_wait3A_47 = tpu.memref_slice %arg14[%dma_wait3A_45, %dma_wait3A_46] : memref<640x16xf32, #tpu.memory_space<vmem>> -> memref<632x16xf32, #tpu.memory_space<vmem>>
      %dma_wait3A_48 = arith.constant 0 : i32
      %dma_wait3A_49 = tpu.memref_slice %arg8[%mul3A_0, %dma_wait3A_48] : memref<10112x16xf32, #tpu.memory_space<vmem_shared>> -> memref<632x16xf32, #tpu.memory_space<vmem_shared>>
      %dma_wait3A_50 = arith.constant 0 : i32
      %dma_wait3A_51 = tpu.memref_slice %arg8[%mul3A_0, %dma_wait3A_50] : memref<10112x16xf32, #tpu.memory_space<vmem_shared>> -> memref<632x16xf32, #tpu.memory_space<vmem_shared>>
      %dma_wait3A_52 = arith.constant 0 : i32
      %dma_wait3A_53 = arith.constant 0 : i32
      %dma_wait3A_54 = tpu.memref_slice %arg14[%dma_wait3A_52, %dma_wait3A_53] : memref<640x16xf32, #tpu.memory_space<vmem>> -> memref<632x16xf32, #tpu.memory_space<vmem>>
      tpu.wait_dma2 semaphore(%run_scoped3A_34 : memref<!tpu.dma_semaphore, #tpu.memory_space<semaphore_mem>>) src(%dma_wait3A_54 : memref<632x16xf32, #tpu.memory_space<vmem>>) dst(%dma_wait3A_51 : memref<632x16xf32, #tpu.memory_space<vmem_shared>>)
      tpu.yield
    }) : () -> ()
    "tpu.region"() ({
      %run_scoped3A_34 = tpu.sem_alloc : memref<!tpu.dma_semaphore, #tpu.memory_space<semaphore_mem>>
      %dma_start3A_35 = arith.constant 0 : i32
      %dma_start3A_36 = arith.constant 0 : i32
      %dma_start3A_37 = tpu.memref_slice %arg15[%dma_start3A_35, %dma_start3A_36] : memref<640x16xf32, #tpu.memory_space<vmem>> -> memref<632x16xf32, #tpu.memory_space<vmem>>
      %dma_start3A_38 = arith.constant 0 : i32
      %dma_start3A_39 = tpu.memref_slice %arg10[%mul3A_0, %dma_start3A_38] : memref<10112x16xf32, #tpu.memory_space<vmem_shared>> -> memref<632x16xf32, #tpu.memory_space<vmem_shared>>
      %dma_start3A_40 = arith.constant 0 : i32
      %dma_start3A_41 = tpu.memref_slice %arg10[%mul3A_0, %dma_start3A_40] : memref<10112x16xf32, #tpu.memory_space<vmem_shared>> -> memref<632x16xf32, #tpu.memory_space<vmem_shared>>
      %dma_start3A_42 = arith.constant 0 : i32
      %dma_start3A_43 = arith.constant 0 : i32
      %dma_start3A_44 = tpu.memref_slice %arg15[%dma_start3A_42, %dma_start3A_43] : memref<640x16xf32, #tpu.memory_space<vmem>> -> memref<632x16xf32, #tpu.memory_space<vmem>>
      tpu.enqueue_dma source(%dma_start3A_44 : memref<632x16xf32, #tpu.memory_space<vmem>>) target(%dma_start3A_41 : memref<632x16xf32, #tpu.memory_space<vmem_shared>>) target_semaphore(%run_scoped3A_34 : memref<!tpu.dma_semaphore, #tpu.memory_space<semaphore_mem>>)
      %dma_wait3A_45 = arith.constant 0 : i32
      %dma_wait3A_46 = arith.constant 0 : i32
      %dma_wait3A_47 = tpu.memref_slice %arg15[%dma_wait3A_45, %dma_wait3A_46] : memref<640x16xf32, #tpu.memory_space<vmem>> -> memref<632x16xf32, #tpu.memory_space<vmem>>
      %dma_wait3A_48 = arith.constant 0 : i32
      %dma_wait3A_49 = tpu.memref_slice %arg10[%mul3A_0, %dma_wait3A_48] : memref<10112x16xf32, #tpu.memory_space<vmem_shared>> -> memref<632x16xf32, #tpu.memory_space<vmem_shared>>
      %dma_wait3A_50 = arith.constant 0 : i32
      %dma_wait3A_51 = tpu.memref_slice %arg10[%mul3A_0, %dma_wait3A_50] : memref<10112x16xf32, #tpu.memory_space<vmem_shared>> -> memref<632x16xf32, #tpu.memory_space<vmem_shared>>
      %dma_wait3A_52 = arith.constant 0 : i32
      %dma_wait3A_53 = arith.constant 0 : i32
      %dma_wait3A_54 = tpu.memref_slice %arg15[%dma_wait3A_52, %dma_wait3A_53] : memref<640x16xf32, #tpu.memory_space<vmem>> -> memref<632x16xf32, #tpu.memory_space<vmem>>
      tpu.wait_dma2 semaphore(%run_scoped3A_34 : memref<!tpu.dma_semaphore, #tpu.memory_space<semaphore_mem>>) src(%dma_wait3A_54 : memref<632x16xf32, #tpu.memory_space<vmem>>) dst(%dma_wait3A_51 : memref<632x16xf32, #tpu.memory_space<vmem_shared>>)
      tpu.yield
    }) : () -> ()
    "tpu.region"() ({
      %run_scoped3A_34 = tpu.sem_alloc : memref<!tpu.dma_semaphore, #tpu.memory_space<semaphore_mem>>
      %dma_start3A_35 = arith.constant 0 : i32
      %dma_start3A_36 = tpu.memref_slice %arg9[%mul3A_0, %dma_start3A_35] : memref<10112x16xf32, #tpu.memory_space<vmem_shared>> -> memref<632x16xf32, #tpu.memory_space<vmem_shared>>
      tpu.enqueue_dma source(%arg6 : memref<632x16xf32, #tpu.memory_space<hbm>>) target(%dma_start3A_36 : memref<632x16xf32, #tpu.memory_space<vmem_shared>>) target_semaphore(%run_scoped3A_34 : memref<!tpu.dma_semaphore, #tpu.memory_space<semaphore_mem>>)
      %dma_wait3A_37 = arith.constant 0 : i32
      %dma_wait3A_38 = tpu.memref_slice %arg9[%mul3A_0, %dma_wait3A_37] : memref<10112x16xf32, #tpu.memory_space<vmem_shared>> -> memref<632x16xf32, #tpu.memory_space<vmem_shared>>
      tpu.wait_dma2 semaphore(%run_scoped3A_34 : memref<!tpu.dma_semaphore, #tpu.memory_space<semaphore_mem>>) src(%arg6 : memref<632x16xf32, #tpu.memory_space<hbm>>) dst(%dma_wait3A_38 : memref<632x16xf32, #tpu.memory_space<vmem_shared>>)
      tpu.yield
    }) : () -> ()
    "tpu.region"() ({
      %run_scoped3A_34 = tpu.sem_alloc : memref<!tpu.dma_semaphore, #tpu.memory_space<semaphore_mem>>
      %dma_start3A_35 = arith.constant 0 : i32
      %dma_start3A_36 = tpu.memref_slice %arg11[%mul3A_0, %dma_start3A_35] : memref<10112x16xf32, #tpu.memory_space<vmem_shared>> -> memref<632x16xf32, #tpu.memory_space<vmem_shared>>
      tpu.enqueue_dma source(%arg6 : memref<632x16xf32, #tpu.memory_space<hbm>>) target(%dma_start3A_36 : memref<632x16xf32, #tpu.memory_space<vmem_shared>>) target_semaphore(%run_scoped3A_34 : memref<!tpu.dma_semaphore, #tpu.memory_space<semaphore_mem>>)
      %dma_wait3A_37 = arith.constant 0 : i32
      %dma_wait3A_38 = tpu.memref_slice %arg11[%mul3A_0, %dma_wait3A_37] : memref<10112x16xf32, #tpu.memory_space<vmem_shared>> -> memref<632x16xf32, #tpu.memory_space<vmem_shared>>
      tpu.wait_dma2 semaphore(%run_scoped3A_34 : memref<!tpu.dma_semaphore, #tpu.memory_space<semaphore_mem>>) src(%arg6 : memref<632x16xf32, #tpu.memory_space<hbm>>) dst(%dma_wait3A_38 : memref<632x16xf32, #tpu.memory_space<vmem_shared>>)
      tpu.yield
    }) : () -> ()
    %barrier3A = arith.constant 0 : index
    tpu.barrier barrier_id(%barrier3A)
    %scan3A_5 = arith.constant 0 : i32
    %scan3A_6 = arith.constant 4 : i32
    %scan3A_7 = arith.addi %scan3A_5, %scan3A_6 : i32
    %scan3A_8 = arith.constant 1 : i32
    scf.for %scan3A_34 = %scan3A_5 to %scan3A_7 step %scan3A_8  : i32 {
      %mul3A_35 = arith.constant 1 : i32
      %mul3A_36 = arith.muli %scan3A_34, %mul3A_35 : i32
      %add3A = arith.constant 0 : i32
      %add3A_37 = arith.addi %add3A, %mul3A_36 : i32
      %mul3A_38 = arith.constant 2 : i32
      %mul3A_39 = arith.muli %mul3A_38, %add3A_37 : i32
      %sub3A = arith.constant 8 : i32
      %sub3A_40 = arith.subi %sub3A, %mul3A_39 : i32
      %dma_start3A_41 = arith.constant 0 : i32
      %dma_start3A_42 = arith.constant 0 : i32
      %dma_start3A_43 = tpu.memref_slice %arg12[%dma_start3A_41, %dma_start3A_42] : memref<32x640xi32, #tpu.memory_space<vmem>> -> memref<1x640xi32, #tpu.memory_space<vmem>>
      %dma_start3A_44 = tpu.memref_squeeze %dma_start3A_43 : memref<1x640xi32, #tpu.memory_space<vmem>> -> memref<640xi32, #tpu.memory_space<vmem>>
      %dma_start3A_45 = arith.constant 0 : i32
      %dma_start3A_46 = arith.constant 0 : i32
      %dma_start3A_47 = tpu.memref_slice %arg10[%dma_start3A_45, %dma_start3A_46] : memref<10112x16xf32, #tpu.memory_space<vmem_shared>> -> memref<10112x16xf32, #tpu.memory_space<vmem_shared>>
      tpu.enqueue_indirect_dma source(%dma_start3A_47 : memref<10112x16xf32, #tpu.memory_space<vmem_shared>>) target(%arg14 : memref<640x16xf32, #tpu.memory_space<vmem>>) offsets(%dma_start3A_44 : memref<640xi32, #tpu.memory_space<vmem>>) semaphore(%arg18 : memref<!tpu.dma_semaphore, #tpu.memory_space<semaphore_mem>>)
      %scan3A_48 = arith.constant 0 : i32
      %scan3A_49 = arith.constant 16 : i32
      %scan3A_50 = arith.addi %scan3A_48, %scan3A_49 : i32
      %scan3A_51 = arith.constant 1 : i32
      scf.for %scan3A_95 = %scan3A_48 to %scan3A_50 step %scan3A_51  : i32 {
        %mul3A_96 = arith.constant 1 : i32
        %mul3A_97 = arith.muli %scan3A_95, %mul3A_96 : i32
        %add3A_98 = arith.constant 0 : i32
        %add3A_99 = arith.addi %add3A_98, %mul3A_97 : i32
        %mul3A_100 = arith.constant 2 : i32
        %mul3A_101 = arith.muli %mul3A_100, %add3A_99 : i32
        %dma_wait3A_102 = arith.constant 0 : i32
        %dma_wait3A_103 = arith.constant 0 : i32
        %dma_wait3A_104 = tpu.memref_slice %arg12[%dma_wait3A_102, %dma_wait3A_103] : memref<32x640xi32, #tpu.memory_space<vmem>> -> memref<1x640xi32, #tpu.memory_space<vmem>>
        %dma_wait3A_105 = tpu.memref_squeeze %dma_wait3A_104 : memref<1x640xi32, #tpu.memory_space<vmem>> -> memref<640xi32, #tpu.memory_space<vmem>>
        %dma_wait3A_106 = arith.constant 0 : i32
        %dma_wait3A_107 = arith.constant 0 : i32
        %dma_wait3A_108 = tpu.memref_slice %arg10[%dma_wait3A_106, %dma_wait3A_107] : memref<10112x16xf32, #tpu.memory_space<vmem_shared>> -> memref<10112x16xf32, #tpu.memory_space<vmem_shared>>
        tpu.wait_indirect_dma semaphore(%arg18 : memref<!tpu.dma_semaphore, #tpu.memory_space<semaphore_mem>>) src(%dma_wait3A_108 : memref<10112x16xf32, #tpu.memory_space<vmem_shared>>) dst(%arg14 : memref<640x16xf32, #tpu.memory_space<vmem>>)
        %gt3A = arith.constant 0 : i32
        %gt3A_109 = arith.cmpi sgt, %add3A_99, %gt3A : i32
        %convert_element_type3A = arith.extui %gt3A_109 : i1 to i32
        %cond3A = arith.constant 0 : i32
        %cond3A_110 = arith.cmpi ne, %convert_element_type3A, %cond3A : i32
        scf.if %cond3A_110 {
          %dma_wait3A_153 = arith.constant 0 : i32
          %dma_wait3A_154 = arith.constant 0 : i32
          %dma_wait3A_155 = tpu.memref_slice %arg13[%dma_wait3A_153, %dma_wait3A_154] : memref<32x640xi32, #tpu.memory_space<vmem>> -> memref<1x640xi32, #tpu.memory_space<vmem>>
          %dma_wait3A_156 = tpu.memref_squeeze %dma_wait3A_155 : memref<1x640xi32, #tpu.memory_space<vmem>> -> memref<640xi32, #tpu.memory_space<vmem>>
          %dma_wait3A_157 = arith.constant 0 : i32
          %dma_wait3A_158 = arith.constant 0 : i32
          %dma_wait3A_159 = tpu.memref_slice %arg11[%dma_wait3A_157, %dma_wait3A_158] : memref<10112x16xf32, #tpu.memory_space<vmem_shared>> -> memref<10112x16xf32, #tpu.memory_space<vmem_shared>>
          tpu.wait_indirect_dma semaphore(%arg21 : memref<!tpu.dma_semaphore, #tpu.memory_space<semaphore_mem>>) src(%arg15 : memref<640x16xf32, #tpu.memory_space<vmem>>) dst(%dma_wait3A_159 : memref<10112x16xf32, #tpu.memory_space<vmem_shared>>)
        } else {
        }
        %add3A_111 = arith.constant 1 : i32
        %add3A_112 = arith.addi %mul3A_101, %add3A_111 : i32
        %dma_start3A_113 = arith.constant 0 : i32
        %dma_start3A_114 = tpu.memref_slice %arg12[%add3A_112, %dma_start3A_113] : memref<32x640xi32, #tpu.memory_space<vmem>> -> memref<1x640xi32, #tpu.memory_space<vmem>>
        %dma_start3A_115 = tpu.memref_squeeze %dma_start3A_114 : memref<1x640xi32, #tpu.memory_space<vmem>> -> memref<640xi32, #tpu.memory_space<vmem>>
        %dma_start3A_116 = arith.constant 0 : i32
        %dma_start3A_117 = arith.constant 0 : i32
        %dma_start3A_118 = tpu.memref_slice %arg10[%dma_start3A_116, %dma_start3A_117] : memref<10112x16xf32, #tpu.memory_space<vmem_shared>> -> memref<10112x16xf32, #tpu.memory_space<vmem_shared>>
        tpu.enqueue_indirect_dma source(%dma_start3A_118 : memref<10112x16xf32, #tpu.memory_space<vmem_shared>>) target(%arg15 : memref<640x16xf32, #tpu.memory_space<vmem>>) offsets(%dma_start3A_115 : memref<640xi32, #tpu.memory_space<vmem>>) semaphore(%arg19 : memref<!tpu.dma_semaphore, #tpu.memory_space<semaphore_mem>>)
        %dma_start3A_119 = arith.constant 0 : i32
        %dma_start3A_120 = tpu.memref_slice %arg13[%mul3A_101, %dma_start3A_119] : memref<32x640xi32, #tpu.memory_space<vmem>> -> memref<1x640xi32, #tpu.memory_space<vmem>>
        %dma_start3A_121 = tpu.memref_squeeze %dma_start3A_120 : memref<1x640xi32, #tpu.memory_space<vmem>> -> memref<640xi32, #tpu.memory_space<vmem>>
        %dma_start3A_122 = arith.constant 0 : i32
        %dma_start3A_123 = arith.constant 0 : i32
        %dma_start3A_124 = tpu.memref_slice %arg11[%dma_start3A_122, %dma_start3A_123] : memref<10112x16xf32, #tpu.memory_space<vmem_shared>> -> memref<10112x16xf32, #tpu.memory_space<vmem_shared>>
        tpu.enqueue_indirect_dma source(%arg14 : memref<640x16xf32, #tpu.memory_space<vmem>>) target(%dma_start3A_124 : memref<10112x16xf32, #tpu.memory_space<vmem_shared>>) offsets(%dma_start3A_121 : memref<640xi32, #tpu.memory_space<vmem>>) semaphore(%arg20 : memref<!tpu.dma_semaphore, #tpu.memory_space<semaphore_mem>>) {add = true}
        %dma_wait3A_125 = arith.constant 0 : i32
        %dma_wait3A_126 = arith.constant 0 : i32
        %dma_wait3A_127 = tpu.memref_slice %arg12[%dma_wait3A_125, %dma_wait3A_126] : memref<32x640xi32, #tpu.memory_space<vmem>> -> memref<1x640xi32, #tpu.memory_space<vmem>>
        %dma_wait3A_128 = tpu.memref_squeeze %dma_wait3A_127 : memref<1x640xi32, #tpu.memory_space<vmem>> -> memref<640xi32, #tpu.memory_space<vmem>>
        %dma_wait3A_129 = arith.constant 0 : i32
        %dma_wait3A_130 = arith.constant 0 : i32
        %dma_wait3A_131 = tpu.memref_slice %arg10[%dma_wait3A_129, %dma_wait3A_130] : memref<10112x16xf32, #tpu.memory_space<vmem_shared>> -> memref<10112x16xf32, #tpu.memory_space<vmem_shared>>
        tpu.wait_indirect_dma semaphore(%arg19 : memref<!tpu.dma_semaphore, #tpu.memory_space<semaphore_mem>>) src(%dma_wait3A_131 : memref<10112x16xf32, #tpu.memory_space<vmem_shared>>) dst(%arg15 : memref<640x16xf32, #tpu.memory_space<vmem>>)
        %dma_wait3A_132 = arith.constant 0 : i32
        %dma_wait3A_133 = arith.constant 0 : i32
        %dma_wait3A_134 = tpu.memref_slice %arg13[%dma_wait3A_132, %dma_wait3A_133] : memref<32x640xi32, #tpu.memory_space<vmem>> -> memref<1x640xi32, #tpu.memory_space<vmem>>
        %dma_wait3A_135 = tpu.memref_squeeze %dma_wait3A_134 : memref<1x640xi32, #tpu.memory_space<vmem>> -> memref<640xi32, #tpu.memory_space<vmem>>
        %dma_wait3A_136 = arith.constant 0 : i32
        %dma_wait3A_137 = arith.constant 0 : i32
        %dma_wait3A_138 = tpu.memref_slice %arg11[%dma_wait3A_136, %dma_wait3A_137] : memref<10112x16xf32, #tpu.memory_space<vmem_shared>> -> memref<10112x16xf32, #tpu.memory_space<vmem_shared>>
        tpu.wait_indirect_dma semaphore(%arg20 : memref<!tpu.dma_semaphore, #tpu.memory_space<semaphore_mem>>) src(%arg14 : memref<640x16xf32, #tpu.memory_space<vmem>>) dst(%dma_wait3A_138 : memref<10112x16xf32, #tpu.memory_space<vmem_shared>>)
        %add3A_139 = arith.constant 1 : i32
        %add3A_140 = arith.addi %add3A_99, %add3A_139 : i32
        %lt3A = arith.constant 16 : i32
        %lt3A_141 = arith.cmpi slt, %add3A_140, %lt3A : i32
        %convert_element_type3A_142 = arith.extui %lt3A_141 : i1 to i32
        %cond3A_143 = arith.constant 0 : i32
        %cond3A_144 = arith.cmpi ne, %convert_element_type3A_142, %cond3A_143 : i32
        scf.if %cond3A_144 {
          %add3A_153 = arith.constant 2 : i32
          %add3A_154 = arith.addi %mul3A_101, %add3A_153 : i32
          %dma_start3A_155 = arith.constant 0 : i32
          %dma_start3A_156 = tpu.memref_slice %arg12[%add3A_154, %dma_start3A_155] : memref<32x640xi32, #tpu.memory_space<vmem>> -> memref<1x640xi32, #tpu.memory_space<vmem>>
          %dma_start3A_157 = tpu.memref_squeeze %dma_start3A_156 : memref<1x640xi32, #tpu.memory_space<vmem>> -> memref<640xi32, #tpu.memory_space<vmem>>
          %dma_start3A_158 = arith.constant 0 : i32
          %dma_start3A_159 = arith.constant 0 : i32
          %dma_start3A_160 = tpu.memref_slice %arg10[%dma_start3A_158, %dma_start3A_159] : memref<10112x16xf32, #tpu.memory_space<vmem_shared>> -> memref<10112x16xf32, #tpu.memory_space<vmem_shared>>
          tpu.enqueue_indirect_dma source(%dma_start3A_160 : memref<10112x16xf32, #tpu.memory_space<vmem_shared>>) target(%arg14 : memref<640x16xf32, #tpu.memory_space<vmem>>) offsets(%dma_start3A_157 : memref<640xi32, #tpu.memory_space<vmem>>) semaphore(%arg18 : memref<!tpu.dma_semaphore, #tpu.memory_space<semaphore_mem>>)
        } else {
        }
        %add3A_145 = arith.constant 1 : i32
        %add3A_146 = arith.addi %mul3A_101, %add3A_145 : i32
        %dma_start3A_147 = arith.constant 0 : i32
        %dma_start3A_148 = tpu.memref_slice %arg13[%add3A_146, %dma_start3A_147] : memref<32x640xi32, #tpu.memory_space<vmem>> -> memref<1x640xi32, #tpu.memory_space<vmem>>
        %dma_start3A_149 = tpu.memref_squeeze %dma_start3A_148 : memref<1x640xi32, #tpu.memory_space<vmem>> -> memref<640xi32, #tpu.memory_space<vmem>>
        %dma_start3A_150 = arith.constant 0 : i32
        %dma_start3A_151 = arith.constant 0 : i32
        %dma_start3A_152 = tpu.memref_slice %arg11[%dma_start3A_150, %dma_start3A_151] : memref<10112x16xf32, #tpu.memory_space<vmem_shared>> -> memref<10112x16xf32, #tpu.memory_space<vmem_shared>>
        tpu.enqueue_indirect_dma source(%arg15 : memref<640x16xf32, #tpu.memory_space<vmem>>) target(%dma_start3A_152 : memref<10112x16xf32, #tpu.memory_space<vmem_shared>>) offsets(%dma_start3A_149 : memref<640xi32, #tpu.memory_space<vmem>>) semaphore(%arg21 : memref<!tpu.dma_semaphore, #tpu.memory_space<semaphore_mem>>) {add = true}
      }
      %scan3A_52 = arith.constant 16 : i32
      %dma_wait3A_53 = arith.constant 0 : i32
      %dma_wait3A_54 = arith.constant 0 : i32
      %dma_wait3A_55 = tpu.memref_slice %arg13[%dma_wait3A_53, %dma_wait3A_54] : memref<32x640xi32, #tpu.memory_space<vmem>> -> memref<1x640xi32, #tpu.memory_space<vmem>>
      %dma_wait3A_56 = tpu.memref_squeeze %dma_wait3A_55 : memref<1x640xi32, #tpu.memory_space<vmem>> -> memref<640xi32, #tpu.memory_space<vmem>>
      %dma_wait3A_57 = arith.constant 0 : i32
      %dma_wait3A_58 = arith.constant 0 : i32
      %dma_wait3A_59 = tpu.memref_slice %arg11[%dma_wait3A_57, %dma_wait3A_58] : memref<10112x16xf32, #tpu.memory_space<vmem_shared>> -> memref<10112x16xf32, #tpu.memory_space<vmem_shared>>
      tpu.wait_indirect_dma semaphore(%arg21 : memref<!tpu.dma_semaphore, #tpu.memory_space<semaphore_mem>>) src(%arg15 : memref<640x16xf32, #tpu.memory_space<vmem>>) dst(%dma_wait3A_59 : memref<10112x16xf32, #tpu.memory_space<vmem_shared>>)
      %barrier3A_60 = arith.constant 0 : index
      tpu.barrier barrier_id(%barrier3A_60)
      "tpu.region"() ({
        %run_scoped3A_95 = tpu.sem_alloc : memref<!tpu.dma_semaphore, #tpu.memory_space<semaphore_mem>>
        %dma_start3A_96 = arith.constant 0 : i32
        %dma_start3A_97 = arith.constant 0 : i32
        %dma_start3A_98 = tpu.memref_slice %arg14[%dma_start3A_96, %dma_start3A_97] : memref<640x16xf32, #tpu.memory_space<vmem>> -> memref<632x16xf32, #tpu.memory_space<vmem>>
        %dma_start3A_99 = arith.constant 0 : i32
        %dma_start3A_100 = tpu.memref_slice %arg2[%arg0, %sub3A_40, %mul3A_0, %dma_start3A_99] : memref<2x10x10112x16xf32, #tpu.memory_space<hbm>> -> memref<1x1x632x16xf32, #tpu.memory_space<hbm>>
        %dma_start3A_101 = tpu.memref_squeeze %dma_start3A_100 : memref<1x1x632x16xf32, #tpu.memory_space<hbm>> -> memref<632x16xf32, #tpu.memory_space<hbm>>
        %dma_start3A_102 = arith.constant 0 : i32
        %dma_start3A_103 = arith.constant 0 : i32
        %dma_start3A_104 = tpu.memref_slice %arg14[%dma_start3A_102, %dma_start3A_103] : memref<640x16xf32, #tpu.memory_space<vmem>> -> memref<632x16xf32, #tpu.memory_space<vmem>>
        %dma_start3A_105 = arith.constant 0 : i32
        %dma_start3A_106 = tpu.memref_slice %arg2[%arg0, %sub3A_40, %mul3A_0, %dma_start3A_105] : memref<2x10x10112x16xf32, #tpu.memory_space<hbm>> -> memref<1x1x632x16xf32, #tpu.memory_space<hbm>>
        %dma_start3A_107 = tpu.memref_squeeze %dma_start3A_106 : memref<1x1x632x16xf32, #tpu.memory_space<hbm>> -> memref<632x16xf32, #tpu.memory_space<hbm>>
        tpu.enqueue_dma source(%dma_start3A_107 : memref<632x16xf32, #tpu.memory_space<hbm>>) target(%dma_start3A_104 : memref<632x16xf32, #tpu.memory_space<vmem>>) target_semaphore(%run_scoped3A_95 : memref<!tpu.dma_semaphore, #tpu.memory_space<semaphore_mem>>)
        %dma_wait3A_108 = arith.constant 0 : i32
        %dma_wait3A_109 = arith.constant 0 : i32
        %dma_wait3A_110 = tpu.memref_slice %arg14[%dma_wait3A_108, %dma_wait3A_109] : memref<640x16xf32, #tpu.memory_space<vmem>> -> memref<632x16xf32, #tpu.memory_space<vmem>>
        %dma_wait3A_111 = arith.constant 0 : i32
        %dma_wait3A_112 = tpu.memref_slice %arg2[%arg0, %sub3A_40, %mul3A_0, %dma_wait3A_111] : memref<2x10x10112x16xf32, #tpu.memory_space<hbm>> -> memref<1x1x632x16xf32, #tpu.memory_space<hbm>>
        %dma_wait3A_113 = tpu.memref_squeeze %dma_wait3A_112 : memref<1x1x632x16xf32, #tpu.memory_space<hbm>> -> memref<632x16xf32, #tpu.memory_space<hbm>>
        %dma_wait3A_114 = arith.constant 0 : i32
        %dma_wait3A_115 = arith.constant 0 : i32
        %dma_wait3A_116 = tpu.memref_slice %arg14[%dma_wait3A_114, %dma_wait3A_115] : memref<640x16xf32, #tpu.memory_space<vmem>> -> memref<632x16xf32, #tpu.memory_space<vmem>>
        %dma_wait3A_117 = arith.constant 0 : i32
        %dma_wait3A_118 = tpu.memref_slice %arg2[%arg0, %sub3A_40, %mul3A_0, %dma_wait3A_117] : memref<2x10x10112x16xf32, #tpu.memory_space<hbm>> -> memref<1x1x632x16xf32, #tpu.memory_space<hbm>>
        %dma_wait3A_119 = tpu.memref_squeeze %dma_wait3A_118 : memref<1x1x632x16xf32, #tpu.memory_space<hbm>> -> memref<632x16xf32, #tpu.memory_space<hbm>>
        tpu.wait_dma2 semaphore(%run_scoped3A_95 : memref<!tpu.dma_semaphore, #tpu.memory_space<semaphore_mem>>) src(%dma_wait3A_119 : memref<632x16xf32, #tpu.memory_space<hbm>>) dst(%dma_wait3A_116 : memref<632x16xf32, #tpu.memory_space<vmem>>)
        tpu.yield
      }) : () -> ()
      "tpu.region"() ({
        %run_scoped3A_95 = tpu.sem_alloc : memref<!tpu.dma_semaphore, #tpu.memory_space<semaphore_mem>>
        %dma_start3A_96 = arith.constant 0 : i32
        %dma_start3A_97 = arith.constant 0 : i32
        %dma_start3A_98 = tpu.memref_slice %arg15[%dma_start3A_96, %dma_start3A_97] : memref<640x16xf32, #tpu.memory_space<vmem>> -> memref<632x16xf32, #tpu.memory_space<vmem>>
        %dma_start3A_99 = arith.constant 0 : i32
        %dma_start3A_100 = tpu.memref_slice %arg11[%mul3A_0, %dma_start3A_99] : memref<10112x16xf32, #tpu.memory_space<vmem_shared>> -> memref<632x16xf32, #tpu.memory_space<vmem_shared>>
        %dma_start3A_101 = arith.constant 0 : i32
        %dma_start3A_102 = arith.constant 0 : i32
        %dma_start3A_103 = tpu.memref_slice %arg15[%dma_start3A_101, %dma_start3A_102] : memref<640x16xf32, #tpu.memory_space<vmem>> -> memref<632x16xf32, #tpu.memory_space<vmem>>
        %dma_start3A_104 = arith.constant 0 : i32
        %dma_start3A_105 = tpu.memref_slice %arg11[%mul3A_0, %dma_start3A_104] : memref<10112x16xf32, #tpu.memory_space<vmem_shared>> -> memref<632x16xf32, #tpu.memory_space<vmem_shared>>
        tpu.enqueue_dma source(%dma_start3A_105 : memref<632x16xf32, #tpu.memory_space<vmem_shared>>) target(%dma_start3A_103 : memref<632x16xf32, #tpu.memory_space<vmem>>) target_semaphore(%run_scoped3A_95 : memref<!tpu.dma_semaphore, #tpu.memory_space<semaphore_mem>>)
        %dma_wait3A_106 = arith.constant 0 : i32
        %dma_wait3A_107 = arith.constant 0 : i32
        %dma_wait3A_108 = tpu.memref_slice %arg15[%dma_wait3A_106, %dma_wait3A_107] : memref<640x16xf32, #tpu.memory_space<vmem>> -> memref<632x16xf32, #tpu.memory_space<vmem>>
        %dma_wait3A_109 = arith.constant 0 : i32
        %dma_wait3A_110 = tpu.memref_slice %arg11[%mul3A_0, %dma_wait3A_109] : memref<10112x16xf32, #tpu.memory_space<vmem_shared>> -> memref<632x16xf32, #tpu.memory_space<vmem_shared>>
        %dma_wait3A_111 = arith.constant 0 : i32
        %dma_wait3A_112 = arith.constant 0 : i32
        %dma_wait3A_113 = tpu.memref_slice %arg15[%dma_wait3A_111, %dma_wait3A_112] : memref<640x16xf32, #tpu.memory_space<vmem>> -> memref<632x16xf32, #tpu.memory_space<vmem>>
        %dma_wait3A_114 = arith.constant 0 : i32
        %dma_wait3A_115 = tpu.memref_slice %arg11[%mul3A_0, %dma_wait3A_114] : memref<10112x16xf32, #tpu.memory_space<vmem_shared>> -> memref<632x16xf32, #tpu.memory_space<vmem_shared>>
        tpu.wait_dma2 semaphore(%run_scoped3A_95 : memref<!tpu.dma_semaphore, #tpu.memory_space<semaphore_mem>>) src(%dma_wait3A_115 : memref<632x16xf32, #tpu.memory_space<vmem_shared>>) dst(%dma_wait3A_113 : memref<632x16xf32, #tpu.memory_space<vmem>>)
        tpu.yield
      }) : () -> ()
      "tpu.region"() ({
        %run_scoped3A_95 = tpu.sem_alloc : memref<!tpu.dma_semaphore, #tpu.memory_space<semaphore_mem>>
        %dma_start3A_96 = arith.constant 0 : i32
        %dma_start3A_97 = tpu.memref_slice %arg9[%mul3A_0, %dma_start3A_96] : memref<10112x16xf32, #tpu.memory_space<vmem_shared>> -> memref<632x16xf32, #tpu.memory_space<vmem_shared>>
        %dma_start3A_98 = arith.constant 0 : i32
        %dma_start3A_99 = tpu.memref_slice %arg9[%mul3A_0, %dma_start3A_98] : memref<10112x16xf32, #tpu.memory_space<vmem_shared>> -> memref<632x16xf32, #tpu.memory_space<vmem_shared>>
        tpu.enqueue_dma source(%dma_start3A_99 : memref<632x16xf32, #tpu.memory_space<vmem_shared>>) target(%arg17 : memref<632x16xf32, #tpu.memory_space<vmem>>) target_semaphore(%run_scoped3A_95 : memref<!tpu.dma_semaphore, #tpu.memory_space<semaphore_mem>>)
        %dma_wait3A_100 = arith.constant 0 : i32
        %dma_wait3A_101 = tpu.memref_slice %arg9[%mul3A_0, %dma_wait3A_100] : memref<10112x16xf32, #tpu.memory_space<vmem_shared>> -> memref<632x16xf32, #tpu.memory_space<vmem_shared>>
        %dma_wait3A_102 = arith.constant 0 : i32
        %dma_wait3A_103 = tpu.memref_slice %arg9[%mul3A_0, %dma_wait3A_102] : memref<10112x16xf32, #tpu.memory_space<vmem_shared>> -> memref<632x16xf32, #tpu.memory_space<vmem_shared>>
        tpu.wait_dma2 semaphore(%run_scoped3A_95 : memref<!tpu.dma_semaphore, #tpu.memory_space<semaphore_mem>>) src(%dma_wait3A_103 : memref<632x16xf32, #tpu.memory_space<vmem_shared>>) dst(%arg17 : memref<632x16xf32, #tpu.memory_space<vmem>>)
        tpu.yield
      }) : () -> ()
      %scan3A_61 = arith.constant 0 : i32
      %scan3A_62 = arith.constant 632 : i32
      %scan3A_63 = arith.addi %scan3A_61, %scan3A_62 : i32
      %scan3A_64 = arith.constant 1 : i32
      scf.for %scan3A_95 = %scan3A_61 to %scan3A_63 step %scan3A_64  : i32 {
        %mul3A_96 = arith.constant 1 : i32
        %mul3A_97 = arith.muli %scan3A_95, %mul3A_96 : i32
        %add3A_98 = arith.constant 0 : i32
        %add3A_99 = arith.addi %add3A_98, %mul3A_97 : i32
        %get3A = arith.index_cast %add3A_99 : i32 to index
        %get3A_100 = arith.constant 0 : index
        %get3A_101 = tpu.vector_load %arg16[%get3A, %get3A_100] {strides = array<i32>} : memref<632x16xf32, #tpu.memory_space<vmem>>, vector<1x16xf32>,
        %get3A_102 = vector.shape_cast %get3A_101 : vector<1x16xf32> to vector<16xf32>
        %get3A_103 = arith.constant 0 : i32
        %get3A_104 = arith.constant 0 : i32
        %get3A_105 = tpu.memref_slice %arg14[%get3A_103, %get3A_104] : memref<640x16xf32, #tpu.memory_space<vmem>> -> memref<632x16xf32, #tpu.memory_space<vmem>>
        %get3A_106 = arith.index_cast %add3A_99 : i32 to index
        %get3A_107 = arith.constant 0 : index
        %get3A_108 = tpu.vector_load %get3A_105[%get3A_106, %get3A_107] {strides = array<i32>} : memref<632x16xf32, #tpu.memory_space<vmem>>, vector<1x16xf32>,
        %get3A_109 = vector.shape_cast %get3A_108 : vector<1x16xf32> to vector<16xf32>
        %mul3A_110 = arith.constant 2.000000e+00 : f32
        %mul3A_111 = vector.broadcast %mul3A_110 : f32 to vector<16xf32>
        %mul3A_112 = arith.mulf %mul3A_111, %get3A_102 : vector<16xf32>
        %get3A_113 = arith.constant 0 : i32
        %get3A_114 = arith.constant 0 : i32
        %get3A_115 = tpu.memref_slice %arg15[%get3A_113, %get3A_114] : memref<640x16xf32, #tpu.memory_space<vmem>> -> memref<632x16xf32, #tpu.memory_space<vmem>>
        %get3A_116 = arith.index_cast %add3A_99 : i32 to index
        %get3A_117 = arith.constant 0 : index
        %get3A_118 = tpu.vector_load %get3A_115[%get3A_116, %get3A_117] {strides = array<i32>} : memref<632x16xf32, #tpu.memory_space<vmem>>, vector<1x16xf32>,
        %get3A_119 = vector.shape_cast %get3A_118 : vector<1x16xf32> to vector<16xf32>
        %mul3A_120 = arith.mulf %mul3A_112, %get3A_119 : vector<16xf32>
        %sub3A_121 = arith.subf %get3A_109, %mul3A_120 : vector<16xf32>
        %get3A_122 = arith.index_cast %add3A_99 : i32 to index
        %get3A_123 = arith.constant 0 : index
        %get3A_124 = tpu.vector_load %arg17[%get3A_122, %get3A_123] {strides = array<i32>} : memref<632x16xf32, #tpu.memory_space<vmem>>, vector<1x16xf32>,
        %get3A_125 = vector.shape_cast %get3A_124 : vector<1x16xf32> to vector<16xf32>
        %sub3A_126 = arith.subf %sub3A_121, %get3A_125 : vector<16xf32>
        %swap3A = arith.constant 0 : i32
        %swap3A_127 = arith.constant 0 : i32
        %swap3A_128 = tpu.memref_slice %arg14[%swap3A, %swap3A_127] : memref<640x16xf32, #tpu.memory_space<vmem>> -> memref<632x16xf32, #tpu.memory_space<vmem>>
        %swap3A_129 = arith.index_cast %add3A_99 : i32 to index
        %swap3A_130 = arith.constant 0 : index
        %swap3A_131 = tpu.vector_load %swap3A_128[%swap3A_129, %swap3A_130] {strides = array<i32>} : memref<632x16xf32, #tpu.memory_space<vmem>>, vector<1x16xf32>,
        %swap3A_132 = vector.shape_cast %swap3A_131 : vector<1x16xf32> to vector<16xf32>
        %swap3A_133 = vector.shape_cast %sub3A_126 : vector<16xf32> to vector<1x16xf32>
        tpu.vector_store %swap3A_128[%swap3A_129, %swap3A_130], %swap3A_133 {strides = array<i32>} : memref<632x16xf32, #tpu.memory_space<vmem>>, vector<1x16xf32>,
        %mul3A_134 = arith.mulf %get3A_102, %sub3A_126 : vector<16xf32>
        %swap3A_135 = arith.constant 0 : i32
        %swap3A_136 = arith.constant 0 : i32
        %swap3A_137 = tpu.memref_slice %arg15[%swap3A_135, %swap3A_136] : memref<640x16xf32, #tpu.memory_space<vmem>> -> memref<632x16xf32, #tpu.memory_space<vmem>>
        %swap3A_138 = arith.index_cast %add3A_99 : i32 to index
        %swap3A_139 = arith.constant 0 : index
        %swap3A_140 = tpu.vector_load %swap3A_137[%swap3A_138, %swap3A_139] {strides = array<i32>} : memref<632x16xf32, #tpu.memory_space<vmem>>, vector<1x16xf32>,
        %swap3A_141 = vector.shape_cast %swap3A_140 : vector<1x16xf32> to vector<16xf32>
        %swap3A_142 = vector.shape_cast %mul3A_134 : vector<16xf32> to vector<1x16xf32>
        tpu.vector_store %swap3A_137[%swap3A_138, %swap3A_139], %swap3A_142 {strides = array<i32>} : memref<632x16xf32, #tpu.memory_space<vmem>>, vector<1x16xf32>,
      }
      %scan3A_65 = arith.constant 632 : i32
      "tpu.region"() ({
        %run_scoped3A_95 = tpu.sem_alloc : memref<!tpu.dma_semaphore, #tpu.memory_space<semaphore_mem>>
        %dma_start3A_96 = arith.constant 0 : i32
        %dma_start3A_97 = arith.constant 0 : i32
        %dma_start3A_98 = tpu.memref_slice %arg14[%dma_start3A_96, %dma_start3A_97] : memref<640x16xf32, #tpu.memory_space<vmem>> -> memref<632x16xf32, #tpu.memory_space<vmem>>
        %dma_start3A_99 = arith.constant 0 : i32
        %dma_start3A_100 = tpu.memref_slice %arg9[%mul3A_0, %dma_start3A_99] : memref<10112x16xf32, #tpu.memory_space<vmem_shared>> -> memref<632x16xf32, #tpu.memory_space<vmem_shared>>
        %dma_start3A_101 = arith.constant 0 : i32
        %dma_start3A_102 = tpu.memref_slice %arg9[%mul3A_0, %dma_start3A_101] : memref<10112x16xf32, #tpu.memory_space<vmem_shared>> -> memref<632x16xf32, #tpu.memory_space<vmem_shared>>
        %dma_start3A_103 = arith.constant 0 : i32
        %dma_start3A_104 = arith.constant 0 : i32
        %dma_start3A_105 = tpu.memref_slice %arg14[%dma_start3A_103, %dma_start3A_104] : memref<640x16xf32, #tpu.memory_space<vmem>> -> memref<632x16xf32, #tpu.memory_space<vmem>>
        tpu.enqueue_dma source(%dma_start3A_105 : memref<632x16xf32, #tpu.memory_space<vmem>>) target(%dma_start3A_102 : memref<632x16xf32, #tpu.memory_space<vmem_shared>>) target_semaphore(%run_scoped3A_95 : memref<!tpu.dma_semaphore, #tpu.memory_space<semaphore_mem>>)
        %dma_wait3A_106 = arith.constant 0 : i32
        %dma_wait3A_107 = arith.constant 0 : i32
        %dma_wait3A_108 = tpu.memref_slice %arg14[%dma_wait3A_106, %dma_wait3A_107] : memref<640x16xf32, #tpu.memory_space<vmem>> -> memref<632x16xf32, #tpu.memory_space<vmem>>
        %dma_wait3A_109 = arith.constant 0 : i32
        %dma_wait3A_110 = tpu.memref_slice %arg9[%mul3A_0, %dma_wait3A_109] : memref<10112x16xf32, #tpu.memory_space<vmem_shared>> -> memref<632x16xf32, #tpu.memory_space<vmem_shared>>
        %dma_wait3A_111 = arith.constant 0 : i32
        %dma_wait3A_112 = tpu.memref_slice %arg9[%mul3A_0, %dma_wait3A_111] : memref<10112x16xf32, #tpu.memory_space<vmem_shared>> -> memref<632x16xf32, #tpu.memory_space<vmem_shared>>
        %dma_wait3A_113 = arith.constant 0 : i32
        %dma_wait3A_114 = arith.constant 0 : i32
        %dma_wait3A_115 = tpu.memref_slice %arg14[%dma_wait3A_113, %dma_wait3A_114] : memref<640x16xf32, #tpu.memory_space<vmem>> -> memref<632x16xf32, #tpu.memory_space<vmem>>
        tpu.wait_dma2 semaphore(%run_scoped3A_95 : memref<!tpu.dma_semaphore, #tpu.memory_space<semaphore_mem>>) src(%dma_wait3A_115 : memref<632x16xf32, #tpu.memory_space<vmem>>) dst(%dma_wait3A_112 : memref<632x16xf32, #tpu.memory_space<vmem_shared>>)
        tpu.yield
      }) : () -> ()
      "tpu.region"() ({
        %run_scoped3A_95 = tpu.sem_alloc : memref<!tpu.dma_semaphore, #tpu.memory_space<semaphore_mem>>
        %dma_start3A_96 = arith.constant 0 : i32
        %dma_start3A_97 = arith.constant 0 : i32
        %dma_start3A_98 = tpu.memref_slice %arg15[%dma_start3A_96, %dma_start3A_97] : memref<640x16xf32, #tpu.memory_space<vmem>> -> memref<632x16xf32, #tpu.memory_space<vmem>>
        %dma_start3A_99 = arith.constant 0 : i32
        %dma_start3A_100 = tpu.memref_slice %arg10[%mul3A_0, %dma_start3A_99] : memref<10112x16xf32, #tpu.memory_space<vmem_shared>> -> memref<632x16xf32, #tpu.memory_space<vmem_shared>>
        %dma_start3A_101 = arith.constant 0 : i32
        %dma_start3A_102 = tpu.memref_slice %arg10[%mul3A_0, %dma_start3A_101] : memref<10112x16xf32, #tpu.memory_space<vmem_shared>> -> memref<632x16xf32, #tpu.memory_space<vmem_shared>>
        %dma_start3A_103 = arith.constant 0 : i32
        %dma_start3A_104 = arith.constant 0 : i32
        %dma_start3A_105 = tpu.memref_slice %arg15[%dma_start3A_103, %dma_start3A_104] : memref<640x16xf32, #tpu.memory_space<vmem>> -> memref<632x16xf32, #tpu.memory_space<vmem>>
        tpu.enqueue_dma source(%dma_start3A_105 : memref<632x16xf32, #tpu.memory_space<vmem>>) target(%dma_start3A_102 : memref<632x16xf32, #tpu.memory_space<vmem_shared>>) target_semaphore(%run_scoped3A_95 : memref<!tpu.dma_semaphore, #tpu.memory_space<semaphore_mem>>)
        %dma_wait3A_106 = arith.constant 0 : i32
        %dma_wait3A_107 = arith.constant 0 : i32
        %dma_wait3A_108 = tpu.memref_slice %arg15[%dma_wait3A_106, %dma_wait3A_107] : memref<640x16xf32, #tpu.memory_space<vmem>> -> memref<632x16xf32, #tpu.memory_space<vmem>>
        %dma_wait3A_109 = arith.constant 0 : i32
        %dma_wait3A_110 = tpu.memref_slice %arg10[%mul3A_0, %dma_wait3A_109] : memref<10112x16xf32, #tpu.memory_space<vmem_shared>> -> memref<632x16xf32, #tpu.memory_space<vmem_shared>>
        %dma_wait3A_111 = arith.constant 0 : i32
        %dma_wait3A_112 = tpu.memref_slice %arg10[%mul3A_0, %dma_wait3A_111] : memref<10112x16xf32, #tpu.memory_space<vmem_shared>> -> memref<632x16xf32, #tpu.memory_space<vmem_shared>>
        %dma_wait3A_113 = arith.constant 0 : i32
        %dma_wait3A_114 = arith.constant 0 : i32
        %dma_wait3A_115 = tpu.memref_slice %arg15[%dma_wait3A_113, %dma_wait3A_114] : memref<640x16xf32, #tpu.memory_space<vmem>> -> memref<632x16xf32, #tpu.memory_space<vmem>>
        tpu.wait_dma2 semaphore(%run_scoped3A_95 : memref<!tpu.dma_semaphore, #tpu.memory_space<semaphore_mem>>) src(%dma_wait3A_115 : memref<632x16xf32, #tpu.memory_space<vmem>>) dst(%dma_wait3A_112 : memref<632x16xf32, #tpu.memory_space<vmem_shared>>)
        tpu.yield
      }) : () -> ()
      "tpu.region"() ({
        %run_scoped3A_95 = tpu.sem_alloc : memref<!tpu.dma_semaphore, #tpu.memory_space<semaphore_mem>>
        %dma_start3A_96 = arith.constant 0 : i32
        %dma_start3A_97 = tpu.memref_slice %arg11[%mul3A_0, %dma_start3A_96] : memref<10112x16xf32, #tpu.memory_space<vmem_shared>> -> memref<632x16xf32, #tpu.memory_space<vmem_shared>>
        tpu.enqueue_dma source(%arg6 : memref<632x16xf32, #tpu.memory_space<hbm>>) target(%dma_start3A_97 : memref<632x16xf32, #tpu.memory_space<vmem_shared>>) target_semaphore(%run_scoped3A_95 : memref<!tpu.dma_semaphore, #tpu.memory_space<semaphore_mem>>)
        %dma_wait3A_98 = arith.constant 0 : i32
        %dma_wait3A_99 = tpu.memref_slice %arg11[%mul3A_0, %dma_wait3A_98] : memref<10112x16xf32, #tpu.memory_space<vmem_shared>> -> memref<632x16xf32, #tpu.memory_space<vmem_shared>>
        tpu.wait_dma2 semaphore(%run_scoped3A_95 : memref<!tpu.dma_semaphore, #tpu.memory_space<semaphore_mem>>) src(%arg6 : memref<632x16xf32, #tpu.memory_space<hbm>>) dst(%dma_wait3A_99 : memref<632x16xf32, #tpu.memory_space<vmem_shared>>)
        tpu.yield
      }) : () -> ()
      %barrier3A_66 = arith.constant 0 : index
      tpu.barrier barrier_id(%barrier3A_66)
      %dma_start3A_67 = arith.constant 0 : i32
      %dma_start3A_68 = arith.constant 0 : i32
      %dma_start3A_69 = tpu.memref_slice %arg12[%dma_start3A_67, %dma_start3A_68] : memref<32x640xi32, #tpu.memory_space<vmem>> -> memref<1x640xi32, #tpu.memory_space<vmem>>
      %dma_start3A_70 = tpu.memref_squeeze %dma_start3A_69 : memref<1x640xi32, #tpu.memory_space<vmem>> -> memref<640xi32, #tpu.memory_space<vmem>>
      %dma_start3A_71 = arith.constant 0 : i32
      %dma_start3A_72 = arith.constant 0 : i32
      %dma_start3A_73 = tpu.memref_slice %arg10[%dma_start3A_71, %dma_start3A_72] : memref<10112x16xf32, #tpu.memory_space<vmem_shared>> -> memref<10112x16xf32, #tpu.memory_space<vmem_shared>>
      tpu.enqueue_indirect_dma source(%dma_start3A_73 : memref<10112x16xf32, #tpu.memory_space<vmem_shared>>) target(%arg14 : memref<640x16xf32, #tpu.memory_space<vmem>>) offsets(%dma_start3A_70 : memref<640xi32, #tpu.memory_space<vmem>>) semaphore(%arg18 : memref<!tpu.dma_semaphore, #tpu.memory_space<semaphore_mem>>)
      %scan3A_74 = arith.constant 0 : i32
      %scan3A_75 = arith.constant 16 : i32
      %scan3A_76 = arith.addi %scan3A_74, %scan3A_75 : i32
      %scan3A_77 = arith.constant 1 : i32
      scf.for %scan3A_95 = %scan3A_74 to %scan3A_76 step %scan3A_77  : i32 {
        %mul3A_96 = arith.constant 1 : i32
        %mul3A_97 = arith.muli %scan3A_95, %mul3A_96 : i32
        %add3A_98 = arith.constant 0 : i32
        %add3A_99 = arith.addi %add3A_98, %mul3A_97 : i32
        %mul3A_100 = arith.constant 2 : i32
        %mul3A_101 = arith.muli %mul3A_100, %add3A_99 : i32
        %dma_wait3A_102 = arith.constant 0 : i32
        %dma_wait3A_103 = arith.constant 0 : i32
        %dma_wait3A_104 = tpu.memref_slice %arg12[%dma_wait3A_102, %dma_wait3A_103] : memref<32x640xi32, #tpu.memory_space<vmem>> -> memref<1x640xi32, #tpu.memory_space<vmem>>
        %dma_wait3A_105 = tpu.memref_squeeze %dma_wait3A_104 : memref<1x640xi32, #tpu.memory_space<vmem>> -> memref<640xi32, #tpu.memory_space<vmem>>
        %dma_wait3A_106 = arith.constant 0 : i32
        %dma_wait3A_107 = arith.constant 0 : i32
        %dma_wait3A_108 = tpu.memref_slice %arg10[%dma_wait3A_106, %dma_wait3A_107] : memref<10112x16xf32, #tpu.memory_space<vmem_shared>> -> memref<10112x16xf32, #tpu.memory_space<vmem_shared>>
        tpu.wait_indirect_dma semaphore(%arg18 : memref<!tpu.dma_semaphore, #tpu.memory_space<semaphore_mem>>) src(%dma_wait3A_108 : memref<10112x16xf32, #tpu.memory_space<vmem_shared>>) dst(%arg14 : memref<640x16xf32, #tpu.memory_space<vmem>>)
        %gt3A = arith.constant 0 : i32
        %gt3A_109 = arith.cmpi sgt, %add3A_99, %gt3A : i32
        %convert_element_type3A = arith.extui %gt3A_109 : i1 to i32
        %cond3A = arith.constant 0 : i32
        %cond3A_110 = arith.cmpi ne, %convert_element_type3A, %cond3A : i32
        scf.if %cond3A_110 {
          %dma_wait3A_153 = arith.constant 0 : i32
          %dma_wait3A_154 = arith.constant 0 : i32
          %dma_wait3A_155 = tpu.memref_slice %arg13[%dma_wait3A_153, %dma_wait3A_154] : memref<32x640xi32, #tpu.memory_space<vmem>> -> memref<1x640xi32, #tpu.memory_space<vmem>>
          %dma_wait3A_156 = tpu.memref_squeeze %dma_wait3A_155 : memref<1x640xi32, #tpu.memory_space<vmem>> -> memref<640xi32, #tpu.memory_space<vmem>>
          %dma_wait3A_157 = arith.constant 0 : i32
          %dma_wait3A_158 = arith.constant 0 : i32
          %dma_wait3A_159 = tpu.memref_slice %arg11[%dma_wait3A_157, %dma_wait3A_158] : memref<10112x16xf32, #tpu.memory_space<vmem_shared>> -> memref<10112x16xf32, #tpu.memory_space<vmem_shared>>
          tpu.wait_indirect_dma semaphore(%arg21 : memref<!tpu.dma_semaphore, #tpu.memory_space<semaphore_mem>>) src(%arg15 : memref<640x16xf32, #tpu.memory_space<vmem>>) dst(%dma_wait3A_159 : memref<10112x16xf32, #tpu.memory_space<vmem_shared>>)
        } else {
        }
        %add3A_111 = arith.constant 1 : i32
        %add3A_112 = arith.addi %mul3A_101, %add3A_111 : i32
        %dma_start3A_113 = arith.constant 0 : i32
        %dma_start3A_114 = tpu.memref_slice %arg12[%add3A_112, %dma_start3A_113] : memref<32x640xi32, #tpu.memory_space<vmem>> -> memref<1x640xi32, #tpu.memory_space<vmem>>
        %dma_start3A_115 = tpu.memref_squeeze %dma_start3A_114 : memref<1x640xi32, #tpu.memory_space<vmem>> -> memref<640xi32, #tpu.memory_space<vmem>>
        %dma_start3A_116 = arith.constant 0 : i32
        %dma_start3A_117 = arith.constant 0 : i32
        %dma_start3A_118 = tpu.memref_slice %arg10[%dma_start3A_116, %dma_start3A_117] : memref<10112x16xf32, #tpu.memory_space<vmem_shared>> -> memref<10112x16xf32, #tpu.memory_space<vmem_shared>>
        tpu.enqueue_indirect_dma source(%dma_start3A_118 : memref<10112x16xf32, #tpu.memory_space<vmem_shared>>) target(%arg15 : memref<640x16xf32, #tpu.memory_space<vmem>>) offsets(%dma_start3A_115 : memref<640xi32, #tpu.memory_space<vmem>>) semaphore(%arg19 : memref<!tpu.dma_semaphore, #tpu.memory_space<semaphore_mem>>)
        %dma_start3A_119 = arith.constant 0 : i32
        %dma_start3A_120 = tpu.memref_slice %arg13[%mul3A_101, %dma_start3A_119] : memref<32x640xi32, #tpu.memory_space<vmem>> -> memref<1x640xi32, #tpu.memory_space<vmem>>
        %dma_start3A_121 = tpu.memref_squeeze %dma_start3A_120 : memref<1x640xi32, #tpu.memory_space<vmem>> -> memref<640xi32, #tpu.memory_space<vmem>>
        %dma_start3A_122 = arith.constant 0 : i32
        %dma_start3A_123 = arith.constant 0 : i32
        %dma_start3A_124 = tpu.memref_slice %arg11[%dma_start3A_122, %dma_start3A_123] : memref<10112x16xf32, #tpu.memory_space<vmem_shared>> -> memref<10112x16xf32, #tpu.memory_space<vmem_shared>>
        tpu.enqueue_indirect_dma source(%arg14 : memref<640x16xf32, #tpu.memory_space<vmem>>) target(%dma_start3A_124 : memref<10112x16xf32, #tpu.memory_space<vmem_shared>>) offsets(%dma_start3A_121 : memref<640xi32, #tpu.memory_space<vmem>>) semaphore(%arg20 : memref<!tpu.dma_semaphore, #tpu.memory_space<semaphore_mem>>) {add = true}
        %dma_wait3A_125 = arith.constant 0 : i32
        %dma_wait3A_126 = arith.constant 0 : i32
        %dma_wait3A_127 = tpu.memref_slice %arg12[%dma_wait3A_125, %dma_wait3A_126] : memref<32x640xi32, #tpu.memory_space<vmem>> -> memref<1x640xi32, #tpu.memory_space<vmem>>
        %dma_wait3A_128 = tpu.memref_squeeze %dma_wait3A_127 : memref<1x640xi32, #tpu.memory_space<vmem>> -> memref<640xi32, #tpu.memory_space<vmem>>
        %dma_wait3A_129 = arith.constant 0 : i32
        %dma_wait3A_130 = arith.constant 0 : i32
        %dma_wait3A_131 = tpu.memref_slice %arg10[%dma_wait3A_129, %dma_wait3A_130] : memref<10112x16xf32, #tpu.memory_space<vmem_shared>> -> memref<10112x16xf32, #tpu.memory_space<vmem_shared>>
        tpu.wait_indirect_dma semaphore(%arg19 : memref<!tpu.dma_semaphore, #tpu.memory_space<semaphore_mem>>) src(%dma_wait3A_131 : memref<10112x16xf32, #tpu.memory_space<vmem_shared>>) dst(%arg15 : memref<640x16xf32, #tpu.memory_space<vmem>>)
        %dma_wait3A_132 = arith.constant 0 : i32
        %dma_wait3A_133 = arith.constant 0 : i32
        %dma_wait3A_134 = tpu.memref_slice %arg13[%dma_wait3A_132, %dma_wait3A_133] : memref<32x640xi32, #tpu.memory_space<vmem>> -> memref<1x640xi32, #tpu.memory_space<vmem>>
        %dma_wait3A_135 = tpu.memref_squeeze %dma_wait3A_134 : memref<1x640xi32, #tpu.memory_space<vmem>> -> memref<640xi32, #tpu.memory_space<vmem>>
        %dma_wait3A_136 = arith.constant 0 : i32
        %dma_wait3A_137 = arith.constant 0 : i32
        %dma_wait3A_138 = tpu.memref_slice %arg11[%dma_wait3A_136, %dma_wait3A_137] : memref<10112x16xf32, #tpu.memory_space<vmem_shared>> -> memref<10112x16xf32, #tpu.memory_space<vmem_shared>>
        tpu.wait_indirect_dma semaphore(%arg20 : memref<!tpu.dma_semaphore, #tpu.memory_space<semaphore_mem>>) src(%arg14 : memref<640x16xf32, #tpu.memory_space<vmem>>) dst(%dma_wait3A_138 : memref<10112x16xf32, #tpu.memory_space<vmem_shared>>)
        %add3A_139 = arith.constant 1 : i32
        %add3A_140 = arith.addi %add3A_99, %add3A_139 : i32
        %lt3A = arith.constant 16 : i32
        %lt3A_141 = arith.cmpi slt, %add3A_140, %lt3A : i32
        %convert_element_type3A_142 = arith.extui %lt3A_141 : i1 to i32
        %cond3A_143 = arith.constant 0 : i32
        %cond3A_144 = arith.cmpi ne, %convert_element_type3A_142, %cond3A_143 : i32
        scf.if %cond3A_144 {
          %add3A_153 = arith.constant 2 : i32
          %add3A_154 = arith.addi %mul3A_101, %add3A_153 : i32
          %dma_start3A_155 = arith.constant 0 : i32
          %dma_start3A_156 = tpu.memref_slice %arg12[%add3A_154, %dma_start3A_155] : memref<32x640xi32, #tpu.memory_space<vmem>> -> memref<1x640xi32, #tpu.memory_space<vmem>>
          %dma_start3A_157 = tpu.memref_squeeze %dma_start3A_156 : memref<1x640xi32, #tpu.memory_space<vmem>> -> memref<640xi32, #tpu.memory_space<vmem>>
          %dma_start3A_158 = arith.constant 0 : i32
          %dma_start3A_159 = arith.constant 0 : i32
          %dma_start3A_160 = tpu.memref_slice %arg10[%dma_start3A_158, %dma_start3A_159] : memref<10112x16xf32, #tpu.memory_space<vmem_shared>> -> memref<10112x16xf32, #tpu.memory_space<vmem_shared>>
          tpu.enqueue_indirect_dma source(%dma_start3A_160 : memref<10112x16xf32, #tpu.memory_space<vmem_shared>>) target(%arg14 : memref<640x16xf32, #tpu.memory_space<vmem>>) offsets(%dma_start3A_157 : memref<640xi32, #tpu.memory_space<vmem>>) semaphore(%arg18 : memref<!tpu.dma_semaphore, #tpu.memory_space<semaphore_mem>>)
        } else {
        }
        %add3A_145 = arith.constant 1 : i32
        %add3A_146 = arith.addi %mul3A_101, %add3A_145 : i32
        %dma_start3A_147 = arith.constant 0 : i32
        %dma_start3A_148 = tpu.memref_slice %arg13[%add3A_146, %dma_start3A_147] : memref<32x640xi32, #tpu.memory_space<vmem>> -> memref<1x640xi32, #tpu.memory_space<vmem>>
        %dma_start3A_149 = tpu.memref_squeeze %dma_start3A_148 : memref<1x640xi32, #tpu.memory_space<vmem>> -> memref<640xi32, #tpu.memory_space<vmem>>
        %dma_start3A_150 = arith.constant 0 : i32
        %dma_start3A_151 = arith.constant 0 : i32
        %dma_start3A_152 = tpu.memref_slice %arg11[%dma_start3A_150, %dma_start3A_151] : memref<10112x16xf32, #tpu.memory_space<vmem_shared>> -> memref<10112x16xf32, #tpu.memory_space<vmem_shared>>
        tpu.enqueue_indirect_dma source(%arg15 : memref<640x16xf32, #tpu.memory_space<vmem>>) target(%dma_start3A_152 : memref<10112x16xf32, #tpu.memory_space<vmem_shared>>) offsets(%dma_start3A_149 : memref<640xi32, #tpu.memory_space<vmem>>) semaphore(%arg21 : memref<!tpu.dma_semaphore, #tpu.memory_space<semaphore_mem>>) {add = true}
      }
      %scan3A_78 = arith.constant 16 : i32
      %dma_wait3A_79 = arith.constant 0 : i32
      %dma_wait3A_80 = arith.constant 0 : i32
      %dma_wait3A_81 = tpu.memref_slice %arg13[%dma_wait3A_79, %dma_wait3A_80] : memref<32x640xi32, #tpu.memory_space<vmem>> -> memref<1x640xi32, #tpu.memory_space<vmem>>
      %dma_wait3A_82 = tpu.memref_squeeze %dma_wait3A_81 : memref<1x640xi32, #tpu.memory_space<vmem>> -> memref<640xi32, #tpu.memory_space<vmem>>
      %dma_wait3A_83 = arith.constant 0 : i32
      %dma_wait3A_84 = arith.constant 0 : i32
      %dma_wait3A_85 = tpu.memref_slice %arg11[%dma_wait3A_83, %dma_wait3A_84] : memref<10112x16xf32, #tpu.memory_space<vmem_shared>> -> memref<10112x16xf32, #tpu.memory_space<vmem_shared>>
      tpu.wait_indirect_dma semaphore(%arg21 : memref<!tpu.dma_semaphore, #tpu.memory_space<semaphore_mem>>) src(%arg15 : memref<640x16xf32, #tpu.memory_space<vmem>>) dst(%dma_wait3A_85 : memref<10112x16xf32, #tpu.memory_space<vmem_shared>>)
      %barrier3A_86 = arith.constant 0 : index
      tpu.barrier barrier_id(%barrier3A_86)
      %sub3A_87 = arith.constant 1 : i32
      %sub3A_88 = arith.subi %sub3A_40, %sub3A_87 : i32
      "tpu.region"() ({
        %run_scoped3A_95 = tpu.sem_alloc : memref<!tpu.dma_semaphore, #tpu.memory_space<semaphore_mem>>
        %dma_start3A_96 = arith.constant 0 : i32
        %dma_start3A_97 = arith.constant 0 : i32
        %dma_start3A_98 = tpu.memref_slice %arg14[%dma_start3A_96, %dma_start3A_97] : memref<640x16xf32, #tpu.memory_space<vmem>> -> memref<632x16xf32, #tpu.memory_space<vmem>>
        %dma_start3A_99 = arith.constant 0 : i32
        %dma_start3A_100 = tpu.memref_slice %arg2[%arg0, %sub3A_88, %mul3A_0, %dma_start3A_99] : memref<2x10x10112x16xf32, #tpu.memory_space<hbm>> -> memref<1x1x632x16xf32, #tpu.memory_space<hbm>>
        %dma_start3A_101 = tpu.memref_squeeze %dma_start3A_100 : memref<1x1x632x16xf32, #tpu.memory_space<hbm>> -> memref<632x16xf32, #tpu.memory_space<hbm>>
        %dma_start3A_102 = arith.constant 0 : i32
        %dma_start3A_103 = arith.constant 0 : i32
        %dma_start3A_104 = tpu.memref_slice %arg14[%dma_start3A_102, %dma_start3A_103] : memref<640x16xf32, #tpu.memory_space<vmem>> -> memref<632x16xf32, #tpu.memory_space<vmem>>
        %dma_start3A_105 = arith.constant 0 : i32
        %dma_start3A_106 = tpu.memref_slice %arg2[%arg0, %sub3A_88, %mul3A_0, %dma_start3A_105] : memref<2x10x10112x16xf32, #tpu.memory_space<hbm>> -> memref<1x1x632x16xf32, #tpu.memory_space<hbm>>
        %dma_start3A_107 = tpu.memref_squeeze %dma_start3A_106 : memref<1x1x632x16xf32, #tpu.memory_space<hbm>> -> memref<632x16xf32, #tpu.memory_space<hbm>>
        tpu.enqueue_dma source(%dma_start3A_107 : memref<632x16xf32, #tpu.memory_space<hbm>>) target(%dma_start3A_104 : memref<632x16xf32, #tpu.memory_space<vmem>>) target_semaphore(%run_scoped3A_95 : memref<!tpu.dma_semaphore, #tpu.memory_space<semaphore_mem>>)
        %dma_wait3A_108 = arith.constant 0 : i32
        %dma_wait3A_109 = arith.constant 0 : i32
        %dma_wait3A_110 = tpu.memref_slice %arg14[%dma_wait3A_108, %dma_wait3A_109] : memref<640x16xf32, #tpu.memory_space<vmem>> -> memref<632x16xf32, #tpu.memory_space<vmem>>
        %dma_wait3A_111 = arith.constant 0 : i32
        %dma_wait3A_112 = tpu.memref_slice %arg2[%arg0, %sub3A_88, %mul3A_0, %dma_wait3A_111] : memref<2x10x10112x16xf32, #tpu.memory_space<hbm>> -> memref<1x1x632x16xf32, #tpu.memory_space<hbm>>
        %dma_wait3A_113 = tpu.memref_squeeze %dma_wait3A_112 : memref<1x1x632x16xf32, #tpu.memory_space<hbm>> -> memref<632x16xf32, #tpu.memory_space<hbm>>
        %dma_wait3A_114 = arith.constant 0 : i32
        %dma_wait3A_115 = arith.constant 0 : i32
        %dma_wait3A_116 = tpu.memref_slice %arg14[%dma_wait3A_114, %dma_wait3A_115] : memref<640x16xf32, #tpu.memory_space<vmem>> -> memref<632x16xf32, #tpu.memory_space<vmem>>
        %dma_wait3A_117 = arith.constant 0 : i32
        %dma_wait3A_118 = tpu.memref_slice %arg2[%arg0, %sub3A_88, %mul3A_0, %dma_wait3A_117] : memref<2x10x10112x16xf32, #tpu.memory_space<hbm>> -> memref<1x1x632x16xf32, #tpu.memory_space<hbm>>
        %dma_wait3A_119 = tpu.memref_squeeze %dma_wait3A_118 : memref<1x1x632x16xf32, #tpu.memory_space<hbm>> -> memref<632x16xf32, #tpu.memory_space<hbm>>
        tpu.wait_dma2 semaphore(%run_scoped3A_95 : memref<!tpu.dma_semaphore, #tpu.memory_space<semaphore_mem>>) src(%dma_wait3A_119 : memref<632x16xf32, #tpu.memory_space<hbm>>) dst(%dma_wait3A_116 : memref<632x16xf32, #tpu.memory_space<vmem>>)
        tpu.yield
      }) : () -> ()
      "tpu.region"() ({
        %run_scoped3A_95 = tpu.sem_alloc : memref<!tpu.dma_semaphore, #tpu.memory_space<semaphore_mem>>
        %dma_start3A_96 = arith.constant 0 : i32
        %dma_start3A_97 = arith.constant 0 : i32
        %dma_start3A_98 = tpu.memref_slice %arg15[%dma_start3A_96, %dma_start3A_97] : memref<640x16xf32, #tpu.memory_space<vmem>> -> memref<632x16xf32, #tpu.memory_space<vmem>>
        %dma_start3A_99 = arith.constant 0 : i32
        %dma_start3A_100 = tpu.memref_slice %arg11[%mul3A_0, %dma_start3A_99] : memref<10112x16xf32, #tpu.memory_space<vmem_shared>> -> memref<632x16xf32, #tpu.memory_space<vmem_shared>>
        %dma_start3A_101 = arith.constant 0 : i32
        %dma_start3A_102 = arith.constant 0 : i32
        %dma_start3A_103 = tpu.memref_slice %arg15[%dma_start3A_101, %dma_start3A_102] : memref<640x16xf32, #tpu.memory_space<vmem>> -> memref<632x16xf32, #tpu.memory_space<vmem>>
        %dma_start3A_104 = arith.constant 0 : i32
        %dma_start3A_105 = tpu.memref_slice %arg11[%mul3A_0, %dma_start3A_104] : memref<10112x16xf32, #tpu.memory_space<vmem_shared>> -> memref<632x16xf32, #tpu.memory_space<vmem_shared>>
        tpu.enqueue_dma source(%dma_start3A_105 : memref<632x16xf32, #tpu.memory_space<vmem_shared>>) target(%dma_start3A_103 : memref<632x16xf32, #tpu.memory_space<vmem>>) target_semaphore(%run_scoped3A_95 : memref<!tpu.dma_semaphore, #tpu.memory_space<semaphore_mem>>)
        %dma_wait3A_106 = arith.constant 0 : i32
        %dma_wait3A_107 = arith.constant 0 : i32
        %dma_wait3A_108 = tpu.memref_slice %arg15[%dma_wait3A_106, %dma_wait3A_107] : memref<640x16xf32, #tpu.memory_space<vmem>> -> memref<632x16xf32, #tpu.memory_space<vmem>>
        %dma_wait3A_109 = arith.constant 0 : i32
        %dma_wait3A_110 = tpu.memref_slice %arg11[%mul3A_0, %dma_wait3A_109] : memref<10112x16xf32, #tpu.memory_space<vmem_shared>> -> memref<632x16xf32, #tpu.memory_space<vmem_shared>>
        %dma_wait3A_111 = arith.constant 0 : i32
        %dma_wait3A_112 = arith.constant 0 : i32
        %dma_wait3A_113 = tpu.memref_slice %arg15[%dma_wait3A_111, %dma_wait3A_112] : memref<640x16xf32, #tpu.memory_space<vmem>> -> memref<632x16xf32, #tpu.memory_space<vmem>>
        %dma_wait3A_114 = arith.constant 0 : i32
        %dma_wait3A_115 = tpu.memref_slice %arg11[%mul3A_0, %dma_wait3A_114] : memref<10112x16xf32, #tpu.memory_space<vmem_shared>> -> memref<632x16xf32, #tpu.memory_space<vmem_shared>>
        tpu.wait_dma2 semaphore(%run_scoped3A_95 : memref<!tpu.dma_semaphore, #tpu.memory_space<semaphore_mem>>) src(%dma_wait3A_115 : memref<632x16xf32, #tpu.memory_space<vmem_shared>>) dst(%dma_wait3A_113 : memref<632x16xf32, #tpu.memory_space<vmem>>)
        tpu.yield
      }) : () -> ()
      "tpu.region"() ({
        %run_scoped3A_95 = tpu.sem_alloc : memref<!tpu.dma_semaphore, #tpu.memory_space<semaphore_mem>>
        %dma_start3A_96 = arith.constant 0 : i32
        %dma_start3A_97 = tpu.memref_slice %arg8[%mul3A_0, %dma_start3A_96] : memref<10112x16xf32, #tpu.memory_space<vmem_shared>> -> memref<632x16xf32, #tpu.memory_space<vmem_shared>>
        %dma_start3A_98 = arith.constant 0 : i32
        %dma_start3A_99 = tpu.memref_slice %arg8[%mul3A_0, %dma_start3A_98] : memref<10112x16xf32, #tpu.memory_space<vmem_shared>> -> memref<632x16xf32, #tpu.memory_space<vmem_shared>>
        tpu.enqueue_dma source(%dma_start3A_99 : memref<632x16xf32, #tpu.memory_space<vmem_shared>>) target(%arg17 : memref<632x16xf32, #tpu.memory_space<vmem>>) target_semaphore(%run_scoped3A_95 : memref<!tpu.dma_semaphore, #tpu.memory_space<semaphore_mem>>)
        %dma_wait3A_100 = arith.constant 0 : i32
        %dma_wait3A_101 = tpu.memref_slice %arg8[%mul3A_0, %dma_wait3A_100] : memref<10112x16xf32, #tpu.memory_space<vmem_shared>> -> memref<632x16xf32, #tpu.memory_space<vmem_shared>>
        %dma_wait3A_102 = arith.constant 0 : i32
        %dma_wait3A_103 = tpu.memref_slice %arg8[%mul3A_0, %dma_wait3A_102] : memref<10112x16xf32, #tpu.memory_space<vmem_shared>> -> memref<632x16xf32, #tpu.memory_space<vmem_shared>>
        tpu.wait_dma2 semaphore(%run_scoped3A_95 : memref<!tpu.dma_semaphore, #tpu.memory_space<semaphore_mem>>) src(%dma_wait3A_103 : memref<632x16xf32, #tpu.memory_space<vmem_shared>>) dst(%arg17 : memref<632x16xf32, #tpu.memory_space<vmem>>)
        tpu.yield
      }) : () -> ()
      %scan3A_89 = arith.constant 0 : i32
      %scan3A_90 = arith.constant 632 : i32
      %scan3A_91 = arith.addi %scan3A_89, %scan3A_90 : i32
      %scan3A_92 = arith.constant 1 : i32
      scf.for %scan3A_95 = %scan3A_89 to %scan3A_91 step %scan3A_92  : i32 {
        %mul3A_96 = arith.constant 1 : i32
        %mul3A_97 = arith.muli %scan3A_95, %mul3A_96 : i32
        %add3A_98 = arith.constant 0 : i32
        %add3A_99 = arith.addi %add3A_98, %mul3A_97 : i32
        %get3A = arith.index_cast %add3A_99 : i32 to index
        %get3A_100 = arith.constant 0 : index
        %get3A_101 = tpu.vector_load %arg16[%get3A, %get3A_100] {strides = array<i32>} : memref<632x16xf32, #tpu.memory_space<vmem>>, vector<1x16xf32>,
        %get3A_102 = vector.shape_cast %get3A_101 : vector<1x16xf32> to vector<16xf32>
        %get3A_103 = arith.constant 0 : i32
        %get3A_104 = arith.constant 0 : i32
        %get3A_105 = tpu.memref_slice %arg14[%get3A_103, %get3A_104] : memref<640x16xf32, #tpu.memory_space<vmem>> -> memref<632x16xf32, #tpu.memory_space<vmem>>
        %get3A_106 = arith.index_cast %add3A_99 : i32 to index
        %get3A_107 = arith.constant 0 : index
        %get3A_108 = tpu.vector_load %get3A_105[%get3A_106, %get3A_107] {strides = array<i32>} : memref<632x16xf32, #tpu.memory_space<vmem>>, vector<1x16xf32>,
        %get3A_109 = vector.shape_cast %get3A_108 : vector<1x16xf32> to vector<16xf32>
        %mul3A_110 = arith.constant 2.000000e+00 : f32
        %mul3A_111 = vector.broadcast %mul3A_110 : f32 to vector<16xf32>
        %mul3A_112 = arith.mulf %mul3A_111, %get3A_102 : vector<16xf32>
        %get3A_113 = arith.constant 0 : i32
        %get3A_114 = arith.constant 0 : i32
        %get3A_115 = tpu.memref_slice %arg15[%get3A_113, %get3A_114] : memref<640x16xf32, #tpu.memory_space<vmem>> -> memref<632x16xf32, #tpu.memory_space<vmem>>
        %get3A_116 = arith.index_cast %add3A_99 : i32 to index
        %get3A_117 = arith.constant 0 : index
        %get3A_118 = tpu.vector_load %get3A_115[%get3A_116, %get3A_117] {strides = array<i32>} : memref<632x16xf32, #tpu.memory_space<vmem>>, vector<1x16xf32>,
        %get3A_119 = vector.shape_cast %get3A_118 : vector<1x16xf32> to vector<16xf32>
        %mul3A_120 = arith.mulf %mul3A_112, %get3A_119 : vector<16xf32>
        %sub3A_121 = arith.subf %get3A_109, %mul3A_120 : vector<16xf32>
        %get3A_122 = arith.index_cast %add3A_99 : i32 to index
        %get3A_123 = arith.constant 0 : index
        %get3A_124 = tpu.vector_load %arg17[%get3A_122, %get3A_123] {strides = array<i32>} : memref<632x16xf32, #tpu.memory_space<vmem>>, vector<1x16xf32>,
        %get3A_125 = vector.shape_cast %get3A_124 : vector<1x16xf32> to vector<16xf32>
        %sub3A_126 = arith.subf %sub3A_121, %get3A_125 : vector<16xf32>
        %swap3A = arith.constant 0 : i32
        %swap3A_127 = arith.constant 0 : i32
        %swap3A_128 = tpu.memref_slice %arg14[%swap3A, %swap3A_127] : memref<640x16xf32, #tpu.memory_space<vmem>> -> memref<632x16xf32, #tpu.memory_space<vmem>>
        %swap3A_129 = arith.index_cast %add3A_99 : i32 to index
        %swap3A_130 = arith.constant 0 : index
        %swap3A_131 = tpu.vector_load %swap3A_128[%swap3A_129, %swap3A_130] {strides = array<i32>} : memref<632x16xf32, #tpu.memory_space<vmem>>, vector<1x16xf32>,
        %swap3A_132 = vector.shape_cast %swap3A_131 : vector<1x16xf32> to vector<16xf32>
        %swap3A_133 = vector.shape_cast %sub3A_126 : vector<16xf32> to vector<1x16xf32>
        tpu.vector_store %swap3A_128[%swap3A_129, %swap3A_130], %swap3A_133 {strides = array<i32>} : memref<632x16xf32, #tpu.memory_space<vmem>>, vector<1x16xf32>,
        %mul3A_134 = arith.mulf %get3A_102, %sub3A_126 : vector<16xf32>
        %swap3A_135 = arith.constant 0 : i32
        %swap3A_136 = arith.constant 0 : i32
        %swap3A_137 = tpu.memref_slice %arg15[%swap3A_135, %swap3A_136] : memref<640x16xf32, #tpu.memory_space<vmem>> -> memref<632x16xf32, #tpu.memory_space<vmem>>
        %swap3A_138 = arith.index_cast %add3A_99 : i32 to index
        %swap3A_139 = arith.constant 0 : index
        %swap3A_140 = tpu.vector_load %swap3A_137[%swap3A_138, %swap3A_139] {strides = array<i32>} : memref<632x16xf32, #tpu.memory_space<vmem>>, vector<1x16xf32>,
        %swap3A_141 = vector.shape_cast %swap3A_140 : vector<1x16xf32> to vector<16xf32>
        %swap3A_142 = vector.shape_cast %mul3A_134 : vector<16xf32> to vector<1x16xf32>
        tpu.vector_store %swap3A_137[%swap3A_138, %swap3A_139], %swap3A_142 {strides = array<i32>} : memref<632x16xf32, #tpu.memory_space<vmem>>, vector<1x16xf32>,
      }
      %scan3A_93 = arith.constant 632 : i32
      "tpu.region"() ({
        %run_scoped3A_95 = tpu.sem_alloc : memref<!tpu.dma_semaphore, #tpu.memory_space<semaphore_mem>>
        %dma_start3A_96 = arith.constant 0 : i32
        %dma_start3A_97 = arith.constant 0 : i32
        %dma_start3A_98 = tpu.memref_slice %arg14[%dma_start3A_96, %dma_start3A_97] : memref<640x16xf32, #tpu.memory_space<vmem>> -> memref<632x16xf32, #tpu.memory_space<vmem>>
        %dma_start3A_99 = arith.constant 0 : i32
        %dma_start3A_100 = tpu.memref_slice %arg8[%mul3A_0, %dma_start3A_99] : memref<10112x16xf32, #tpu.memory_space<vmem_shared>> -> memref<632x16xf32, #tpu.memory_space<vmem_shared>>
        %dma_start3A_101 = arith.constant 0 : i32
        %dma_start3A_102 = tpu.memref_slice %arg8[%mul3A_0, %dma_start3A_101] : memref<10112x16xf32, #tpu.memory_space<vmem_shared>> -> memref<632x16xf32, #tpu.memory_space<vmem_shared>>
        %dma_start3A_103 = arith.constant 0 : i32
        %dma_start3A_104 = arith.constant 0 : i32
        %dma_start3A_105 = tpu.memref_slice %arg14[%dma_start3A_103, %dma_start3A_104] : memref<640x16xf32, #tpu.memory_space<vmem>> -> memref<632x16xf32, #tpu.memory_space<vmem>>
        tpu.enqueue_dma source(%dma_start3A_105 : memref<632x16xf32, #tpu.memory_space<vmem>>) target(%dma_start3A_102 : memref<632x16xf32, #tpu.memory_space<vmem_shared>>) target_semaphore(%run_scoped3A_95 : memref<!tpu.dma_semaphore, #tpu.memory_space<semaphore_mem>>)
        %dma_wait3A_106 = arith.constant 0 : i32
        %dma_wait3A_107 = arith.constant 0 : i32
        %dma_wait3A_108 = tpu.memref_slice %arg14[%dma_wait3A_106, %dma_wait3A_107] : memref<640x16xf32, #tpu.memory_space<vmem>> -> memref<632x16xf32, #tpu.memory_space<vmem>>
        %dma_wait3A_109 = arith.constant 0 : i32
        %dma_wait3A_110 = tpu.memref_slice %arg8[%mul3A_0, %dma_wait3A_109] : memref<10112x16xf32, #tpu.memory_space<vmem_shared>> -> memref<632x16xf32, #tpu.memory_space<vmem_shared>>
        %dma_wait3A_111 = arith.constant 0 : i32
        %dma_wait3A_112 = tpu.memref_slice %arg8[%mul3A_0, %dma_wait3A_111] : memref<10112x16xf32, #tpu.memory_space<vmem_shared>> -> memref<632x16xf32, #tpu.memory_space<vmem_shared>>
        %dma_wait3A_113 = arith.constant 0 : i32
        %dma_wait3A_114 = arith.constant 0 : i32
        %dma_wait3A_115 = tpu.memref_slice %arg14[%dma_wait3A_113, %dma_wait3A_114] : memref<640x16xf32, #tpu.memory_space<vmem>> -> memref<632x16xf32, #tpu.memory_space<vmem>>
        tpu.wait_dma2 semaphore(%run_scoped3A_95 : memref<!tpu.dma_semaphore, #tpu.memory_space<semaphore_mem>>) src(%dma_wait3A_115 : memref<632x16xf32, #tpu.memory_space<vmem>>) dst(%dma_wait3A_112 : memref<632x16xf32, #tpu.memory_space<vmem_shared>>)
        tpu.yield
      }) : () -> ()
      "tpu.region"() ({
        %run_scoped3A_95 = tpu.sem_alloc : memref<!tpu.dma_semaphore, #tpu.memory_space<semaphore_mem>>
        %dma_start3A_96 = arith.constant 0 : i32
        %dma_start3A_97 = arith.constant 0 : i32
        %dma_start3A_98 = tpu.memref_slice %arg15[%dma_start3A_96, %dma_start3A_97] : memref<640x16xf32, #tpu.memory_space<vmem>> -> memref<632x16xf32, #tpu.memory_space<vmem>>
        %dma_start3A_99 = arith.constant 0 : i32
        %dma_start3A_100 = tpu.memref_slice %arg10[%mul3A_0, %dma_start3A_99] : memref<10112x16xf32, #tpu.memory_space<vmem_shared>> -> memref<632x16xf32, #tpu.memory_space<vmem_shared>>
        %dma_start3A_101 = arith.constant 0 : i32
        %dma_start3A_102 = tpu.memref_slice %arg10[%mul3A_0, %dma_start3A_101] : memref<10112x16xf32, #tpu.memory_space<vmem_shared>> -> memref<632x16xf32, #tpu.memory_space<vmem_shared>>
        %dma_start3A_103 = arith.constant 0 : i32
        %dma_start3A_104 = arith.constant 0 : i32
        %dma_start3A_105 = tpu.memref_slice %arg15[%dma_start3A_103, %dma_start3A_104] : memref<640x16xf32, #tpu.memory_space<vmem>> -> memref<632x16xf32, #tpu.memory_space<vmem>>
        tpu.enqueue_dma source(%dma_start3A_105 : memref<632x16xf32, #tpu.memory_space<vmem>>) target(%dma_start3A_102 : memref<632x16xf32, #tpu.memory_space<vmem_shared>>) target_semaphore(%run_scoped3A_95 : memref<!tpu.dma_semaphore, #tpu.memory_space<semaphore_mem>>)
        %dma_wait3A_106 = arith.constant 0 : i32
        %dma_wait3A_107 = arith.constant 0 : i32
        %dma_wait3A_108 = tpu.memref_slice %arg15[%dma_wait3A_106, %dma_wait3A_107] : memref<640x16xf32, #tpu.memory_space<vmem>> -> memref<632x16xf32, #tpu.memory_space<vmem>>
        %dma_wait3A_109 = arith.constant 0 : i32
        %dma_wait3A_110 = tpu.memref_slice %arg10[%mul3A_0, %dma_wait3A_109] : memref<10112x16xf32, #tpu.memory_space<vmem_shared>> -> memref<632x16xf32, #tpu.memory_space<vmem_shared>>
        %dma_wait3A_111 = arith.constant 0 : i32
        %dma_wait3A_112 = tpu.memref_slice %arg10[%mul3A_0, %dma_wait3A_111] : memref<10112x16xf32, #tpu.memory_space<vmem_shared>> -> memref<632x16xf32, #tpu.memory_space<vmem_shared>>
        %dma_wait3A_113 = arith.constant 0 : i32
        %dma_wait3A_114 = arith.constant 0 : i32
        %dma_wait3A_115 = tpu.memref_slice %arg15[%dma_wait3A_113, %dma_wait3A_114] : memref<640x16xf32, #tpu.memory_space<vmem>> -> memref<632x16xf32, #tpu.memory_space<vmem>>
        tpu.wait_dma2 semaphore(%run_scoped3A_95 : memref<!tpu.dma_semaphore, #tpu.memory_space<semaphore_mem>>) src(%dma_wait3A_115 : memref<632x16xf32, #tpu.memory_space<vmem>>) dst(%dma_wait3A_112 : memref<632x16xf32, #tpu.memory_space<vmem_shared>>)
        tpu.yield
      }) : () -> ()
      "tpu.region"() ({
        %run_scoped3A_95 = tpu.sem_alloc : memref<!tpu.dma_semaphore, #tpu.memory_space<semaphore_mem>>
        %dma_start3A_96 = arith.constant 0 : i32
        %dma_start3A_97 = tpu.memref_slice %arg11[%mul3A_0, %dma_start3A_96] : memref<10112x16xf32, #tpu.memory_space<vmem_shared>> -> memref<632x16xf32, #tpu.memory_space<vmem_shared>>
        tpu.enqueue_dma source(%arg6 : memref<632x16xf32, #tpu.memory_space<hbm>>) target(%dma_start3A_97 : memref<632x16xf32, #tpu.memory_space<vmem_shared>>) target_semaphore(%run_scoped3A_95 : memref<!tpu.dma_semaphore, #tpu.memory_space<semaphore_mem>>)
        %dma_wait3A_98 = arith.constant 0 : i32
        %dma_wait3A_99 = tpu.memref_slice %arg11[%mul3A_0, %dma_wait3A_98] : memref<10112x16xf32, #tpu.memory_space<vmem_shared>> -> memref<632x16xf32, #tpu.memory_space<vmem_shared>>
        tpu.wait_dma2 semaphore(%run_scoped3A_95 : memref<!tpu.dma_semaphore, #tpu.memory_space<semaphore_mem>>) src(%arg6 : memref<632x16xf32, #tpu.memory_space<hbm>>) dst(%dma_wait3A_99 : memref<632x16xf32, #tpu.memory_space<vmem_shared>>)
        tpu.yield
      }) : () -> ()
      %barrier3A_94 = arith.constant 0 : index
      tpu.barrier barrier_id(%barrier3A_94)
    }
    %scan3A_9 = arith.constant 4 : i32
    %dma_start3A = arith.constant 0 : i32
    %dma_start3A_10 = arith.constant 0 : i32
    %dma_start3A_11 = tpu.memref_slice %arg12[%dma_start3A, %dma_start3A_10] : memref<32x640xi32, #tpu.memory_space<vmem>> -> memref<1x640xi32, #tpu.memory_space<vmem>>
    %dma_start3A_12 = tpu.memref_squeeze %dma_start3A_11 : memref<1x640xi32, #tpu.memory_space<vmem>> -> memref<640xi32, #tpu.memory_space<vmem>>
    %dma_start3A_13 = arith.constant 0 : i32
    %dma_start3A_14 = arith.constant 0 : i32
    %dma_start3A_15 = tpu.memref_slice %arg10[%dma_start3A_13, %dma_start3A_14] : memref<10112x16xf32, #tpu.memory_space<vmem_shared>> -> memref<10112x16xf32, #tpu.memory_space<vmem_shared>>
    tpu.enqueue_indirect_dma source(%dma_start3A_15 : memref<10112x16xf32, #tpu.memory_space<vmem_shared>>) target(%arg14 : memref<640x16xf32, #tpu.memory_space<vmem>>) offsets(%dma_start3A_12 : memref<640xi32, #tpu.memory_space<vmem>>) semaphore(%arg18 : memref<!tpu.dma_semaphore, #tpu.memory_space<semaphore_mem>>)
    %scan3A_16 = arith.constant 0 : i32
    %scan3A_17 = arith.constant 16 : i32
    %scan3A_18 = arith.addi %scan3A_16, %scan3A_17 : i32
    %scan3A_19 = arith.constant 1 : i32
    scf.for %scan3A_34 = %scan3A_16 to %scan3A_18 step %scan3A_19  : i32 {
      %mul3A_35 = arith.constant 1 : i32
      %mul3A_36 = arith.muli %scan3A_34, %mul3A_35 : i32
      %add3A = arith.constant 0 : i32
      %add3A_37 = arith.addi %add3A, %mul3A_36 : i32
      %mul3A_38 = arith.constant 2 : i32
      %mul3A_39 = arith.muli %mul3A_38, %add3A_37 : i32
      %dma_wait3A_40 = arith.constant 0 : i32
      %dma_wait3A_41 = arith.constant 0 : i32
      %dma_wait3A_42 = tpu.memref_slice %arg12[%dma_wait3A_40, %dma_wait3A_41] : memref<32x640xi32, #tpu.memory_space<vmem>> -> memref<1x640xi32, #tpu.memory_space<vmem>>
      %dma_wait3A_43 = tpu.memref_squeeze %dma_wait3A_42 : memref<1x640xi32, #tpu.memory_space<vmem>> -> memref<640xi32, #tpu.memory_space<vmem>>
      %dma_wait3A_44 = arith.constant 0 : i32
      %dma_wait3A_45 = arith.constant 0 : i32
      %dma_wait3A_46 = tpu.memref_slice %arg10[%dma_wait3A_44, %dma_wait3A_45] : memref<10112x16xf32, #tpu.memory_space<vmem_shared>> -> memref<10112x16xf32, #tpu.memory_space<vmem_shared>>
      tpu.wait_indirect_dma semaphore(%arg18 : memref<!tpu.dma_semaphore, #tpu.memory_space<semaphore_mem>>) src(%dma_wait3A_46 : memref<10112x16xf32, #tpu.memory_space<vmem_shared>>) dst(%arg14 : memref<640x16xf32, #tpu.memory_space<vmem>>)
      %gt3A = arith.constant 0 : i32
      %gt3A_47 = arith.cmpi sgt, %add3A_37, %gt3A : i32
      %convert_element_type3A = arith.extui %gt3A_47 : i1 to i32
      %cond3A = arith.constant 0 : i32
      %cond3A_48 = arith.cmpi ne, %convert_element_type3A, %cond3A : i32
      scf.if %cond3A_48 {
        %dma_wait3A_91 = arith.constant 0 : i32
        %dma_wait3A_92 = arith.constant 0 : i32
        %dma_wait3A_93 = tpu.memref_slice %arg13[%dma_wait3A_91, %dma_wait3A_92] : memref<32x640xi32, #tpu.memory_space<vmem>> -> memref<1x640xi32, #tpu.memory_space<vmem>>
        %dma_wait3A_94 = tpu.memref_squeeze %dma_wait3A_93 : memref<1x640xi32, #tpu.memory_space<vmem>> -> memref<640xi32, #tpu.memory_space<vmem>>
        %dma_wait3A_95 = arith.constant 0 : i32
        %dma_wait3A_96 = arith.constant 0 : i32
        %dma_wait3A_97 = tpu.memref_slice %arg11[%dma_wait3A_95, %dma_wait3A_96] : memref<10112x16xf32, #tpu.memory_space<vmem_shared>> -> memref<10112x16xf32, #tpu.memory_space<vmem_shared>>
        tpu.wait_indirect_dma semaphore(%arg21 : memref<!tpu.dma_semaphore, #tpu.memory_space<semaphore_mem>>) src(%arg15 : memref<640x16xf32, #tpu.memory_space<vmem>>) dst(%dma_wait3A_97 : memref<10112x16xf32, #tpu.memory_space<vmem_shared>>)
      } else {
      }
      %add3A_49 = arith.constant 1 : i32
      %add3A_50 = arith.addi %mul3A_39, %add3A_49 : i32
      %dma_start3A_51 = arith.constant 0 : i32
      %dma_start3A_52 = tpu.memref_slice %arg12[%add3A_50, %dma_start3A_51] : memref<32x640xi32, #tpu.memory_space<vmem>> -> memref<1x640xi32, #tpu.memory_space<vmem>>
      %dma_start3A_53 = tpu.memref_squeeze %dma_start3A_52 : memref<1x640xi32, #tpu.memory_space<vmem>> -> memref<640xi32, #tpu.memory_space<vmem>>
      %dma_start3A_54 = arith.constant 0 : i32
      %dma_start3A_55 = arith.constant 0 : i32
      %dma_start3A_56 = tpu.memref_slice %arg10[%dma_start3A_54, %dma_start3A_55] : memref<10112x16xf32, #tpu.memory_space<vmem_shared>> -> memref<10112x16xf32, #tpu.memory_space<vmem_shared>>
      tpu.enqueue_indirect_dma source(%dma_start3A_56 : memref<10112x16xf32, #tpu.memory_space<vmem_shared>>) target(%arg15 : memref<640x16xf32, #tpu.memory_space<vmem>>) offsets(%dma_start3A_53 : memref<640xi32, #tpu.memory_space<vmem>>) semaphore(%arg19 : memref<!tpu.dma_semaphore, #tpu.memory_space<semaphore_mem>>)
      %dma_start3A_57 = arith.constant 0 : i32
      %dma_start3A_58 = tpu.memref_slice %arg13[%mul3A_39, %dma_start3A_57] : memref<32x640xi32, #tpu.memory_space<vmem>> -> memref<1x640xi32, #tpu.memory_space<vmem>>
      %dma_start3A_59 = tpu.memref_squeeze %dma_start3A_58 : memref<1x640xi32, #tpu.memory_space<vmem>> -> memref<640xi32, #tpu.memory_space<vmem>>
      %dma_start3A_60 = arith.constant 0 : i32
      %dma_start3A_61 = arith.constant 0 : i32
      %dma_start3A_62 = tpu.memref_slice %arg11[%dma_start3A_60, %dma_start3A_61] : memref<10112x16xf32, #tpu.memory_space<vmem_shared>> -> memref<10112x16xf32, #tpu.memory_space<vmem_shared>>
      tpu.enqueue_indirect_dma source(%arg14 : memref<640x16xf32, #tpu.memory_space<vmem>>) target(%dma_start3A_62 : memref<10112x16xf32, #tpu.memory_space<vmem_shared>>) offsets(%dma_start3A_59 : memref<640xi32, #tpu.memory_space<vmem>>) semaphore(%arg20 : memref<!tpu.dma_semaphore, #tpu.memory_space<semaphore_mem>>) {add = true}
      %dma_wait3A_63 = arith.constant 0 : i32
      %dma_wait3A_64 = arith.constant 0 : i32
      %dma_wait3A_65 = tpu.memref_slice %arg12[%dma_wait3A_63, %dma_wait3A_64] : memref<32x640xi32, #tpu.memory_space<vmem>> -> memref<1x640xi32, #tpu.memory_space<vmem>>
      %dma_wait3A_66 = tpu.memref_squeeze %dma_wait3A_65 : memref<1x640xi32, #tpu.memory_space<vmem>> -> memref<640xi32, #tpu.memory_space<vmem>>
      %dma_wait3A_67 = arith.constant 0 : i32
      %dma_wait3A_68 = arith.constant 0 : i32
      %dma_wait3A_69 = tpu.memref_slice %arg10[%dma_wait3A_67, %dma_wait3A_68] : memref<10112x16xf32, #tpu.memory_space<vmem_shared>> -> memref<10112x16xf32, #tpu.memory_space<vmem_shared>>
      tpu.wait_indirect_dma semaphore(%arg19 : memref<!tpu.dma_semaphore, #tpu.memory_space<semaphore_mem>>) src(%dma_wait3A_69 : memref<10112x16xf32, #tpu.memory_space<vmem_shared>>) dst(%arg15 : memref<640x16xf32, #tpu.memory_space<vmem>>)
      %dma_wait3A_70 = arith.constant 0 : i32
      %dma_wait3A_71 = arith.constant 0 : i32
      %dma_wait3A_72 = tpu.memref_slice %arg13[%dma_wait3A_70, %dma_wait3A_71] : memref<32x640xi32, #tpu.memory_space<vmem>> -> memref<1x640xi32, #tpu.memory_space<vmem>>
      %dma_wait3A_73 = tpu.memref_squeeze %dma_wait3A_72 : memref<1x640xi32, #tpu.memory_space<vmem>> -> memref<640xi32, #tpu.memory_space<vmem>>
      %dma_wait3A_74 = arith.constant 0 : i32
      %dma_wait3A_75 = arith.constant 0 : i32
      %dma_wait3A_76 = tpu.memref_slice %arg11[%dma_wait3A_74, %dma_wait3A_75] : memref<10112x16xf32, #tpu.memory_space<vmem_shared>> -> memref<10112x16xf32, #tpu.memory_space<vmem_shared>>
      tpu.wait_indirect_dma semaphore(%arg20 : memref<!tpu.dma_semaphore, #tpu.memory_space<semaphore_mem>>) src(%arg14 : memref<640x16xf32, #tpu.memory_space<vmem>>) dst(%dma_wait3A_76 : memref<10112x16xf32, #tpu.memory_space<vmem_shared>>)
      %add3A_77 = arith.constant 1 : i32
      %add3A_78 = arith.addi %add3A_37, %add3A_77 : i32
      %lt3A = arith.constant 16 : i32
      %lt3A_79 = arith.cmpi slt, %add3A_78, %lt3A : i32
      %convert_element_type3A_80 = arith.extui %lt3A_79 : i1 to i32
      %cond3A_81 = arith.constant 0 : i32
      %cond3A_82 = arith.cmpi ne, %convert_element_type3A_80, %cond3A_81 : i32
      scf.if %cond3A_82 {
        %add3A_91 = arith.constant 2 : i32
        %add3A_92 = arith.addi %mul3A_39, %add3A_91 : i32
        %dma_start3A_93 = arith.constant 0 : i32
        %dma_start3A_94 = tpu.memref_slice %arg12[%add3A_92, %dma_start3A_93] : memref<32x640xi32, #tpu.memory_space<vmem>> -> memref<1x640xi32, #tpu.memory_space<vmem>>
        %dma_start3A_95 = tpu.memref_squeeze %dma_start3A_94 : memref<1x640xi32, #tpu.memory_space<vmem>> -> memref<640xi32, #tpu.memory_space<vmem>>
        %dma_start3A_96 = arith.constant 0 : i32
        %dma_start3A_97 = arith.constant 0 : i32
        %dma_start3A_98 = tpu.memref_slice %arg10[%dma_start3A_96, %dma_start3A_97] : memref<10112x16xf32, #tpu.memory_space<vmem_shared>> -> memref<10112x16xf32, #tpu.memory_space<vmem_shared>>
        tpu.enqueue_indirect_dma source(%dma_start3A_98 : memref<10112x16xf32, #tpu.memory_space<vmem_shared>>) target(%arg14 : memref<640x16xf32, #tpu.memory_space<vmem>>) offsets(%dma_start3A_95 : memref<640xi32, #tpu.memory_space<vmem>>) semaphore(%arg18 : memref<!tpu.dma_semaphore, #tpu.memory_space<semaphore_mem>>)
      } else {
      }
      %add3A_83 = arith.constant 1 : i32
      %add3A_84 = arith.addi %mul3A_39, %add3A_83 : i32
      %dma_start3A_85 = arith.constant 0 : i32
      %dma_start3A_86 = tpu.memref_slice %arg13[%add3A_84, %dma_start3A_85] : memref<32x640xi32, #tpu.memory_space<vmem>> -> memref<1x640xi32, #tpu.memory_space<vmem>>
      %dma_start3A_87 = tpu.memref_squeeze %dma_start3A_86 : memref<1x640xi32, #tpu.memory_space<vmem>> -> memref<640xi32, #tpu.memory_space<vmem>>
      %dma_start3A_88 = arith.constant 0 : i32
      %dma_start3A_89 = arith.constant 0 : i32
      %dma_start3A_90 = tpu.memref_slice %arg11[%dma_start3A_88, %dma_start3A_89] : memref<10112x16xf32, #tpu.memory_space<vmem_shared>> -> memref<10112x16xf32, #tpu.memory_space<vmem_shared>>
      tpu.enqueue_indirect_dma source(%arg15 : memref<640x16xf32, #tpu.memory_space<vmem>>) target(%dma_start3A_90 : memref<10112x16xf32, #tpu.memory_space<vmem_shared>>) offsets(%dma_start3A_87 : memref<640xi32, #tpu.memory_space<vmem>>) semaphore(%arg21 : memref<!tpu.dma_semaphore, #tpu.memory_space<semaphore_mem>>) {add = true}
    }
    %scan3A_20 = arith.constant 16 : i32
    %dma_wait3A = arith.constant 0 : i32
    %dma_wait3A_21 = arith.constant 0 : i32
    %dma_wait3A_22 = tpu.memref_slice %arg13[%dma_wait3A, %dma_wait3A_21] : memref<32x640xi32, #tpu.memory_space<vmem>> -> memref<1x640xi32, #tpu.memory_space<vmem>>
    %dma_wait3A_23 = tpu.memref_squeeze %dma_wait3A_22 : memref<1x640xi32, #tpu.memory_space<vmem>> -> memref<640xi32, #tpu.memory_space<vmem>>
    %dma_wait3A_24 = arith.constant 0 : i32
    %dma_wait3A_25 = arith.constant 0 : i32
    %dma_wait3A_26 = tpu.memref_slice %arg11[%dma_wait3A_24, %dma_wait3A_25] : memref<10112x16xf32, #tpu.memory_space<vmem_shared>> -> memref<10112x16xf32, #tpu.memory_space<vmem_shared>>
    tpu.wait_indirect_dma semaphore(%arg21 : memref<!tpu.dma_semaphore, #tpu.memory_space<semaphore_mem>>) src(%arg15 : memref<640x16xf32, #tpu.memory_space<vmem>>) dst(%dma_wait3A_26 : memref<10112x16xf32, #tpu.memory_space<vmem_shared>>)
    %barrier3A_27 = arith.constant 0 : index
    tpu.barrier barrier_id(%barrier3A_27)
    %run_scoped3A_28 = arith.constant 0 : i32
    "tpu.region"() ({
      %run_scoped3A_34 = tpu.sem_alloc : memref<!tpu.dma_semaphore, #tpu.memory_space<semaphore_mem>>
      %dma_start3A_35 = arith.constant 0 : i32
      %dma_start3A_36 = arith.constant 0 : i32
      %dma_start3A_37 = tpu.memref_slice %arg14[%dma_start3A_35, %dma_start3A_36] : memref<640x16xf32, #tpu.memory_space<vmem>> -> memref<632x16xf32, #tpu.memory_space<vmem>>
      %dma_start3A_38 = arith.constant 0 : i32
      %dma_start3A_39 = tpu.memref_slice %arg2[%arg0, %run_scoped3A_28, %mul3A_0, %dma_start3A_38] : memref<2x10x10112x16xf32, #tpu.memory_space<hbm>> -> memref<1x1x632x16xf32, #tpu.memory_space<hbm>>
      %dma_start3A_40 = tpu.memref_squeeze %dma_start3A_39 : memref<1x1x632x16xf32, #tpu.memory_space<hbm>> -> memref<632x16xf32, #tpu.memory_space<hbm>>
      %dma_start3A_41 = arith.constant 0 : i32
      %dma_start3A_42 = arith.constant 0 : i32
      %dma_start3A_43 = tpu.memref_slice %arg14[%dma_start3A_41, %dma_start3A_42] : memref<640x16xf32, #tpu.memory_space<vmem>> -> memref<632x16xf32, #tpu.memory_space<vmem>>
      %dma_start3A_44 = arith.constant 0 : i32
      %dma_start3A_45 = tpu.memref_slice %arg2[%arg0, %run_scoped3A_28, %mul3A_0, %dma_start3A_44] : memref<2x10x10112x16xf32, #tpu.memory_space<hbm>> -> memref<1x1x632x16xf32, #tpu.memory_space<hbm>>
      %dma_start3A_46 = tpu.memref_squeeze %dma_start3A_45 : memref<1x1x632x16xf32, #tpu.memory_space<hbm>> -> memref<632x16xf32, #tpu.memory_space<hbm>>
      tpu.enqueue_dma source(%dma_start3A_46 : memref<632x16xf32, #tpu.memory_space<hbm>>) target(%dma_start3A_43 : memref<632x16xf32, #tpu.memory_space<vmem>>) target_semaphore(%run_scoped3A_34 : memref<!tpu.dma_semaphore, #tpu.memory_space<semaphore_mem>>)
      %dma_wait3A_47 = arith.constant 0 : i32
      %dma_wait3A_48 = arith.constant 0 : i32
      %dma_wait3A_49 = tpu.memref_slice %arg14[%dma_wait3A_47, %dma_wait3A_48] : memref<640x16xf32, #tpu.memory_space<vmem>> -> memref<632x16xf32, #tpu.memory_space<vmem>>
      %dma_wait3A_50 = arith.constant 0 : i32
      %dma_wait3A_51 = tpu.memref_slice %arg2[%arg0, %run_scoped3A_28, %mul3A_0, %dma_wait3A_50] : memref<2x10x10112x16xf32, #tpu.memory_space<hbm>> -> memref<1x1x632x16xf32, #tpu.memory_space<hbm>>
      %dma_wait3A_52 = tpu.memref_squeeze %dma_wait3A_51 : memref<1x1x632x16xf32, #tpu.memory_space<hbm>> -> memref<632x16xf32, #tpu.memory_space<hbm>>
      %dma_wait3A_53 = arith.constant 0 : i32
      %dma_wait3A_54 = arith.constant 0 : i32
      %dma_wait3A_55 = tpu.memref_slice %arg14[%dma_wait3A_53, %dma_wait3A_54] : memref<640x16xf32, #tpu.memory_space<vmem>> -> memref<632x16xf32, #tpu.memory_space<vmem>>
      %dma_wait3A_56 = arith.constant 0 : i32
      %dma_wait3A_57 = tpu.memref_slice %arg2[%arg0, %run_scoped3A_28, %mul3A_0, %dma_wait3A_56] : memref<2x10x10112x16xf32, #tpu.memory_space<hbm>> -> memref<1x1x632x16xf32, #tpu.memory_space<hbm>>
      %dma_wait3A_58 = tpu.memref_squeeze %dma_wait3A_57 : memref<1x1x632x16xf32, #tpu.memory_space<hbm>> -> memref<632x16xf32, #tpu.memory_space<hbm>>
      tpu.wait_dma2 semaphore(%run_scoped3A_34 : memref<!tpu.dma_semaphore, #tpu.memory_space<semaphore_mem>>) src(%dma_wait3A_58 : memref<632x16xf32, #tpu.memory_space<hbm>>) dst(%dma_wait3A_55 : memref<632x16xf32, #tpu.memory_space<vmem>>)
      tpu.yield
    }) : () -> ()
    "tpu.region"() ({
      %run_scoped3A_34 = tpu.sem_alloc : memref<!tpu.dma_semaphore, #tpu.memory_space<semaphore_mem>>
      %dma_start3A_35 = arith.constant 0 : i32
      %dma_start3A_36 = arith.constant 0 : i32
      %dma_start3A_37 = tpu.memref_slice %arg15[%dma_start3A_35, %dma_start3A_36] : memref<640x16xf32, #tpu.memory_space<vmem>> -> memref<632x16xf32, #tpu.memory_space<vmem>>
      %dma_start3A_38 = arith.constant 0 : i32
      %dma_start3A_39 = tpu.memref_slice %arg11[%mul3A_0, %dma_start3A_38] : memref<10112x16xf32, #tpu.memory_space<vmem_shared>> -> memref<632x16xf32, #tpu.memory_space<vmem_shared>>
      %dma_start3A_40 = arith.constant 0 : i32
      %dma_start3A_41 = arith.constant 0 : i32
      %dma_start3A_42 = tpu.memref_slice %arg15[%dma_start3A_40, %dma_start3A_41] : memref<640x16xf32, #tpu.memory_space<vmem>> -> memref<632x16xf32, #tpu.memory_space<vmem>>
      %dma_start3A_43 = arith.constant 0 : i32
      %dma_start3A_44 = tpu.memref_slice %arg11[%mul3A_0, %dma_start3A_43] : memref<10112x16xf32, #tpu.memory_space<vmem_shared>> -> memref<632x16xf32, #tpu.memory_space<vmem_shared>>
      tpu.enqueue_dma source(%dma_start3A_44 : memref<632x16xf32, #tpu.memory_space<vmem_shared>>) target(%dma_start3A_42 : memref<632x16xf32, #tpu.memory_space<vmem>>) target_semaphore(%run_scoped3A_34 : memref<!tpu.dma_semaphore, #tpu.memory_space<semaphore_mem>>)
      %dma_wait3A_45 = arith.constant 0 : i32
      %dma_wait3A_46 = arith.constant 0 : i32
      %dma_wait3A_47 = tpu.memref_slice %arg15[%dma_wait3A_45, %dma_wait3A_46] : memref<640x16xf32, #tpu.memory_space<vmem>> -> memref<632x16xf32, #tpu.memory_space<vmem>>
      %dma_wait3A_48 = arith.constant 0 : i32
      %dma_wait3A_49 = tpu.memref_slice %arg11[%mul3A_0, %dma_wait3A_48] : memref<10112x16xf32, #tpu.memory_space<vmem_shared>> -> memref<632x16xf32, #tpu.memory_space<vmem_shared>>
      %dma_wait3A_50 = arith.constant 0 : i32
      %dma_wait3A_51 = arith.constant 0 : i32
      %dma_wait3A_52 = tpu.memref_slice %arg15[%dma_wait3A_50, %dma_wait3A_51] : memref<640x16xf32, #tpu.memory_space<vmem>> -> memref<632x16xf32, #tpu.memory_space<vmem>>
      %dma_wait3A_53 = arith.constant 0 : i32
      %dma_wait3A_54 = tpu.memref_slice %arg11[%mul3A_0, %dma_wait3A_53] : memref<10112x16xf32, #tpu.memory_space<vmem_shared>> -> memref<632x16xf32, #tpu.memory_space<vmem_shared>>
      tpu.wait_dma2 semaphore(%run_scoped3A_34 : memref<!tpu.dma_semaphore, #tpu.memory_space<semaphore_mem>>) src(%dma_wait3A_54 : memref<632x16xf32, #tpu.memory_space<vmem_shared>>) dst(%dma_wait3A_52 : memref<632x16xf32, #tpu.memory_space<vmem>>)
      tpu.yield
    }) : () -> ()
    "tpu.region"() ({
      %run_scoped3A_34 = tpu.sem_alloc : memref<!tpu.dma_semaphore, #tpu.memory_space<semaphore_mem>>
      %dma_start3A_35 = arith.constant 0 : i32
      %dma_start3A_36 = tpu.memref_slice %arg9[%mul3A_0, %dma_start3A_35] : memref<10112x16xf32, #tpu.memory_space<vmem_shared>> -> memref<632x16xf32, #tpu.memory_space<vmem_shared>>
      %dma_start3A_37 = arith.constant 0 : i32
      %dma_start3A_38 = tpu.memref_slice %arg9[%mul3A_0, %dma_start3A_37] : memref<10112x16xf32, #tpu.memory_space<vmem_shared>> -> memref<632x16xf32, #tpu.memory_space<vmem_shared>>
      tpu.enqueue_dma source(%dma_start3A_38 : memref<632x16xf32, #tpu.memory_space<vmem_shared>>) target(%arg17 : memref<632x16xf32, #tpu.memory_space<vmem>>) target_semaphore(%run_scoped3A_34 : memref<!tpu.dma_semaphore, #tpu.memory_space<semaphore_mem>>)
      %dma_wait3A_39 = arith.constant 0 : i32
      %dma_wait3A_40 = tpu.memref_slice %arg9[%mul3A_0, %dma_wait3A_39] : memref<10112x16xf32, #tpu.memory_space<vmem_shared>> -> memref<632x16xf32, #tpu.memory_space<vmem_shared>>
      %dma_wait3A_41 = arith.constant 0 : i32
      %dma_wait3A_42 = tpu.memref_slice %arg9[%mul3A_0, %dma_wait3A_41] : memref<10112x16xf32, #tpu.memory_space<vmem_shared>> -> memref<632x16xf32, #tpu.memory_space<vmem_shared>>
      tpu.wait_dma2 semaphore(%run_scoped3A_34 : memref<!tpu.dma_semaphore, #tpu.memory_space<semaphore_mem>>) src(%dma_wait3A_42 : memref<632x16xf32, #tpu.memory_space<vmem_shared>>) dst(%arg17 : memref<632x16xf32, #tpu.memory_space<vmem>>)
      tpu.yield
    }) : () -> ()
    %scan3A_29 = arith.constant 0 : i32
    %scan3A_30 = arith.constant 632 : i32
    %scan3A_31 = arith.addi %scan3A_29, %scan3A_30 : i32
    %scan3A_32 = arith.constant 1 : i32
    scf.for %scan3A_34 = %scan3A_29 to %scan3A_31 step %scan3A_32  : i32 {
      %mul3A_35 = arith.constant 1 : i32
      %mul3A_36 = arith.muli %scan3A_34, %mul3A_35 : i32
      %add3A = arith.constant 0 : i32
      %add3A_37 = arith.addi %add3A, %mul3A_36 : i32
      %get3A = arith.constant 0 : i32
      %get3A_38 = arith.constant 0 : i32
      %get3A_39 = tpu.memref_slice %arg14[%get3A, %get3A_38] : memref<640x16xf32, #tpu.memory_space<vmem>> -> memref<632x16xf32, #tpu.memory_space<vmem>>
      %get3A_40 = arith.index_cast %add3A_37 : i32 to index
      %get3A_41 = arith.constant 0 : index
      %get3A_42 = tpu.vector_load %get3A_39[%get3A_40, %get3A_41] {strides = array<i32>} : memref<632x16xf32, #tpu.memory_space<vmem>>, vector<1x16xf32>,
      %get3A_43 = vector.shape_cast %get3A_42 : vector<1x16xf32> to vector<16xf32>
      %get3A_44 = arith.index_cast %add3A_37 : i32 to index
      %get3A_45 = arith.constant 0 : index
      %get3A_46 = tpu.vector_load %arg16[%get3A_44, %get3A_45] {strides = array<i32>} : memref<632x16xf32, #tpu.memory_space<vmem>>, vector<1x16xf32>,
      %get3A_47 = vector.shape_cast %get3A_46 : vector<1x16xf32> to vector<16xf32>
      %get3A_48 = arith.constant 0 : i32
      %get3A_49 = arith.constant 0 : i32
      %get3A_50 = tpu.memref_slice %arg15[%get3A_48, %get3A_49] : memref<640x16xf32, #tpu.memory_space<vmem>> -> memref<632x16xf32, #tpu.memory_space<vmem>>
      %get3A_51 = arith.index_cast %add3A_37 : i32 to index
      %get3A_52 = arith.constant 0 : index
      %get3A_53 = tpu.vector_load %get3A_50[%get3A_51, %get3A_52] {strides = array<i32>} : memref<632x16xf32, #tpu.memory_space<vmem>>, vector<1x16xf32>,
      %get3A_54 = vector.shape_cast %get3A_53 : vector<1x16xf32> to vector<16xf32>
      %mul3A_55 = arith.mulf %get3A_47, %get3A_54 : vector<16xf32>
      %sub3A = arith.subf %get3A_43, %mul3A_55 : vector<16xf32>
      %get3A_56 = arith.index_cast %add3A_37 : i32 to index
      %get3A_57 = arith.constant 0 : index
      %get3A_58 = tpu.vector_load %arg17[%get3A_56, %get3A_57] {strides = array<i32>} : memref<632x16xf32, #tpu.memory_space<vmem>>, vector<1x16xf32>,
      %get3A_59 = vector.shape_cast %get3A_58 : vector<1x16xf32> to vector<16xf32>
      %sub3A_60 = arith.subf %sub3A, %get3A_59 : vector<16xf32>
      %swap3A = arith.constant 0 : i32
      %swap3A_61 = arith.constant 0 : i32
      %swap3A_62 = tpu.memref_slice %arg14[%swap3A, %swap3A_61] : memref<640x16xf32, #tpu.memory_space<vmem>> -> memref<632x16xf32, #tpu.memory_space<vmem>>
      %swap3A_63 = arith.index_cast %add3A_37 : i32 to index
      %swap3A_64 = arith.constant 0 : index
      %swap3A_65 = tpu.vector_load %swap3A_62[%swap3A_63, %swap3A_64] {strides = array<i32>} : memref<632x16xf32, #tpu.memory_space<vmem>>, vector<1x16xf32>,
      %swap3A_66 = vector.shape_cast %swap3A_65 : vector<1x16xf32> to vector<16xf32>
      %swap3A_67 = vector.shape_cast %sub3A_60 : vector<16xf32> to vector<1x16xf32>
      tpu.vector_store %swap3A_62[%swap3A_63, %swap3A_64], %swap3A_67 {strides = array<i32>} : memref<632x16xf32, #tpu.memory_space<vmem>>, vector<1x16xf32>,
    }
    %scan3A_33 = arith.constant 632 : i32
    "tpu.region"() ({
      %run_scoped3A_34 = tpu.sem_alloc : memref<!tpu.dma_semaphore, #tpu.memory_space<semaphore_mem>>
      %dma_start3A_35 = arith.constant 0 : i32
      %dma_start3A_36 = arith.constant 0 : i32
      %dma_start3A_37 = tpu.memref_slice %arg14[%dma_start3A_35, %dma_start3A_36] : memref<640x16xf32, #tpu.memory_space<vmem>> -> memref<632x16xf32, #tpu.memory_space<vmem>>
      %dma_start3A_38 = arith.constant 0 : i32
      %dma_start3A_39 = tpu.memref_slice %arg7[%arg0, %mul3A_0, %dma_start3A_38] : memref<2x10112x16xf32, #tpu.memory_space<hbm>> -> memref<1x632x16xf32, #tpu.memory_space<hbm>>
      %dma_start3A_40 = tpu.memref_squeeze %dma_start3A_39 : memref<1x632x16xf32, #tpu.memory_space<hbm>> -> memref<632x16xf32, #tpu.memory_space<hbm>>
      %dma_start3A_41 = arith.constant 0 : i32
      %dma_start3A_42 = tpu.memref_slice %arg7[%arg0, %mul3A_0, %dma_start3A_41] : memref<2x10112x16xf32, #tpu.memory_space<hbm>> -> memref<1x632x16xf32, #tpu.memory_space<hbm>>
      %dma_start3A_43 = tpu.memref_squeeze %dma_start3A_42 : memref<1x632x16xf32, #tpu.memory_space<hbm>> -> memref<632x16xf32, #tpu.memory_space<hbm>>
      %dma_start3A_44 = arith.constant 0 : i32
      %dma_start3A_45 = arith.constant 0 : i32
      %dma_start3A_46 = tpu.memref_slice %arg14[%dma_start3A_44, %dma_start3A_45] : memref<640x16xf32, #tpu.memory_space<vmem>> -> memref<632x16xf32, #tpu.memory_space<vmem>>
      tpu.enqueue_dma source(%dma_start3A_46 : memref<632x16xf32, #tpu.memory_space<vmem>>) target(%dma_start3A_43 : memref<632x16xf32, #tpu.memory_space<hbm>>) target_semaphore(%run_scoped3A_34 : memref<!tpu.dma_semaphore, #tpu.memory_space<semaphore_mem>>)
      %dma_wait3A_47 = arith.constant 0 : i32
      %dma_wait3A_48 = arith.constant 0 : i32
      %dma_wait3A_49 = tpu.memref_slice %arg14[%dma_wait3A_47, %dma_wait3A_48] : memref<640x16xf32, #tpu.memory_space<vmem>> -> memref<632x16xf32, #tpu.memory_space<vmem>>
      %dma_wait3A_50 = arith.constant 0 : i32
      %dma_wait3A_51 = tpu.memref_slice %arg7[%arg0, %mul3A_0, %dma_wait3A_50] : memref<2x10112x16xf32, #tpu.memory_space<hbm>> -> memref<1x632x16xf32, #tpu.memory_space<hbm>>
      %dma_wait3A_52 = tpu.memref_squeeze %dma_wait3A_51 : memref<1x632x16xf32, #tpu.memory_space<hbm>> -> memref<632x16xf32, #tpu.memory_space<hbm>>
      %dma_wait3A_53 = arith.constant 0 : i32
      %dma_wait3A_54 = tpu.memref_slice %arg7[%arg0, %mul3A_0, %dma_wait3A_53] : memref<2x10112x16xf32, #tpu.memory_space<hbm>> -> memref<1x632x16xf32, #tpu.memory_space<hbm>>
      %dma_wait3A_55 = tpu.memref_squeeze %dma_wait3A_54 : memref<1x632x16xf32, #tpu.memory_space<hbm>> -> memref<632x16xf32, #tpu.memory_space<hbm>>
      %dma_wait3A_56 = arith.constant 0 : i32
      %dma_wait3A_57 = arith.constant 0 : i32
      %dma_wait3A_58 = tpu.memref_slice %arg14[%dma_wait3A_56, %dma_wait3A_57] : memref<640x16xf32, #tpu.memory_space<vmem>> -> memref<632x16xf32, #tpu.memory_space<vmem>>
      tpu.wait_dma2 semaphore(%run_scoped3A_34 : memref<!tpu.dma_semaphore, #tpu.memory_space<semaphore_mem>>) src(%dma_wait3A_58 : memref<632x16xf32, #tpu.memory_space<vmem>>) dst(%dma_wait3A_55 : memref<632x16xf32, #tpu.memory_space<hbm>>)
      tpu.yield
    }) : () -> ()
    return
  }
}

module attributes {stable_mosaic.version = 14 : i64} {
  func.func @_prep_body(%arg0: memref<2560x128xi32, #tpu.memory_space<vmem>>, %arg1: memref<2560x128xi32, #tpu.memory_space<vmem>>, %arg2: memref<2560x128xi32, #tpu.memory_space<vmem>>, %arg3: memref<2560x128xi32, #tpu.memory_space<vmem>>) attributes {dimension_semantics = [], scalar_prefetch = 0 : i64, scratch_operands = 0 : i64, tpu.core_type = #tpu.core_type<tc>} {
    %get3A = arith.constant 0 : index
    %get3A_0 = arith.constant 0 : index
    %get3A_1 = vector.load %arg0[%get3A, %get3A_0] : memref<2560x128xi32, #tpu.memory_space<vmem>>, vector<2560x128xi32>
    %get3A_2 = arith.constant 0 : index
    %get3A_3 = arith.constant 0 : index
    %get3A_4 = vector.load %arg1[%get3A_2, %get3A_3] : memref<2560x128xi32, #tpu.memory_space<vmem>>, vector<2560x128xi32>
    %iota3A = tpu.iota {dimensions = array<i32: 1>} : vector<2560x128xi32>
    %jit3A = arith.constant 16 : i32
    %eq3A = arith.constant 0 : i32
    %eq3A_5 = arith.cmpi eq, %jit3A, %eq3A : i32
    %jit3A_6 = arith.constant 1 : i32
    %select_n3A = arith.select %eq3A_5, %jit3A_6, %jit3A : i32
    %rem3A = vector.broadcast %select_n3A : i32 to vector<2560x128xi32>
    %rem3A_7 = arith.remsi %iota3A, %rem3A : vector<2560x128xi32>
    %ne3A = arith.constant 0 : i32
    %ne3A_8 = vector.broadcast %ne3A : i32 to vector<2560x128xi32>
    %ne3A_9 = arith.cmpi ne, %rem3A_7, %ne3A_8 : vector<2560x128xi32>
    %lt3A = arith.constant 0 : i32
    %lt3A_10 = vector.broadcast %lt3A : i32 to vector<2560x128xi32>
    %lt3A_11 = arith.cmpi slt, %rem3A_7, %lt3A_10 : vector<2560x128xi32>
    %lt3A_12 = arith.constant 0 : i32
    %lt3A_13 = arith.cmpi slt, %select_n3A, %lt3A_12 : i32
    %ne3A_14 = vector.broadcast %lt3A_13 : i1 to vector<2560x128xi1>
    %ne3A_15 = vector.broadcast %ne3A_14 : vector<2560x128xi1> to vector<2560x128xi1>
    %ne3A_16 = arith.xori %lt3A_11, %ne3A_15 : vector<2560x128xi1>
    %and3A = arith.andi %ne3A_16, %ne3A_9 : vector<2560x128xi1>
    %add3A = vector.broadcast %select_n3A : i32 to vector<2560x128xi32>
    %add3A_17 = arith.addi %rem3A_7, %add3A : vector<2560x128xi32>
    %select_n3A_18 = arith.select %and3A, %add3A_17, %rem3A_7 : vector<2560x128xi1>, vector<2560x128xi32>
    %eq3A_19 = arith.cmpi eq, %get3A_1, %get3A_4 : vector<2560x128xi32>
    %lt3A_20 = arith.constant 0 : i32
    %lt3A_21 = vector.broadcast %lt3A_20 : i32 to vector<2560x128xi32>
    %lt3A_22 = arith.cmpi slt, %get3A_4, %lt3A_21 : vector<2560x128xi32>
    %or3A = arith.ori %eq3A_19, %lt3A_22 : vector<2560x128xi1>
    %add3A_23 = arith.constant 10000 : i32
    %add3A_24 = vector.broadcast %add3A_23 : i32 to vector<2560x128xi32>
    %add3A_25 = arith.addi %add3A_24, %select_n3A_18 : vector<2560x128xi32>
    %select_n3A_26 = arith.select %or3A, %add3A_25, %get3A_4 : vector<2560x128xi1>, vector<2560x128xi32>
    %swap3A = arith.constant 0 : index
    %swap3A_27 = arith.constant 0 : index
    %swap3A_28 = vector.load %arg2[%swap3A, %swap3A_27] : memref<2560x128xi32, #tpu.memory_space<vmem>>, vector<2560x128xi32>
    tpu.vector_store %arg2[%swap3A, %swap3A_27], %select_n3A_26 {strides = array<i32>} : memref<2560x128xi32, #tpu.memory_space<vmem>>, vector<2560x128xi32>,
    %select_n3A_29 = arith.select %or3A, %add3A_25, %get3A_1 : vector<2560x128xi1>, vector<2560x128xi32>
    %swap3A_30 = arith.constant 0 : index
    %swap3A_31 = arith.constant 0 : index
    %swap3A_32 = vector.load %arg3[%swap3A_30, %swap3A_31] : memref<2560x128xi32, #tpu.memory_space<vmem>>, vector<2560x128xi32>
    tpu.vector_store %arg3[%swap3A_30, %swap3A_31], %select_n3A_29 {strides = array<i32>} : memref<2560x128xi32, #tpu.memory_space<vmem>>, vector<2560x128xi32>,
    return
  }
}

module attributes {stable_mosaic.version = 14 : i64} {
  func.func @_expand_body(%arg0: i32, %arg1: i32, %arg2: memref<10112x128xf32, #tpu.memory_space<vmem>>, %arg3: memref<1x128x16xf32, #tpu.memory_space<vmem>>, %arg4: memref<1x1x16xf32, #tpu.memory_space<vmem>>, %arg5: memref<1x1x10112x16xf32, #tpu.memory_space<vmem>>) attributes {dimension_semantics = [#tpu.dimension_semantics<arbitrary>, #tpu.dimension_semantics<arbitrary>], iteration_bounds = array<i64: 24, 2>, scalar_prefetch = 0 : i64, scratch_operands = 0 : i64, tpu.core_type = #tpu.core_type<tc>, window_params = [{pipeline_mode = #tpu.pipeline_mode<synchronous>, transform_indices = @transform_0, window_bounds = array<i64: 10112, 128>}, {transform_indices = @transform_1, window_bounds = array<i64: 1, 128, 16>}, {transform_indices = @transform_2, window_bounds = array<i64: 1, 1, 16>}, {transform_indices = @transform_3, window_bounds = array<i64: 1, 1, 10112, 16>}]} {
    %get3A = arith.constant 0 : index
    %get3A_0 = arith.constant 0 : index
    %get3A_1 = vector.load %arg2[%get3A, %get3A_0] : memref<10112x128xf32, #tpu.memory_space<vmem>>, vector<10112x128xf32>
    %get3A_2 = arith.constant 0 : index
    %get3A_3 = arith.constant 0 : index
    %get3A_4 = arith.constant 0 : index
    %get3A_5 = vector.load %arg3[%get3A_2, %get3A_3, %get3A_4] : memref<1x128x16xf32, #tpu.memory_space<vmem>>, vector<1x128x16xf32>
    %squeeze3A = vector.shape_cast %get3A_5 : vector<1x128x16xf32> to vector<128x16xf32>
    %dot_general3A = arith.constant dense<0.000000e+00> : vector<10112x16xf32>
    %dot_general3A_6 = tpu.matmul %get3A_1, %squeeze3A, %dot_general3A {dimension_numbers = #tpu.dot_dimension_numbers<[1], [0], [0], [1], [0, 0, 1, 1], [], []>, transpose_lhs_hint = false} : vector<10112x128xf32>, vector<128x16xf32>, vector<10112x16xf32> -> vector<10112x16xf32>
    %get3A_7 = arith.constant 0 : index
    %get3A_8 = arith.constant 0 : index
    %get3A_9 = arith.constant 0 : index
    %get3A_10 = vector.load %arg4[%get3A_7, %get3A_8, %get3A_9] : memref<1x1x16xf32, #tpu.memory_space<vmem>>, vector<1x1x16xf32>
    %squeeze3A_11 = vector.shape_cast %get3A_10 : vector<1x1x16xf32> to vector<1x16xf32>
    %eq3A = arith.constant 0 : i32
    %eq3A_12 = arith.cmpi eq, %arg0, %eq3A : i32
    %convert_element_type3A = arith.extui %eq3A_12 : i1 to i32
    %convert_element_type3A_13 = arith.sitofp %convert_element_type3A : i32 to f32
    %mul3A = vector.broadcast %convert_element_type3A_13 : f32 to vector<1x16xf32>
    %mul3A_14 = arith.mulf %squeeze3A_11, %mul3A : vector<1x16xf32>
    %add3A = vector.broadcast %mul3A_14 : vector<1x16xf32> to vector<10112x16xf32>
    %add3A_15 = arith.addf %dot_general3A_6, %add3A : vector<10112x16xf32>
    %broadcast_in_dim3A = vector.shape_cast %add3A_15 : vector<10112x16xf32> to vector<1x1x10112x16xf32>
    %swap3A = arith.constant 0 : index
    %swap3A_16 = arith.constant 0 : index
    %swap3A_17 = arith.constant 0 : index
    %swap3A_18 = arith.constant 0 : index
    %swap3A_19 = vector.load %arg5[%swap3A, %swap3A_16, %swap3A_17, %swap3A_18] : memref<1x1x10112x16xf32, #tpu.memory_space<vmem>>, vector<1x1x10112x16xf32>
    tpu.vector_store %arg5[%swap3A, %swap3A_16, %swap3A_17, %swap3A_18], %broadcast_in_dim3A {strides = array<i32>} : memref<1x1x10112x16xf32, #tpu.memory_space<vmem>>, vector<1x1x10112x16xf32>,
    return
  }
  func.func @transform_0(%arg0: i32, %arg1: i32) -> (i32, i32) {
    %c0_i32 = arith.constant 0 : i32
    %c0_i32_0 = arith.constant 0 : i32
    %c0_i32_1 = arith.constant 0 : i32
    return %c0_i32, %c0_i32_0 : i32, i32
  }
  func.func @transform_1(%arg0: i32, %arg1: i32) -> (i32, i32, i32) {
    %mul3A = arith.constant 2 : i32
    %mul3A_0 = arith.muli %mul3A, %arg0 : i32
    %add3A = arith.addi %mul3A_0, %arg1 : i32
    %c0_i32 = arith.constant 0 : i32
    %c0_i32_1 = arith.constant 0 : i32
    %c0_i32_2 = arith.constant 0 : i32
    return %add3A, %c0_i32, %c0_i32_1 : i32, i32, i32
  }
  func.func @transform_2(%arg0: i32, %arg1: i32) -> (i32, i32, i32) {
    %c0_i32 = arith.constant 0 : i32
    %c0_i32_0 = arith.constant 0 : i32
    %c0_i32_1 = arith.constant 0 : i32
    return %arg1, %c0_i32, %c0_i32_0 : i32, i32, i32
  }
  func.func @transform_3(%arg0: i32, %arg1: i32) -> (i32, i32, i32, i32) {
    %c0_i32 = arith.constant 0 : i32
    %c0_i32_0 = arith.constant 0 : i32
    %c0_i32_1 = arith.constant 0 : i32
    return %arg1, %arg0, %c0_i32, %c0_i32_0 : i32, i32, i32, i32
  }
}

module attributes {stable_mosaic.version = 14 : i64} {
  func.func @_dinv_body(%arg0: memref<10112x16xf32, #tpu.memory_space<vmem>>, %arg1: memref<10112x16xf32, #tpu.memory_space<vmem>>) attributes {dimension_semantics = [], scalar_prefetch = 0 : i64, scratch_operands = 0 : i64, tpu.core_type = #tpu.core_type<tc>} {
    %get3A = arith.constant 0 : index
    %get3A_0 = arith.constant 0 : index
    %get3A_1 = vector.load %arg0[%get3A, %get3A_0] : memref<10112x16xf32, #tpu.memory_space<vmem>>, vector<10112x16xf32>
    %gt3A = arith.constant 0.000000e+00 : f32
    %gt3A_2 = vector.broadcast %gt3A : f32 to vector<10112x16xf32>
    %gt3A_3 = arith.cmpf ogt, %get3A_1, %gt3A_2 : vector<10112x16xf32>
    %max3A = arith.constant 9.99999996E-13 : f32
    %max3A_4 = vector.broadcast %max3A : f32 to vector<10112x16xf32>
    %max3A_5 = arith.maximumf %get3A_1, %max3A_4 : vector<10112x16xf32>
    %rsqrt3A = math.rsqrt %max3A_5 : vector<10112x16xf32>
    %jit3A = arith.constant 0.000000e+00 : f32
    %broadcast_in_dim3A = vector.broadcast %jit3A : f32 to vector<10112x16xf32>
    %select_n3A = arith.select %gt3A_3, %rsqrt3A, %broadcast_in_dim3A : vector<10112x16xi1>, vector<10112x16xf32>
    %swap3A = arith.constant 0 : index
    %swap3A_6 = arith.constant 0 : index
    %swap3A_7 = vector.load %arg1[%swap3A, %swap3A_6] : memref<10112x16xf32, #tpu.memory_space<vmem>>, vector<10112x16xf32>
    tpu.vector_store %arg1[%swap3A, %swap3A_6], %select_n3A {strides = array<i32>} : memref<10112x16xf32, #tpu.memory_space<vmem>>, vector<10112x16xf32>,
    return
  }
}

module attributes {stable_mosaic.version = 14 : i64} {
  func.func @_expand_body(%arg0: i32, %arg1: i32, %arg2: memref<2x10112x16xf32, #tpu.memory_space<vmem>>, %arg3: memref<1x32x16xf32, #tpu.memory_space<vmem>>, %arg4: memref<1x1x16xf32, #tpu.memory_space<vmem>>, %arg5: memref<1x1x10112x16xf32, #tpu.memory_space<vmem>>) attributes {dimension_semantics = [#tpu.dimension_semantics<arbitrary>, #tpu.dimension_semantics<arbitrary>], iteration_bounds = array<i64: 12, 2>, scalar_prefetch = 0 : i64, scratch_operands = 0 : i64, tpu.core_type = #tpu.core_type<tc>, window_params = [{pipeline_mode = #tpu.pipeline_mode<synchronous>, transform_indices = @transform_0, window_bounds = array<i64: 2, 10112, 16>}, {transform_indices = @transform_1, window_bounds = array<i64: 1, 32, 16>}, {transform_indices = @transform_2, window_bounds = array<i64: 1, 1, 16>}, {transform_indices = @transform_3, window_bounds = array<i64: 1, 1, 10112, 16>}]} {
    %get3A = arith.constant 0 : index
    %get3A_0 = arith.constant 0 : index
    %get3A_1 = arith.constant 0 : index
    %get3A_2 = vector.load %arg2[%get3A, %get3A_0, %get3A_1] : memref<2x10112x16xf32, #tpu.memory_space<vmem>>, vector<2x10112x16xf32>
    %slice3A = vector.extract_strided_slice %get3A_2 {offsets = [0, 0, 0], sizes = [1, 10112, 16], strides = [1, 1, 1]} : vector<2x10112x16xf32> to vector<1x10112x16xf32>
    %squeeze3A = vector.shape_cast %slice3A : vector<1x10112x16xf32> to vector<10112x16xf32>
    %slice3A_3 = vector.extract_strided_slice %get3A_2 {offsets = [1, 0, 0], sizes = [1, 10112, 16], strides = [1, 1, 1]} : vector<2x10112x16xf32> to vector<1x10112x16xf32>
    %squeeze3A_4 = vector.shape_cast %slice3A_3 : vector<1x10112x16xf32> to vector<10112x16xf32>
    %concatenate3A = tpu.concatenate %squeeze3A, %squeeze3A_4 in 1 : vector<10112x16xf32>, vector<10112x16xf32> -> vector<10112x32xf32>
    %logistic3A = arith.negf %concatenate3A : vector<10112x32xf32>
    %logistic3A_5 = math.exp %logistic3A : vector<10112x32xf32>
    %logistic3A_6 = arith.constant 1.000000e+00 : f32
    %logistic3A_7 = vector.broadcast %logistic3A_6 : f32 to vector<10112x32xf32>
    %logistic3A_8 = arith.addf %logistic3A_7, %logistic3A_5 : vector<10112x32xf32>
    %logistic3A_9 = arith.divf %logistic3A_7, %logistic3A_8 : vector<10112x32xf32>
    %mul3A = arith.mulf %concatenate3A, %logistic3A_9 : vector<10112x32xf32>
    %get3A_10 = arith.constant 0 : index
    %get3A_11 = arith.constant 0 : index
    %get3A_12 = arith.constant 0 : index
    %get3A_13 = vector.load %arg3[%get3A_10, %get3A_11, %get3A_12] : memref<1x32x16xf32, #tpu.memory_space<vmem>>, vector<1x32x16xf32>
    %squeeze3A_14 = vector.shape_cast %get3A_13 : vector<1x32x16xf32> to vector<32x16xf32>
    %dot_general3A = arith.constant dense<0.000000e+00> : vector<10112x16xf32>
    %dot_general3A_15 = tpu.matmul %mul3A, %squeeze3A_14, %dot_general3A {dimension_numbers = #tpu.dot_dimension_numbers<[1], [0], [0], [1], [0, 0, 1, 1], [], []>, transpose_lhs_hint = false} : vector<10112x32xf32>, vector<32x16xf32>, vector<10112x16xf32> -> vector<10112x16xf32>
    %get3A_16 = arith.constant 0 : index
    %get3A_17 = arith.constant 0 : index
    %get3A_18 = arith.constant 0 : index
    %get3A_19 = vector.load %arg4[%get3A_16, %get3A_17, %get3A_18] : memref<1x1x16xf32, #tpu.memory_space<vmem>>, vector<1x1x16xf32>
    %squeeze3A_20 = vector.shape_cast %get3A_19 : vector<1x1x16xf32> to vector<1x16xf32>
    %eq3A = arith.constant 0 : i32
    %eq3A_21 = arith.cmpi eq, %arg0, %eq3A : i32
    %convert_element_type3A = arith.extui %eq3A_21 : i1 to i32
    %convert_element_type3A_22 = arith.sitofp %convert_element_type3A : i32 to f32
    %mul3A_23 = vector.broadcast %convert_element_type3A_22 : f32 to vector<1x16xf32>
    %mul3A_24 = arith.mulf %squeeze3A_20, %mul3A_23 : vector<1x16xf32>
    %add3A = vector.broadcast %mul3A_24 : vector<1x16xf32> to vector<10112x16xf32>
    %add3A_25 = arith.addf %dot_general3A_15, %add3A : vector<10112x16xf32>
    %broadcast_in_dim3A = vector.shape_cast %add3A_25 : vector<10112x16xf32> to vector<1x1x10112x16xf32>
    %swap3A = arith.constant 0 : index
    %swap3A_26 = arith.constant 0 : index
    %swap3A_27 = arith.constant 0 : index
    %swap3A_28 = arith.constant 0 : index
    %swap3A_29 = vector.load %arg5[%swap3A, %swap3A_26, %swap3A_27, %swap3A_28] : memref<1x1x10112x16xf32, #tpu.memory_space<vmem>>, vector<1x1x10112x16xf32>
    tpu.vector_store %arg5[%swap3A, %swap3A_26, %swap3A_27, %swap3A_28], %broadcast_in_dim3A {strides = array<i32>} : memref<1x1x10112x16xf32, #tpu.memory_space<vmem>>, vector<1x1x10112x16xf32>,
    return
  }
  func.func @transform_0(%arg0: i32, %arg1: i32) -> (i32, i32, i32) {
    %c0_i32 = arith.constant 0 : i32
    %c0_i32_0 = arith.constant 0 : i32
    %c0_i32_1 = arith.constant 0 : i32
    %c0_i32_2 = arith.constant 0 : i32
    return %c0_i32, %c0_i32_0, %c0_i32_1 : i32, i32, i32
  }
  func.func @transform_1(%arg0: i32, %arg1: i32) -> (i32, i32, i32) {
    %mul3A = arith.constant 2 : i32
    %mul3A_0 = arith.muli %mul3A, %arg0 : i32
    %add3A = arith.addi %mul3A_0, %arg1 : i32
    %c0_i32 = arith.constant 0 : i32
    %c0_i32_1 = arith.constant 0 : i32
    %c0_i32_2 = arith.constant 0 : i32
    return %add3A, %c0_i32, %c0_i32_1 : i32, i32, i32
  }
  func.func @transform_2(%arg0: i32, %arg1: i32) -> (i32, i32, i32) {
    %c0_i32 = arith.constant 0 : i32
    %c0_i32_0 = arith.constant 0 : i32
    %c0_i32_1 = arith.constant 0 : i32
    return %arg1, %c0_i32, %c0_i32_0 : i32, i32, i32
  }
  func.func @transform_3(%arg0: i32, %arg1: i32) -> (i32, i32, i32, i32) {
    %c0_i32 = arith.constant 0 : i32
    %c0_i32_0 = arith.constant 0 : i32
    %c0_i32_1 = arith.constant 0 : i32
    return %arg1, %arg0, %c0_i32, %c0_i32_0 : i32, i32, i32, i32
  }
}

module attributes {stable_mosaic.version = 14 : i64} {
  func.func @_expand_body(%arg0: i32, %arg1: i32, %arg2: memref<2x10112x16xf32, #tpu.memory_space<vmem>>, %arg3: memref<1x32x16xf32, #tpu.memory_space<vmem>>, %arg4: memref<1x1x16xf32, #tpu.memory_space<vmem>>, %arg5: memref<1x1x10112x16xf32, #tpu.memory_space<vmem>>) attributes {dimension_semantics = [#tpu.dimension_semantics<arbitrary>, #tpu.dimension_semantics<arbitrary>], iteration_bounds = array<i64: 10, 2>, scalar_prefetch = 0 : i64, scratch_operands = 0 : i64, tpu.core_type = #tpu.core_type<tc>, window_params = [{pipeline_mode = #tpu.pipeline_mode<synchronous>, transform_indices = @transform_0, window_bounds = array<i64: 2, 10112, 16>}, {transform_indices = @transform_1, window_bounds = array<i64: 1, 32, 16>}, {transform_indices = @transform_2, window_bounds = array<i64: 1, 1, 16>}, {transform_indices = @transform_3, window_bounds = array<i64: 1, 1, 10112, 16>}]} {
    %get3A = arith.constant 0 : index
    %get3A_0 = arith.constant 0 : index
    %get3A_1 = arith.constant 0 : index
    %get3A_2 = vector.load %arg2[%get3A, %get3A_0, %get3A_1] : memref<2x10112x16xf32, #tpu.memory_space<vmem>>, vector<2x10112x16xf32>
    %slice3A = vector.extract_strided_slice %get3A_2 {offsets = [0, 0, 0], sizes = [1, 10112, 16], strides = [1, 1, 1]} : vector<2x10112x16xf32> to vector<1x10112x16xf32>
    %squeeze3A = vector.shape_cast %slice3A : vector<1x10112x16xf32> to vector<10112x16xf32>
    %slice3A_3 = vector.extract_strided_slice %get3A_2 {offsets = [1, 0, 0], sizes = [1, 10112, 16], strides = [1, 1, 1]} : vector<2x10112x16xf32> to vector<1x10112x16xf32>
    %squeeze3A_4 = vector.shape_cast %slice3A_3 : vector<1x10112x16xf32> to vector<10112x16xf32>
    %concatenate3A = tpu.concatenate %squeeze3A, %squeeze3A_4 in 1 : vector<10112x16xf32>, vector<10112x16xf32> -> vector<10112x32xf32>
    %logistic3A = arith.negf %concatenate3A : vector<10112x32xf32>
    %logistic3A_5 = math.exp %logistic3A : vector<10112x32xf32>
    %logistic3A_6 = arith.constant 1.000000e+00 : f32
    %logistic3A_7 = vector.broadcast %logistic3A_6 : f32 to vector<10112x32xf32>
    %logistic3A_8 = arith.addf %logistic3A_7, %logistic3A_5 : vector<10112x32xf32>
    %logistic3A_9 = arith.divf %logistic3A_7, %logistic3A_8 : vector<10112x32xf32>
    %mul3A = arith.mulf %concatenate3A, %logistic3A_9 : vector<10112x32xf32>
    %get3A_10 = arith.constant 0 : index
    %get3A_11 = arith.constant 0 : index
    %get3A_12 = arith.constant 0 : index
    %get3A_13 = vector.load %arg3[%get3A_10, %get3A_11, %get3A_12] : memref<1x32x16xf32, #tpu.memory_space<vmem>>, vector<1x32x16xf32>
    %squeeze3A_14 = vector.shape_cast %get3A_13 : vector<1x32x16xf32> to vector<32x16xf32>
    %dot_general3A = arith.constant dense<0.000000e+00> : vector<10112x16xf32>
    %dot_general3A_15 = tpu.matmul %mul3A, %squeeze3A_14, %dot_general3A {dimension_numbers = #tpu.dot_dimension_numbers<[1], [0], [0], [1], [0, 0, 1, 1], [], []>, transpose_lhs_hint = false} : vector<10112x32xf32>, vector<32x16xf32>, vector<10112x16xf32> -> vector<10112x16xf32>
    %get3A_16 = arith.constant 0 : index
    %get3A_17 = arith.constant 0 : index
    %get3A_18 = arith.constant 0 : index
    %get3A_19 = vector.load %arg4[%get3A_16, %get3A_17, %get3A_18] : memref<1x1x16xf32, #tpu.memory_space<vmem>>, vector<1x1x16xf32>
    %squeeze3A_20 = vector.shape_cast %get3A_19 : vector<1x1x16xf32> to vector<1x16xf32>
    %eq3A = arith.constant 0 : i32
    %eq3A_21 = arith.cmpi eq, %arg0, %eq3A : i32
    %convert_element_type3A = arith.extui %eq3A_21 : i1 to i32
    %convert_element_type3A_22 = arith.sitofp %convert_element_type3A : i32 to f32
    %mul3A_23 = vector.broadcast %convert_element_type3A_22 : f32 to vector<1x16xf32>
    %mul3A_24 = arith.mulf %squeeze3A_20, %mul3A_23 : vector<1x16xf32>
    %add3A = vector.broadcast %mul3A_24 : vector<1x16xf32> to vector<10112x16xf32>
    %add3A_25 = arith.addf %dot_general3A_15, %add3A : vector<10112x16xf32>
    %broadcast_in_dim3A = vector.shape_cast %add3A_25 : vector<10112x16xf32> to vector<1x1x10112x16xf32>
    %swap3A = arith.constant 0 : index
    %swap3A_26 = arith.constant 0 : index
    %swap3A_27 = arith.constant 0 : index
    %swap3A_28 = arith.constant 0 : index
    %swap3A_29 = vector.load %arg5[%swap3A, %swap3A_26, %swap3A_27, %swap3A_28] : memref<1x1x10112x16xf32, #tpu.memory_space<vmem>>, vector<1x1x10112x16xf32>
    tpu.vector_store %arg5[%swap3A, %swap3A_26, %swap3A_27, %swap3A_28], %broadcast_in_dim3A {strides = array<i32>} : memref<1x1x10112x16xf32, #tpu.memory_space<vmem>>, vector<1x1x10112x16xf32>,
    return
  }
  func.func @transform_0(%arg0: i32, %arg1: i32) -> (i32, i32, i32) {
    %c0_i32 = arith.constant 0 : i32
    %c0_i32_0 = arith.constant 0 : i32
    %c0_i32_1 = arith.constant 0 : i32
    %c0_i32_2 = arith.constant 0 : i32
    return %c0_i32, %c0_i32_0, %c0_i32_1 : i32, i32, i32
  }
  func.func @transform_1(%arg0: i32, %arg1: i32) -> (i32, i32, i32) {
    %mul3A = arith.constant 2 : i32
    %mul3A_0 = arith.muli %mul3A, %arg0 : i32
    %add3A = arith.addi %mul3A_0, %arg1 : i32
    %c0_i32 = arith.constant 0 : i32
    %c0_i32_1 = arith.constant 0 : i32
    %c0_i32_2 = arith.constant 0 : i32
    return %add3A, %c0_i32, %c0_i32_1 : i32, i32, i32
  }
  func.func @transform_2(%arg0: i32, %arg1: i32) -> (i32, i32, i32) {
    %c0_i32 = arith.constant 0 : i32
    %c0_i32_0 = arith.constant 0 : i32
    %c0_i32_1 = arith.constant 0 : i32
    return %arg1, %c0_i32, %c0_i32_0 : i32, i32, i32
  }
  func.func @transform_3(%arg0: i32, %arg1: i32) -> (i32, i32, i32, i32) {
    %c0_i32 = arith.constant 0 : i32
    %c0_i32_0 = arith.constant 0 : i32
    %c0_i32_1 = arith.constant 0 : i32
    return %arg1, %arg0, %c0_i32, %c0_i32_0 : i32, i32, i32, i32
  }
}

module attributes {stable_mosaic.version = 14 : i64} {
  func.func @_final_body(%arg0: memref<2x10112x16xf32, #tpu.memory_space<vmem>>, %arg1: memref<32x128xf32, #tpu.memory_space<vmem>>, %arg2: memref<10112x128xf32, #tpu.memory_space<vmem>>) attributes {dimension_semantics = [], scalar_prefetch = 0 : i64, scratch_operands = 0 : i64, tpu.core_type = #tpu.core_type<tc>} {
    %get3A = arith.constant 0 : index
    %get3A_0 = arith.constant 0 : index
    %get3A_1 = arith.constant 0 : index
    %get3A_2 = vector.load %arg0[%get3A, %get3A_0, %get3A_1] : memref<2x10112x16xf32, #tpu.memory_space<vmem>>, vector<2x10112x16xf32>
    %slice3A = vector.extract_strided_slice %get3A_2 {offsets = [0, 0, 0], sizes = [1, 10112, 16], strides = [1, 1, 1]} : vector<2x10112x16xf32> to vector<1x10112x16xf32>
    %squeeze3A = vector.shape_cast %slice3A : vector<1x10112x16xf32> to vector<10112x16xf32>
    %get3A_3 = arith.constant 0 : index
    %get3A_4 = arith.constant 0 : index
    %get3A_5 = arith.constant 0 : index
    %get3A_6 = vector.load %arg0[%get3A_3, %get3A_4, %get3A_5] : memref<2x10112x16xf32, #tpu.memory_space<vmem>>, vector<2x10112x16xf32>
    %slice3A_7 = vector.extract_strided_slice %get3A_6 {offsets = [1, 0, 0], sizes = [1, 10112, 16], strides = [1, 1, 1]} : vector<2x10112x16xf32> to vector<1x10112x16xf32>
    %squeeze3A_8 = vector.shape_cast %slice3A_7 : vector<1x10112x16xf32> to vector<10112x16xf32>
    %concatenate3A = tpu.concatenate %squeeze3A, %squeeze3A_8 in 1 : vector<10112x16xf32>, vector<10112x16xf32> -> vector<10112x32xf32>
    %logistic3A = arith.negf %concatenate3A : vector<10112x32xf32>
    %logistic3A_9 = math.exp %logistic3A : vector<10112x32xf32>
    %logistic3A_10 = arith.constant 1.000000e+00 : f32
    %logistic3A_11 = vector.broadcast %logistic3A_10 : f32 to vector<10112x32xf32>
    %logistic3A_12 = arith.addf %logistic3A_11, %logistic3A_9 : vector<10112x32xf32>
    %logistic3A_13 = arith.divf %logistic3A_11, %logistic3A_12 : vector<10112x32xf32>
    %mul3A = arith.mulf %concatenate3A, %logistic3A_13 : vector<10112x32xf32>
    %get3A_14 = arith.constant 0 : index
    %get3A_15 = arith.constant 0 : index
    %get3A_16 = vector.load %arg1[%get3A_14, %get3A_15] : memref<32x128xf32, #tpu.memory_space<vmem>>, vector<32x128xf32>
    %dot_general3A = arith.constant dense<0.000000e+00> : vector<10112x128xf32>
    %dot_general3A_17 = tpu.matmul %mul3A, %get3A_16, %dot_general3A {dimension_numbers = #tpu.dot_dimension_numbers<[1], [0], [0], [1], [0, 0, 1, 1], [], []>, transpose_lhs_hint = false} : vector<10112x32xf32>, vector<32x128xf32>, vector<10112x128xf32> -> vector<10112x128xf32>
    %swap3A = arith.constant 0 : index
    %swap3A_18 = arith.constant 0 : index
    %swap3A_19 = vector.load %arg2[%swap3A, %swap3A_18] : memref<10112x128xf32, #tpu.memory_space<vmem>>, vector<10112x128xf32>
    tpu.vector_store %arg2[%swap3A, %swap3A_18], %dot_general3A_17 {strides = array<i32>} : memref<10112x128xf32, #tpu.memory_space<vmem>>, vector<10112x128xf32>,
    return
  }
}

</mosaic_0001>

<sc_bundles>
// kernel: kernel.12.cloned.1.call-start
scs
__scs_entry_jumppad:
0x0: {  	(pc) =	sbr.rel $0x88, $3  }
0x1: {  	(tag) =	ssettag $0x0;
	lr =	simm.s32 $0x1  }
0x2: {  	[smem:$0x3F98] =	sst lr;
	_ =	strace $0xD0000000  }
0x3: {  	_ = 	snop  }
0x4: {  	_ = 	snop  }
0x5: {  	_ = 	snop  }
0x6: {  	_ = 	snop  }
0x7: {  	_ = 	snop  }
__scs_overlays_trampoline_lowered:
0x8: {  	[smem:$0x3FA7] =	sst s0  }
0x9: {  	[smem:$0x3FA8] =	sst s1  }
0xa: {  	[smem:$0x3FA9] =	sst s2  }
0xb: {  	[smem:$0x3FAA] =	sst s3  }
0xc: {  	[smem:$0x3FAB] =	sst s4  }
0xd: {  	[smem:$0x3FAC] =	sst s5  }
0xe: {  	[smem:$0x3FAD] =	sst s6  }
0xf: {  	[smem:$0x3FAE] =	sst s7  }
0x10: {  	[smem:$0x3FAF] =	sst s8  }
0x11: {  	[smem:$0x3FB0] =	sst s9;
	s0 =	simm.s32 @!p0 $0x0  }
0x12: {  	s1 =	sld [smem:$0x3F96];
	s0 =	simm.s32 @p0 $0x1  }
0x13: {  	[smem:$0x3FB1] =	sst s0;
	s0 =	simm.s32 @!p1 $0x0  }
0x14: {  	s2 =	sld [smem:$0x3F95];
	s0 =	simm.s32 @p1 $0x1  }
0x15: {  	[smem:$0x3FB2] =	sst s0;
	s0 =	simm.s32 @!p2 $0x0  }
0x16: {  	s3 =	sld [smem:$0x3FDB];
	s0 =	simm.s32 @p2 $0x1  }
0x17: {  	s4 =	simm.s32 $0x1BF5;
	[smem:$0x3FB4] =	sst s0  }
0x18: {  	s0 =	sld [smem:$0x3F97];
	_ =	swait.ge [sflag:s4], $0x0  }
0x19: {  	s7 =	sld [smem:$0x3F98]  }
0x1a: {  	s8 =	sadd.s32 $0xFFFFE003, lr  }
0x1b: {  	s9 =	sadd.s32 $0xFFFFFEF7, lr;
	s5 =	simm.s32 $0xFFFFFFFF;
	p2 =	slt.u32 s8, $0xFFFFF086  }
0x1c: {  	p1 =	slt.u32 s9, $0xF7A;
	s5 =	simm.s32 @!p2 $0x0  }
0x1d: {  	s5 =	simm.s32 @p1 $0x1;
	p0 =	seq.s32 s7, s2  }
0x1e: {  	s7 =	smul.u32 @!p0 $0xF7A, s2;
	p2 =	seq.s32 @!p0 s5, $0x0  }
0x1f: {  	s9 =	smul.u32 $0xF7A, s1;
	s8 =	simm.s32 @!p0 $0x1BF5;
	p2 =	por !p2, p0  }
0x20: {  	[sflag:s8] =	ssyncset.s32 @!p0 $0xFFFFF086;
	s6 =	sadd.s32 @!p0 s3, s7;
	s7 =	simm.s32 @!p0 $0x108  }
0x21: {  	s3 =	sadd.s32 s3, s9;
	s6 =	sadd.s32 @!p0 $0x88, s6;
	s7 =	simm.s32 @p2 $0x1082  }
0x22: {  	[simem:s7], [sflag:s8] =	dma.local @!p0 [hbm:s6], $0xF7A  }
0x23: {  	s9 =	sor.u32 $0xD0000000, s2;
	s6 =	simm.s32 $0x108;
	_ =	swait.ge @!p0 [sflag:s8], $0x0  }
0x24: {  	s3 =	sadd.s32 $0x88, s3;
	s6 =	simm.s32 @!p1 $0x1082;
	[sflag:s4] =	ssyncset.s32 $0xFFFFF086  }
0x25: {  	[simem:s6], [sflag:s4] =	dma.local [hbm:s3], $0xF7A  }
0x26: {  	[smem:$0x3F98] =	sst s1;
	(tag) =	ssettag s2;
	_ =	strace s9  }
0x27: {  	s1 =	sld [smem:$0x3FA8]  }
0x28: {  	s2 =	sld [smem:$0x3FA9]  }
0x29: {  	s4 =	sld [smem:$0x3FAB]  }
0x2a: {  	p0 =	seq.s32 s5, $0x0;
	s5 =	sld [smem:$0x3FAC]  }
0x2b: {  	s6 =	sld [smem:$0x3FAD]  }
0x2c: {  	s7 =	sld [smem:$0x3FAE]  }
0x2d: {  	s3 =	simm.s32 $0x108;
	s8 =	sld [smem:$0x3FAF]  }
0x2e: {  	s3 =	simm.s32 @!p0 $0x1082;
	s9 =	sld [smem:$0x3FB0]  }
0x2f: {  	lr =	sadd.s32 s0, s3;
	s0 =	sld [smem:$0x3FA7]  }
0x30: {  	s3 =	sld [smem:$0x3FAA]  }
0x31: {  	[smem:$0x3FB3] =	sst s10  }
0x32: {  	s10 =	sld [smem:$0x3FB1];
	_ =	sdelay $0x3  }
0x33: {  	p0 =	seq.s32 s10, $0x1;
	s10 =	sld [smem:$0x3FB3];
	_ =	sdelay $0x3  }
0x34: {  	[smem:$0x3FB3] =	sst s10  }
0x35: {  	s10 =	sld [smem:$0x3FB2];
	_ =	sdelay $0x3  }
0x36: {  	p1 =	seq.s32 s10, $0x1;
	s10 =	sld [smem:$0x3FB3];
	_ =	sdelay $0x3  }
0x37: {  	[smem:$0x3FB3] =	sst s10  }
0x38: {  	s10 =	sld [smem:$0x3FB4]  }
0x39: {  	_ = 	snop;
	(pc) =	sbr.ind lr, $3  }
0x3a: {  	_ = 	snop  }
0x3b: {  	_ = 	snop  }
0x3c: {  	p2 =	seq.s32 s10, $0x1;
	s10 =	sld [smem:$0x3FB3]  }
0x3d: {  	_ =	shalt  }
0x3e: {  	_ =	shalt  }
0x3f: {  	_ =	shalt  }
0x40: {  	_ =	shalt  }
0x41: {  	_ =	shalt  }
0x42: {  	_ =	shalt  }
0x43: {  	_ =	shalt  }
0x44: {  	_ =	shalt  }
0x45: {  	_ =	shalt  }
0x46: {  	_ =	shalt  }
0x47: {  	_ =	shalt  }
0x48: {  	_ =	shalt  }
0x49: {  	_ =	shalt  }
0x4a: {  	_ =	shalt  }
0x4b: {  	_ =	shalt  }
0x4c: {  	_ =	shalt  }
0x4d: {  	_ =	shalt  }
0x4e: {  	_ =	shalt  }
0x4f: {  	_ =	shalt  }
0x50: {  	_ =	shalt  }
0x51: {  	_ =	shalt  }
0x52: {  	_ =	shalt  }
0x53: {  	_ =	shalt  }
0x54: {  	_ =	shalt  }
0x55: {  	_ =	shalt  }
0x56: {  	_ =	shalt  }
0x57: {  	_ =	shalt  }
0x58: {  	_ =	shalt  }
0x59: {  	_ =	shalt  }
0x5a: {  	_ =	shalt  }
0x5b: {  	_ =	shalt  }
0x5c: {  	_ =	shalt  }
0x5d: {  	_ =	shalt  }
0x5e: {  	_ =	shalt  }
0x5f: {  	_ =	shalt  }
0x60: {  	_ =	shalt  }
0x61: {  	_ =	shalt  }
0x62: {  	_ =	shalt  }
0x63: {  	_ =	shalt  }
0x64: {  	_ =	shalt  }
0x65: {  	_ =	shalt  }
0x66: {  	_ =	shalt  }
0x67: {  	_ =	shalt  }
0x68: {  	_ =	shalt  }
0x69: {  	_ =	shalt  }
0x6a: {  	_ =	shalt  }
0x6b: {  	_ =	shalt  }
0x6c: {  	_ =	shalt  }
0x6d: {  	_ =	shalt  }
0x6e: {  	_ =	shalt  }
0x6f: {  	_ =	shalt  }
0x70: {  	_ =	shalt  }
0x71: {  	_ =	shalt  }
0x72: {  	_ =	shalt  }
0x73: {  	_ =	shalt  }
0x74: {  	_ =	shalt  }
0x75: {  	_ =	shalt  }
0x76: {  	_ =	shalt  }
0x77: {  	_ =	shalt  }
0x78: {  	_ =	shalt  }
0x79: {  	_ =	shalt  }
0x7a: {  	_ =	shalt  }
0x7b: {  	_ =	shalt  }
0x7c: {  	_ =	shalt  }
0x7d: {  	_ =	shalt  }
0x7e: {  	_ =	shalt  }
0x7f: {  	_ =	shalt  }
0x80: {  	_ =	shalt  }
0x81: {  	_ =	shalt  }
0x82: {  	_ =	shalt  }
0x83: {  	_ =	shalt  }
0x84: {  	_ =	shalt  }
0x85: {  	_ =	shalt  }
0x86: {  	_ =	shalt  }
0x87: {  	_ =	shalt  }
.Lfunc_end0:
.L_simem_size_0:
called_computation_lowered:
.L_overlay_start_0:
0x88: {  	s2 =	sld [smem:$0x3FD9]  }
0x89: {  	s3 =	sld [smem:$0x3FFE];
	_ =	sdelay $0x1  }
0x8a: {  	s1 =	srdreg.scid  }
0x8b: {  	s0 =	sand.u32 $0x1, s1  }
0x8c: {  	s16 =	sshll.u32 s0, $0xA;
	s2 =	sadd.s32 s3, s2  }
0x8d: {  	s2 =	sadd.s32 s2, s16  }
0x8e: {  	[smem:$0x3FBF] =	sst s2  }
0x8f: {  	_ = 	snop  }
0x90: {  	(tm) =	ssettm $0x1  }
0x91: {  	s17 =	sld [smem:$0x3FFB];
	_ =	sdelay $0x3  }
0x92: {  	_ =	strace s17  }
0x93: {  	s2 =	sld [smem:$0x3FFC];
	_ =	sdelay $0x3  }
0x94: {  	_ =	strace s2  }
0x95: {  	s2 =	sld [smem:$0x3FFD];
	_ =	sdelay $0x3  }
0x96: {  	_ =	strace s2  }
0x97: {  	_ =	strace $0x8FFFFFFF  }
0x98: {  	s18 =	sld [smem:$0x3FDB];
	_ =	sdelay $0x1  }
0x99: {  	s19 =	simm.s32 $_scs_section_size  }
0x9a: {  	s4 =	simm.s32 $_size__tile_overlayer_lowered;
	s5 =	simm.s32 $_tile_overlayer_lowered  }
0x9b: {  	s22 =	simm.s32 $0x1BFF;
	s21 =	sshll.u32 s5, $0x1;
	s2 =	sadd.s32 s19, s18  }
0x9c: {  	s6 =	simm.s32 $0x0;
	s20 =	sshll.u32 s4, $0x1;
	s4 =	sadd.s32 s21, s2  }
0x9d: {  	[timem:s6], [sflag:s22] =	dma.local [hbm:s4], s20  }
0x9e: {  	_ =	swait.ge [sflag:s22], s20  }
0x9f: {  	s3 =	ssub.s32 $0x0, s20;
	[sflag:s22] =	ssyncset.done $0x0  }
0xa0: {  	[sflag:s22] =	ssyncadd.s32 s3;
	_ =	sdelay $0x1  }
0xa1: {  	s23 =	simm.s32 $0x1B8B  }
0xa2: {  	_ =	swait.ge [sflag:s23], $0x1  }
0xa3: {  	[sflag:s23] =	ssyncset.done $0x0  }
0xa4: {  	s25 =	simm.s32 $0x1B8E;
	s24 =	sld [smem:$0x3FFE];
	[sflag:s23] =	ssyncadd.s32 $0xFFFFFFFF  }
0xa5: {  	s26 =	simm.s32 $execute0_lowered;
	[smem:$0x3FD2] =	sst s25  }
0xa6: {  	s4 =	sshll.u32 s26, $0x1;
	_ =	strace $0x80000046;
	[dreg:$0x1] =	wrdreg $0xFFFFFFFF  }
0xa7: {  	s28 =	simm.s32 $_size_execute0_lowered;
	s2 =	sadd.s32 s2, s4;
	[dreg:$0x0] =	wrdreg $0x0  }
0xa8: {  	s4 =	sshll.u32 s28, $0x1;
	[dreg:$0x2] =	wrdreg s2  }
0xa9: {  	[dreg:$0x3] =	wrdreg s4  }
0xaa: {  	[dreg:$0x4] =	wrdreg $0xC0  }
0xab: {  	_ =	task [dreg:s6], $0x5FFFF  }
0xac: {  	[dreg:$0x1] =	wrdreg $0xFFFFFFFF  }
0xad: {  	[dreg:$0x0] =	wrdreg $0x60  }
0xae: {  	[dreg:$0x2] =	wrdreg s24  }
0xaf: {  	[dreg:$0x3] =	wrdreg $0x0  }
0xb0: {  	[dreg:$0x4] =	wrdreg $0x9  }
0xb1: {  	_ =	task.clear_ibuf [dreg:s6], $0x5FFFF;
	_ =	strace $0x90000046  }
0xb2: {  	s29 =	simm.s32 $0x9;
	_ =	strace $0x80000048  }
0xb3: {  	_ =	swait.ge [sflag:s29], $0x1  }
0xb4: {  	[sflag:s29] =	ssyncadd.s32 $0xFFFFFFFF  }
0xb5: {  	_ =	strace $0x90000048  }
0xb6: {  	_ =	sfence  }
0xb7: {  	s30 =	sld [smem:$0x0];
	_ =	sdelay $0x2  }
0xb8: {  	s31 =	sshll.u32 s1, $0xD;
	s1 =	sshrl.u32 s1, $0x2  }
0xb9: {  	s3 =	sand.u32 $0x4000, s31;
	s1 =	sadd.s32 s1, s30  }
0xba: {  	s0 =	sor.u32 s3, s0;
	s1 =	sshll.u32 s1, $0x11  }
0xbb: {  	s0 =	sor.u32 s1, s0  }
0xbc: {  	s0 =	sadd.s32 $0x8F2B, s0  }
0xbd: {  	[sflag:s0] =	ssyncadd.remote.s32 $0x1  }
0xbe: {  	_ =	sfence.sel $0xFFFF  }
0xbf: {  	[dreg:$0x0] =	wrdreg $0xFFFFFFFF;
	(pc) =	sbr.abs _section_cstart, $3  }
0xc0: {  	[dreg:$0x1] =	wrdreg $0xFFFFFFFF  }
0xc1: {  	_ =	task.clear_ibuf [dreg:s6], $0x2FFFF;
	_ =	strace $0x9FFFFFFF  }
0xc2: {  	(tm) =	ssettm $0x7FFFFFFF  }
0xc3: {  	_ =	shalt  }
tec
execute0_lowered:
.L_overlay_start_1:
0x0: {  	(tag) =	ssettag $0x1  }
0x1: {  	s1 =	srdreg.scid  }
0x2: {  	s1 =	sand.u32 $0x1, s1  }
0x3: {  	p0 =	seq.s32 s1, $0x1  }
.Ltmp0:
0x4: {  	_ = 	snop;
	(pc) =	sbr.rel @p0 .LBB2_4-.Ltmp0, $4  }
0x5: {  	s5 =	rddreg [dreg:$0x0]  }
0x6: {  	s2 =	rddreg [dreg:$0x1];
	s7 =	simm.s32 $0x0  }
0x7: {  	[smem:$0x7FF] =	sst s7  }
0x8: {  	s0 =	rddreg [dreg:$0x2];
	_ =	strace $0x80000047;
	s1 =	stileid.u32  }
0x9: {  	s3 =	smul.u32 $0x2780, s1  }
0xa: {  	s4 =	sadd.s32 $0x17200, s5;
	s25 =	sshll.u32 s1, $0x6  }
0xb: {  	s26 =	simm.s32 $0x2;
	s8 =	sshrl.u32 s3, $0x3;
	s6 =	sadd.s32 s3, s2  }
0xc: {  	s3 =	sor.u32 $0x1C02, s25;
	s9 =	sadd.s32 s4, s8;
	s4 =	sshrl.u32 s6, $0x3  }
0xd: {  	[spmem:s4], [sflag:s3] =	dma.local [hbm:s9], $0x4F0  }
0xe: {  	_ =	swait.ge [sflag:s26], $0x4F0  }
0xf: {  	[sflag:s26] =	ssyncset.done $0x0  }
0x10: {  	s10 =	sadd.s32 $0x16C00, s5;
	s6 =	simm.s32 $0x7780;
	[sflag:s26] =	ssyncadd.s32 $0xFFFFFB10  }
0x11: {  	[tilespmem:s6], [sflag:$0x2] =	stream.linear.gather [hbm4b:s10+s7], $0x2800, $0x38;
	[tilespmem:$0x9F80] =	vst v63  }
0x12: {  	s28 =	smul.u32 $0xA00, s1;
	_ =	swait.ge [sflag:s26], $0x2800  }
0x13: {  	s11 =	sadd.s32 $0x2C00, s5;
	[sflag:s26] =	ssyncset.done $0x0  }
0x14: {  	s29 =	simm.s32 $0x2780;
	s10 =	sadd.s32 s11, s28;
	[sflag:s26] =	ssyncadd.s32 $0xFFFFD800  }
0x15: {  	[tilespmem:s29], [sflag:$0x2] =	stream.linear.gather [hbm4b:s10+s7], $0x5000, $0x38;
	[tilespmem:$0x9F80] =	vst v63  }
0x16: {  	_ =	swait.ge [sflag:s26], $0x5000  }
0x17: {  	[sflag:s26] =	ssyncset.done $0x0  }
0x18: {  	s30 =	simm.s32 $0x2780;
	s31 =	sadd.s32 s8, s5;
	[sflag:s26] =	ssyncadd.s32 $0xFFFFB000  }
0x19: {  	s8 =	simm.s32 $0x1;
	s7 =	simm.s32 $0x280;
	[bflag:$0x0] =	sbarrier.arrive $0xFFFF  }
0x1a: {  	[spmem:s2] =	stream.indirect.scatter.add.f32 [tilespmem:s6], [sflag:$0x1], $0x10, s30, s7, $0xb8;
	[tilespmem:$0x9F80] =	vst v63  }
0x1b: {  	s5 =	sadd.s32 $0x1C200, s31;
	s9 =	simm.s32 $0xA00;
	_ =	swait.ge [sflag:s8], $0x2800  }
.LBB2_2:
0x1c: {  	s10 =	sshra.s32 s9, $0x2;
	[sflag:s8] =	ssyncset.done $0x0;
	p0 =	sne.s32 s9, $0x13600  }
.Ltmp1:
0x1d: {  	s10 =	sadd.s32 $0x2780, s10;
	[sflag:s8] =	ssyncadd.s32 $0xFFFFD800;
	(pc) =	sbr.rel @p0 .LBB2_2-.Ltmp1, $3  }
0x1e: {  	[spmem:s2] =	stream.indirect.scatter.add.f32 [tilespmem:s6], [sflag:$0x1], $0x10, s10, s7, $0xb8;
	[tilespmem:$0x9F80] =	vst v63  }
0x1f: {  	s9 =	sadd.s32 $0xA00, s9;
	_ =	sdelay $0x1  }
0x20: {  	_ =	swait.ge [sflag:s8], $0x2800  }
0x21: {  	[sflag:s8] =	ssyncset.done $0x0  }
0x22: {  	[sflag:s8] =	ssyncadd.s32 $0xFFFFD800  }
0x23: {  	s2 =	simm.s32 $0x2;
	[bflag:$0x0] =	sbarrier.arrive $0xFFFF  }
0x24: {  	[hbm:s5], [sflag:s3] =	dma.local [spmem:s4], $0x4F0  }
0x25: {  	_ =	swait.ge [sflag:s2], $0x4F0  }
0x26: {  	[sflag:s2] =	ssyncset.done $0x0  }
0x27: {  	[sflag:s2] =	ssyncadd.s32 $0xFFFFFB10  }
.LBB2_4:
0x28: {  	_ =	sfence.sel $0x180000  }
0x29: {  	[bflag:$0x0] =	sbarrier.arrive $0xFFFF  }
0x2a: {  	p0 =	sne.s32 s1, $0x0;
	_ =	strace $0x90000047  }
0x2b: {  	s0 =	sadd.s32 @!p0 $0x100000, s0;
	[bflag:$0x2] =	sbarrier.arrive $0xFFFF  }
0x2c: {  	[sflag:s0] =	ssyncadd.tile.s32 @!p0 $0x1;
	_ =	shalt  }
.Lfunc_end2:
_tile_overlayer_lowered:
.L_overlay_start_2:
0x2d: {  	(tag) =	ssettag $0x2  }
0x2e: {  	s0 =	rddreg [dreg:$0x0];
	s2 =	stileid.u32  }
0x2f: {  	s1 =	rddreg [dreg:$0x1];
	p0 =	sne.s32 s2, $0x0  }
0x30: {  	s3 =	rddreg [dreg:$0x2];
	[bflag:$0x3] =	sbarrier.arrive $0xFFFF;
	s2 =	simm.s32 @!p0 $0x1C02  }
0x31: {  	[timem:s3], [sflag:s2] =	dma.local @!p0 [hbm:s0], s1  }
0x32: {  	s0 =	simm.s32 @!p0 $0x2  }
0x33: {  	_ =	swait.ge @!p0 [sflag:s0], s1  }
0x34: {  	s1 =	ssub.s32 @!p0 $0x0, s1;
	[sflag:s0] =	ssyncset.done @!p0 $0x0  }
0x35: {  	[sflag:s0] =	ssyncadd.s32 @!p0 s1  }
0x36: {  	[bflag:$0x3] =	sbarrier.arrive $0xFFFF  }
0x37: {  	_ =	shalt  }

// kernel: kernel.15.cloned.1.call-start
scs
__scs_entry_jumppad:
0x0: {  	(pc) =	sbr.rel $0x88, $3  }
0x1: {  	(tag) =	ssettag $0x0;
	lr =	simm.s32 $0x1  }
0x2: {  	[smem:$0x3F98] =	sst lr;
	_ =	strace $0xD0000000  }
0x3: {  	_ = 	snop  }
0x4: {  	_ = 	snop  }
0x5: {  	_ = 	snop  }
0x6: {  	_ = 	snop  }
0x7: {  	_ = 	snop  }
__scs_overlays_trampoline_lowered:
0x8: {  	[smem:$0x3FA7] =	sst s0  }
0x9: {  	[smem:$0x3FA8] =	sst s1  }
0xa: {  	[smem:$0x3FA9] =	sst s2  }
0xb: {  	[smem:$0x3FAA] =	sst s3  }
0xc: {  	[smem:$0x3FAB] =	sst s4  }
0xd: {  	[smem:$0x3FAC] =	sst s5  }
0xe: {  	[smem:$0x3FAD] =	sst s6  }
0xf: {  	[smem:$0x3FAE] =	sst s7  }
0x10: {  	[smem:$0x3FAF] =	sst s8  }
0x11: {  	[smem:$0x3FB0] =	sst s9;
	s0 =	simm.s32 @!p0 $0x0  }
0x12: {  	s1 =	sld [smem:$0x3F96];
	s0 =	simm.s32 @p0 $0x1  }
0x13: {  	[smem:$0x3FB1] =	sst s0;
	s0 =	simm.s32 @!p1 $0x0  }
0x14: {  	s2 =	sld [smem:$0x3F95];
	s0 =	simm.s32 @p1 $0x1  }
0x15: {  	[smem:$0x3FB2] =	sst s0;
	s0 =	simm.s32 @!p2 $0x0  }
0x16: {  	s3 =	sld [smem:$0x3FDB];
	s0 =	simm.s32 @p2 $0x1  }
0x17: {  	s4 =	simm.s32 $0x1BF5;
	[smem:$0x3FB4] =	sst s0  }
0x18: {  	s0 =	sld [smem:$0x3F97];
	_ =	swait.ge [sflag:s4], $0x0  }
0x19: {  	s7 =	sld [smem:$0x3F98]  }
0x1a: {  	s8 =	sadd.s32 $0xFFFFE003, lr  }
0x1b: {  	s9 =	sadd.s32 $0xFFFFFEF7, lr;
	s5 =	simm.s32 $0xFFFFFFFF;
	p2 =	slt.u32 s8, $0xFFFFF086  }
0x1c: {  	p1 =	slt.u32 s9, $0xF7A;
	s5 =	simm.s32 @!p2 $0x0  }
0x1d: {  	s5 =	simm.s32 @p1 $0x1;
	p0 =	seq.s32 s7, s2  }
0x1e: {  	s7 =	smul.u32 @!p0 $0xF7A, s2;
	p2 =	seq.s32 @!p0 s5, $0x0  }
0x1f: {  	s9 =	smul.u32 $0xF7A, s1;
	s8 =	simm.s32 @!p0 $0x1BF5;
	p2 =	por !p2, p0  }
0x20: {  	[sflag:s8] =	ssyncset.s32 @!p0 $0xFFFFF086;
	s6 =	sadd.s32 @!p0 s3, s7;
	s7 =	simm.s32 @!p0 $0x108  }
0x21: {  	s3 =	sadd.s32 s3, s9;
	s6 =	sadd.s32 @!p0 $0x88, s6;
	s7 =	simm.s32 @p2 $0x1082  }
0x22: {  	[simem:s7], [sflag:s8] =	dma.local @!p0 [hbm:s6], $0xF7A  }
0x23: {  	s9 =	sor.u32 $0xD0000000, s2;
	s6 =	simm.s32 $0x108;
	_ =	swait.ge @!p0 [sflag:s8], $0x0  }
0x24: {  	s3 =	sadd.s32 $0x88, s3;
	s6 =	simm.s32 @!p1 $0x1082;
	[sflag:s4] =	ssyncset.s32 $0xFFFFF086  }
0x25: {  	[simem:s6], [sflag:s4] =	dma.local [hbm:s3], $0xF7A  }
0x26: {  	[smem:$0x3F98] =	sst s1;
	(tag) =	ssettag s2;
	_ =	strace s9  }
0x27: {  	s1 =	sld [smem:$0x3FA8]  }
0x28: {  	s2 =	sld [smem:$0x3FA9]  }
0x29: {  	s4 =	sld [smem:$0x3FAB]  }
0x2a: {  	p0 =	seq.s32 s5, $0x0;
	s5 =	sld [smem:$0x3FAC]  }
0x2b: {  	s6 =	sld [smem:$0x3FAD]  }
0x2c: {  	s7 =	sld [smem:$0x3FAE]  }
0x2d: {  	s3 =	simm.s32 $0x108;
	s8 =	sld [smem:$0x3FAF]  }
0x2e: {  	s3 =	simm.s32 @!p0 $0x1082;
	s9 =	sld [smem:$0x3FB0]  }
0x2f: {  	lr =	sadd.s32 s0, s3;
	s0 =	sld [smem:$0x3FA7]  }
0x30: {  	s3 =	sld [smem:$0x3FAA]  }
0x31: {  	[smem:$0x3FB3] =	sst s10  }
0x32: {  	s10 =	sld [smem:$0x3FB1];
	_ =	sdelay $0x3  }
0x33: {  	p0 =	seq.s32 s10, $0x1;
	s10 =	sld [smem:$0x3FB3];
	_ =	sdelay $0x3  }
0x34: {  	[smem:$0x3FB3] =	sst s10  }
0x35: {  	s10 =	sld [smem:$0x3FB2];
	_ =	sdelay $0x3  }
0x36: {  	p1 =	seq.s32 s10, $0x1;
	s10 =	sld [smem:$0x3FB3];
	_ =	sdelay $0x3  }
0x37: {  	[smem:$0x3FB3] =	sst s10  }
0x38: {  	s10 =	sld [smem:$0x3FB4]  }
0x39: {  	_ = 	snop;
	(pc) =	sbr.ind lr, $3  }
0x3a: {  	_ = 	snop  }
0x3b: {  	_ = 	snop  }
0x3c: {  	p2 =	seq.s32 s10, $0x1;
	s10 =	sld [smem:$0x3FB3]  }
0x3d: {  	_ =	shalt  }
0x3e: {  	_ =	shalt  }
0x3f: {  	_ =	shalt  }
0x40: {  	_ =	shalt  }
0x41: {  	_ =	shalt  }
0x42: {  	_ =	shalt  }
0x43: {  	_ =	shalt  }
0x44: {  	_ =	shalt  }
0x45: {  	_ =	shalt  }
0x46: {  	_ =	shalt  }
0x47: {  	_ =	shalt  }
0x48: {  	_ =	shalt  }
0x49: {  	_ =	shalt  }
0x4a: {  	_ =	shalt  }
0x4b: {  	_ =	shalt  }
0x4c: {  	_ =	shalt  }
0x4d: {  	_ =	shalt  }
0x4e: {  	_ =	shalt  }
0x4f: {  	_ =	shalt  }
0x50: {  	_ =	shalt  }
0x51: {  	_ =	shalt  }
0x52: {  	_ =	shalt  }
0x53: {  	_ =	shalt  }
0x54: {  	_ =	shalt  }
0x55: {  	_ =	shalt  }
0x56: {  	_ =	shalt  }
0x57: {  	_ =	shalt  }
0x58: {  	_ =	shalt  }
0x59: {  	_ =	shalt  }
0x5a: {  	_ =	shalt  }
0x5b: {  	_ =	shalt  }
0x5c: {  	_ =	shalt  }
0x5d: {  	_ =	shalt  }
0x5e: {  	_ =	shalt  }
0x5f: {  	_ =	shalt  }
0x60: {  	_ =	shalt  }
0x61: {  	_ =	shalt  }
0x62: {  	_ =	shalt  }
0x63: {  	_ =	shalt  }
0x64: {  	_ =	shalt  }
0x65: {  	_ =	shalt  }
0x66: {  	_ =	shalt  }
0x67: {  	_ =	shalt  }
0x68: {  	_ =	shalt  }
0x69: {  	_ =	shalt  }
0x6a: {  	_ =	shalt  }
0x6b: {  	_ =	shalt  }
0x6c: {  	_ =	shalt  }
0x6d: {  	_ =	shalt  }
0x6e: {  	_ =	shalt  }
0x6f: {  	_ =	shalt  }
0x70: {  	_ =	shalt  }
0x71: {  	_ =	shalt  }
0x72: {  	_ =	shalt  }
0x73: {  	_ =	shalt  }
0x74: {  	_ =	shalt  }
0x75: {  	_ =	shalt  }
0x76: {  	_ =	shalt  }
0x77: {  	_ =	shalt  }
0x78: {  	_ =	shalt  }
0x79: {  	_ =	shalt  }
0x7a: {  	_ =	shalt  }
0x7b: {  	_ =	shalt  }
0x7c: {  	_ =	shalt  }
0x7d: {  	_ =	shalt  }
0x7e: {  	_ =	shalt  }
0x7f: {  	_ =	shalt  }
0x80: {  	_ =	shalt  }
0x81: {  	_ =	shalt  }
0x82: {  	_ =	shalt  }
0x83: {  	_ =	shalt  }
0x84: {  	_ =	shalt  }
0x85: {  	_ =	shalt  }
0x86: {  	_ =	shalt  }
0x87: {  	_ =	shalt  }
.Lfunc_end0:
.L_simem_size_0:
called_computation.1_lowered:
.L_overlay_start_0:
0x88: {  	s2 =	sld [smem:$0x3FD9]  }
0x89: {  	s3 =	sld [smem:$0x3FFE];
	_ =	sdelay $0x1  }
0x8a: {  	s1 =	srdreg.scid  }
0x8b: {  	s0 =	sand.u32 $0x1, s1  }
0x8c: {  	s17 =	sshll.u32 s0, $0xA;
	s2 =	sadd.s32 s3, s2  }
0x8d: {  	s2 =	sadd.s32 s2, s17  }
0x8e: {  	[smem:$0x3FBF] =	sst s2  }
0x8f: {  	_ = 	snop  }
0x90: {  	s2 =	sld [smem:$0x3FD0];
	(tm) =	ssettm $0x1  }
0x91: {  	s18 =	sld [smem:$0x3FFB];
	_ =	sdelay $0x3  }
0x92: {  	_ =	strace s18  }
0x93: {  	s3 =	sld [smem:$0x3FFC];
	_ =	sdelay $0x3  }
0x94: {  	_ =	strace s3  }
0x95: {  	s3 =	sld [smem:$0x3FFD];
	_ =	sdelay $0x3  }
0x96: {  	_ =	strace s3  }
0x97: {  	_ =	strace $0x8FFFFFFF  }
0x98: {  	s19 =	sld [smem:$0x3FDB];
	_ =	sdelay $0x1  }
0x99: {  	s4 =	simm.s32 $_scs_section_size  }
0x9a: {  	s5 =	simm.s32 $_size__tile_overlayer_lowered;
	s6 =	simm.s32 $_tile_overlayer_lowered  }
0x9b: {  	s22 =	simm.s32 $0x1BFF;
	s21 =	sshll.u32 s6, $0x1;
	s3 =	sadd.s32 s4, s19  }
0x9c: {  	s7 =	simm.s32 $0x0;
	s20 =	sshll.u32 s5, $0x1;
	s5 =	sadd.s32 s21, s3  }
0x9d: {  	[timem:s7], [sflag:s22] =	dma.local [hbm:s5], s20  }
0x9e: {  	_ =	swait.ge [sflag:s22], s20  }
0x9f: {  	s4 =	ssub.s32 $0x0, s20;
	[sflag:s22] =	ssyncset.done $0x0  }
0xa0: {  	[sflag:s22] =	ssyncadd.s32 s4;
	_ =	sdelay $0x1  }
0xa1: {  	s23 =	simm.s32 $0x1B8B  }
0xa2: {  	_ =	swait.ge [sflag:s23], $0x1  }
0xa3: {  	[sflag:s23] =	ssyncset.done $0x0  }
0xa4: {  	s25 =	simm.s32 $0x1B8E;
	s24 =	sld [smem:$0x3FFE];
	[sflag:s23] =	ssyncadd.s32 $0xFFFFFFFF  }
0xa5: {  	s26 =	simm.s32 $execute0_lowered;
	[smem:$0x3FD2] =	sst s25  }
0xa6: {  	s5 =	sshll.u32 s26, $0x1;
	_ =	strace $0x80000049;
	[dreg:$0x1] =	wrdreg $0xFFFFFFFF  }
0xa7: {  	s28 =	simm.s32 $_size_execute0_lowered;
	s3 =	sadd.s32 s3, s5;
	[dreg:$0x0] =	wrdreg $0x0  }
0xa8: {  	s5 =	sshll.u32 s28, $0x1;
	[dreg:$0x2] =	wrdreg s3  }
0xa9: {  	[dreg:$0x3] =	wrdreg s5  }
0xaa: {  	[dreg:$0x4] =	wrdreg $0xC0  }
0xab: {  	_ =	task [dreg:s7], $0x5FFFF  }
0xac: {  	[dreg:$0x1] =	wrdreg $0xFFFFFFFF  }
0xad: {  	[dreg:$0x0] =	wrdreg $0x60  }
0xae: {  	[dreg:$0x2] =	wrdreg s24  }
0xaf: {  	[dreg:$0x3] =	wrdreg s2  }
0xb0: {  	[dreg:$0x4] =	wrdreg $0x0  }
0xb1: {  	[dreg:$0x5] =	wrdreg $0x4F000  }
0xb2: {  	[dreg:$0x6] =	wrdreg $0x27800  }
0xb3: {  	[dreg:$0x7] =	wrdreg $0x76800  }
0xb4: {  	[dreg:$0x8] =	wrdreg $0x9  }
0xb5: {  	_ =	task.clear_ibuf [dreg:s7], $0x9FFFF;
	_ =	strace $0x90000049  }
0xb6: {  	s29 =	simm.s32 $0x9;
	_ =	strace $0x8000004B  }
0xb7: {  	_ =	swait.ge [sflag:s29], $0x1  }
0xb8: {  	[sflag:s29] =	ssyncadd.s32 $0xFFFFFFFF  }
0xb9: {  	_ =	strace $0x9000004B  }
0xba: {  	_ =	sfence  }
0xbb: {  	s30 =	sld [smem:$0x0];
	_ =	sdelay $0x2  }
0xbc: {  	s31 =	sshll.u32 s1, $0xD;
	s1 =	sshrl.u32 s1, $0x2  }
0xbd: {  	s3 =	sand.u32 $0x4000, s31;
	s1 =	sadd.s32 s1, s30  }
0xbe: {  	s0 =	sor.u32 s3, s0;
	s1 =	sshll.u32 s1, $0x11  }
0xbf: {  	s0 =	sor.u32 s1, s0  }
0xc0: {  	s0 =	sadd.s32 $0x8F2B, s0  }
0xc1: {  	[sflag:s0] =	ssyncadd.remote.s32 $0x1  }
0xc2: {  	_ =	sfence.sel $0xFFFF  }
0xc3: {  	[dreg:$0x0] =	wrdreg $0xFFFFFFFF;
	(pc) =	sbr.abs _section_cstart, $3  }
0xc4: {  	[dreg:$0x1] =	wrdreg $0xFFFFFFFF  }
0xc5: {  	_ =	task.clear_ibuf [dreg:s7], $0x2FFFF;
	_ =	strace $0x9FFFFFFF  }
0xc6: {  	(tm) =	ssettm $0x7FFFFFFF  }
0xc7: {  	_ =	shalt  }
tec
execute0_lowered:
.L_overlay_start_1:
0x0: {  	(tag) =	ssettag $0x1  }
0x1: {  	s0 =	rddreg [dreg:$0x0]  }
0x2: {  	s1 =	rddreg [dreg:$0x1]  }
0x3: {  	s4 =	rddreg [dreg:$0x2]  }
0x4: {  	s2 =	rddreg [dreg:$0x3]  }
0x5: {  	s8 =	rddreg [dreg:$0x4]  }
0x6: {  	s3 =	rddreg [dreg:$0x5];
	s17 =	stileid.u32;
	s6 =	simm.s32 $0x0  }
0x7: {  	s5 =	srdreg.scid;
	s19 =	simm.s32 $0x9E00;
	s28 =	simm.s32 $0x1  }
0x8: {  	s29 =	simm.s32 $0xA080;
	s30 =	simm.s32 $0x2;
	s9 =	smul.u32 $0x2780, s17  }
0x9: {  	s31 =	simm.s32 $0x3;
	[smem:$0x7FF] =	sst s6;
	s10 =	smul.u32 $0xA00, s17  }
0xa: {  	s7 =	sand.u32 $0x1, s5;
	s5 =	sadd.s32 $0x789200, s0;
	s6 =	sadd.s32 $0x7C00, s0  }
0xb: {  	s26 =	sshll.u32 s17, $0x6;
	_ =	strace $0x8000004A;
	s11 =	smul.u32 $0x27800, s7  }
0xc: {  	s13 =	smul.u32 $0x3B4000, s7;
	s15 =	ssub.s32 $0x2, s7;
	s20 =	sshrl.u32 s9, $0x3  }
0xd: {  	s14 =	sadd.s32 s10, s0;
	s21 =	sshrl.u32 s15, $0x1;
	s1 =	sadd.s32 s1, s10  }
0xe: {  	s16 =	sadd.s32 s9, s3;
	s10 =	simm.s32 $0x0;
	s12 =	sadd.s32 s20, s0  }
0xf: {  	s11 =	sadd.s32 s9, s11;
	s7 =	sadd.s32 s9, s13;
	[dreg:$0x7] =	wrdreg s1  }
0x10: {  	s23 =	sadd.s32 $0xCC00, s14;
	s14 =	sadd.s32 s9, s2;
	s20 =	simm.s32 $0x5  }
0x11: {  	s11 =	sshrl.u32 s11, $0x3;
	s13 =	sshrl.u32 s7, $0x3;
	[dreg:$0x9] =	wrdreg s23  }
0x12: {  	s24 =	sadd.s32 $0x2C00, s12;
	s23 =	simm.s32 $0x13E00;
	s0 =	sadd.s32 s11, s0  }
0x13: {  	s11 =	ssub.s32 s15, s21;
	s22 =	sadd.s32 s5, s13;
	[dreg:$0xa] =	wrdreg s24  }
0x14: {  	s13 =	sadd.s32 s9, s4;
	s4 =	simm.s32 $0x0;
	s15 =	sadd.s32 s9, s8  }
0x15: {  	s21 =	simm.s32 $0xEE00;
	[dreg:$0x8] =	wrdreg s22;
	s1 =	sadd.s32 $0x71900, s22  }
0x16: {  	s24 =	simm.s32 $0x16600;
	s0 =	sadd.s32 $0x16C00, s0;
	[dreg:$0xb] =	wrdreg s1  }
0x17: {  	s8 =	simm.s32 $0x1B580;
	s25 =	smax.u32 s11, $0x1;
	[dreg:$0xc] =	wrdreg s0  }
0x18: {  	s22 =	simm.s32 $0x4;
	[dreg:$0xd] =	wrdreg s25;
	s25 =	sor.u32 $0x1C05, s26  }
0x19: {  	s26 =	simm.s32 $0x280;
	s0 =	simm.s32 $0xA300;
	s1 =	simm.s32 $0xF080  }
.LBB2_1:
0x1a: {  	s9 =	rddreg [dreg:$0x7]  }
0x1b: {  	[tilespmem:s19], [sflag:$0x5] =	stream.linear.gather [hbm4b:s9+s4], $0x5000, $0x38;
	[tilespmem:$0x1DD00] =	vst v63  }
0x1c: {  	_ =	swait.ge [sflag:s20], $0x5000  }
0x1d: {  	[sflag:s20] =	ssyncset.done $0x0  }
0x1e: {  	s12 =	rddreg [dreg:$0x9];
	[sflag:s20] =	ssyncadd.s32 $0xFFFFB000  }
0x1f: {  	[tilespmem:s21], [sflag:$0x5] =	stream.linear.gather [hbm4b:s12+s4], $0x5000, $0x38;
	[tilespmem:$0x1DD00] =	vst v63  }
0x20: {  	_ =	swait.ge [sflag:s20], $0x5000  }
0x21: {  	[sflag:s20] =	ssyncset.done $0x0  }
0x22: {  	s11 =	simm.s32 $0x18E00;
	s17 =	rddreg [dreg:$0xa];
	[sflag:s20] =	ssyncadd.s32 $0xFFFFB000  }
0x23: {  	[tilespmem:s11], [sflag:$0x5] =	stream.linear.gather [hbm4b:s17+s4], $0x2780, $0x38;
	[tilespmem:$0x1DD00] =	vst v63  }
0x24: {  	_ =	swait.ge [sflag:s20], $0x2780  }
0x25: {  	[sflag:s20] =	ssyncset.done $0x0  }
0x26: {  	s18 =	rddreg [dreg:$0xb];
	[sflag:s20] =	ssyncadd.s32 $0xFFFFD880  }
0x27: {  	[tilespmem:s23], [sflag:$0x5] =	stream.linear.gather [hbm4b:s18+s4], $0x2780, $0x38;
	[tilespmem:$0x1DD00] =	vst v63  }
0x28: {  	_ =	swait.ge [sflag:s20], $0x2780  }
0x29: {  	[sflag:s20] =	ssyncset.done $0x0  }
0x2a: {  	s4 =	simm.s32 $0x0;
	[sflag:s20] =	ssyncadd.s32 $0xFFFFD880  }
0x2b: {  	v0 =	vld [tilespmem:s4+$0x13E00]  }
0x2c: {  	s9 =	simm.s32 $0x40;
	v1 =	vld [tilespmem:s4+$0x18E00]  }
.LBB2_2:
0x2d: {  	_ = 	snop  }
0x2e: {  	p0 =	sne.s32 s9, $0x9DC0  }
.Ltmp0:
0x2f: {  	_ = 	snop;
	(pc) =	sbr.rel @p0 .LBB2_2-.Ltmp0, $4  }
0x30: {  	_ = 	snop  }
0x31: {  	s11 =	sshra.s32 s9, $0x2;
	v2 =	vmul.f32 v1, v0  }
0x32: {  	v0 =	vld [tilespmem:s11+$0x13E00]  }
0x33: {  	s9 =	sadd.s32 $0x40, s9;
	v1 =	vld [tilespmem:s11+$0x18E00];
	[tilespmem:s4+$0x16600] =	vst v2;
	s4 =	smov.u32 s11  }
0x34: {  	_ =	sdelay $0x3  }
0x35: {  	v0 =	vmul.f32 v1, v0;
	_ =	sdelay $0x1  }
0x36: {  	[tilespmem:s4+$0x16600] =	vst v0  }
0x37: {  	[spmem:s13] =	stream.linear.scatter [tilespmem:s23], [sflag:$0x5], $0x2780, $0x38;
	[tilespmem:$0x1DD00] =	vst v63  }
0x38: {  	_ =	swait.ge [sflag:s20], $0x2780  }
0x39: {  	[sflag:s20] =	ssyncset.done $0x0  }
0x3a: {  	[sflag:s20] =	ssyncadd.s32 $0xFFFFD880  }
0x3b: {  	[spmem:s14] =	stream.linear.scatter [tilespmem:s24], [sflag:$0x5], $0x2780, $0x38;
	[tilespmem:$0x1DD00] =	vst v63  }
0x3c: {  	_ =	swait.ge [sflag:s20], $0x2780  }
0x3d: {  	[sflag:s20] =	ssyncset.done $0x0  }
0x3e: {  	s18 =	sshrl.u32 s15, $0x3;
	[sflag:s20] =	ssyncadd.s32 $0xFFFFD880  }
0x3f: {  	[spmem:s18], [sflag:s25] =	dma.local [hbm:s6], $0x4F0  }
0x40: {  	_ =	swait.ge [sflag:s20], $0x4F0  }
0x41: {  	[sflag:s20] =	ssyncset.done $0x0  }
0x42: {  	s11 =	sshrl.u32 s16, $0x3;
	[sflag:s20] =	ssyncadd.s32 $0xFFFFFB10  }
0x43: {  	[spmem:s11], [sflag:s25] =	dma.local [hbm:s6], $0x4F0  }
0x44: {  	_ =	swait.ge [sflag:s20], $0x4F0  }
0x45: {  	[sflag:s20] =	ssyncset.done $0x0  }
0x46: {  	[sflag:s20] =	ssyncadd.s32 $0xFFFFFB10  }
0x47: {  	s12 =	simm.s32 $0x0;
	[bflag:$0x0] =	sbarrier.arrive $0xFFFF  }
.LBB2_4:
0x48: {  	[tilespmem:s23], [sflag:$0x1] =	stream.indirect.gather [spmem:s2], $0x10, s19, s26, $0xb8;
	[tilespmem:$0x1DD00] =	vst v63  }
0x49: {  	_ =	swait.ge [sflag:s28], $0x2800  }
0x4a: {  	[sflag:s28] =	ssyncset.done $0x0  }
0x4b: {  	[sflag:s28] =	ssyncadd.s32 $0xFFFFD800  }
0x4c: {  	[tilespmem:s24], [sflag:$0x2] =	stream.indirect.gather [spmem:s2], $0x10, s29, s26, $0xb8;
	[tilespmem:$0x1DD00] =	vst v63  }
0x4d: {  	_ = 	snop  }
0x4e: {  	[spmem:s3] =	stream.indirect.scatter.add.f32 [tilespmem:s23], [sflag:$0x3], $0x10, s21, s26, $0xb8;
	[tilespmem:$0x1DD00] =	vst v63  }
0x4f: {  	_ =	swait.ge [sflag:s30], $0x2800  }
0x50: {  	[sflag:s30] =	ssyncset.done $0x0  }
0x51: {  	[sflag:s30] =	ssyncadd.s32 $0xFFFFD800  }
0x52: {  	_ =	swait.ge [sflag:s31], $0x2800  }
0x53: {  	[sflag:s31] =	ssyncset.done $0x0  }
0x54: {  	[sflag:s31] =	ssyncadd.s32 $0xFFFFD800  }
0x55: {  	[tilespmem:s23], [sflag:$0x1] =	stream.indirect.gather [spmem:s2], $0x10, s0, s26, $0xb8;
	[tilespmem:$0x1DD00] =	vst v63  }
0x56: {  	s9 =	simm.s32 $0x0  }
0x57: {  	[spmem:s3] =	stream.indirect.scatter.add.f32 [tilespmem:s24], [sflag:$0x4], $0x10, s1, s26, $0xb8;
	[tilespmem:$0x1DD00] =	vst v63  }
.LBB2_5:
0x58: {  	_ =	swait.ge [sflag:s28], $0x2800  }
0x59: {  	[sflag:s28] =	ssyncset.done $0x0  }
0x5a: {  	[sflag:s28] =	ssyncadd.s32 $0xFFFFD800  }
0x5b: {  	_ =	swait.ge [sflag:s22], $0x2800  }
0x5c: {  	s4 =	sshra.s32 s9, $0x2;
	[sflag:s22] =	ssyncset.done $0x0  }
0x5d: {  	s17 =	sadd.s32 $0xA580, s4;
	[sflag:s22] =	ssyncadd.s32 $0xFFFFD800  }
0x5e: {  	[tilespmem:s24], [sflag:$0x2] =	stream.indirect.gather [spmem:s2], $0x10, s17, s26, $0xb8;
	[tilespmem:$0x1DD00] =	vst v63  }
0x5f: {  	s18 =	sadd.s32 $0xF300, s4  }
0x60: {  	[spmem:s3] =	stream.indirect.scatter.add.f32 [tilespmem:s23], [sflag:$0x3], $0x10, s18, s26, $0xb8;
	[tilespmem:$0x1DD00] =	vst v63  }
0x61: {  	p0 =	sne.s32 s9, $0x11800;
	_ =	swait.ge [sflag:s30], $0x2800  }
.Ltmp1:
0x62: {  	[sflag:s30] =	ssyncset.done $0x0;
	(pc) =	sbr.rel @!p0 .LBB2_6-.Ltmp1, $4  }
0x63: {  	[sflag:s30] =	ssyncadd.s32 $0xFFFFD800  }
0x64: {  	_ =	swait.ge [sflag:s31], $0x2800  }
0x65: {  	[sflag:s31] =	ssyncset.done $0x0  }
0x66: {  	[sflag:s31] =	ssyncadd.s32 $0xFFFFD800  }
0x67: {  	s9 =	sadd.s32 $0x1400, s9  }
0x68: {  	p0 =	sne.s32 s9, $0x12C00  }
.Ltmp2:
0x69: {  	_ = 	snop;
	(pc) =	sbr.rel @p0 .LBB2_5-.Ltmp2, $4  }
.Ltmp3:
0x6a: {  	s17 =	sadd.s32 $0xA800, s4;
	(pc) =	sbr.rel @!p0 .LBB2_8-.Ltmp3, $4  }
0x6b: {  	[tilespmem:s23], [sflag:$0x1] =	stream.indirect.gather [spmem:s2], $0x10, s17, s26, $0xb8;
	[tilespmem:$0x1DD00] =	vst v63  }
0x6c: {  	s18 =	sadd.s32 $0xF580, s4  }
0x6d: {  	[spmem:s3] =	stream.indirect.scatter.add.f32 [tilespmem:s24], [sflag:$0x4], $0x10, s18, s26, $0xb8;
	[tilespmem:$0x1DD00] =	vst v63  }
0x6e: {  	_ = 	snop  }
.LBB2_6:
0x6f: {  	s4 =	sadd.s32 $0xF580, s4  }
0x70: {  	[spmem:s3] =	stream.indirect.scatter.add.f32 [tilespmem:s24], [sflag:$0x4], $0x10, s4, s26, $0xb8;
	[tilespmem:$0x1DD00] =	vst v63  }
.LBB2_8:
0x71: {  	s17 =	sshll.u32 s12, $0x1  }
0x72: {  	s4 =	ssub.s32 $0x16, s17  }
0x73: {  	s4 =	smul.u32 $0x27800, s4  }
0x74: {  	_ =	swait.ge [sflag:s22], $0x2800  }
0x75: {  	[sflag:s22] =	ssyncset.done $0x0;
	s4 =	sadd.s32 s4, s7  }
0x76: {  	[sflag:s22] =	ssyncadd.s32 $0xFFFFD800;
	s4 =	sshrl.u32 s4, $0x3  }
0x77: {  	s9 =	simm.s32 $0x0;
	[bflag:$0x0] =	sbarrier.arrive $0xFFFF;
	s4 =	sadd.s32 s5, s4  }
0x78: {  	[tilespmem:s23], [sflag:$0x5] =	stream.linear.gather [hbm4b:s4+s9], $0x2780, $0x38;
	[tilespmem:$0x1DD00] =	vst v63  }
0x79: {  	_ =	swait.ge [sflag:s20], $0x2780  }
0x7a: {  	[sflag:s20] =	ssyncset.done $0x0  }
0x7b: {  	[sflag:s20] =	ssyncadd.s32 $0xFFFFD880  }
0x7c: {  	[tilespmem:s24], [sflag:$0x5] =	stream.linear.gather [spmem:s16], $0x2780, $0x38;
	[tilespmem:$0x1DD00] =	vst v63  }
0x7d: {  	_ =	swait.ge [sflag:s20], $0x2780  }
0x7e: {  	[sflag:s20] =	ssyncset.done $0x0  }
0x7f: {  	[sflag:s20] =	ssyncadd.s32 $0xFFFFD880  }
0x80: {  	[tilespmem:s8], [sflag:$0x5] =	stream.linear.gather [spmem:s15], $0x2780, $0x38;
	[tilespmem:$0x1DD00] =	vst v63  }
0x81: {  	_ =	swait.ge [sflag:s20], $0x2780  }
0x82: {  	[sflag:s20] =	ssyncset.done $0x0  }
0x83: {  	s18 =	simm.s32 $0x0;
	[sflag:s20] =	ssyncadd.s32 $0xFFFFD880  }
0x84: {  	v0 =	vld [tilespmem:s18+$0x18E00];
	_ =	sdelay $0x1  }
0x85: {  	v1 =	vld [tilespmem:s18+$0x16600];
	_ =	sdelay $0x1  }
0x86: {  	v2 =	vld [tilespmem:s18+$0x13E00]  }
0x87: {  	v3 =	vadd.f32 v0, v0  }
0x88: {  	v4 =	vld [tilespmem:s18+$0x1B580]  }
0x89: {  	v1 =	vmul.f32 v1, v3;
	_ =	sdelay $0x1  }
0x8a: {  	v1 =	vsub.f32 v2, v1;
	_ =	sdelay $0x1  }
0x8b: {  	v1 =	vsub.f32 v1, v4;
	_ =	sdelay $0x1  }
0x8c: {  	s4 =	simm.s32 $0x10;
	s9 =	simm.s32 $0x80;
	[tilespmem:s18+$0x13E00] =	vst v1;
	v0 =	vmul.f32 v1, v0  }
.LBB2_9:
0x8d: {  	p0 =	sne.s32 s9, $0x9DC0;
	v1 =	vld [tilespmem:s4+$0x18E00]  }
0x8e: {  	[tilespmem:s18+$0x16600] =	vst v0;
	s18 =	smov.u32 s4  }
0x8f: {  	v0 =	vld [tilespmem:s18+$0x16600];
	_ =	sdelay $0x1  }
0x90: {  	v2 =	vld [tilespmem:s18+$0x13E00]  }
0x91: {  	v3 =	vadd.f32 v1, v1  }
0x92: {  	v4 =	vld [tilespmem:s18+$0x1B580]  }
0x93: {  	v0 =	vmul.f32 v0, v3;
	_ =	sdelay $0x1  }
.Ltmp4:
0x94: {  	v0 =	vsub.f32 v2, v0;
	(pc) =	sbr.rel @p0 .LBB2_9-.Ltmp4, $3  }
0x95: {  	_ = 	snop  }
0x96: {  	v0 =	vsub.f32 v0, v4;
	_ =	sdelay $0x1  }
0x97: {  	s4 =	sshra.s32 s9, $0x2;
	s9 =	sadd.s32 $0x40, s9;
	[tilespmem:s18+$0x13E00] =	vst v0;
	v0 =	vmul.f32 v0, v1  }
0x98: {  	v1 =	vld [tilespmem:s4+$0x18E00]  }
0x99: {  	[tilespmem:s18+$0x16600] =	vst v0  }
0x9a: {  	v0 =	vld [tilespmem:s4+$0x16600];
	_ =	sdelay $0x1  }
0x9b: {  	v2 =	vld [tilespmem:s4+$0x13E00]  }
0x9c: {  	v3 =	vadd.f32 v1, v1  }
0x9d: {  	v4 =	vld [tilespmem:s4+$0x1B580]  }
0x9e: {  	v0 =	vmul.f32 v0, v3;
	_ =	sdelay $0x1  }
0x9f: {  	v0 =	vsub.f32 v2, v0;
	_ =	sdelay $0x1  }
0xa0: {  	v0 =	vsub.f32 v0, v4;
	_ =	sdelay $0x1  }
0xa1: {  	v1 =	vmul.f32 v0, v1  }
0xa2: {  	[tilespmem:s4+$0x13E00] =	vst v0  }
0xa3: {  	[tilespmem:s4+$0x16600] =	vst v1  }
0xa4: {  	[spmem:s15] =	stream.linear.scatter [tilespmem:s23], [sflag:$0x5], $0x2780, $0x38;
	[tilespmem:$0x1DD00] =	vst v63  }
0xa5: {  	_ =	swait.ge [sflag:s20], $0x2780  }
0xa6: {  	[sflag:s20] =	ssyncset.done $0x0  }
0xa7: {  	[sflag:s20] =	ssyncadd.s32 $0xFFFFD880  }
0xa8: {  	[spmem:s14] =	stream.linear.scatter [tilespmem:s24], [sflag:$0x5], $0x2780, $0x38;
	[tilespmem:$0x1DD00] =	vst v63  }
0xa9: {  	_ =	swait.ge [sflag:s20], $0x2780  }
0xaa: {  	[sflag:s20] =	ssyncset.done $0x0  }
0xab: {  	[sflag:s20] =	ssyncadd.s32 $0xFFFFD880  }
0xac: {  	[spmem:s11], [sflag:s25] =	dma.local [hbm:s6], $0x4F0  }
0xad: {  	_ =	swait.ge [sflag:s20], $0x4F0  }
0xae: {  	[sflag:s20] =	ssyncset.done $0x0  }
0xaf: {  	[sflag:s20] =	ssyncadd.s32 $0xFFFFFB10  }
0xb0: {  	[bflag:$0x0] =	sbarrier.arrive $0xFFFF  }
0xb1: {  	[tilespmem:s23], [sflag:$0x1] =	stream.indirect.gather [spmem:s2], $0x10, s19, s26, $0xb8;
	[tilespmem:$0x1DD00] =	vst v63  }
0xb2: {  	_ =	swait.ge [sflag:s28], $0x2800  }
0xb3: {  	[sflag:s28] =	ssyncset.done $0x0  }
0xb4: {  	[sflag:s28] =	ssyncadd.s32 $0xFFFFD800  }
0xb5: {  	[tilespmem:s24], [sflag:$0x2] =	stream.indirect.gather [spmem:s2], $0x10, s29, s26, $0xb8;
	[tilespmem:$0x1DD00] =	vst v63  }
0xb6: {  	_ = 	snop  }
0xb7: {  	[spmem:s3] =	stream.indirect.scatter.add.f32 [tilespmem:s23], [sflag:$0x3], $0x10, s21, s26, $0xb8;
	[tilespmem:$0x1DD00] =	vst v63  }
0xb8: {  	_ =	swait.ge [sflag:s30], $0x2800  }
0xb9: {  	[sflag:s30] =	ssyncset.done $0x0  }
0xba: {  	[sflag:s30] =	ssyncadd.s32 $0xFFFFD800  }
0xbb: {  	_ =	swait.ge [sflag:s31], $0x2800  }
0xbc: {  	[sflag:s31] =	ssyncset.done $0x0  }
0xbd: {  	[sflag:s31] =	ssyncadd.s32 $0xFFFFD800  }
0xbe: {  	[tilespmem:s23], [sflag:$0x1] =	stream.indirect.gather [spmem:s2], $0x10, s0, s26, $0xb8;
	[tilespmem:$0x1DD00] =	vst v63  }
0xbf: {  	s9 =	simm.s32 $0x0  }
0xc0: {  	[spmem:s3] =	stream.indirect.scatter.add.f32 [tilespmem:s24], [sflag:$0x4], $0x10, s1, s26, $0xb8;
	[tilespmem:$0x1DD00] =	vst v63  }
.LBB2_11:
0xc1: {  	_ =	swait.ge [sflag:s28], $0x2800  }
0xc2: {  	[sflag:s28] =	ssyncset.done $0x0  }
0xc3: {  	[sflag:s28] =	ssyncadd.s32 $0xFFFFD800  }
0xc4: {  	_ =	swait.ge [sflag:s22], $0x2800  }
0xc5: {  	s4 =	sshra.s32 s9, $0x2;
	[sflag:s22] =	ssyncset.done $0x0  }
0xc6: {  	s18 =	sadd.s32 $0xA580, s4;
	[sflag:s22] =	ssyncadd.s32 $0xFFFFD800  }
0xc7: {  	[tilespmem:s24], [sflag:$0x2] =	stream.indirect.gather [spmem:s2], $0x10, s18, s26, $0xb8;
	[tilespmem:$0x1DD00] =	vst v63  }
0xc8: {  	s18 =	sadd.s32 $0xF300, s4  }
0xc9: {  	[spmem:s3] =	stream.indirect.scatter.add.f32 [tilespmem:s23], [sflag:$0x3], $0x10, s18, s26, $0xb8;
	[tilespmem:$0x1DD00] =	vst v63  }
0xca: {  	p0 =	sne.s32 s9, $0x11800;
	_ =	swait.ge [sflag:s30], $0x2800  }
.Ltmp5:
0xcb: {  	[sflag:s30] =	ssyncset.done $0x0;
	(pc) =	sbr.rel @!p0 .LBB2_12-.Ltmp5, $4  }
0xcc: {  	[sflag:s30] =	ssyncadd.s32 $0xFFFFD800  }
0xcd: {  	_ =	swait.ge [sflag:s31], $0x2800  }
0xce: {  	[sflag:s31] =	ssyncset.done $0x0  }
0xcf: {  	[sflag:s31] =	ssyncadd.s32 $0xFFFFD800  }
0xd0: {  	s9 =	sadd.s32 $0x1400, s9  }
0xd1: {  	p0 =	sne.s32 s9, $0x12C00  }
.Ltmp6:
0xd2: {  	_ = 	snop;
	(pc) =	sbr.rel @p0 .LBB2_11-.Ltmp6, $4  }
.Ltmp7:
0xd3: {  	s18 =	sadd.s32 $0xA800, s4;
	(pc) =	sbr.rel @!p0 .LBB2_14-.Ltmp7, $4  }
0xd4: {  	[tilespmem:s23], [sflag:$0x1] =	stream.indirect.gather [spmem:s2], $0x10, s18, s26, $0xb8;
	[tilespmem:$0x1DD00] =	vst v63  }
0xd5: {  	s18 =	sadd.s32 $0xF580, s4  }
0xd6: {  	[spmem:s3] =	stream.indirect.scatter.add.f32 [tilespmem:s24], [sflag:$0x4], $0x10, s18, s26, $0xb8;
	[tilespmem:$0x1DD00] =	vst v63  }
0xd7: {  	_ = 	snop  }
.LBB2_12:
0xd8: {  	s4 =	sadd.s32 $0xF580, s4  }
0xd9: {  	[spmem:s3] =	stream.indirect.scatter.add.f32 [tilespmem:s24], [sflag:$0x4], $0x10, s4, s26, $0xb8;
	[tilespmem:$0x1DD00] =	vst v63  }
.LBB2_14:
0xda: {  	s4 =	ssub.s32 $0x15, s17  }
0xdb: {  	s4 =	smul.u32 $0x27800, s4  }
0xdc: {  	_ =	swait.ge [sflag:s22], $0x2800  }
0xdd: {  	[sflag:s22] =	ssyncset.done $0x0;
	s4 =	sadd.s32 s4, s7  }
0xde: {  	[sflag:s22] =	ssyncadd.s32 $0xFFFFD800;
	s4 =	sshrl.u32 s4, $0x3  }
0xdf: {  	s9 =	simm.s32 $0x0;
	[bflag:$0x0] =	sbarrier.arrive $0xFFFF;
	s4 =	sadd.s32 s5, s4  }
0xe0: {  	[tilespmem:s23], [sflag:$0x5] =	stream.linear.gather [hbm4b:s4+s9], $0x2780, $0x38;
	[tilespmem:$0x1DD00] =	vst v63  }
0xe1: {  	_ =	swait.ge [sflag:s20], $0x2780  }
0xe2: {  	[sflag:s20] =	ssyncset.done $0x0  }
0xe3: {  	[sflag:s20] =	ssyncadd.s32 $0xFFFFD880  }
0xe4: {  	[tilespmem:s24], [sflag:$0x5] =	stream.linear.gather [spmem:s16], $0x2780, $0x38;
	[tilespmem:$0x1DD00] =	vst v63  }
0xe5: {  	_ =	swait.ge [sflag:s20], $0x2780  }
0xe6: {  	[sflag:s20] =	ssyncset.done $0x0  }
0xe7: {  	[sflag:s20] =	ssyncadd.s32 $0xFFFFD880  }
0xe8: {  	[tilespmem:s8], [sflag:$0x5] =	stream.linear.gather [spmem:s13], $0x2780, $0x38;
	[tilespmem:$0x1DD00] =	vst v63  }
0xe9: {  	_ =	swait.ge [sflag:s20], $0x2780  }
0xea: {  	[sflag:s20] =	ssyncset.done $0x0  }
0xeb: {  	s17 =	simm.s32 $0x0;
	[sflag:s20] =	ssyncadd.s32 $0xFFFFD880  }
0xec: {  	v0 =	vld [tilespmem:s17+$0x18E00];
	_ =	sdelay $0x1  }
0xed: {  	v1 =	vld [tilespmem:s17+$0x16600];
	_ =	sdelay $0x1  }
0xee: {  	v2 =	vld [tilespmem:s17+$0x13E00]  }
0xef: {  	v3 =	vadd.f32 v0, v0  }
0xf0: {  	v4 =	vld [tilespmem:s17+$0x1B580]  }
0xf1: {  	v1 =	vmul.f32 v1, v3;
	_ =	sdelay $0x1  }
0xf2: {  	v1 =	vsub.f32 v2, v1;
	_ =	sdelay $0x1  }
0xf3: {  	v1 =	vsub.f32 v1, v4;
	_ =	sdelay $0x1  }
0xf4: {  	s4 =	simm.s32 $0x10;
	s9 =	simm.s32 $0x80;
	[tilespmem:s17+$0x13E00] =	vst v1;
	v0 =	vmul.f32 v1, v0  }
.LBB2_15:
0xf5: {  	p0 =	sne.s32 s9, $0x9DC0;
	v1 =	vld [tilespmem:s4+$0x18E00]  }
0xf6: {  	[tilespmem:s17+$0x16600] =	vst v0;
	s17 =	smov.u32 s4  }
0xf7: {  	v0 =	vld [tilespmem:s17+$0x16600];
	_ =	sdelay $0x1  }
0xf8: {  	v2 =	vld [tilespmem:s17+$0x13E00]  }
0xf9: {  	v3 =	vadd.f32 v1, v1  }
0xfa: {  	v4 =	vld [tilespmem:s17+$0x1B580]  }
0xfb: {  	v0 =	vmul.f32 v0, v3;
	_ =	sdelay $0x1  }
.Ltmp8:
0xfc: {  	v0 =	vsub.f32 v2, v0;
	(pc) =	sbr.rel @p0 .LBB2_15-.Ltmp8, $3  }
0xfd: {  	_ = 	snop  }
0xfe: {  	v0 =	vsub.f32 v0, v4;
	_ =	sdelay $0x1  }
0xff: {  	s4 =	sshra.s32 s9, $0x2;
	s9 =	sadd.s32 $0x40, s9;
	[tilespmem:s17+$0x13E00] =	vst v0;
	v0 =	vmul.f32 v0, v1  }
0x100: {  	v1 =	vld [tilespmem:s4+$0x18E00]  }
0x101: {  	[tilespmem:s17+$0x16600] =	vst v0  }
0x102: {  	v0 =	vld [tilespmem:s4+$0x16600];
	_ =	sdelay $0x1  }
0x103: {  	v2 =	vld [tilespmem:s4+$0x13E00]  }
0x104: {  	v3 =	vadd.f32 v1, v1  }
0x105: {  	v4 =	vld [tilespmem:s4+$0x1B580]  }
0x106: {  	v0 =	vmul.f32 v0, v3;
	_ =	sdelay $0x1  }
0x107: {  	v0 =	vsub.f32 v2, v0;
	_ =	sdelay $0x1  }
0x108: {  	v0 =	vsub.f32 v0, v4;
	_ =	sdelay $0x1  }
0x109: {  	v1 =	vmul.f32 v0, v1  }
0x10a: {  	[tilespmem:s4+$0x13E00] =	vst v0  }
0x10b: {  	[tilespmem:s4+$0x16600] =	vst v1  }
0x10c: {  	[spmem:s13] =	stream.linear.scatter [tilespmem:s23], [sflag:$0x5], $0x2780, $0x38;
	[tilespmem:$0x1DD00] =	vst v63  }
0x10d: {  	_ =	swait.ge [sflag:s20], $0x2780  }
0x10e: {  	[sflag:s20] =	ssyncset.done $0x0  }
0x10f: {  	[sflag:s20] =	ssyncadd.s32 $0xFFFFD880  }
0x110: {  	[spmem:s14] =	stream.linear.scatter [tilespmem:s24], [sflag:$0x5], $0x2780, $0x38;
	[tilespmem:$0x1DD00] =	vst v63  }
0x111: {  	_ =	swait.ge [sflag:s20], $0x2780  }
0x112: {  	s12 =	sadd.s32 $0x1, s12;
	[sflag:s20] =	ssyncset.done $0x0  }
0x113: {  	p0 =	sne.s32 s12, $0xB;
	[sflag:s20] =	ssyncadd.s32 $0xFFFFD880  }
0x114: {  	[spmem:s11], [sflag:s25] =	dma.local [hbm:s6], $0x4F0  }
.Ltmp9:
0x115: {  	_ =	swait.ge [sflag:s20], $0x4F0;
	(pc) =	sbr.rel @p0 .LBB2_4-.Ltmp9, $3  }
0x116: {  	[sflag:s20] =	ssyncset.done $0x0  }
0x117: {  	[sflag:s20] =	ssyncadd.s32 $0xFFFFFB10  }
0x118: {  	[bflag:$0x0] =	sbarrier.arrive $0xFFFF;
	_ =	sdelay $0x1  }
0x119: {  	[tilespmem:s23], [sflag:$0x1] =	stream.indirect.gather [spmem:s2], $0x10, s19, s26, $0xb8;
	[tilespmem:$0x1DD00] =	vst v63  }
0x11a: {  	_ =	swait.ge [sflag:s28], $0x2800  }
0x11b: {  	[sflag:s28] =	ssyncset.done $0x0  }
0x11c: {  	[sflag:s28] =	ssyncadd.s32 $0xFFFFD800  }
0x11d: {  	[tilespmem:s24], [sflag:$0x2] =	stream.indirect.gather [spmem:s2], $0x10, s29, s26, $0xb8;
	[tilespmem:$0x1DD00] =	vst v63  }
0x11e: {  	_ = 	snop  }
0x11f: {  	[spmem:s3] =	stream.indirect.scatter.add.f32 [tilespmem:s23], [sflag:$0x3], $0x10, s21, s26, $0xb8;
	[tilespmem:$0x1DD00] =	vst v63  }
0x120: {  	_ =	swait.ge [sflag:s30], $0x2800  }
0x121: {  	[sflag:s30] =	ssyncset.done $0x0  }
0x122: {  	[sflag:s30] =	ssyncadd.s32 $0xFFFFD800  }
0x123: {  	_ =	swait.ge [sflag:s31], $0x2800  }
0x124: {  	[sflag:s31] =	ssyncset.done $0x0  }
0x125: {  	[sflag:s31] =	ssyncadd.s32 $0xFFFFD800  }
0x126: {  	[tilespmem:s23], [sflag:$0x1] =	stream.indirect.gather [spmem:s2], $0x10, s0, s26, $0xb8;
	[tilespmem:$0x1DD00] =	vst v63  }
0x127: {  	s9 =	simm.s32 $0x0  }
0x128: {  	[spmem:s3] =	stream.indirect.scatter.add.f32 [tilespmem:s24], [sflag:$0x4], $0x10, s1, s26, $0xb8;
	[tilespmem:$0x1DD00] =	vst v63  }
.LBB2_18:
0x129: {  	_ =	swait.ge [sflag:s28], $0x2800  }
0x12a: {  	[sflag:s28] =	ssyncset.done $0x0  }
0x12b: {  	[sflag:s28] =	ssyncadd.s32 $0xFFFFD800  }
0x12c: {  	_ =	swait.ge [sflag:s22], $0x2800  }
0x12d: {  	s4 =	sshra.s32 s9, $0x2;
	[sflag:s22] =	ssyncset.done $0x0  }
0x12e: {  	s11 =	sadd.s32 $0xA580, s4;
	[sflag:s22] =	ssyncadd.s32 $0xFFFFD800  }
0x12f: {  	[tilespmem:s24], [sflag:$0x2] =	stream.indirect.gather [spmem:s2], $0x10, s11, s26, $0xb8;
	[tilespmem:$0x1DD00] =	vst v63  }
0x130: {  	s18 =	sadd.s32 $0xF300, s4  }
0x131: {  	[spmem:s3] =	stream.indirect.scatter.add.f32 [tilespmem:s23], [sflag:$0x3], $0x10, s18, s26, $0xb8;
	[tilespmem:$0x1DD00] =	vst v63  }
0x132: {  	p0 =	sne.s32 s9, $0x11800;
	_ =	swait.ge [sflag:s30], $0x2800  }
.Ltmp10:
0x133: {  	[sflag:s30] =	ssyncset.done $0x0;
	(pc) =	sbr.rel @!p0 .LBB2_19-.Ltmp10, $4  }
0x134: {  	[sflag:s30] =	ssyncadd.s32 $0xFFFFD800  }
0x135: {  	_ =	swait.ge [sflag:s31], $0x2800  }
0x136: {  	[sflag:s31] =	ssyncset.done $0x0  }
0x137: {  	[sflag:s31] =	ssyncadd.s32 $0xFFFFD800  }
0x138: {  	s9 =	sadd.s32 $0x1400, s9  }
0x139: {  	p0 =	sne.s32 s9, $0x12C00  }
.Ltmp11:
0x13a: {  	_ = 	snop;
	(pc) =	sbr.rel @p0 .LBB2_18-.Ltmp11, $4  }
.Ltmp12:
0x13b: {  	s11 =	sadd.s32 $0xA800, s4;
	(pc) =	sbr.rel @!p0 .LBB2_21-.Ltmp12, $4  }
0x13c: {  	[tilespmem:s23], [sflag:$0x1] =	stream.indirect.gather [spmem:s2], $0x10, s11, s26, $0xb8;
	[tilespmem:$0x1DD00] =	vst v63  }
0x13d: {  	s18 =	sadd.s32 $0xF580, s4  }
0x13e: {  	[spmem:s3] =	stream.indirect.scatter.add.f32 [tilespmem:s24], [sflag:$0x4], $0x10, s18, s26, $0xb8;
	[tilespmem:$0x1DD00] =	vst v63  }
0x13f: {  	_ = 	snop  }
.LBB2_19:
0x140: {  	s4 =	sadd.s32 $0xF580, s4  }
0x141: {  	[spmem:s3] =	stream.indirect.scatter.add.f32 [tilespmem:s24], [sflag:$0x4], $0x10, s4, s26, $0xb8;
	[tilespmem:$0x1DD00] =	vst v63  }
.LBB2_21:
0x142: {  	_ =	swait.ge [sflag:s22], $0x2800  }
0x143: {  	[sflag:s22] =	ssyncset.done $0x0  }
0x144: {  	[sflag:s22] =	ssyncadd.s32 $0xFFFFD800  }
0x145: {  	[bflag:$0x0] =	sbarrier.arrive $0xFFFF  }
0x146: {  	s4 =	simm.s32 $0x0;
	s9 =	rddreg [dreg:$0x8]  }
0x147: {  	[tilespmem:s23], [sflag:$0x5] =	stream.linear.gather [hbm4b:s9+s4], $0x2780, $0x38;
	[tilespmem:$0x1DD00] =	vst v63  }
0x148: {  	_ =	swait.ge [sflag:s20], $0x2780  }
0x149: {  	[sflag:s20] =	ssyncset.done $0x0  }
0x14a: {  	[sflag:s20] =	ssyncadd.s32 $0xFFFFD880  }
0x14b: {  	[tilespmem:s24], [sflag:$0x5] =	stream.linear.gather [spmem:s16], $0x2780, $0x38;
	[tilespmem:$0x1DD00] =	vst v63  }
0x14c: {  	_ =	swait.ge [sflag:s20], $0x2780  }
0x14d: {  	[sflag:s20] =	ssyncset.done $0x0  }
0x14e: {  	[sflag:s20] =	ssyncadd.s32 $0xFFFFD880  }
0x14f: {  	[tilespmem:s8], [sflag:$0x5] =	stream.linear.gather [spmem:s15], $0x2780, $0x38;
	[tilespmem:$0x1DD00] =	vst v63  }
0x150: {  	_ =	swait.ge [sflag:s20], $0x2780  }
0x151: {  	[sflag:s20] =	ssyncset.done $0x0  }
0x152: {  	s11 =	simm.s32 $0x0;
	[sflag:s20] =	ssyncadd.s32 $0xFFFFD880  }
0x153: {  	v0 =	vld [tilespmem:s11+$0x18E00]  }
0x154: {  	v1 =	vld [tilespmem:s11+$0x16600];
	_ =	sdelay $0x1  }
0x155: {  	v2 =	vld [tilespmem:s11+$0x13E00];
	_ =	sdelay $0x1  }
0x156: {  	v3 =	vld [tilespmem:s11+$0x1B580]  }
0x157: {  	v0 =	vmul.f32 v1, v0;
	_ =	sdelay $0x1  }
0x158: {  	v1 =	vsub.f32 v2, v0  }
0x159: {  	s9 =	simm.s32 $0x10  }
0x15a: {  	s4 =	simm.s32 $0x80;
	v0 =	vld [tilespmem:s9+$0x18E00];
	v1 =	vsub.f32 v1, v3  }
.LBB2_22:
0x15b: {  	p0 =	sne.s32 s4, $0x9DC0;
	v2 =	vld [tilespmem:s9+$0x16600]  }
0x15c: {  	[tilespmem:s11+$0x13E00] =	vst v1;
	s11 =	smov.u32 s9  }
0x15d: {  	v1 =	vld [tilespmem:s11+$0x13E00];
	_ =	sdelay $0x1  }
0x15e: {  	v3 =	vld [tilespmem:s11+$0x1B580]  }
.Ltmp13:
0x15f: {  	v0 =	vmul.f32 v2, v0;
	(pc) =	sbr.rel @p0 .LBB2_22-.Ltmp13, $4  }
0x160: {  	_ = 	snop  }
0x161: {  	v1 =	vsub.f32 v1, v0  }
0x162: {  	s9 =	sshra.s32 s4, $0x2  }
0x163: {  	s4 =	sadd.s32 $0x40, s4;
	v0 =	vld [tilespmem:s9+$0x18E00];
	v1 =	vsub.f32 v1, v3  }
0x164: {  	v2 =	vld [tilespmem:s9+$0x16600]  }
0x165: {  	[tilespmem:s11+$0x13E00] =	vst v1  }
0x166: {  	v1 =	vld [tilespmem:s9+$0x13E00];
	_ =	sdelay $0x1  }
0x167: {  	v3 =	vld [tilespmem:s9+$0x1B580]  }
0x168: {  	v0 =	vmul.f32 v2, v0;
	_ =	sdelay $0x1  }
0x169: {  	v0 =	vsub.f32 v1, v0;
	_ =	sdelay $0x1  }
0x16a: {  	v0 =	vsub.f32 v0, v3;
	_ =	sdelay $0x1  }
0x16b: {  	s4 =	simm.s32 $0x0;
	s17 =	rddreg [dreg:$0xc];
	[tilespmem:s9+$0x13E00] =	vst v0  }
0x16c: {  	[hbm4b:s17+s4] =	stream.linear.scatter [tilespmem:s23], [sflag:$0x5], $0x2780, $0x38;
	[tilespmem:$0x1DD00] =	vst v63  }
0x16d: {  	_ =	swait.ge [sflag:s20], $0x2780  }
0x16e: {  	s10 =	sadd.s32 $0x1, s10;
	s18 =	rddreg [dreg:$0xd]  }
0x16f: {  	p0 =	sne.s32 s10, s18  }
.Ltmp14:
0x170: {  	_ = 	snop;
	(pc) =	sbr.rel @p0 .LBB2_1-.Ltmp14, $3  }
0x171: {  	_ =	sdelay $0x1  }
0x172: {  	[sflag:s20] =	ssyncset.done $0x0  }
0x173: {  	[sflag:s20] =	ssyncadd.s32 $0xFFFFD880  }
0x174: {  	_ =	sfence.sel $0x180000  }
0x175: {  	[bflag:$0x0] =	sbarrier.arrive $0xFFFF  }
0x176: {  	_ =	strace $0x9000004A  }
0x177: {  	s0 =	stileid.u32;
	[bflag:$0x2] =	sbarrier.arrive $0xFFFF  }
0x178: {  	p0 =	sne.s32 s0, $0x0;
	s0 =	rddreg [dreg:$0x6]  }
0x179: {  	s0 =	sadd.s32 @!p0 $0x100000, s0  }
0x17a: {  	[sflag:s0] =	ssyncadd.tile.s32 @!p0 $0x1;
	_ =	shalt  }
.Lfunc_end2:
_tile_overlayer_lowered:
.L_overlay_start_2:
0x17b: {  	(tag) =	ssettag $0x2  }
0x17c: {  	s0 =	rddreg [dreg:$0x0];
	s2 =	stileid.u32  }
0x17d: {  	s1 =	rddreg [dreg:$0x1];
	p0 =	sne.s32 s2, $0x0  }
0x17e: {  	s3 =	rddreg [dreg:$0x2];
	[bflag:$0x3] =	sbarrier.arrive $0xFFFF;
	s2 =	simm.s32 @!p0 $0x1C05  }
0x17f: {  	[timem:s3], [sflag:s2] =	dma.local @!p0 [hbm:s0], s1  }
0x180: {  	s0 =	simm.s32 @!p0 $0x5  }
0x181: {  	_ =	swait.ge @!p0 [sflag:s0], s1  }
0x182: {  	s1 =	ssub.s32 @!p0 $0x0, s1;
	[sflag:s0] =	ssyncset.done @!p0 $0x0  }
0x183: {  	[sflag:s0] =	ssyncadd.s32 @!p0 s1  }
0x184: {  	[bflag:$0x3] =	sbarrier.arrive $0xFFFF  }
0x185: {  	_ =	shalt  }

// kernel: kernel.18.cloned.1.call-start
scs
__scs_entry_jumppad:
0x0: {  	(pc) =	sbr.rel $0x88, $3  }
0x1: {  	(tag) =	ssettag $0x0;
	lr =	simm.s32 $0x1  }
0x2: {  	[smem:$0x3F98] =	sst lr;
	_ =	strace $0xD0000000  }
0x3: {  	_ = 	snop  }
0x4: {  	_ = 	snop  }
0x5: {  	_ = 	snop  }
0x6: {  	_ = 	snop  }
0x7: {  	_ = 	snop  }
__scs_overlays_trampoline_lowered:
0x8: {  	[smem:$0x3FA7] =	sst s0  }
0x9: {  	[smem:$0x3FA8] =	sst s1  }
0xa: {  	[smem:$0x3FA9] =	sst s2  }
0xb: {  	[smem:$0x3FAA] =	sst s3  }
0xc: {  	[smem:$0x3FAB] =	sst s4  }
0xd: {  	[smem:$0x3FAC] =	sst s5  }
0xe: {  	[smem:$0x3FAD] =	sst s6  }
0xf: {  	[smem:$0x3FAE] =	sst s7  }
0x10: {  	[smem:$0x3FAF] =	sst s8  }
0x11: {  	[smem:$0x3FB0] =	sst s9;
	s0 =	simm.s32 @!p0 $0x0  }
0x12: {  	s1 =	sld [smem:$0x3F96];
	s0 =	simm.s32 @p0 $0x1  }
0x13: {  	[smem:$0x3FB1] =	sst s0;
	s0 =	simm.s32 @!p1 $0x0  }
0x14: {  	s2 =	sld [smem:$0x3F95];
	s0 =	simm.s32 @p1 $0x1  }
0x15: {  	[smem:$0x3FB2] =	sst s0;
	s0 =	simm.s32 @!p2 $0x0  }
0x16: {  	s3 =	sld [smem:$0x3FDB];
	s0 =	simm.s32 @p2 $0x1  }
0x17: {  	s4 =	simm.s32 $0x1BF5;
	[smem:$0x3FB4] =	sst s0  }
0x18: {  	s0 =	sld [smem:$0x3F97];
	_ =	swait.ge [sflag:s4], $0x0  }
0x19: {  	s7 =	sld [smem:$0x3F98]  }
0x1a: {  	s8 =	sadd.s32 $0xFFFFE003, lr  }
0x1b: {  	s9 =	sadd.s32 $0xFFFFFEF7, lr;
	s5 =	simm.s32 $0xFFFFFFFF;
	p2 =	slt.u32 s8, $0xFFFFF086  }
0x1c: {  	p1 =	slt.u32 s9, $0xF7A;
	s5 =	simm.s32 @!p2 $0x0  }
0x1d: {  	s5 =	simm.s32 @p1 $0x1;
	p0 =	seq.s32 s7, s2  }
0x1e: {  	s7 =	smul.u32 @!p0 $0xF7A, s2;
	p2 =	seq.s32 @!p0 s5, $0x0  }
0x1f: {  	s9 =	smul.u32 $0xF7A, s1;
	s8 =	simm.s32 @!p0 $0x1BF5;
	p2 =	por !p2, p0  }
0x20: {  	[sflag:s8] =	ssyncset.s32 @!p0 $0xFFFFF086;
	s6 =	sadd.s32 @!p0 s3, s7;
	s7 =	simm.s32 @!p0 $0x108  }
0x21: {  	s3 =	sadd.s32 s3, s9;
	s6 =	sadd.s32 @!p0 $0x88, s6;
	s7 =	simm.s32 @p2 $0x1082  }
0x22: {  	[simem:s7], [sflag:s8] =	dma.local @!p0 [hbm:s6], $0xF7A  }
0x23: {  	s9 =	sor.u32 $0xD0000000, s2;
	s6 =	simm.s32 $0x108;
	_ =	swait.ge @!p0 [sflag:s8], $0x0  }
0x24: {  	s3 =	sadd.s32 $0x88, s3;
	s6 =	simm.s32 @!p1 $0x1082;
	[sflag:s4] =	ssyncset.s32 $0xFFFFF086  }
0x25: {  	[simem:s6], [sflag:s4] =	dma.local [hbm:s3], $0xF7A  }
0x26: {  	[smem:$0x3F98] =	sst s1;
	(tag) =	ssettag s2;
	_ =	strace s9  }
0x27: {  	s1 =	sld [smem:$0x3FA8]  }
0x28: {  	s2 =	sld [smem:$0x3FA9]  }
0x29: {  	s4 =	sld [smem:$0x3FAB]  }
0x2a: {  	p0 =	seq.s32 s5, $0x0;
	s5 =	sld [smem:$0x3FAC]  }
0x2b: {  	s6 =	sld [smem:$0x3FAD]  }
0x2c: {  	s7 =	sld [smem:$0x3FAE]  }
0x2d: {  	s3 =	simm.s32 $0x108;
	s8 =	sld [smem:$0x3FAF]  }
0x2e: {  	s3 =	simm.s32 @!p0 $0x1082;
	s9 =	sld [smem:$0x3FB0]  }
0x2f: {  	lr =	sadd.s32 s0, s3;
	s0 =	sld [smem:$0x3FA7]  }
0x30: {  	s3 =	sld [smem:$0x3FAA]  }
0x31: {  	[smem:$0x3FB3] =	sst s10  }
0x32: {  	s10 =	sld [smem:$0x3FB1];
	_ =	sdelay $0x3  }
0x33: {  	p0 =	seq.s32 s10, $0x1;
	s10 =	sld [smem:$0x3FB3];
	_ =	sdelay $0x3  }
0x34: {  	[smem:$0x3FB3] =	sst s10  }
0x35: {  	s10 =	sld [smem:$0x3FB2];
	_ =	sdelay $0x3  }
0x36: {  	p1 =	seq.s32 s10, $0x1;
	s10 =	sld [smem:$0x3FB3];
	_ =	sdelay $0x3  }
0x37: {  	[smem:$0x3FB3] =	sst s10  }
0x38: {  	s10 =	sld [smem:$0x3FB4]  }
0x39: {  	_ = 	snop;
	(pc) =	sbr.ind lr, $3  }
0x3a: {  	_ = 	snop  }
0x3b: {  	_ = 	snop  }
0x3c: {  	p2 =	seq.s32 s10, $0x1;
	s10 =	sld [smem:$0x3FB3]  }
0x3d: {  	_ =	shalt  }
0x3e: {  	_ =	shalt  }
0x3f: {  	_ =	shalt  }
0x40: {  	_ =	shalt  }
0x41: {  	_ =	shalt  }
0x42: {  	_ =	shalt  }
0x43: {  	_ =	shalt  }
0x44: {  	_ =	shalt  }
0x45: {  	_ =	shalt  }
0x46: {  	_ =	shalt  }
0x47: {  	_ =	shalt  }
0x48: {  	_ =	shalt  }
0x49: {  	_ =	shalt  }
0x4a: {  	_ =	shalt  }
0x4b: {  	_ =	shalt  }
0x4c: {  	_ =	shalt  }
0x4d: {  	_ =	shalt  }
0x4e: {  	_ =	shalt  }
0x4f: {  	_ =	shalt  }
0x50: {  	_ =	shalt  }
0x51: {  	_ =	shalt  }
0x52: {  	_ =	shalt  }
0x53: {  	_ =	shalt  }
0x54: {  	_ =	shalt  }
0x55: {  	_ =	shalt  }
0x56: {  	_ =	shalt  }
0x57: {  	_ =	shalt  }
0x58: {  	_ =	shalt  }
0x59: {  	_ =	shalt  }
0x5a: {  	_ =	shalt  }
0x5b: {  	_ =	shalt  }
0x5c: {  	_ =	shalt  }
0x5d: {  	_ =	shalt  }
0x5e: {  	_ =	shalt  }
0x5f: {  	_ =	shalt  }
0x60: {  	_ =	shalt  }
0x61: {  	_ =	shalt  }
0x62: {  	_ =	shalt  }
0x63: {  	_ =	shalt  }
0x64: {  	_ =	shalt  }
0x65: {  	_ =	shalt  }
0x66: {  	_ =	shalt  }
0x67: {  	_ =	shalt  }
0x68: {  	_ =	shalt  }
0x69: {  	_ =	shalt  }
0x6a: {  	_ =	shalt  }
0x6b: {  	_ =	shalt  }
0x6c: {  	_ =	shalt  }
0x6d: {  	_ =	shalt  }
0x6e: {  	_ =	shalt  }
0x6f: {  	_ =	shalt  }
0x70: {  	_ =	shalt  }
0x71: {  	_ =	shalt  }
0x72: {  	_ =	shalt  }
0x73: {  	_ =	shalt  }
0x74: {  	_ =	shalt  }
0x75: {  	_ =	shalt  }
0x76: {  	_ =	shalt  }
0x77: {  	_ =	shalt  }
0x78: {  	_ =	shalt  }
0x79: {  	_ =	shalt  }
0x7a: {  	_ =	shalt  }
0x7b: {  	_ =	shalt  }
0x7c: {  	_ =	shalt  }
0x7d: {  	_ =	shalt  }
0x7e: {  	_ =	shalt  }
0x7f: {  	_ =	shalt  }
0x80: {  	_ =	shalt  }
0x81: {  	_ =	shalt  }
0x82: {  	_ =	shalt  }
0x83: {  	_ =	shalt  }
0x84: {  	_ =	shalt  }
0x85: {  	_ =	shalt  }
0x86: {  	_ =	shalt  }
0x87: {  	_ =	shalt  }
.Lfunc_end0:
.L_simem_size_0:
called_computation.2_lowered:
.L_overlay_start_0:
0x88: {  	s2 =	sld [smem:$0x3FD9]  }
0x89: {  	s3 =	sld [smem:$0x3FFE];
	_ =	sdelay $0x1  }
0x8a: {  	s1 =	srdreg.scid  }
0x8b: {  	s0 =	sand.u32 $0x1, s1  }
0x8c: {  	s17 =	sshll.u32 s0, $0xA;
	s2 =	sadd.s32 s3, s2  }
0x8d: {  	s2 =	sadd.s32 s2, s17  }
0x8e: {  	[smem:$0x3FBF] =	sst s2  }
0x8f: {  	_ = 	snop  }
0x90: {  	s2 =	sld [smem:$0x3FD0];
	(tm) =	ssettm $0x1  }
0x91: {  	s18 =	sld [smem:$0x3FFB];
	_ =	sdelay $0x3  }
0x92: {  	_ =	strace s18  }
0x93: {  	s3 =	sld [smem:$0x3FFC];
	_ =	sdelay $0x3  }
0x94: {  	_ =	strace s3  }
0x95: {  	s3 =	sld [smem:$0x3FFD];
	_ =	sdelay $0x3  }
0x96: {  	_ =	strace s3  }
0x97: {  	_ =	strace $0x8FFFFFFF  }
0x98: {  	s19 =	sld [smem:$0x3FDB];
	_ =	sdelay $0x1  }
0x99: {  	s4 =	simm.s32 $_scs_section_size  }
0x9a: {  	s5 =	simm.s32 $_size__tile_overlayer_lowered;
	s6 =	simm.s32 $_tile_overlayer_lowered  }
0x9b: {  	s22 =	simm.s32 $0x1BFF;
	s21 =	sshll.u32 s6, $0x1;
	s3 =	sadd.s32 s4, s19  }
0x9c: {  	s7 =	simm.s32 $0x0;
	s20 =	sshll.u32 s5, $0x1;
	s5 =	sadd.s32 s21, s3  }
0x9d: {  	[timem:s7], [sflag:s22] =	dma.local [hbm:s5], s20  }
0x9e: {  	_ =	swait.ge [sflag:s22], s20  }
0x9f: {  	s4 =	ssub.s32 $0x0, s20;
	[sflag:s22] =	ssyncset.done $0x0  }
0xa0: {  	[sflag:s22] =	ssyncadd.s32 s4;
	_ =	sdelay $0x1  }
0xa1: {  	s23 =	simm.s32 $0x1B8B  }
0xa2: {  	_ =	swait.ge [sflag:s23], $0x1  }
0xa3: {  	[sflag:s23] =	ssyncset.done $0x0  }
0xa4: {  	s25 =	simm.s32 $0x1B8E;
	s24 =	sld [smem:$0x3FFE];
	[sflag:s23] =	ssyncadd.s32 $0xFFFFFFFF  }
0xa5: {  	s26 =	simm.s32 $execute0_lowered;
	[smem:$0x3FD2] =	sst s25  }
0xa6: {  	s5 =	sshll.u32 s26, $0x1;
	_ =	strace $0x8000004C;
	[dreg:$0x1] =	wrdreg $0xFFFFFFFF  }
0xa7: {  	s28 =	simm.s32 $_size_execute0_lowered;
	s3 =	sadd.s32 s3, s5;
	[dreg:$0x0] =	wrdreg $0x0  }
0xa8: {  	s5 =	sshll.u32 s28, $0x1;
	[dreg:$0x2] =	wrdreg s3  }
0xa9: {  	[dreg:$0x3] =	wrdreg s5  }
0xaa: {  	[dreg:$0x4] =	wrdreg $0xC0  }
0xab: {  	_ =	task [dreg:s7], $0x5FFFF  }
0xac: {  	[dreg:$0x1] =	wrdreg $0xFFFFFFFF  }
0xad: {  	[dreg:$0x0] =	wrdreg $0x60  }
0xae: {  	[dreg:$0x2] =	wrdreg s24  }
0xaf: {  	[dreg:$0x3] =	wrdreg s2  }
0xb0: {  	[dreg:$0x4] =	wrdreg $0x0  }
0xb1: {  	[dreg:$0x5] =	wrdreg $0x4F000  }
0xb2: {  	[dreg:$0x6] =	wrdreg $0x27800  }
0xb3: {  	[dreg:$0x7] =	wrdreg $0x76800  }
0xb4: {  	[dreg:$0x8] =	wrdreg $0x9  }
0xb5: {  	_ =	task.clear_ibuf [dreg:s7], $0x9FFFF;
	_ =	strace $0x9000004C  }
0xb6: {  	s29 =	simm.s32 $0x9;
	_ =	strace $0x8000004E  }
0xb7: {  	_ =	swait.ge [sflag:s29], $0x1  }
0xb8: {  	[sflag:s29] =	ssyncadd.s32 $0xFFFFFFFF  }
0xb9: {  	_ =	strace $0x9000004E  }
0xba: {  	_ =	sfence  }
0xbb: {  	s30 =	sld [smem:$0x0];
	_ =	sdelay $0x2  }
0xbc: {  	s31 =	sshll.u32 s1, $0xD;
	s1 =	sshrl.u32 s1, $0x2  }
0xbd: {  	s3 =	sand.u32 $0x4000, s31;
	s1 =	sadd.s32 s1, s30  }
0xbe: {  	s0 =	sor.u32 s3, s0;
	s1 =	sshll.u32 s1, $0x11  }
0xbf: {  	s0 =	sor.u32 s1, s0  }
0xc0: {  	s0 =	sadd.s32 $0x8F2B, s0  }
0xc1: {  	[sflag:s0] =	ssyncadd.remote.s32 $0x1  }
0xc2: {  	_ =	sfence.sel $0xFFFF  }
0xc3: {  	[dreg:$0x0] =	wrdreg $0xFFFFFFFF;
	(pc) =	sbr.abs _section_cstart, $3  }
0xc4: {  	[dreg:$0x1] =	wrdreg $0xFFFFFFFF  }
0xc5: {  	_ =	task.clear_ibuf [dreg:s7], $0x2FFFF;
	_ =	strace $0x9FFFFFFF  }
0xc6: {  	(tm) =	ssettm $0x7FFFFFFF  }
0xc7: {  	_ =	shalt  }
tec
execute0_lowered:
.L_overlay_start_1:
0x0: {  	(tag) =	ssettag $0x1  }
0x1: {  	s0 =	rddreg [dreg:$0x0]  }
0x2: {  	s1 =	rddreg [dreg:$0x1]  }
0x3: {  	s4 =	rddreg [dreg:$0x2]  }
0x4: {  	s2 =	rddreg [dreg:$0x3]  }
0x5: {  	s8 =	rddreg [dreg:$0x4]  }
0x6: {  	s3 =	rddreg [dreg:$0x5];
	s17 =	stileid.u32;
	s6 =	simm.s32 $0x0  }
0x7: {  	s5 =	srdreg.scid;
	s19 =	simm.s32 $0x9E00;
	s28 =	simm.s32 $0x1  }
0x8: {  	s29 =	simm.s32 $0xA080;
	s30 =	simm.s32 $0x2;
	s9 =	smul.u32 $0x2780, s17  }
0x9: {  	s31 =	simm.s32 $0x3;
	[smem:$0x7FF] =	sst s6;
	s10 =	smul.u32 $0xA00, s17  }
0xa: {  	s7 =	sand.u32 $0x1, s5;
	s5 =	sadd.s32 $0x3CAC00, s0;
	s6 =	sadd.s32 $0x7C00, s0  }
0xb: {  	s26 =	sshll.u32 s17, $0x6;
	_ =	strace $0x8000004D;
	s11 =	smul.u32 $0x27800, s7  }
0xc: {  	s13 =	smul.u32 $0x1DA000, s7;
	s15 =	ssub.s32 $0x2, s7;
	s20 =	sshrl.u32 s9, $0x3  }
0xd: {  	s14 =	sadd.s32 s10, s0;
	s21 =	sshrl.u32 s15, $0x1;
	s1 =	sadd.s32 s1, s10  }
0xe: {  	s16 =	sadd.s32 s9, s3;
	s10 =	simm.s32 $0x0;
	s12 =	sadd.s32 s20, s0  }
0xf: {  	s11 =	sadd.s32 s9, s11;
	s7 =	sadd.s32 s9, s13;
	[dreg:$0x7] =	wrdreg s1  }
0x10: {  	s23 =	sadd.s32 $0xCC00, s14;
	s14 =	sadd.s32 s9, s2;
	s20 =	simm.s32 $0x5  }
0x11: {  	s11 =	sshrl.u32 s11, $0x3;
	s13 =	sshrl.u32 s7, $0x3;
	[dreg:$0x9] =	wrdreg s23  }
0x12: {  	s24 =	sadd.s32 $0x2C00, s12;
	s23 =	simm.s32 $0x13E00;
	s0 =	sadd.s32 s11, s0  }
0x13: {  	s11 =	ssub.s32 s15, s21;
	s22 =	sadd.s32 s5, s13;
	[dreg:$0xa] =	wrdreg s24  }
0x14: {  	s13 =	sadd.s32 s9, s4;
	s4 =	simm.s32 $0x0;
	s15 =	sadd.s32 s9, s8  }
0x15: {  	s21 =	simm.s32 $0xEE00;
	[dreg:$0x8] =	wrdreg s22;
	s1 =	sadd.s32 $0x36500, s22  }
0x16: {  	s24 =	simm.s32 $0x16600;
	s0 =	sadd.s32 $0x16C00, s0;
	[dreg:$0xb] =	wrdreg s1  }
0x17: {  	s8 =	simm.s32 $0x1B580;
	s25 =	smax.u32 s11, $0x1;
	[dreg:$0xc] =	wrdreg s0  }
0x18: {  	s22 =	simm.s32 $0x4;
	[dreg:$0xd] =	wrdreg s25;
	s25 =	sor.u32 $0x1C05, s26  }
0x19: {  	s26 =	simm.s32 $0x280;
	s0 =	simm.s32 $0xA300;
	s1 =	simm.s32 $0xF080  }
.LBB2_1:
0x1a: {  	s9 =	rddreg [dreg:$0x7]  }
0x1b: {  	[tilespmem:s19], [sflag:$0x5] =	stream.linear.gather [hbm4b:s9+s4], $0x5000, $0x38;
	[tilespmem:$0x1DD00] =	vst v63  }
0x1c: {  	_ =	swait.ge [sflag:s20], $0x5000  }
0x1d: {  	[sflag:s20] =	ssyncset.done $0x0  }
0x1e: {  	s12 =	rddreg [dreg:$0x9];
	[sflag:s20] =	ssyncadd.s32 $0xFFFFB000  }
0x1f: {  	[tilespmem:s21], [sflag:$0x5] =	stream.linear.gather [hbm4b:s12+s4], $0x5000, $0x38;
	[tilespmem:$0x1DD00] =	vst v63  }
0x20: {  	_ =	swait.ge [sflag:s20], $0x5000  }
0x21: {  	[sflag:s20] =	ssyncset.done $0x0  }
0x22: {  	s11 =	simm.s32 $0x18E00;
	s17 =	rddreg [dreg:$0xa];
	[sflag:s20] =	ssyncadd.s32 $0xFFFFB000  }
0x23: {  	[tilespmem:s11], [sflag:$0x5] =	stream.linear.gather [hbm4b:s17+s4], $0x2780, $0x38;
	[tilespmem:$0x1DD00] =	vst v63  }
0x24: {  	_ =	swait.ge [sflag:s20], $0x2780  }
0x25: {  	[sflag:s20] =	ssyncset.done $0x0  }
0x26: {  	s18 =	rddreg [dreg:$0xb];
	[sflag:s20] =	ssyncadd.s32 $0xFFFFD880  }
0x27: {  	[tilespmem:s23], [sflag:$0x5] =	stream.linear.gather [hbm4b:s18+s4], $0x2780, $0x38;
	[tilespmem:$0x1DD00] =	vst v63  }
0x28: {  	_ =	swait.ge [sflag:s20], $0x2780  }
0x29: {  	[sflag:s20] =	ssyncset.done $0x0  }
0x2a: {  	s4 =	simm.s32 $0x0;
	[sflag:s20] =	ssyncadd.s32 $0xFFFFD880  }
0x2b: {  	v0 =	vld [tilespmem:s4+$0x13E00]  }
0x2c: {  	s9 =	simm.s32 $0x40;
	v1 =	vld [tilespmem:s4+$0x18E00]  }
.LBB2_2:
0x2d: {  	_ = 	snop  }
0x2e: {  	p0 =	sne.s32 s9, $0x9DC0  }
.Ltmp0:
0x2f: {  	_ = 	snop;
	(pc) =	sbr.rel @p0 .LBB2_2-.Ltmp0, $4  }
0x30: {  	_ = 	snop  }
0x31: {  	s11 =	sshra.s32 s9, $0x2;
	v2 =	vmul.f32 v1, v0  }
0x32: {  	v0 =	vld [tilespmem:s11+$0x13E00]  }
0x33: {  	s9 =	sadd.s32 $0x40, s9;
	v1 =	vld [tilespmem:s11+$0x18E00];
	[tilespmem:s4+$0x16600] =	vst v2;
	s4 =	smov.u32 s11  }
0x34: {  	_ =	sdelay $0x3  }
0x35: {  	v0 =	vmul.f32 v1, v0;
	_ =	sdelay $0x1  }
0x36: {  	[tilespmem:s4+$0x16600] =	vst v0  }
0x37: {  	[spmem:s13] =	stream.linear.scatter [tilespmem:s23], [sflag:$0x5], $0x2780, $0x38;
	[tilespmem:$0x1DD00] =	vst v63  }
0x38: {  	_ =	swait.ge [sflag:s20], $0x2780  }
0x39: {  	[sflag:s20] =	ssyncset.done $0x0  }
0x3a: {  	[sflag:s20] =	ssyncadd.s32 $0xFFFFD880  }
0x3b: {  	[spmem:s14] =	stream.linear.scatter [tilespmem:s24], [sflag:$0x5], $0x2780, $0x38;
	[tilespmem:$0x1DD00] =	vst v63  }
0x3c: {  	_ =	swait.ge [sflag:s20], $0x2780  }
0x3d: {  	[sflag:s20] =	ssyncset.done $0x0  }
0x3e: {  	s18 =	sshrl.u32 s15, $0x3;
	[sflag:s20] =	ssyncadd.s32 $0xFFFFD880  }
0x3f: {  	[spmem:s18], [sflag:s25] =	dma.local [hbm:s6], $0x4F0  }
0x40: {  	_ =	swait.ge [sflag:s20], $0x4F0  }
0x41: {  	[sflag:s20] =	ssyncset.done $0x0  }
0x42: {  	s11 =	sshrl.u32 s16, $0x3;
	[sflag:s20] =	ssyncadd.s32 $0xFFFFFB10  }
0x43: {  	[spmem:s11], [sflag:s25] =	dma.local [hbm:s6], $0x4F0  }
0x44: {  	_ =	swait.ge [sflag:s20], $0x4F0  }
0x45: {  	[sflag:s20] =	ssyncset.done $0x0  }
0x46: {  	[sflag:s20] =	ssyncadd.s32 $0xFFFFFB10  }
0x47: {  	s12 =	simm.s32 $0x0;
	[bflag:$0x0] =	sbarrier.arrive $0xFFFF  }
.LBB2_4:
0x48: {  	[tilespmem:s23], [sflag:$0x1] =	stream.indirect.gather [spmem:s2], $0x10, s19, s26, $0xb8;
	[tilespmem:$0x1DD00] =	vst v63  }
0x49: {  	_ =	swait.ge [sflag:s28], $0x2800  }
0x4a: {  	[sflag:s28] =	ssyncset.done $0x0  }
0x4b: {  	[sflag:s28] =	ssyncadd.s32 $0xFFFFD800  }
0x4c: {  	[tilespmem:s24], [sflag:$0x2] =	stream.indirect.gather [spmem:s2], $0x10, s29, s26, $0xb8;
	[tilespmem:$0x1DD00] =	vst v63  }
0x4d: {  	_ = 	snop  }
0x4e: {  	[spmem:s3] =	stream.indirect.scatter.add.f32 [tilespmem:s23], [sflag:$0x3], $0x10, s21, s26, $0xb8;
	[tilespmem:$0x1DD00] =	vst v63  }
0x4f: {  	_ =	swait.ge [sflag:s30], $0x2800  }
0x50: {  	[sflag:s30] =	ssyncset.done $0x0  }
0x51: {  	[sflag:s30] =	ssyncadd.s32 $0xFFFFD800  }
0x52: {  	_ =	swait.ge [sflag:s31], $0x2800  }
0x53: {  	[sflag:s31] =	ssyncset.done $0x0  }
0x54: {  	[sflag:s31] =	ssyncadd.s32 $0xFFFFD800  }
0x55: {  	[tilespmem:s23], [sflag:$0x1] =	stream.indirect.gather [spmem:s2], $0x10, s0, s26, $0xb8;
	[tilespmem:$0x1DD00] =	vst v63  }
0x56: {  	s9 =	simm.s32 $0x0  }
0x57: {  	[spmem:s3] =	stream.indirect.scatter.add.f32 [tilespmem:s24], [sflag:$0x4], $0x10, s1, s26, $0xb8;
	[tilespmem:$0x1DD00] =	vst v63  }
.LBB2_5:
0x58: {  	_ =	swait.ge [sflag:s28], $0x2800  }
0x59: {  	[sflag:s28] =	ssyncset.done $0x0  }
0x5a: {  	[sflag:s28] =	ssyncadd.s32 $0xFFFFD800  }
0x5b: {  	_ =	swait.ge [sflag:s22], $0x2800  }
0x5c: {  	s4 =	sshra.s32 s9, $0x2;
	[sflag:s22] =	ssyncset.done $0x0  }
0x5d: {  	s17 =	sadd.s32 $0xA580, s4;
	[sflag:s22] =	ssyncadd.s32 $0xFFFFD800  }
0x5e: {  	[tilespmem:s24], [sflag:$0x2] =	stream.indirect.gather [spmem:s2], $0x10, s17, s26, $0xb8;
	[tilespmem:$0x1DD00] =	vst v63  }
0x5f: {  	s18 =	sadd.s32 $0xF300, s4  }
0x60: {  	[spmem:s3] =	stream.indirect.scatter.add.f32 [tilespmem:s23], [sflag:$0x3], $0x10, s18, s26, $0xb8;
	[tilespmem:$0x1DD00] =	vst v63  }
0x61: {  	p0 =	sne.s32 s9, $0x11800;
	_ =	swait.ge [sflag:s30], $0x2800  }
.Ltmp1:
0x62: {  	[sflag:s30] =	ssyncset.done $0x0;
	(pc) =	sbr.rel @!p0 .LBB2_6-.Ltmp1, $4  }
0x63: {  	[sflag:s30] =	ssyncadd.s32 $0xFFFFD800  }
0x64: {  	_ =	swait.ge [sflag:s31], $0x2800  }
0x65: {  	[sflag:s31] =	ssyncset.done $0x0  }
0x66: {  	[sflag:s31] =	ssyncadd.s32 $0xFFFFD800  }
0x67: {  	s9 =	sadd.s32 $0x1400, s9  }
0x68: {  	p0 =	sne.s32 s9, $0x12C00  }
.Ltmp2:
0x69: {  	_ = 	snop;
	(pc) =	sbr.rel @p0 .LBB2_5-.Ltmp2, $4  }
.Ltmp3:
0x6a: {  	s17 =	sadd.s32 $0xA800, s4;
	(pc) =	sbr.rel @!p0 .LBB2_8-.Ltmp3, $4  }
0x6b: {  	[tilespmem:s23], [sflag:$0x1] =	stream.indirect.gather [spmem:s2], $0x10, s17, s26, $0xb8;
	[tilespmem:$0x1DD00] =	vst v63  }
0x6c: {  	s18 =	sadd.s32 $0xF580, s4  }
0x6d: {  	[spmem:s3] =	stream.indirect.scatter.add.f32 [tilespmem:s24], [sflag:$0x4], $0x10, s18, s26, $0xb8;
	[tilespmem:$0x1DD00] =	vst v63  }
0x6e: {  	_ = 	snop  }
.LBB2_6:
0x6f: {  	s4 =	sadd.s32 $0xF580, s4  }
0x70: {  	[spmem:s3] =	stream.indirect.scatter.add.f32 [tilespmem:s24], [sflag:$0x4], $0x10, s4, s26, $0xb8;
	[tilespmem:$0x1DD00] =	vst v63  }
.LBB2_8:
0x71: {  	s17 =	sshll.u32 s12, $0x1  }
0x72: {  	s4 =	ssub.s32 $0xA, s17  }
0x73: {  	s4 =	smul.u32 $0x27800, s4  }
0x74: {  	_ =	swait.ge [sflag:s22], $0x2800  }
0x75: {  	[sflag:s22] =	ssyncset.done $0x0;
	s4 =	sadd.s32 s4, s7  }
0x76: {  	[sflag:s22] =	ssyncadd.s32 $0xFFFFD800;
	s4 =	sshrl.u32 s4, $0x3  }
0x77: {  	s9 =	simm.s32 $0x0;
	[bflag:$0x0] =	sbarrier.arrive $0xFFFF;
	s4 =	sadd.s32 s5, s4  }
0x78: {  	[tilespmem:s23], [sflag:$0x5] =	stream.linear.gather [hbm4b:s4+s9], $0x2780, $0x38;
	[tilespmem:$0x1DD00] =	vst v63  }
0x79: {  	_ =	swait.ge [sflag:s20], $0x2780  }
0x7a: {  	[sflag:s20] =	ssyncset.done $0x0  }
0x7b: {  	[sflag:s20] =	ssyncadd.s32 $0xFFFFD880  }
0x7c: {  	[tilespmem:s24], [sflag:$0x5] =	stream.linear.gather [spmem:s16], $0x2780, $0x38;
	[tilespmem:$0x1DD00] =	vst v63  }
0x7d: {  	_ =	swait.ge [sflag:s20], $0x2780  }
0x7e: {  	[sflag:s20] =	ssyncset.done $0x0  }
0x7f: {  	[sflag:s20] =	ssyncadd.s32 $0xFFFFD880  }
0x80: {  	[tilespmem:s8], [sflag:$0x5] =	stream.linear.gather [spmem:s15], $0x2780, $0x38;
	[tilespmem:$0x1DD00] =	vst v63  }
0x81: {  	_ =	swait.ge [sflag:s20], $0x2780  }
0x82: {  	[sflag:s20] =	ssyncset.done $0x0  }
0x83: {  	s18 =	simm.s32 $0x0;
	[sflag:s20] =	ssyncadd.s32 $0xFFFFD880  }
0x84: {  	v0 =	vld [tilespmem:s18+$0x18E00];
	_ =	sdelay $0x1  }
0x85: {  	v1 =	vld [tilespmem:s18+$0x16600];
	_ =	sdelay $0x1  }
0x86: {  	v2 =	vld [tilespmem:s18+$0x13E00]  }
0x87: {  	v3 =	vadd.f32 v0, v0  }
0x88: {  	v4 =	vld [tilespmem:s18+$0x1B580]  }
0x89: {  	v1 =	vmul.f32 v1, v3;
	_ =	sdelay $0x1  }
0x8a: {  	v1 =	vsub.f32 v2, v1;
	_ =	sdelay $0x1  }
0x8b: {  	v1 =	vsub.f32 v1, v4;
	_ =	sdelay $0x1  }
0x8c: {  	s4 =	simm.s32 $0x10;
	s9 =	simm.s32 $0x80;
	[tilespmem:s18+$0x13E00] =	vst v1;
	v0 =	vmul.f32 v1, v0  }
.LBB2_9:
0x8d: {  	p0 =	sne.s32 s9, $0x9DC0;
	v1 =	vld [tilespmem:s4+$0x18E00]  }
0x8e: {  	[tilespmem:s18+$0x16600] =	vst v0;
	s18 =	smov.u32 s4  }
0x8f: {  	v0 =	vld [tilespmem:s18+$0x16600];
	_ =	sdelay $0x1  }
0x90: {  	v2 =	vld [tilespmem:s18+$0x13E00]  }
0x91: {  	v3 =	vadd.f32 v1, v1  }
0x92: {  	v4 =	vld [tilespmem:s18+$0x1B580]  }
0x93: {  	v0 =	vmul.f32 v0, v3;
	_ =	sdelay $0x1  }
.Ltmp4:
0x94: {  	v0 =	vsub.f32 v2, v0;
	(pc) =	sbr.rel @p0 .LBB2_9-.Ltmp4, $3  }
0x95: {  	_ = 	snop  }
0x96: {  	v0 =	vsub.f32 v0, v4;
	_ =	sdelay $0x1  }
0x97: {  	s4 =	sshra.s32 s9, $0x2;
	s9 =	sadd.s32 $0x40, s9;
	[tilespmem:s18+$0x13E00] =	vst v0;
	v0 =	vmul.f32 v0, v1  }
0x98: {  	v1 =	vld [tilespmem:s4+$0x18E00]  }
0x99: {  	[tilespmem:s18+$0x16600] =	vst v0  }
0x9a: {  	v0 =	vld [tilespmem:s4+$0x16600];
	_ =	sdelay $0x1  }
0x9b: {  	v2 =	vld [tilespmem:s4+$0x13E00]  }
0x9c: {  	v3 =	vadd.f32 v1, v1  }
0x9d: {  	v4 =	vld [tilespmem:s4+$0x1B580]  }
0x9e: {  	v0 =	vmul.f32 v0, v3;
	_ =	sdelay $0x1  }
0x9f: {  	v0 =	vsub.f32 v2, v0;
	_ =	sdelay $0x1  }
0xa0: {  	v0 =	vsub.f32 v0, v4;
	_ =	sdelay $0x1  }
0xa1: {  	v1 =	vmul.f32 v0, v1  }
0xa2: {  	[tilespmem:s4+$0x13E00] =	vst v0  }
0xa3: {  	[tilespmem:s4+$0x16600] =	vst v1  }
0xa4: {  	[spmem:s15] =	stream.linear.scatter [tilespmem:s23], [sflag:$0x5], $0x2780, $0x38;
	[tilespmem:$0x1DD00] =	vst v63  }
0xa5: {  	_ =	swait.ge [sflag:s20], $0x2780  }
0xa6: {  	[sflag:s20] =	ssyncset.done $0x0  }
0xa7: {  	[sflag:s20] =	ssyncadd.s32 $0xFFFFD880  }
0xa8: {  	[spmem:s14] =	stream.linear.scatter [tilespmem:s24], [sflag:$0x5], $0x2780, $0x38;
	[tilespmem:$0x1DD00] =	vst v63  }
0xa9: {  	_ =	swait.ge [sflag:s20], $0x2780  }
0xaa: {  	[sflag:s20] =	ssyncset.done $0x0  }
0xab: {  	[sflag:s20] =	ssyncadd.s32 $0xFFFFD880  }
0xac: {  	[spmem:s11], [sflag:s25] =	dma.local [hbm:s6], $0x4F0  }
0xad: {  	_ =	swait.ge [sflag:s20], $0x4F0  }
0xae: {  	[sflag:s20] =	ssyncset.done $0x0  }
0xaf: {  	[sflag:s20] =	ssyncadd.s32 $0xFFFFFB10  }
0xb0: {  	[bflag:$0x0] =	sbarrier.arrive $0xFFFF  }
0xb1: {  	[tilespmem:s23], [sflag:$0x1] =	stream.indirect.gather [spmem:s2], $0x10, s19, s26, $0xb8;
	[tilespmem:$0x1DD00] =	vst v63  }
0xb2: {  	_ =	swait.ge [sflag:s28], $0x2800  }
0xb3: {  	[sflag:s28] =	ssyncset.done $0x0  }
0xb4: {  	[sflag:s28] =	ssyncadd.s32 $0xFFFFD800  }
0xb5: {  	[tilespmem:s24], [sflag:$0x2] =	stream.indirect.gather [spmem:s2], $0x10, s29, s26, $0xb8;
	[tilespmem:$0x1DD00] =	vst v63  }
0xb6: {  	_ = 	snop  }
0xb7: {  	[spmem:s3] =	stream.indirect.scatter.add.f32 [tilespmem:s23], [sflag:$0x3], $0x10, s21, s26, $0xb8;
	[tilespmem:$0x1DD00] =	vst v63  }
0xb8: {  	_ =	swait.ge [sflag:s30], $0x2800  }
0xb9: {  	[sflag:s30] =	ssyncset.done $0x0  }
0xba: {  	[sflag:s30] =	ssyncadd.s32 $0xFFFFD800  }
0xbb: {  	_ =	swait.ge [sflag:s31], $0x2800  }
0xbc: {  	[sflag:s31] =	ssyncset.done $0x0  }
0xbd: {  	[sflag:s31] =	ssyncadd.s32 $0xFFFFD800  }
0xbe: {  	[tilespmem:s23], [sflag:$0x1] =	stream.indirect.gather [spmem:s2], $0x10, s0, s26, $0xb8;
	[tilespmem:$0x1DD00] =	vst v63  }
0xbf: {  	s9 =	simm.s32 $0x0  }
0xc0: {  	[spmem:s3] =	stream.indirect.scatter.add.f32 [tilespmem:s24], [sflag:$0x4], $0x10, s1, s26, $0xb8;
	[tilespmem:$0x1DD00] =	vst v63  }
.LBB2_11:
0xc1: {  	_ =	swait.ge [sflag:s28], $0x2800  }
0xc2: {  	[sflag:s28] =	ssyncset.done $0x0  }
0xc3: {  	[sflag:s28] =	ssyncadd.s32 $0xFFFFD800  }
0xc4: {  	_ =	swait.ge [sflag:s22], $0x2800  }
0xc5: {  	s4 =	sshra.s32 s9, $0x2;
	[sflag:s22] =	ssyncset.done $0x0  }
0xc6: {  	s18 =	sadd.s32 $0xA580, s4;
	[sflag:s22] =	ssyncadd.s32 $0xFFFFD800  }
0xc7: {  	[tilespmem:s24], [sflag:$0x2] =	stream.indirect.gather [spmem:s2], $0x10, s18, s26, $0xb8;
	[tilespmem:$0x1DD00] =	vst v63  }
0xc8: {  	s18 =	sadd.s32 $0xF300, s4  }
0xc9: {  	[spmem:s3] =	stream.indirect.scatter.add.f32 [tilespmem:s23], [sflag:$0x3], $0x10, s18, s26, $0xb8;
	[tilespmem:$0x1DD00] =	vst v63  }
0xca: {  	p0 =	sne.s32 s9, $0x11800;
	_ =	swait.ge [sflag:s30], $0x2800  }
.Ltmp5:
0xcb: {  	[sflag:s30] =	ssyncset.done $0x0;
	(pc) =	sbr.rel @!p0 .LBB2_12-.Ltmp5, $4  }
0xcc: {  	[sflag:s30] =	ssyncadd.s32 $0xFFFFD800  }
0xcd: {  	_ =	swait.ge [sflag:s31], $0x2800  }
0xce: {  	[sflag:s31] =	ssyncset.done $0x0  }
0xcf: {  	[sflag:s31] =	ssyncadd.s32 $0xFFFFD800  }
0xd0: {  	s9 =	sadd.s32 $0x1400, s9  }
0xd1: {  	p0 =	sne.s32 s9, $0x12C00  }
.Ltmp6:
0xd2: {  	_ = 	snop;
	(pc) =	sbr.rel @p0 .LBB2_11-.Ltmp6, $4  }
.Ltmp7:
0xd3: {  	s18 =	sadd.s32 $0xA800, s4;
	(pc) =	sbr.rel @!p0 .LBB2_14-.Ltmp7, $4  }
0xd4: {  	[tilespmem:s23], [sflag:$0x1] =	stream.indirect.gather [spmem:s2], $0x10, s18, s26, $0xb8;
	[tilespmem:$0x1DD00] =	vst v63  }
0xd5: {  	s18 =	sadd.s32 $0xF580, s4  }
0xd6: {  	[spmem:s3] =	stream.indirect.scatter.add.f32 [tilespmem:s24], [sflag:$0x4], $0x10, s18, s26, $0xb8;
	[tilespmem:$0x1DD00] =	vst v63  }
0xd7: {  	_ = 	snop  }
.LBB2_12:
0xd8: {  	s4 =	sadd.s32 $0xF580, s4  }
0xd9: {  	[spmem:s3] =	stream.indirect.scatter.add.f32 [tilespmem:s24], [sflag:$0x4], $0x10, s4, s26, $0xb8;
	[tilespmem:$0x1DD00] =	vst v63  }
.LBB2_14:
0xda: {  	s4 =	ssub.s32 $0x9, s17  }
0xdb: {  	s4 =	smul.u32 $0x27800, s4  }
0xdc: {  	_ =	swait.ge [sflag:s22], $0x2800  }
0xdd: {  	[sflag:s22] =	ssyncset.done $0x0;
	s4 =	sadd.s32 s4, s7  }
0xde: {  	[sflag:s22] =	ssyncadd.s32 $0xFFFFD800;
	s4 =	sshrl.u32 s4, $0x3  }
0xdf: {  	s9 =	simm.s32 $0x0;
	[bflag:$0x0] =	sbarrier.arrive $0xFFFF;
	s4 =	sadd.s32 s5, s4  }
0xe0: {  	[tilespmem:s23], [sflag:$0x5] =	stream.linear.gather [hbm4b:s4+s9], $0x2780, $0x38;
	[tilespmem:$0x1DD00] =	vst v63  }
0xe1: {  	_ =	swait.ge [sflag:s20], $0x2780  }
0xe2: {  	[sflag:s20] =	ssyncset.done $0x0  }
0xe3: {  	[sflag:s20] =	ssyncadd.s32 $0xFFFFD880  }
0xe4: {  	[tilespmem:s24], [sflag:$0x5] =	stream.linear.gather [spmem:s16], $0x2780, $0x38;
	[tilespmem:$0x1DD00] =	vst v63  }
0xe5: {  	_ =	swait.ge [sflag:s20], $0x2780  }
0xe6: {  	[sflag:s20] =	ssyncset.done $0x0  }
0xe7: {  	[sflag:s20] =	ssyncadd.s32 $0xFFFFD880  }
0xe8: {  	[tilespmem:s8], [sflag:$0x5] =	stream.linear.gather [spmem:s13], $0x2780, $0x38;
	[tilespmem:$0x1DD00] =	vst v63  }
0xe9: {  	_ =	swait.ge [sflag:s20], $0x2780  }
0xea: {  	[sflag:s20] =	ssyncset.done $0x0  }
0xeb: {  	s17 =	simm.s32 $0x0;
	[sflag:s20] =	ssyncadd.s32 $0xFFFFD880  }
0xec: {  	v0 =	vld [tilespmem:s17+$0x18E00];
	_ =	sdelay $0x1  }
0xed: {  	v1 =	vld [tilespmem:s17+$0x16600];
	_ =	sdelay $0x1  }
0xee: {  	v2 =	vld [tilespmem:s17+$0x13E00]  }
0xef: {  	v3 =	vadd.f32 v0, v0  }
0xf0: {  	v4 =	vld [tilespmem:s17+$0x1B580]  }
0xf1: {  	v1 =	vmul.f32 v1, v3;
	_ =	sdelay $0x1  }
0xf2: {  	v1 =	vsub.f32 v2, v1;
	_ =	sdelay $0x1  }
0xf3: {  	v1 =	vsub.f32 v1, v4;
	_ =	sdelay $0x1  }
0xf4: {  	s4 =	simm.s32 $0x10;
	s9 =	simm.s32 $0x80;
	[tilespmem:s17+$0x13E00] =	vst v1;
	v0 =	vmul.f32 v1, v0  }
.LBB2_15:
0xf5: {  	p0 =	sne.s32 s9, $0x9DC0;
	v1 =	vld [tilespmem:s4+$0x18E00]  }
0xf6: {  	[tilespmem:s17+$0x16600] =	vst v0;
	s17 =	smov.u32 s4  }
0xf7: {  	v0 =	vld [tilespmem:s17+$0x16600];
	_ =	sdelay $0x1  }
0xf8: {  	v2 =	vld [tilespmem:s17+$0x13E00]  }
0xf9: {  	v3 =	vadd.f32 v1, v1  }
0xfa: {  	v4 =	vld [tilespmem:s17+$0x1B580]  }
0xfb: {  	v0 =	vmul.f32 v0, v3;
	_ =	sdelay $0x1  }
.Ltmp8:
0xfc: {  	v0 =	vsub.f32 v2, v0;
	(pc) =	sbr.rel @p0 .LBB2_15-.Ltmp8, $3  }
0xfd: {  	_ = 	snop  }
0xfe: {  	v0 =	vsub.f32 v0, v4;
	_ =	sdelay $0x1  }
0xff: {  	s4 =	sshra.s32 s9, $0x2;
	s9 =	sadd.s32 $0x40, s9;
	[tilespmem:s17+$0x13E00] =	vst v0;
	v0 =	vmul.f32 v0, v1  }
0x100: {  	v1 =	vld [tilespmem:s4+$0x18E00]  }
0x101: {  	[tilespmem:s17+$0x16600] =	vst v0  }
0x102: {  	v0 =	vld [tilespmem:s4+$0x16600];
	_ =	sdelay $0x1  }
0x103: {  	v2 =	vld [tilespmem:s4+$0x13E00]  }
0x104: {  	v3 =	vadd.f32 v1, v1  }
0x105: {  	v4 =	vld [tilespmem:s4+$0x1B580]  }
0x106: {  	v0 =	vmul.f32 v0, v3;
	_ =	sdelay $0x1  }
0x107: {  	v0 =	vsub.f32 v2, v0;
	_ =	sdelay $0x1  }
0x108: {  	v0 =	vsub.f32 v0, v4;
	_ =	sdelay $0x1  }
0x109: {  	v1 =	vmul.f32 v0, v1  }
0x10a: {  	[tilespmem:s4+$0x13E00] =	vst v0  }
0x10b: {  	[tilespmem:s4+$0x16600] =	vst v1  }
0x10c: {  	[spmem:s13] =	stream.linear.scatter [tilespmem:s23], [sflag:$0x5], $0x2780, $0x38;
	[tilespmem:$0x1DD00] =	vst v63  }
0x10d: {  	_ =	swait.ge [sflag:s20], $0x2780  }
0x10e: {  	[sflag:s20] =	ssyncset.done $0x0  }
0x10f: {  	[sflag:s20] =	ssyncadd.s32 $0xFFFFD880  }
0x110: {  	[spmem:s14] =	stream.linear.scatter [tilespmem:s24], [sflag:$0x5], $0x2780, $0x38;
	[tilespmem:$0x1DD00] =	vst v63  }
0x111: {  	_ =	swait.ge [sflag:s20], $0x2780  }
0x112: {  	s12 =	sadd.s32 $0x1, s12;
	[sflag:s20] =	ssyncset.done $0x0  }
0x113: {  	p0 =	sne.s32 s12, $0x5;
	[sflag:s20] =	ssyncadd.s32 $0xFFFFD880  }
0x114: {  	[spmem:s11], [sflag:s25] =	dma.local [hbm:s6], $0x4F0  }
.Ltmp9:
0x115: {  	_ =	swait.ge [sflag:s20], $0x4F0;
	(pc) =	sbr.rel @p0 .LBB2_4-.Ltmp9, $3  }
0x116: {  	[sflag:s20] =	ssyncset.done $0x0  }
0x117: {  	[sflag:s20] =	ssyncadd.s32 $0xFFFFFB10  }
0x118: {  	[bflag:$0x0] =	sbarrier.arrive $0xFFFF;
	_ =	sdelay $0x1  }
0x119: {  	[tilespmem:s23], [sflag:$0x1] =	stream.indirect.gather [spmem:s2], $0x10, s19, s26, $0xb8;
	[tilespmem:$0x1DD00] =	vst v63  }
0x11a: {  	_ =	swait.ge [sflag:s28], $0x2800  }
0x11b: {  	[sflag:s28] =	ssyncset.done $0x0  }
0x11c: {  	[sflag:s28] =	ssyncadd.s32 $0xFFFFD800  }
0x11d: {  	[tilespmem:s24], [sflag:$0x2] =	stream.indirect.gather [spmem:s2], $0x10, s29, s26, $0xb8;
	[tilespmem:$0x1DD00] =	vst v63  }
0x11e: {  	_ = 	snop  }
0x11f: {  	[spmem:s3] =	stream.indirect.scatter.add.f32 [tilespmem:s23], [sflag:$0x3], $0x10, s21, s26, $0xb8;
	[tilespmem:$0x1DD00] =	vst v63  }
0x120: {  	_ =	swait.ge [sflag:s30], $0x2800  }
0x121: {  	[sflag:s30] =	ssyncset.done $0x0  }
0x122: {  	[sflag:s30] =	ssyncadd.s32 $0xFFFFD800  }
0x123: {  	_ =	swait.ge [sflag:s31], $0x2800  }
0x124: {  	[sflag:s31] =	ssyncset.done $0x0  }
0x125: {  	[sflag:s31] =	ssyncadd.s32 $0xFFFFD800  }
0x126: {  	[tilespmem:s23], [sflag:$0x1] =	stream.indirect.gather [spmem:s2], $0x10, s0, s26, $0xb8;
	[tilespmem:$0x1DD00] =	vst v63  }
0x127: {  	s9 =	simm.s32 $0x0  }
0x128: {  	[spmem:s3] =	stream.indirect.scatter.add.f32 [tilespmem:s24], [sflag:$0x4], $0x10, s1, s26, $0xb8;
	[tilespmem:$0x1DD00] =	vst v63  }
.LBB2_18:
0x129: {  	_ =	swait.ge [sflag:s28], $0x2800  }
0x12a: {  	[sflag:s28] =	ssyncset.done $0x0  }
0x12b: {  	[sflag:s28] =	ssyncadd.s32 $0xFFFFD800  }
0x12c: {  	_ =	swait.ge [sflag:s22], $0x2800  }
0x12d: {  	s4 =	sshra.s32 s9, $0x2;
	[sflag:s22] =	ssyncset.done $0x0  }
0x12e: {  	s11 =	sadd.s32 $0xA580, s4;
	[sflag:s22] =	ssyncadd.s32 $0xFFFFD800  }
0x12f: {  	[tilespmem:s24], [sflag:$0x2] =	stream.indirect.gather [spmem:s2], $0x10, s11, s26, $0xb8;
	[tilespmem:$0x1DD00] =	vst v63  }
0x130: {  	s18 =	sadd.s32 $0xF300, s4  }
0x131: {  	[spmem:s3] =	stream.indirect.scatter.add.f32 [tilespmem:s23], [sflag:$0x3], $0x10, s18, s26, $0xb8;
	[tilespmem:$0x1DD00] =	vst v63  }
0x132: {  	p0 =	sne.s32 s9, $0x11800;
	_ =	swait.ge [sflag:s30], $0x2800  }
.Ltmp10:
0x133: {  	[sflag:s30] =	ssyncset.done $0x0;
	(pc) =	sbr.rel @!p0 .LBB2_19-.Ltmp10, $4  }
0x134: {  	[sflag:s30] =	ssyncadd.s32 $0xFFFFD800  }
0x135: {  	_ =	swait.ge [sflag:s31], $0x2800  }
0x136: {  	[sflag:s31] =	ssyncset.done $0x0  }
0x137: {  	[sflag:s31] =	ssyncadd.s32 $0xFFFFD800  }
0x138: {  	s9 =	sadd.s32 $0x1400, s9  }
0x139: {  	p0 =	sne.s32 s9, $0x12C00  }
.Ltmp11:
0x13a: {  	_ = 	snop;
	(pc) =	sbr.rel @p0 .LBB2_18-.Ltmp11, $4  }
.Ltmp12:
0x13b: {  	s11 =	sadd.s32 $0xA800, s4;
	(pc) =	sbr.rel @!p0 .LBB2_21-.Ltmp12, $4  }
0x13c: {  	[tilespmem:s23], [sflag:$0x1] =	stream.indirect.gather [spmem:s2], $0x10, s11, s26, $0xb8;
	[tilespmem:$0x1DD00] =	vst v63  }
0x13d: {  	s18 =	sadd.s32 $0xF580, s4  }
0x13e: {  	[spmem:s3] =	stream.indirect.scatter.add.f32 [tilespmem:s24], [sflag:$0x4], $0x10, s18, s26, $0xb8;
	[tilespmem:$0x1DD00] =	vst v63  }
0x13f: {  	_ = 	snop  }
.LBB2_19:
0x140: {  	s4 =	sadd.s32 $0xF580, s4  }
0x141: {  	[spmem:s3] =	stream.indirect.scatter.add.f32 [tilespmem:s24], [sflag:$0x4], $0x10, s4, s26, $0xb8;
	[tilespmem:$0x1DD00] =	vst v63  }
.LBB2_21:
0x142: {  	_ =	swait.ge [sflag:s22], $0x2800  }
0x143: {  	[sflag:s22] =	ssyncset.done $0x0  }
0x144: {  	[sflag:s22] =	ssyncadd.s32 $0xFFFFD800  }
0x145: {  	[bflag:$0x0] =	sbarrier.arrive $0xFFFF  }
0x146: {  	s4 =	simm.s32 $0x0;
	s9 =	rddreg [dreg:$0x8]  }
0x147: {  	[tilespmem:s23], [sflag:$0x5] =	stream.linear.gather [hbm4b:s9+s4], $0x2780, $0x38;
	[tilespmem:$0x1DD00] =	vst v63  }
0x148: {  	_ =	swait.ge [sflag:s20], $0x2780  }
0x149: {  	[sflag:s20] =	ssyncset.done $0x0  }
0x14a: {  	[sflag:s20] =	ssyncadd.s32 $0xFFFFD880  }
0x14b: {  	[tilespmem:s24], [sflag:$0x5] =	stream.linear.gather [spmem:s16], $0x2780, $0x38;
	[tilespmem:$0x1DD00] =	vst v63  }
0x14c: {  	_ =	swait.ge [sflag:s20], $0x2780  }
0x14d: {  	[sflag:s20] =	ssyncset.done $0x0  }
0x14e: {  	[sflag:s20] =	ssyncadd.s32 $0xFFFFD880  }
0x14f: {  	[tilespmem:s8], [sflag:$0x5] =	stream.linear.gather [spmem:s15], $0x2780, $0x38;
	[tilespmem:$0x1DD00] =	vst v63  }
0x150: {  	_ =	swait.ge [sflag:s20], $0x2780  }
0x151: {  	[sflag:s20] =	ssyncset.done $0x0  }
0x152: {  	s11 =	simm.s32 $0x0;
	[sflag:s20] =	ssyncadd.s32 $0xFFFFD880  }
0x153: {  	v0 =	vld [tilespmem:s11+$0x18E00]  }
0x154: {  	v1 =	vld [tilespmem:s11+$0x16600];
	_ =	sdelay $0x1  }
0x155: {  	v2 =	vld [tilespmem:s11+$0x13E00];
	_ =	sdelay $0x1  }
0x156: {  	v3 =	vld [tilespmem:s11+$0x1B580]  }
0x157: {  	v0 =	vmul.f32 v1, v0;
	_ =	sdelay $0x1  }
0x158: {  	v1 =	vsub.f32 v2, v0  }
0x159: {  	s9 =	simm.s32 $0x10  }
0x15a: {  	s4 =	simm.s32 $0x80;
	v0 =	vld [tilespmem:s9+$0x18E00];
	v1 =	vsub.f32 v1, v3  }
.LBB2_22:
0x15b: {  	p0 =	sne.s32 s4, $0x9DC0;
	v2 =	vld [tilespmem:s9+$0x16600]  }
0x15c: {  	[tilespmem:s11+$0x13E00] =	vst v1;
	s11 =	smov.u32 s9  }
0x15d: {  	v1 =	vld [tilespmem:s11+$0x13E00];
	_ =	sdelay $0x1  }
0x15e: {  	v3 =	vld [tilespmem:s11+$0x1B580]  }
.Ltmp13:
0x15f: {  	v0 =	vmul.f32 v2, v0;
	(pc) =	sbr.rel @p0 .LBB2_22-.Ltmp13, $4  }
0x160: {  	_ = 	snop  }
0x161: {  	v1 =	vsub.f32 v1, v0  }
0x162: {  	s9 =	sshra.s32 s4, $0x2  }
0x163: {  	s4 =	sadd.s32 $0x40, s4;
	v0 =	vld [tilespmem:s9+$0x18E00];
	v1 =	vsub.f32 v1, v3  }
0x164: {  	v2 =	vld [tilespmem:s9+$0x16600]  }
0x165: {  	[tilespmem:s11+$0x13E00] =	vst v1  }
0x166: {  	v1 =	vld [tilespmem:s9+$0x13E00];
	_ =	sdelay $0x1  }
0x167: {  	v3 =	vld [tilespmem:s9+$0x1B580]  }
0x168: {  	v0 =	vmul.f32 v2, v0;
	_ =	sdelay $0x1  }
0x169: {  	v0 =	vsub.f32 v1, v0;
	_ =	sdelay $0x1  }
0x16a: {  	v0 =	vsub.f32 v0, v3;
	_ =	sdelay $0x1  }
0x16b: {  	s4 =	simm.s32 $0x0;
	s17 =	rddreg [dreg:$0xc];
	[tilespmem:s9+$0x13E00] =	vst v0  }
0x16c: {  	[hbm4b:s17+s4] =	stream.linear.scatter [tilespmem:s23], [sflag:$0x5], $0x2780, $0x38;
	[tilespmem:$0x1DD00] =	vst v63  }
0x16d: {  	_ =	swait.ge [sflag:s20], $0x2780  }
0x16e: {  	s10 =	sadd.s32 $0x1, s10;
	s18 =	rddreg [dreg:$0xd]  }
0x16f: {  	p0 =	sne.s32 s10, s18  }
.Ltmp14:
0x170: {  	_ = 	snop;
	(pc) =	sbr.rel @p0 .LBB2_1-.Ltmp14, $3  }
0x171: {  	_ =	sdelay $0x1  }
0x172: {  	[sflag:s20] =	ssyncset.done $0x0  }
0x173: {  	[sflag:s20] =	ssyncadd.s32 $0xFFFFD880  }
0x174: {  	_ =	sfence.sel $0x180000  }
0x175: {  	[bflag:$0x0] =	sbarrier.arrive $0xFFFF  }
0x176: {  	_ =	strace $0x9000004D  }
0x177: {  	s0 =	stileid.u32;
	[bflag:$0x2] =	sbarrier.arrive $0xFFFF  }
0x178: {  	p0 =	sne.s32 s0, $0x0;
	s0 =	rddreg [dreg:$0x6]  }
0x179: {  	s0 =	sadd.s32 @!p0 $0x100000, s0  }
0x17a: {  	[sflag:s0] =	ssyncadd.tile.s32 @!p0 $0x1;
	_ =	shalt  }
.Lfunc_end2:
_tile_overlayer_lowered:
.L_overlay_start_2:
0x17b: {  	(tag) =	ssettag $0x2  }
0x17c: {  	s0 =	rddreg [dreg:$0x0];
	s2 =	stileid.u32  }
0x17d: {  	s1 =	rddreg [dreg:$0x1];
	p0 =	sne.s32 s2, $0x0  }
0x17e: {  	s3 =	rddreg [dreg:$0x2];
	[bflag:$0x3] =	sbarrier.arrive $0xFFFF;
	s2 =	simm.s32 @!p0 $0x1C05  }
0x17f: {  	[timem:s3], [sflag:s2] =	dma.local @!p0 [hbm:s0], s1  }
0x180: {  	s0 =	simm.s32 @!p0 $0x5  }
0x181: {  	_ =	swait.ge @!p0 [sflag:s0], s1  }
0x182: {  	s1 =	ssub.s32 @!p0 $0x0, s1;
	[sflag:s0] =	ssyncset.done @!p0 $0x0  }
0x183: {  	[sflag:s0] =	ssyncadd.s32 @!p0 s1  }
0x184: {  	[bflag:$0x3] =	sbarrier.arrive $0xFFFF  }
0x185: {  	_ =	shalt  }

// kernel: kernel.21.cloned.1.call-start
scs
__scs_entry_jumppad:
0x0: {  	(pc) =	sbr.rel $0x88, $3  }
0x1: {  	(tag) =	ssettag $0x0;
	lr =	simm.s32 $0x1  }
0x2: {  	[smem:$0x3F98] =	sst lr;
	_ =	strace $0xD0000000  }
0x3: {  	_ = 	snop  }
0x4: {  	_ = 	snop  }
0x5: {  	_ = 	snop  }
0x6: {  	_ = 	snop  }
0x7: {  	_ = 	snop  }
__scs_overlays_trampoline_lowered:
0x8: {  	[smem:$0x3FA7] =	sst s0  }
0x9: {  	[smem:$0x3FA8] =	sst s1  }
0xa: {  	[smem:$0x3FA9] =	sst s2  }
0xb: {  	[smem:$0x3FAA] =	sst s3  }
0xc: {  	[smem:$0x3FAB] =	sst s4  }
0xd: {  	[smem:$0x3FAC] =	sst s5  }
0xe: {  	[smem:$0x3FAD] =	sst s6  }
0xf: {  	[smem:$0x3FAE] =	sst s7  }
0x10: {  	[smem:$0x3FAF] =	sst s8  }
0x11: {  	[smem:$0x3FB0] =	sst s9;
	s0 =	simm.s32 @!p0 $0x0  }
0x12: {  	s1 =	sld [smem:$0x3F96];
	s0 =	simm.s32 @p0 $0x1  }
0x13: {  	[smem:$0x3FB1] =	sst s0;
	s0 =	simm.s32 @!p1 $0x0  }
0x14: {  	s2 =	sld [smem:$0x3F95];
	s0 =	simm.s32 @p1 $0x1  }
0x15: {  	[smem:$0x3FB2] =	sst s0;
	s0 =	simm.s32 @!p2 $0x0  }
0x16: {  	s3 =	sld [smem:$0x3FDB];
	s0 =	simm.s32 @p2 $0x1  }
0x17: {  	s4 =	simm.s32 $0x1BF5;
	[smem:$0x3FB4] =	sst s0  }
0x18: {  	s0 =	sld [smem:$0x3F97];
	_ =	swait.ge [sflag:s4], $0x0  }
0x19: {  	s7 =	sld [smem:$0x3F98]  }
0x1a: {  	s8 =	sadd.s32 $0xFFFFE003, lr  }
0x1b: {  	s9 =	sadd.s32 $0xFFFFFEF7, lr;
	s5 =	simm.s32 $0xFFFFFFFF;
	p2 =	slt.u32 s8, $0xFFFFF086  }
0x1c: {  	p1 =	slt.u32 s9, $0xF7A;
	s5 =	simm.s32 @!p2 $0x0  }
0x1d: {  	s5 =	simm.s32 @p1 $0x1;
	p0 =	seq.s32 s7, s2  }
0x1e: {  	s7 =	smul.u32 @!p0 $0xF7A, s2;
	p2 =	seq.s32 @!p0 s5, $0x0  }
0x1f: {  	s9 =	smul.u32 $0xF7A, s1;
	s8 =	simm.s32 @!p0 $0x1BF5;
	p2 =	por !p2, p0  }
0x20: {  	[sflag:s8] =	ssyncset.s32 @!p0 $0xFFFFF086;
	s6 =	sadd.s32 @!p0 s3, s7;
	s7 =	simm.s32 @!p0 $0x108  }
0x21: {  	s3 =	sadd.s32 s3, s9;
	s6 =	sadd.s32 @!p0 $0x88, s6;
	s7 =	simm.s32 @p2 $0x1082  }
0x22: {  	[simem:s7], [sflag:s8] =	dma.local @!p0 [hbm:s6], $0xF7A  }
0x23: {  	s9 =	sor.u32 $0xD0000000, s2;
	s6 =	simm.s32 $0x108;
	_ =	swait.ge @!p0 [sflag:s8], $0x0  }
0x24: {  	s3 =	sadd.s32 $0x88, s3;
	s6 =	simm.s32 @!p1 $0x1082;
	[sflag:s4] =	ssyncset.s32 $0xFFFFF086  }
0x25: {  	[simem:s6], [sflag:s4] =	dma.local [hbm:s3], $0xF7A  }
0x26: {  	[smem:$0x3F98] =	sst s1;
	(tag) =	ssettag s2;
	_ =	strace s9  }
0x27: {  	s1 =	sld [smem:$0x3FA8]  }
0x28: {  	s2 =	sld [smem:$0x3FA9]  }
0x29: {  	s4 =	sld [smem:$0x3FAB]  }
0x2a: {  	p0 =	seq.s32 s5, $0x0;
	s5 =	sld [smem:$0x3FAC]  }
0x2b: {  	s6 =	sld [smem:$0x3FAD]  }
0x2c: {  	s7 =	sld [smem:$0x3FAE]  }
0x2d: {  	s3 =	simm.s32 $0x108;
	s8 =	sld [smem:$0x3FAF]  }
0x2e: {  	s3 =	simm.s32 @!p0 $0x1082;
	s9 =	sld [smem:$0x3FB0]  }
0x2f: {  	lr =	sadd.s32 s0, s3;
	s0 =	sld [smem:$0x3FA7]  }
0x30: {  	s3 =	sld [smem:$0x3FAA]  }
0x31: {  	[smem:$0x3FB3] =	sst s10  }
0x32: {  	s10 =	sld [smem:$0x3FB1];
	_ =	sdelay $0x3  }
0x33: {  	p0 =	seq.s32 s10, $0x1;
	s10 =	sld [smem:$0x3FB3];
	_ =	sdelay $0x3  }
0x34: {  	[smem:$0x3FB3] =	sst s10  }
0x35: {  	s10 =	sld [smem:$0x3FB2];
	_ =	sdelay $0x3  }
0x36: {  	p1 =	seq.s32 s10, $0x1;
	s10 =	sld [smem:$0x3FB3];
	_ =	sdelay $0x3  }
0x37: {  	[smem:$0x3FB3] =	sst s10  }
0x38: {  	s10 =	sld [smem:$0x3FB4]  }
0x39: {  	_ = 	snop;
	(pc) =	sbr.ind lr, $3  }
0x3a: {  	_ = 	snop  }
0x3b: {  	_ = 	snop  }
0x3c: {  	p2 =	seq.s32 s10, $0x1;
	s10 =	sld [smem:$0x3FB3]  }
0x3d: {  	_ =	shalt  }
0x3e: {  	_ =	shalt  }
0x3f: {  	_ =	shalt  }
0x40: {  	_ =	shalt  }
0x41: {  	_ =	shalt  }
0x42: {  	_ =	shalt  }
0x43: {  	_ =	shalt  }
0x44: {  	_ =	shalt  }
0x45: {  	_ =	shalt  }
0x46: {  	_ =	shalt  }
0x47: {  	_ =	shalt  }
0x48: {  	_ =	shalt  }
0x49: {  	_ =	shalt  }
0x4a: {  	_ =	shalt  }
0x4b: {  	_ =	shalt  }
0x4c: {  	_ =	shalt  }
0x4d: {  	_ =	shalt  }
0x4e: {  	_ =	shalt  }
0x4f: {  	_ =	shalt  }
0x50: {  	_ =	shalt  }
0x51: {  	_ =	shalt  }
0x52: {  	_ =	shalt  }
0x53: {  	_ =	shalt  }
0x54: {  	_ =	shalt  }
0x55: {  	_ =	shalt  }
0x56: {  	_ =	shalt  }
0x57: {  	_ =	shalt  }
0x58: {  	_ =	shalt  }
0x59: {  	_ =	shalt  }
0x5a: {  	_ =	shalt  }
0x5b: {  	_ =	shalt  }
0x5c: {  	_ =	shalt  }
0x5d: {  	_ =	shalt  }
0x5e: {  	_ =	shalt  }
0x5f: {  	_ =	shalt  }
0x60: {  	_ =	shalt  }
0x61: {  	_ =	shalt  }
0x62: {  	_ =	shalt  }
0x63: {  	_ =	shalt  }
0x64: {  	_ =	shalt  }
0x65: {  	_ =	shalt  }
0x66: {  	_ =	shalt  }
0x67: {  	_ =	shalt  }
0x68: {  	_ =	shalt  }
0x69: {  	_ =	shalt  }
0x6a: {  	_ =	shalt  }
0x6b: {  	_ =	shalt  }
0x6c: {  	_ =	shalt  }
0x6d: {  	_ =	shalt  }
0x6e: {  	_ =	shalt  }
0x6f: {  	_ =	shalt  }
0x70: {  	_ =	shalt  }
0x71: {  	_ =	shalt  }
0x72: {  	_ =	shalt  }
0x73: {  	_ =	shalt  }
0x74: {  	_ =	shalt  }
0x75: {  	_ =	shalt  }
0x76: {  	_ =	shalt  }
0x77: {  	_ =	shalt  }
0x78: {  	_ =	shalt  }
0x79: {  	_ =	shalt  }
0x7a: {  	_ =	shalt  }
0x7b: {  	_ =	shalt  }
0x7c: {  	_ =	shalt  }
0x7d: {  	_ =	shalt  }
0x7e: {  	_ =	shalt  }
0x7f: {  	_ =	shalt  }
0x80: {  	_ =	shalt  }
0x81: {  	_ =	shalt  }
0x82: {  	_ =	shalt  }
0x83: {  	_ =	shalt  }
0x84: {  	_ =	shalt  }
0x85: {  	_ =	shalt  }
0x86: {  	_ =	shalt  }
0x87: {  	_ =	shalt  }
.Lfunc_end0:
.L_simem_size_0:
called_computation.3_lowered:
.L_overlay_start_0:
0x88: {  	s2 =	sld [smem:$0x3FD9]  }
0x89: {  	s3 =	sld [smem:$0x3FFE];
	_ =	sdelay $0x1  }
0x8a: {  	s1 =	srdreg.scid  }
0x8b: {  	s0 =	sand.u32 $0x1, s1  }
0x8c: {  	s17 =	sshll.u32 s0, $0xA;
	s2 =	sadd.s32 s3, s2  }
0x8d: {  	s2 =	sadd.s32 s2, s17  }
0x8e: {  	[smem:$0x3FBF] =	sst s2  }
0x8f: {  	_ = 	snop  }
0x90: {  	s2 =	sld [smem:$0x3FD0];
	(tm) =	ssettm $0x1  }
0x91: {  	s18 =	sld [smem:$0x3FFB];
	_ =	sdelay $0x3  }
0x92: {  	_ =	strace s18  }
0x93: {  	s3 =	sld [smem:$0x3FFC];
	_ =	sdelay $0x3  }
0x94: {  	_ =	strace s3  }
0x95: {  	s3 =	sld [smem:$0x3FFD];
	_ =	sdelay $0x3  }
0x96: {  	_ =	strace s3  }
0x97: {  	_ =	strace $0x8FFFFFFF  }
0x98: {  	s19 =	sld [smem:$0x3FDB];
	_ =	sdelay $0x1  }
0x99: {  	s4 =	simm.s32 $_scs_section_size  }
0x9a: {  	s5 =	simm.s32 $_size__tile_overlayer_lowered;
	s6 =	simm.s32 $_tile_overlayer_lowered  }
0x9b: {  	s22 =	simm.s32 $0x1BFF;
	s21 =	sshll.u32 s6, $0x1;
	s3 =	sadd.s32 s4, s19  }
0x9c: {  	s7 =	simm.s32 $0x0;
	s20 =	sshll.u32 s5, $0x1;
	s5 =	sadd.s32 s21, s3  }
0x9d: {  	[timem:s7], [sflag:s22] =	dma.local [hbm:s5], s20  }
0x9e: {  	_ =	swait.ge [sflag:s22], s20  }
0x9f: {  	s4 =	ssub.s32 $0x0, s20;
	[sflag:s22] =	ssyncset.done $0x0  }
0xa0: {  	[sflag:s22] =	ssyncadd.s32 s4;
	_ =	sdelay $0x1  }
0xa1: {  	s23 =	simm.s32 $0x1B8B  }
0xa2: {  	_ =	swait.ge [sflag:s23], $0x1  }
0xa3: {  	[sflag:s23] =	ssyncset.done $0x0  }
0xa4: {  	s25 =	simm.s32 $0x1B8E;
	s24 =	sld [smem:$0x3FFE];
	[sflag:s23] =	ssyncadd.s32 $0xFFFFFFFF  }
0xa5: {  	s26 =	simm.s32 $execute0_lowered;
	[smem:$0x3FD2] =	sst s25  }
0xa6: {  	s5 =	sshll.u32 s26, $0x1;
	_ =	strace $0x8000004F;
	[dreg:$0x1] =	wrdreg $0xFFFFFFFF  }
0xa7: {  	s28 =	simm.s32 $_size_execute0_lowered;
	s3 =	sadd.s32 s3, s5;
	[dreg:$0x0] =	wrdreg $0x0  }
0xa8: {  	s5 =	sshll.u32 s28, $0x1;
	[dreg:$0x2] =	wrdreg s3  }
0xa9: {  	[dreg:$0x3] =	wrdreg s5  }
0xaa: {  	[dreg:$0x4] =	wrdreg $0xC0  }
0xab: {  	_ =	task [dreg:s7], $0x5FFFF  }
0xac: {  	[dreg:$0x1] =	wrdreg $0xFFFFFFFF  }
0xad: {  	[dreg:$0x0] =	wrdreg $0x60  }
0xae: {  	[dreg:$0x2] =	wrdreg s24  }
0xaf: {  	[dreg:$0x3] =	wrdreg s2  }
0xb0: {  	[dreg:$0x4] =	wrdreg $0x0  }
0xb1: {  	[dreg:$0x5] =	wrdreg $0x4F000  }
0xb2: {  	[dreg:$0x6] =	wrdreg $0x27800  }
0xb3: {  	[dreg:$0x7] =	wrdreg $0x76800  }
0xb4: {  	[dreg:$0x8] =	wrdreg $0x9  }
0xb5: {  	_ =	task.clear_ibuf [dreg:s7], $0x9FFFF;
	_ =	strace $0x9000004F  }
0xb6: {  	s29 =	simm.s32 $0x9;
	_ =	strace $0x80000051  }
0xb7: {  	_ =	swait.ge [sflag:s29], $0x1  }
0xb8: {  	[sflag:s29] =	ssyncadd.s32 $0xFFFFFFFF  }
0xb9: {  	_ =	strace $0x90000051  }
0xba: {  	_ =	sfence  }
0xbb: {  	s30 =	sld [smem:$0x0];
	_ =	sdelay $0x2  }
0xbc: {  	s31 =	sshll.u32 s1, $0xD;
	s1 =	sshrl.u32 s1, $0x2  }
0xbd: {  	s3 =	sand.u32 $0x4000, s31;
	s1 =	sadd.s32 s1, s30  }
0xbe: {  	s0 =	sor.u32 s3, s0;
	s1 =	sshll.u32 s1, $0x11  }
0xbf: {  	s0 =	sor.u32 s1, s0  }
0xc0: {  	s0 =	sadd.s32 $0x8F2B, s0  }
0xc1: {  	[sflag:s0] =	ssyncadd.remote.s32 $0x1  }
0xc2: {  	_ =	sfence.sel $0xFFFF  }
0xc3: {  	[dreg:$0x0] =	wrdreg $0xFFFFFFFF;
	(pc) =	sbr.abs _section_cstart, $3  }
0xc4: {  	[dreg:$0x1] =	wrdreg $0xFFFFFFFF  }
0xc5: {  	_ =	task.clear_ibuf [dreg:s7], $0x2FFFF;
	_ =	strace $0x9FFFFFFF  }
0xc6: {  	(tm) =	ssettm $0x7FFFFFFF  }
0xc7: {  	_ =	shalt  }
tec
execute0_lowered:
.L_overlay_start_1:
0x0: {  	(tag) =	ssettag $0x1  }
0x1: {  	s0 =	rddreg [dreg:$0x0]  }
0x2: {  	s1 =	rddreg [dreg:$0x1]  }
0x3: {  	s4 =	rddreg [dreg:$0x2]  }
0x4: {  	s2 =	rddreg [dreg:$0x3]  }
0x5: {  	s8 =	rddreg [dreg:$0x4]  }
0x6: {  	s3 =	rddreg [dreg:$0x5];
	s17 =	stileid.u32;
	s6 =	simm.s32 $0x0  }
0x7: {  	s5 =	srdreg.scid;
	s19 =	simm.s32 $0x9E00;
	s28 =	simm.s32 $0x1  }
0x8: {  	s29 =	simm.s32 $0xA080;
	s30 =	simm.s32 $0x2;
	s9 =	smul.u32 $0x2780, s17  }
0x9: {  	s31 =	simm.s32 $0x3;
	[smem:$0x7FF] =	sst s6;
	s10 =	smul.u32 $0xA00, s17  }
0xa: {  	s7 =	sand.u32 $0x1, s5;
	s5 =	sadd.s32 $0x32CC00, s0;
	s6 =	sadd.s32 $0x7C00, s0  }
0xb: {  	s26 =	sshll.u32 s17, $0x6;
	_ =	strace $0x80000050;
	s11 =	smul.u32 $0x27800, s7  }
0xc: {  	s13 =	smul.u32 $0x18B000, s7;
	s15 =	ssub.s32 $0x2, s7;
	s20 =	sshrl.u32 s9, $0x3  }
0xd: {  	s14 =	sadd.s32 s10, s0;
	s21 =	sshrl.u32 s15, $0x1;
	s1 =	sadd.s32 s1, s10  }
0xe: {  	s16 =	sadd.s32 s9, s3;
	s10 =	simm.s32 $0x0;
	s12 =	sadd.s32 s20, s0  }
0xf: {  	s11 =	sadd.s32 s9, s11;
	s7 =	sadd.s32 s9, s13;
	[dreg:$0x7] =	wrdreg s1  }
0x10: {  	s23 =	sadd.s32 $0xCC00, s14;
	s14 =	sadd.s32 s9, s2;
	s20 =	simm.s32 $0x5  }
0x11: {  	s11 =	sshrl.u32 s11, $0x3;
	s13 =	sshrl.u32 s7, $0x3;
	[dreg:$0x9] =	wrdreg s23  }
0x12: {  	s24 =	sadd.s32 $0x2C00, s12;
	s23 =	simm.s32 $0x13E00;
	s0 =	sadd.s32 s11, s0  }
0x13: {  	s11 =	ssub.s32 s15, s21;
	s22 =	sadd.s32 s5, s13;
	[dreg:$0xa] =	wrdreg s24  }
0x14: {  	s13 =	sadd.s32 s9, s4;
	s4 =	simm.s32 $0x0;
	s15 =	sadd.s32 s9, s8  }
0x15: {  	s21 =	simm.s32 $0xEE00;
	[dreg:$0x8] =	wrdreg s22;
	s1 =	sadd.s32 $0x2C700, s22  }
0x16: {  	s24 =	simm.s32 $0x16600;
	s0 =	sadd.s32 $0x16C00, s0;
	[dreg:$0xb] =	wrdreg s1  }
0x17: {  	s8 =	simm.s32 $0x1B580;
	s25 =	smax.u32 s11, $0x1;
	[dreg:$0xc] =	wrdreg s0  }
0x18: {  	s22 =	simm.s32 $0x4;
	[dreg:$0xd] =	wrdreg s25;
	s25 =	sor.u32 $0x1C05, s26  }
0x19: {  	s26 =	simm.s32 $0x280;
	s0 =	simm.s32 $0xA300;
	s1 =	simm.s32 $0xF080  }
.LBB2_1:
0x1a: {  	s9 =	rddreg [dreg:$0x7]  }
0x1b: {  	[tilespmem:s19], [sflag:$0x5] =	stream.linear.gather [hbm4b:s9+s4], $0x5000, $0x38;
	[tilespmem:$0x1DD00] =	vst v63  }
0x1c: {  	_ =	swait.ge [sflag:s20], $0x5000  }
0x1d: {  	[sflag:s20] =	ssyncset.done $0x0  }
0x1e: {  	s12 =	rddreg [dreg:$0x9];
	[sflag:s20] =	ssyncadd.s32 $0xFFFFB000  }
0x1f: {  	[tilespmem:s21], [sflag:$0x5] =	stream.linear.gather [hbm4b:s12+s4], $0x5000, $0x38;
	[tilespmem:$0x1DD00] =	vst v63  }
0x20: {  	_ =	swait.ge [sflag:s20], $0x5000  }
0x21: {  	[sflag:s20] =	ssyncset.done $0x0  }
0x22: {  	s11 =	simm.s32 $0x18E00;
	s17 =	rddreg [dreg:$0xa];
	[sflag:s20] =	ssyncadd.s32 $0xFFFFB000  }
0x23: {  	[tilespmem:s11], [sflag:$0x5] =	stream.linear.gather [hbm4b:s17+s4], $0x2780, $0x38;
	[tilespmem:$0x1DD00] =	vst v63  }
0x24: {  	_ =	swait.ge [sflag:s20], $0x2780  }
0x25: {  	[sflag:s20] =	ssyncset.done $0x0  }
0x26: {  	s18 =	rddreg [dreg:$0xb];
	[sflag:s20] =	ssyncadd.s32 $0xFFFFD880  }
0x27: {  	[tilespmem:s23], [sflag:$0x5] =	stream.linear.gather [hbm4b:s18+s4], $0x2780, $0x38;
	[tilespmem:$0x1DD00] =	vst v63  }
0x28: {  	_ =	swait.ge [sflag:s20], $0x2780  }
0x29: {  	[sflag:s20] =	ssyncset.done $0x0  }
0x2a: {  	s4 =	simm.s32 $0x0;
	[sflag:s20] =	ssyncadd.s32 $0xFFFFD880  }
0x2b: {  	v0 =	vld [tilespmem:s4+$0x13E00]  }
0x2c: {  	s9 =	simm.s32 $0x40;
	v1 =	vld [tilespmem:s4+$0x18E00]  }
.LBB2_2:
0x2d: {  	_ = 	snop  }
0x2e: {  	p0 =	sne.s32 s9, $0x9DC0  }
.Ltmp0:
0x2f: {  	_ = 	snop;
	(pc) =	sbr.rel @p0 .LBB2_2-.Ltmp0, $4  }
0x30: {  	_ = 	snop  }
0x31: {  	s11 =	sshra.s32 s9, $0x2;
	v2 =	vmul.f32 v1, v0  }
0x32: {  	v0 =	vld [tilespmem:s11+$0x13E00]  }
0x33: {  	s9 =	sadd.s32 $0x40, s9;
	v1 =	vld [tilespmem:s11+$0x18E00];
	[tilespmem:s4+$0x16600] =	vst v2;
	s4 =	smov.u32 s11  }
0x34: {  	_ =	sdelay $0x3  }
0x35: {  	v0 =	vmul.f32 v1, v0;
	_ =	sdelay $0x1  }
0x36: {  	[tilespmem:s4+$0x16600] =	vst v0  }
0x37: {  	[spmem:s13] =	stream.linear.scatter [tilespmem:s23], [sflag:$0x5], $0x2780, $0x38;
	[tilespmem:$0x1DD00] =	vst v63  }
0x38: {  	_ =	swait.ge [sflag:s20], $0x2780  }
0x39: {  	[sflag:s20] =	ssyncset.done $0x0  }
0x3a: {  	[sflag:s20] =	ssyncadd.s32 $0xFFFFD880  }
0x3b: {  	[spmem:s14] =	stream.linear.scatter [tilespmem:s24], [sflag:$0x5], $0x2780, $0x38;
	[tilespmem:$0x1DD00] =	vst v63  }
0x3c: {  	_ =	swait.ge [sflag:s20], $0x2780  }
0x3d: {  	[sflag:s20] =	ssyncset.done $0x0  }
0x3e: {  	s18 =	sshrl.u32 s15, $0x3;
	[sflag:s20] =	ssyncadd.s32 $0xFFFFD880  }
0x3f: {  	[spmem:s18], [sflag:s25] =	dma.local [hbm:s6], $0x4F0  }
0x40: {  	_ =	swait.ge [sflag:s20], $0x4F0  }
0x41: {  	[sflag:s20] =	ssyncset.done $0x0  }
0x42: {  	s11 =	sshrl.u32 s16, $0x3;
	[sflag:s20] =	ssyncadd.s32 $0xFFFFFB10  }
0x43: {  	[spmem:s11], [sflag:s25] =	dma.local [hbm:s6], $0x4F0  }
0x44: {  	_ =	swait.ge [sflag:s20], $0x4F0  }
0x45: {  	[sflag:s20] =	ssyncset.done $0x0  }
0x46: {  	[sflag:s20] =	ssyncadd.s32 $0xFFFFFB10  }
0x47: {  	s12 =	simm.s32 $0x0;
	[bflag:$0x0] =	sbarrier.arrive $0xFFFF  }
.LBB2_4:
0x48: {  	[tilespmem:s23], [sflag:$0x1] =	stream.indirect.gather [spmem:s2], $0x10, s19, s26, $0xb8;
	[tilespmem:$0x1DD00] =	vst v63  }
0x49: {  	_ =	swait.ge [sflag:s28], $0x2800  }
0x4a: {  	[sflag:s28] =	ssyncset.done $0x0  }
0x4b: {  	[sflag:s28] =	ssyncadd.s32 $0xFFFFD800  }
0x4c: {  	[tilespmem:s24], [sflag:$0x2] =	stream.indirect.gather [spmem:s2], $0x10, s29, s26, $0xb8;
	[tilespmem:$0x1DD00] =	vst v63  }
0x4d: {  	_ = 	snop  }
0x4e: {  	[spmem:s3] =	stream.indirect.scatter.add.f32 [tilespmem:s23], [sflag:$0x3], $0x10, s21, s26, $0xb8;
	[tilespmem:$0x1DD00] =	vst v63  }
0x4f: {  	_ =	swait.ge [sflag:s30], $0x2800  }
0x50: {  	[sflag:s30] =	ssyncset.done $0x0  }
0x51: {  	[sflag:s30] =	ssyncadd.s32 $0xFFFFD800  }
0x52: {  	_ =	swait.ge [sflag:s31], $0x2800  }
0x53: {  	[sflag:s31] =	ssyncset.done $0x0  }
0x54: {  	[sflag:s31] =	ssyncadd.s32 $0xFFFFD800  }
0x55: {  	[tilespmem:s23], [sflag:$0x1] =	stream.indirect.gather [spmem:s2], $0x10, s0, s26, $0xb8;
	[tilespmem:$0x1DD00] =	vst v63  }
0x56: {  	s9 =	simm.s32 $0x0  }
0x57: {  	[spmem:s3] =	stream.indirect.scatter.add.f32 [tilespmem:s24], [sflag:$0x4], $0x10, s1, s26, $0xb8;
	[tilespmem:$0x1DD00] =	vst v63  }
.LBB2_5:
0x58: {  	_ =	swait.ge [sflag:s28], $0x2800  }
0x59: {  	[sflag:s28] =	ssyncset.done $0x0  }
0x5a: {  	[sflag:s28] =	ssyncadd.s32 $0xFFFFD800  }
0x5b: {  	_ =	swait.ge [sflag:s22], $0x2800  }
0x5c: {  	s4 =	sshra.s32 s9, $0x2;
	[sflag:s22] =	ssyncset.done $0x0  }
0x5d: {  	s17 =	sadd.s32 $0xA580, s4;
	[sflag:s22] =	ssyncadd.s32 $0xFFFFD800  }
0x5e: {  	[tilespmem:s24], [sflag:$0x2] =	stream.indirect.gather [spmem:s2], $0x10, s17, s26, $0xb8;
	[tilespmem:$0x1DD00] =	vst v63  }
0x5f: {  	s18 =	sadd.s32 $0xF300, s4  }
0x60: {  	[spmem:s3] =	stream.indirect.scatter.add.f32 [tilespmem:s23], [sflag:$0x3], $0x10, s18, s26, $0xb8;
	[tilespmem:$0x1DD00] =	vst v63  }
0x61: {  	p0 =	sne.s32 s9, $0x11800;
	_ =	swait.ge [sflag:s30], $0x2800  }
.Ltmp1:
0x62: {  	[sflag:s30] =	ssyncset.done $0x0;
	(pc) =	sbr.rel @!p0 .LBB2_6-.Ltmp1, $4  }
0x63: {  	[sflag:s30] =	ssyncadd.s32 $0xFFFFD800  }
0x64: {  	_ =	swait.ge [sflag:s31], $0x2800  }
0x65: {  	[sflag:s31] =	ssyncset.done $0x0  }
0x66: {  	[sflag:s31] =	ssyncadd.s32 $0xFFFFD800  }
0x67: {  	s9 =	sadd.s32 $0x1400, s9  }
0x68: {  	p0 =	sne.s32 s9, $0x12C00  }
.Ltmp2:
0x69: {  	_ = 	snop;
	(pc) =	sbr.rel @p0 .LBB2_5-.Ltmp2, $4  }
.Ltmp3:
0x6a: {  	s17 =	sadd.s32 $0xA800, s4;
	(pc) =	sbr.rel @!p0 .LBB2_8-.Ltmp3, $4  }
0x6b: {  	[tilespmem:s23], [sflag:$0x1] =	stream.indirect.gather [spmem:s2], $0x10, s17, s26, $0xb8;
	[tilespmem:$0x1DD00] =	vst v63  }
0x6c: {  	s18 =	sadd.s32 $0xF580, s4  }
0x6d: {  	[spmem:s3] =	stream.indirect.scatter.add.f32 [tilespmem:s24], [sflag:$0x4], $0x10, s18, s26, $0xb8;
	[tilespmem:$0x1DD00] =	vst v63  }
0x6e: {  	_ = 	snop  }
.LBB2_6:
0x6f: {  	s4 =	sadd.s32 $0xF580, s4  }
0x70: {  	[spmem:s3] =	stream.indirect.scatter.add.f32 [tilespmem:s24], [sflag:$0x4], $0x10, s4, s26, $0xb8;
	[tilespmem:$0x1DD00] =	vst v63  }
.LBB2_8:
0x71: {  	s17 =	sshll.u32 s12, $0x1  }
0x72: {  	s4 =	ssub.s32 $0x8, s17  }
0x73: {  	s4 =	smul.u32 $0x27800, s4  }
0x74: {  	_ =	swait.ge [sflag:s22], $0x2800  }
0x75: {  	[sflag:s22] =	ssyncset.done $0x0;
	s4 =	sadd.s32 s4, s7  }
0x76: {  	[sflag:s22] =	ssyncadd.s32 $0xFFFFD800;
	s4 =	sshrl.u32 s4, $0x3  }
0x77: {  	s9 =	simm.s32 $0x0;
	[bflag:$0x0] =	sbarrier.arrive $0xFFFF;
	s4 =	sadd.s32 s5, s4  }
0x78: {  	[tilespmem:s23], [sflag:$0x5] =	stream.linear.gather [hbm4b:s4+s9], $0x2780, $0x38;
	[tilespmem:$0x1DD00] =	vst v63  }
0x79: {  	_ =	swait.ge [sflag:s20], $0x2780  }
0x7a: {  	[sflag:s20] =	ssyncset.done $0x0  }
0x7b: {  	[sflag:s20] =	ssyncadd.s32 $0xFFFFD880  }
0x7c: {  	[tilespmem:s24], [sflag:$0x5] =	stream.linear.gather [spmem:s16], $0x2780, $0x38;
	[tilespmem:$0x1DD00] =	vst v63  }
0x7d: {  	_ =	swait.ge [sflag:s20], $0x2780  }
0x7e: {  	[sflag:s20] =	ssyncset.done $0x0  }
0x7f: {  	[sflag:s20] =	ssyncadd.s32 $0xFFFFD880  }
0x80: {  	[tilespmem:s8], [sflag:$0x5] =	stream.linear.gather [spmem:s15], $0x2780, $0x38;
	[tilespmem:$0x1DD00] =	vst v63  }
0x81: {  	_ =	swait.ge [sflag:s20], $0x2780  }
0x82: {  	[sflag:s20] =	ssyncset.done $0x0  }
0x83: {  	s18 =	simm.s32 $0x0;
	[sflag:s20] =	ssyncadd.s32 $0xFFFFD880  }
0x84: {  	v0 =	vld [tilespmem:s18+$0x18E00];
	_ =	sdelay $0x1  }
0x85: {  	v1 =	vld [tilespmem:s18+$0x16600];
	_ =	sdelay $0x1  }
0x86: {  	v2 =	vld [tilespmem:s18+$0x13E00]  }
0x87: {  	v3 =	vadd.f32 v0, v0  }
0x88: {  	v4 =	vld [tilespmem:s18+$0x1B580]  }
0x89: {  	v1 =	vmul.f32 v1, v3;
	_ =	sdelay $0x1  }
0x8a: {  	v1 =	vsub.f32 v2, v1;
	_ =	sdelay $0x1  }
0x8b: {  	v1 =	vsub.f32 v1, v4;
	_ =	sdelay $0x1  }
0x8c: {  	s4 =	simm.s32 $0x10;
	s9 =	simm.s32 $0x80;
	[tilespmem:s18+$0x13E00] =	vst v1;
	v0 =	vmul.f32 v1, v0  }
.LBB2_9:
0x8d: {  	p0 =	sne.s32 s9, $0x9DC0;
	v1 =	vld [tilespmem:s4+$0x18E00]  }
0x8e: {  	[tilespmem:s18+$0x16600] =	vst v0;
	s18 =	smov.u32 s4  }
0x8f: {  	v0 =	vld [tilespmem:s18+$0x16600];
	_ =	sdelay $0x1  }
0x90: {  	v2 =	vld [tilespmem:s18+$0x13E00]  }
0x91: {  	v3 =	vadd.f32 v1, v1  }
0x92: {  	v4 =	vld [tilespmem:s18+$0x1B580]  }
0x93: {  	v0 =	vmul.f32 v0, v3;
	_ =	sdelay $0x1  }
.Ltmp4:
0x94: {  	v0 =	vsub.f32 v2, v0;
	(pc) =	sbr.rel @p0 .LBB2_9-.Ltmp4, $3  }
0x95: {  	_ = 	snop  }
0x96: {  	v0 =	vsub.f32 v0, v4;
	_ =	sdelay $0x1  }
0x97: {  	s4 =	sshra.s32 s9, $0x2;
	s9 =	sadd.s32 $0x40, s9;
	[tilespmem:s18+$0x13E00] =	vst v0;
	v0 =	vmul.f32 v0, v1  }
0x98: {  	v1 =	vld [tilespmem:s4+$0x18E00]  }
0x99: {  	[tilespmem:s18+$0x16600] =	vst v0  }
0x9a: {  	v0 =	vld [tilespmem:s4+$0x16600];
	_ =	sdelay $0x1  }
0x9b: {  	v2 =	vld [tilespmem:s4+$0x13E00]  }
0x9c: {  	v3 =	vadd.f32 v1, v1  }
0x9d: {  	v4 =	vld [tilespmem:s4+$0x1B580]  }
0x9e: {  	v0 =	vmul.f32 v0, v3;
	_ =	sdelay $0x1  }
0x9f: {  	v0 =	vsub.f32 v2, v0;
	_ =	sdelay $0x1  }
0xa0: {  	v0 =	vsub.f32 v0, v4;
	_ =	sdelay $0x1  }
0xa1: {  	v1 =	vmul.f32 v0, v1  }
0xa2: {  	[tilespmem:s4+$0x13E00] =	vst v0  }
0xa3: {  	[tilespmem:s4+$0x16600] =	vst v1  }
0xa4: {  	[spmem:s15] =	stream.linear.scatter [tilespmem:s23], [sflag:$0x5], $0x2780, $0x38;
	[tilespmem:$0x1DD00] =	vst v63  }
0xa5: {  	_ =	swait.ge [sflag:s20], $0x2780  }
0xa6: {  	[sflag:s20] =	ssyncset.done $0x0  }
0xa7: {  	[sflag:s20] =	ssyncadd.s32 $0xFFFFD880  }
0xa8: {  	[spmem:s14] =	stream.linear.scatter [tilespmem:s24], [sflag:$0x5], $0x2780, $0x38;
	[tilespmem:$0x1DD00] =	vst v63  }
0xa9: {  	_ =	swait.ge [sflag:s20], $0x2780  }
0xaa: {  	[sflag:s20] =	ssyncset.done $0x0  }
0xab: {  	[sflag:s20] =	ssyncadd.s32 $0xFFFFD880  }
0xac: {  	[spmem:s11], [sflag:s25] =	dma.local [hbm:s6], $0x4F0  }
0xad: {  	_ =	swait.ge [sflag:s20], $0x4F0  }
0xae: {  	[sflag:s20] =	ssyncset.done $0x0  }
0xaf: {  	[sflag:s20] =	ssyncadd.s32 $0xFFFFFB10  }
0xb0: {  	[bflag:$0x0] =	sbarrier.arrive $0xFFFF  }
0xb1: {  	[tilespmem:s23], [sflag:$0x1] =	stream.indirect.gather [spmem:s2], $0x10, s19, s26, $0xb8;
	[tilespmem:$0x1DD00] =	vst v63  }
0xb2: {  	_ =	swait.ge [sflag:s28], $0x2800  }
0xb3: {  	[sflag:s28] =	ssyncset.done $0x0  }
0xb4: {  	[sflag:s28] =	ssyncadd.s32 $0xFFFFD800  }
0xb5: {  	[tilespmem:s24], [sflag:$0x2] =	stream.indirect.gather [spmem:s2], $0x10, s29, s26, $0xb8;
	[tilespmem:$0x1DD00] =	vst v63  }
0xb6: {  	_ = 	snop  }
0xb7: {  	[spmem:s3] =	stream.indirect.scatter.add.f32 [tilespmem:s23], [sflag:$0x3], $0x10, s21, s26, $0xb8;
	[tilespmem:$0x1DD00] =	vst v63  }
0xb8: {  	_ =	swait.ge [sflag:s30], $0x2800  }
0xb9: {  	[sflag:s30] =	ssyncset.done $0x0  }
0xba: {  	[sflag:s30] =	ssyncadd.s32 $0xFFFFD800  }
0xbb: {  	_ =	swait.ge [sflag:s31], $0x2800  }
0xbc: {  	[sflag:s31] =	ssyncset.done $0x0  }
0xbd: {  	[sflag:s31] =	ssyncadd.s32 $0xFFFFD800  }
0xbe: {  	[tilespmem:s23], [sflag:$0x1] =	stream.indirect.gather [spmem:s2], $0x10, s0, s26, $0xb8;
	[tilespmem:$0x1DD00] =	vst v63  }
0xbf: {  	s9 =	simm.s32 $0x0  }
0xc0: {  	[spmem:s3] =	stream.indirect.scatter.add.f32 [tilespmem:s24], [sflag:$0x4], $0x10, s1, s26, $0xb8;
	[tilespmem:$0x1DD00] =	vst v63  }
.LBB2_11:
0xc1: {  	_ =	swait.ge [sflag:s28], $0x2800  }
0xc2: {  	[sflag:s28] =	ssyncset.done $0x0  }
0xc3: {  	[sflag:s28] =	ssyncadd.s32 $0xFFFFD800  }
0xc4: {  	_ =	swait.ge [sflag:s22], $0x2800  }
0xc5: {  	s4 =	sshra.s32 s9, $0x2;
	[sflag:s22] =	ssyncset.done $0x0  }
0xc6: {  	s18 =	sadd.s32 $0xA580, s4;
	[sflag:s22] =	ssyncadd.s32 $0xFFFFD800  }
0xc7: {  	[tilespmem:s24], [sflag:$0x2] =	stream.indirect.gather [spmem:s2], $0x10, s18, s26, $0xb8;
	[tilespmem:$0x1DD00] =	vst v63  }
0xc8: {  	s18 =	sadd.s32 $0xF300, s4  }
0xc9: {  	[spmem:s3] =	stream.indirect.scatter.add.f32 [tilespmem:s23], [sflag:$0x3], $0x10, s18, s26, $0xb8;
	[tilespmem:$0x1DD00] =	vst v63  }
0xca: {  	p0 =	sne.s32 s9, $0x11800;
	_ =	swait.ge [sflag:s30], $0x2800  }
.Ltmp5:
0xcb: {  	[sflag:s30] =	ssyncset.done $0x0;
	(pc) =	sbr.rel @!p0 .LBB2_12-.Ltmp5, $4  }
0xcc: {  	[sflag:s30] =	ssyncadd.s32 $0xFFFFD800  }
0xcd: {  	_ =	swait.ge [sflag:s31], $0x2800  }
0xce: {  	[sflag:s31] =	ssyncset.done $0x0  }
0xcf: {  	[sflag:s31] =	ssyncadd.s32 $0xFFFFD800  }
0xd0: {  	s9 =	sadd.s32 $0x1400, s9  }
0xd1: {  	p0 =	sne.s32 s9, $0x12C00  }
.Ltmp6:
0xd2: {  	_ = 	snop;
	(pc) =	sbr.rel @p0 .LBB2_11-.Ltmp6, $4  }
.Ltmp7:
0xd3: {  	s18 =	sadd.s32 $0xA800, s4;
	(pc) =	sbr.rel @!p0 .LBB2_14-.Ltmp7, $4  }
0xd4: {  	[tilespmem:s23], [sflag:$0x1] =	stream.indirect.gather [spmem:s2], $0x10, s18, s26, $0xb8;
	[tilespmem:$0x1DD00] =	vst v63  }
0xd5: {  	s18 =	sadd.s32 $0xF580, s4  }
0xd6: {  	[spmem:s3] =	stream.indirect.scatter.add.f32 [tilespmem:s24], [sflag:$0x4], $0x10, s18, s26, $0xb8;
	[tilespmem:$0x1DD00] =	vst v63  }
0xd7: {  	_ = 	snop  }
.LBB2_12:
0xd8: {  	s4 =	sadd.s32 $0xF580, s4  }
0xd9: {  	[spmem:s3] =	stream.indirect.scatter.add.f32 [tilespmem:s24], [sflag:$0x4], $0x10, s4, s26, $0xb8;
	[tilespmem:$0x1DD00] =	vst v63  }
.LBB2_14:
0xda: {  	s4 =	sxor.u32 $0x7, s17  }
0xdb: {  	s4 =	smul.u32 $0x27800, s4  }
0xdc: {  	_ =	swait.ge [sflag:s22], $0x2800  }
0xdd: {  	[sflag:s22] =	ssyncset.done $0x0;
	s4 =	sadd.s32 s4, s7  }
0xde: {  	[sflag:s22] =	ssyncadd.s32 $0xFFFFD800;
	s4 =	sshrl.u32 s4, $0x3  }
0xdf: {  	s9 =	simm.s32 $0x0;
	[bflag:$0x0] =	sbarrier.arrive $0xFFFF;
	s4 =	sadd.s32 s5, s4  }
0xe0: {  	[tilespmem:s23], [sflag:$0x5] =	stream.linear.gather [hbm4b:s4+s9], $0x2780, $0x38;
	[tilespmem:$0x1DD00] =	vst v63  }
0xe1: {  	_ =	swait.ge [sflag:s20], $0x2780  }
0xe2: {  	[sflag:s20] =	ssyncset.done $0x0  }
0xe3: {  	[sflag:s20] =	ssyncadd.s32 $0xFFFFD880  }
0xe4: {  	[tilespmem:s24], [sflag:$0x5] =	stream.linear.gather [spmem:s16], $0x2780, $0x38;
	[tilespmem:$0x1DD00] =	vst v63  }
0xe5: {  	_ =	swait.ge [sflag:s20], $0x2780  }
0xe6: {  	[sflag:s20] =	ssyncset.done $0x0  }
0xe7: {  	[sflag:s20] =	ssyncadd.s32 $0xFFFFD880  }
0xe8: {  	[tilespmem:s8], [sflag:$0x5] =	stream.linear.gather [spmem:s13], $0x2780, $0x38;
	[tilespmem:$0x1DD00] =	vst v63  }
0xe9: {  	_ =	swait.ge [sflag:s20], $0x2780  }
0xea: {  	[sflag:s20] =	ssyncset.done $0x0  }
0xeb: {  	s17 =	simm.s32 $0x0;
	[sflag:s20] =	ssyncadd.s32 $0xFFFFD880  }
0xec: {  	v0 =	vld [tilespmem:s17+$0x18E00];
	_ =	sdelay $0x1  }
0xed: {  	v1 =	vld [tilespmem:s17+$0x16600];
	_ =	sdelay $0x1  }
0xee: {  	v2 =	vld [tilespmem:s17+$0x13E00]  }
0xef: {  	v3 =	vadd.f32 v0, v0  }
0xf0: {  	v4 =	vld [tilespmem:s17+$0x1B580]  }
0xf1: {  	v1 =	vmul.f32 v1, v3;
	_ =	sdelay $0x1  }
0xf2: {  	v1 =	vsub.f32 v2, v1;
	_ =	sdelay $0x1  }
0xf3: {  	v1 =	vsub.f32 v1, v4;
	_ =	sdelay $0x1  }
0xf4: {  	s4 =	simm.s32 $0x10;
	s9 =	simm.s32 $0x80;
	[tilespmem:s17+$0x13E00] =	vst v1;
	v0 =	vmul.f32 v1, v0  }
.LBB2_15:
0xf5: {  	p0 =	sne.s32 s9, $0x9DC0;
	v1 =	vld [tilespmem:s4+$0x18E00]  }
0xf6: {  	[tilespmem:s17+$0x16600] =	vst v0;
	s17 =	smov.u32 s4  }
0xf7: {  	v0 =	vld [tilespmem:s17+$0x16600];
	_ =	sdelay $0x1  }
0xf8: {  	v2 =	vld [tilespmem:s17+$0x13E00]  }
0xf9: {  	v3 =	vadd.f32 v1, v1  }
0xfa: {  	v4 =	vld [tilespmem:s17+$0x1B580]  }
0xfb: {  	v0 =	vmul.f32 v0, v3;
	_ =	sdelay $0x1  }
.Ltmp8:
0xfc: {  	v0 =	vsub.f32 v2, v0;
	(pc) =	sbr.rel @p0 .LBB2_15-.Ltmp8, $3  }
0xfd: {  	_ = 	snop  }
0xfe: {  	v0 =	vsub.f32 v0, v4;
	_ =	sdelay $0x1  }
0xff: {  	s4 =	sshra.s32 s9, $0x2;
	s9 =	sadd.s32 $0x40, s9;
	[tilespmem:s17+$0x13E00] =	vst v0;
	v0 =	vmul.f32 v0, v1  }
0x100: {  	v1 =	vld [tilespmem:s4+$0x18E00]  }
0x101: {  	[tilespmem:s17+$0x16600] =	vst v0  }
0x102: {  	v0 =	vld [tilespmem:s4+$0x16600];
	_ =	sdelay $0x1  }
0x103: {  	v2 =	vld [tilespmem:s4+$0x13E00]  }
0x104: {  	v3 =	vadd.f32 v1, v1  }
0x105: {  	v4 =	vld [tilespmem:s4+$0x1B580]  }
0x106: {  	v0 =	vmul.f32 v0, v3;
	_ =	sdelay $0x1  }
0x107: {  	v0 =	vsub.f32 v2, v0;
	_ =	sdelay $0x1  }
0x108: {  	v0 =	vsub.f32 v0, v4;
	_ =	sdelay $0x1  }
0x109: {  	v1 =	vmul.f32 v0, v1  }
0x10a: {  	[tilespmem:s4+$0x13E00] =	vst v0  }
0x10b: {  	[tilespmem:s4+$0x16600] =	vst v1  }
0x10c: {  	[spmem:s13] =	stream.linear.scatter [tilespmem:s23], [sflag:$0x5], $0x2780, $0x38;
	[tilespmem:$0x1DD00] =	vst v63  }
0x10d: {  	_ =	swait.ge [sflag:s20], $0x2780  }
0x10e: {  	[sflag:s20] =	ssyncset.done $0x0  }
0x10f: {  	[sflag:s20] =	ssyncadd.s32 $0xFFFFD880  }
0x110: {  	[spmem:s14] =	stream.linear.scatter [tilespmem:s24], [sflag:$0x5], $0x2780, $0x38;
	[tilespmem:$0x1DD00] =	vst v63  }
0x111: {  	_ =	swait.ge [sflag:s20], $0x2780  }
0x112: {  	s12 =	sadd.s32 $0x1, s12;
	[sflag:s20] =	ssyncset.done $0x0  }
0x113: {  	p0 =	sne.s32 s12, $0x4;
	[sflag:s20] =	ssyncadd.s32 $0xFFFFD880  }
0x114: {  	[spmem:s11], [sflag:s25] =	dma.local [hbm:s6], $0x4F0  }
.Ltmp9:
0x115: {  	_ =	swait.ge [sflag:s20], $0x4F0;
	(pc) =	sbr.rel @p0 .LBB2_4-.Ltmp9, $3  }
0x116: {  	[sflag:s20] =	ssyncset.done $0x0  }
0x117: {  	[sflag:s20] =	ssyncadd.s32 $0xFFFFFB10  }
0x118: {  	[bflag:$0x0] =	sbarrier.arrive $0xFFFF;
	_ =	sdelay $0x1  }
0x119: {  	[tilespmem:s23], [sflag:$0x1] =	stream.indirect.gather [spmem:s2], $0x10, s19, s26, $0xb8;
	[tilespmem:$0x1DD00] =	vst v63  }
0x11a: {  	_ =	swait.ge [sflag:s28], $0x2800  }
0x11b: {  	[sflag:s28] =	ssyncset.done $0x0  }
0x11c: {  	[sflag:s28] =	ssyncadd.s32 $0xFFFFD800  }
0x11d: {  	[tilespmem:s24], [sflag:$0x2] =	stream.indirect.gather [spmem:s2], $0x10, s29, s26, $0xb8;
	[tilespmem:$0x1DD00] =	vst v63  }
0x11e: {  	_ = 	snop  }
0x11f: {  	[spmem:s3] =	stream.indirect.scatter.add.f32 [tilespmem:s23], [sflag:$0x3], $0x10, s21, s26, $0xb8;
	[tilespmem:$0x1DD00] =	vst v63  }
0x120: {  	_ =	swait.ge [sflag:s30], $0x2800  }
0x121: {  	[sflag:s30] =	ssyncset.done $0x0  }
0x122: {  	[sflag:s30] =	ssyncadd.s32 $0xFFFFD800  }
0x123: {  	_ =	swait.ge [sflag:s31], $0x2800  }
0x124: {  	[sflag:s31] =	ssyncset.done $0x0  }
0x125: {  	[sflag:s31] =	ssyncadd.s32 $0xFFFFD800  }
0x126: {  	[tilespmem:s23], [sflag:$0x1] =	stream.indirect.gather [spmem:s2], $0x10, s0, s26, $0xb8;
	[tilespmem:$0x1DD00] =	vst v63  }
0x127: {  	s9 =	simm.s32 $0x0  }
0x128: {  	[spmem:s3] =	stream.indirect.scatter.add.f32 [tilespmem:s24], [sflag:$0x4], $0x10, s1, s26, $0xb8;
	[tilespmem:$0x1DD00] =	vst v63  }
.LBB2_18:
0x129: {  	_ =	swait.ge [sflag:s28], $0x2800  }
0x12a: {  	[sflag:s28] =	ssyncset.done $0x0  }
0x12b: {  	[sflag:s28] =	ssyncadd.s32 $0xFFFFD800  }
0x12c: {  	_ =	swait.ge [sflag:s22], $0x2800  }
0x12d: {  	s4 =	sshra.s32 s9, $0x2;
	[sflag:s22] =	ssyncset.done $0x0  }
0x12e: {  	s11 =	sadd.s32 $0xA580, s4;
	[sflag:s22] =	ssyncadd.s32 $0xFFFFD800  }
0x12f: {  	[tilespmem:s24], [sflag:$0x2] =	stream.indirect.gather [spmem:s2], $0x10, s11, s26, $0xb8;
	[tilespmem:$0x1DD00] =	vst v63  }
0x130: {  	s18 =	sadd.s32 $0xF300, s4  }
0x131: {  	[spmem:s3] =	stream.indirect.scatter.add.f32 [tilespmem:s23], [sflag:$0x3], $0x10, s18, s26, $0xb8;
	[tilespmem:$0x1DD00] =	vst v63  }
0x132: {  	p0 =	sne.s32 s9, $0x11800;
	_ =	swait.ge [sflag:s30], $0x2800  }
.Ltmp10:
0x133: {  	[sflag:s30] =	ssyncset.done $0x0;
	(pc) =	sbr.rel @!p0 .LBB2_19-.Ltmp10, $4  }
0x134: {  	[sflag:s30] =	ssyncadd.s32 $0xFFFFD800  }
0x135: {  	_ =	swait.ge [sflag:s31], $0x2800  }
0x136: {  	[sflag:s31] =	ssyncset.done $0x0  }
0x137: {  	[sflag:s31] =	ssyncadd.s32 $0xFFFFD800  }
0x138: {  	s9 =	sadd.s32 $0x1400, s9  }
0x139: {  	p0 =	sne.s32 s9, $0x12C00  }
.Ltmp11:
0x13a: {  	_ = 	snop;
	(pc) =	sbr.rel @p0 .LBB2_18-.Ltmp11, $4  }
.Ltmp12:
0x13b: {  	s11 =	sadd.s32 $0xA800, s4;
	(pc) =	sbr.rel @!p0 .LBB2_21-.Ltmp12, $4  }
0x13c: {  	[tilespmem:s23], [sflag:$0x1] =	stream.indirect.gather [spmem:s2], $0x10, s11, s26, $0xb8;
	[tilespmem:$0x1DD00] =	vst v63  }
0x13d: {  	s18 =	sadd.s32 $0xF580, s4  }
0x13e: {  	[spmem:s3] =	stream.indirect.scatter.add.f32 [tilespmem:s24], [sflag:$0x4], $0x10, s18, s26, $0xb8;
	[tilespmem:$0x1DD00] =	vst v63  }
0x13f: {  	_ = 	snop  }
.LBB2_19:
0x140: {  	s4 =	sadd.s32 $0xF580, s4  }
0x141: {  	[spmem:s3] =	stream.indirect.scatter.add.f32 [tilespmem:s24], [sflag:$0x4], $0x10, s4, s26, $0xb8;
	[tilespmem:$0x1DD00] =	vst v63  }
.LBB2_21:
0x142: {  	_ =	swait.ge [sflag:s22], $0x2800  }
0x143: {  	[sflag:s22] =	ssyncset.done $0x0  }
0x144: {  	[sflag:s22] =	ssyncadd.s32 $0xFFFFD800  }
0x145: {  	[bflag:$0x0] =	sbarrier.arrive $0xFFFF  }
0x146: {  	s4 =	simm.s32 $0x0;
	s9 =	rddreg [dreg:$0x8]  }
0x147: {  	[tilespmem:s23], [sflag:$0x5] =	stream.linear.gather [hbm4b:s9+s4], $0x2780, $0x38;
	[tilespmem:$0x1DD00] =	vst v63  }
0x148: {  	_ =	swait.ge [sflag:s20], $0x2780  }
0x149: {  	[sflag:s20] =	ssyncset.done $0x0  }
0x14a: {  	[sflag:s20] =	ssyncadd.s32 $0xFFFFD880  }
0x14b: {  	[tilespmem:s24], [sflag:$0x5] =	stream.linear.gather [spmem:s16], $0x2780, $0x38;
	[tilespmem:$0x1DD00] =	vst v63  }
0x14c: {  	_ =	swait.ge [sflag:s20], $0x2780  }
0x14d: {  	[sflag:s20] =	ssyncset.done $0x0  }
0x14e: {  	[sflag:s20] =	ssyncadd.s32 $0xFFFFD880  }
0x14f: {  	[tilespmem:s8], [sflag:$0x5] =	stream.linear.gather [spmem:s15], $0x2780, $0x38;
	[tilespmem:$0x1DD00] =	vst v63  }
0x150: {  	_ =	swait.ge [sflag:s20], $0x2780  }
0x151: {  	[sflag:s20] =	ssyncset.done $0x0  }
0x152: {  	s11 =	simm.s32 $0x0;
	[sflag:s20] =	ssyncadd.s32 $0xFFFFD880  }
0x153: {  	v0 =	vld [tilespmem:s11+$0x18E00]  }
0x154: {  	v1 =	vld [tilespmem:s11+$0x16600];
	_ =	sdelay $0x1  }
0x155: {  	v2 =	vld [tilespmem:s11+$0x13E00];
	_ =	sdelay $0x1  }
0x156: {  	v3 =	vld [tilespmem:s11+$0x1B580]  }
0x157: {  	v0 =	vmul.f32 v1, v0;
	_ =	sdelay $0x1  }
0x158: {  	v1 =	vsub.f32 v2, v0  }
0x159: {  	s9 =	simm.s32 $0x10  }
0x15a: {  	s4 =	simm.s32 $0x80;
	v0 =	vld [tilespmem:s9+$0x18E00];
	v1 =	vsub.f32 v1, v3  }
.LBB2_22:
0x15b: {  	p0 =	sne.s32 s4, $0x9DC0;
	v2 =	vld [tilespmem:s9+$0x16600]  }
0x15c: {  	[tilespmem:s11+$0x13E00] =	vst v1;
	s11 =	smov.u32 s9  }
0x15d: {  	v1 =	vld [tilespmem:s11+$0x13E00];
	_ =	sdelay $0x1  }
0x15e: {  	v3 =	vld [tilespmem:s11+$0x1B580]  }
.Ltmp13:
0x15f: {  	v0 =	vmul.f32 v2, v0;
	(pc) =	sbr.rel @p0 .LBB2_22-.Ltmp13, $4  }
0x160: {  	_ = 	snop  }
0x161: {  	v1 =	vsub.f32 v1, v0  }
0x162: {  	s9 =	sshra.s32 s4, $0x2  }
0x163: {  	s4 =	sadd.s32 $0x40, s4;
	v0 =	vld [tilespmem:s9+$0x18E00];
	v1 =	vsub.f32 v1, v3  }
0x164: {  	v2 =	vld [tilespmem:s9+$0x16600]  }
0x165: {  	[tilespmem:s11+$0x13E00] =	vst v1  }
0x166: {  	v1 =	vld [tilespmem:s9+$0x13E00];
	_ =	sdelay $0x1  }
0x167: {  	v3 =	vld [tilespmem:s9+$0x1B580]  }
0x168: {  	v0 =	vmul.f32 v2, v0;
	_ =	sdelay $0x1  }
0x169: {  	v0 =	vsub.f32 v1, v0;
	_ =	sdelay $0x1  }
0x16a: {  	v0 =	vsub.f32 v0, v3;
	_ =	sdelay $0x1  }
0x16b: {  	s4 =	simm.s32 $0x0;
	s17 =	rddreg [dreg:$0xc];
	[tilespmem:s9+$0x13E00] =	vst v0  }
0x16c: {  	[hbm4b:s17+s4] =	stream.linear.scatter [tilespmem:s23], [sflag:$0x5], $0x2780, $0x38;
	[tilespmem:$0x1DD00] =	vst v63  }
0x16d: {  	_ =	swait.ge [sflag:s20], $0x2780  }
0x16e: {  	s10 =	sadd.s32 $0x1, s10;
	s18 =	rddreg [dreg:$0xd]  }
0x16f: {  	p0 =	sne.s32 s10, s18  }
.Ltmp14:
0x170: {  	_ = 	snop;
	(pc) =	sbr.rel @p0 .LBB2_1-.Ltmp14, $3  }
0x171: {  	_ =	sdelay $0x1  }
0x172: {  	[sflag:s20] =	ssyncset.done $0x0  }
0x173: {  	[sflag:s20] =	ssyncadd.s32 $0xFFFFD880  }
0x174: {  	_ =	sfence.sel $0x180000  }
0x175: {  	[bflag:$0x0] =	sbarrier.arrive $0xFFFF  }
0x176: {  	_ =	strace $0x90000050  }
0x177: {  	s0 =	stileid.u32;
	[bflag:$0x2] =	sbarrier.arrive $0xFFFF  }
0x178: {  	p0 =	sne.s32 s0, $0x0;
	s0 =	rddreg [dreg:$0x6]  }
0x179: {  	s0 =	sadd.s32 @!p0 $0x100000, s0  }
0x17a: {  	[sflag:s0] =	ssyncadd.tile.s32 @!p0 $0x1;
	_ =	shalt  }
.Lfunc_end2:
_tile_overlayer_lowered:
.L_overlay_start_2:
0x17b: {  	(tag) =	ssettag $0x2  }
0x17c: {  	s0 =	rddreg [dreg:$0x0];
	s2 =	stileid.u32  }
0x17d: {  	s1 =	rddreg [dreg:$0x1];
	p0 =	sne.s32 s2, $0x0  }
0x17e: {  	s3 =	rddreg [dreg:$0x2];
	[bflag:$0x3] =	sbarrier.arrive $0xFFFF;
	s2 =	simm.s32 @!p0 $0x1C05  }
0x17f: {  	[timem:s3], [sflag:s2] =	dma.local @!p0 [hbm:s0], s1  }
0x180: {  	s0 =	simm.s32 @!p0 $0x5  }
0x181: {  	_ =	swait.ge @!p0 [sflag:s0], s1  }
0x182: {  	s1 =	ssub.s32 @!p0 $0x0, s1;
	[sflag:s0] =	ssyncset.done @!p0 $0x0  }
0x183: {  	[sflag:s0] =	ssyncadd.s32 @!p0 s1  }
0x184: {  	[bflag:$0x3] =	sbarrier.arrive $0xFFFF  }
0x185: {  	_ =	shalt  }

</sc_bundles>
